<compile_context>
chip_gen: v7x
topology: tpu7x:2x2x1
jax: 0.10.2.dev20260603
libtpu: 0.0.44.dev20260713+nightly
codegen_flags: <defaults>
</compile_context>

<pallas_src>
import functools

import jax
import jax.numpy as jnp
from jax import lax
from jax.experimental import pallas as pl
from jax.experimental.pallas import tpu as pltpu
from jax.experimental.pallas import tpu_sc as plsc

VOCAB = 1000000
EMBED_DIM = 32
SEQS = 16384
SEQ_LEN = 200
NC, NS, L = 2, 16, 16
NW = NC * NS
SEQS_PER_W = SEQS // NW
NSEQ = 8
CHUNKS_PER_W = SEQS_PER_W // NSEQ
GSPLIT = (128, 72)
NBUF = 2


def _embed_kernel(ids_hbm, table_hbm, out_hbm, idx_v, rows_v, gsem, osem):
    wid = lax.axis_index("s") * NC + lax.axis_index("c")
    seq_base = wid * SEQS_PER_W

    zeros16 = jnp.zeros((L,), jnp.float32)
    lane = lax.iota(jnp.int32, L)
    offs = [c * L for c in range(SEQ_LEN // L)] + [SEQ_LEN - L]

    def stage_idx(g, b):
        pltpu.sync_copy(ids_hbm.at[pl.ds(seq_base + g * NSEQ, NSEQ)],
                        idx_v.at[b])

    def gather_copies(b, make_only):
        mk = pltpu.make_async_copy if make_only else pltpu.async_copy
        for j in range(NSEQ):
            o = 0
            for glen in GSPLIT:
                mk(table_hbm.at[idx_v.at[b, j, pl.ds(o, glen)]],
                   rows_v.at[b, j, pl.ds(o, glen)],
                   gsem)
                o += glen

    def fire_gathers(b):
        gather_copies(b, make_only=False)

    def drain_gathers(b):
        for j in range(NSEQ):
            o = 0
            for glen in GSPLIT:
                pltpu.make_async_copy(
                    table_hbm.at[idx_v.at[b, j, pl.ds(o, glen)]],
                    rows_v.at[b, j, pl.ds(o, glen)],
                    gsem).wait()
                o += glen

    def out_slice(g):
        return out_hbm.at[pl.ds(seq_base + g * NSEQ, NSEQ)]

    def fire_out(g, b):
        pltpu.async_copy(rows_v.at[b], out_slice(g), osem)

    def wait_out(g, b):
        pltpu.make_async_copy(rows_v.at[b], out_slice(g), osem).wait()

    def scan_and_fix(b):
        acc = jnp.full((L,), VOCAB, jnp.int32)
        for j in range(NSEQ):
            for o in offs:
                acc = jnp.minimum(acc, idx_v[b, j, pl.ds(o, L)])
        cnt = plsc.all_reduce_population_count(acc == 0)
        has_pad = cnt[0] > 0

        @pl.when(has_pad)
        def _fix():
            bvec = jnp.full((L,), b, jnp.int32)

            def fix_row(j, _):
                jvec = jnp.full((L,), j, jnp.int32)
                for o in offs:
                    vec = idx_v[b, j, pl.ds(o, L)]
                    mask = vec == 0
                    row_ids = o + lane
                    for col in range(EMBED_DIM):
                        col_ids = jnp.full((L,), col, jnp.int32)
                        plsc.store_scatter(rows_v,
                                           [bvec, jvec, row_ids, col_ids],
                                           zeros16, mask=mask)
                return _
            lax.fori_loop(0, NSEQ, fix_row, 0)

    stage_idx(0, 0)
    fire_gathers(0)

    def chunk_body(g, _):
        b = g % NBUF
        nb = (g + 1) % NBUF

        drain_gathers(b)
        scan_and_fix(b)
        fire_out(g, b)

        @pl.when(g + 1 < CHUNKS_PER_W)
        def _next():
            @pl.when(g >= 1)
            def _w():
                wait_out(g - 1, nb)
            stage_idx(g + 1, nb)
            fire_gathers(nb)
        return _

    lax.fori_loop(0, CHUNKS_PER_W, chunk_body, 0)

    gl = CHUNKS_PER_W - 1
    wait_out(gl - 1, (gl - 1) % NBUF)
    wait_out(gl, gl % NBUF)


@functools.partial(jax.jit, static_argnames=())
def kernel(input_ids, table):
    mesh = plsc.VectorSubcoreMesh(core_axis_name="c", subcore_axis_name="s",
                                  num_cores=NC, num_subcores=NS)
    out = pl.kernel(
        _embed_kernel,
        out_type=jax.ShapeDtypeStruct((SEQS, SEQ_LEN, EMBED_DIM),
                                      jnp.float32),
        mesh=mesh,
        scratch_types=[
            pltpu.VMEM((NBUF, NSEQ, SEQ_LEN), jnp.int32),
            pltpu.VMEM((NBUF, NSEQ, SEQ_LEN, EMBED_DIM), jnp.float32),
            pltpu.SemaphoreType.DMA,
            pltpu.SemaphoreType.DMA,
        ],
        compiler_params=pltpu.CompilerParams(needs_layout_passes=False,
                                             use_tc_tiling_on_sc=False),
    )(input_ids, table)
    return out

# --- scband reference (transcript-rebuilt; emitter-appended) ---
"""Pipeline reference for scband-embedding-layer-72447508349606 (READ-ONLY COPY).

The authoritative reference and input builder live on the scoring server;
editing this copy changes nothing except your own understanding.
"""

import jax, jax.numpy as jnp
import numpy as np

VOCAB = 1000000
EMBED_DIM = 32

def setup_inputs(seed: int = 0) -> dict:
    key = jax.random.key(seed)
    k1, k2 = jax.random.split(key)
    input_ids = jax.random.randint(k1, (16384, 200), 0, VOCAB, dtype=jnp.int64 if jax.config.jax_enable_x64 else jnp.int32)
    table = jax.random.normal(k2, (VOCAB, EMBED_DIM), dtype=jnp.float32)
    return {"input_ids": input_ids, "table": table}

def reference(input_ids, table):
    # nn.Embedding with padding_idx=0: row 0 acts as a zero vector
    tbl = table.at[0].set(0.0)
    x = jnp.take(tbl, input_ids, axis=0)
    # dropout is identity at inference time
    return x

if __name__ == "__main__":
    import jax
    _d = setup_inputs()
    print(jax.jit(kernel)(*tuple(_d.values())))

</pallas_src>

<mosaic_0001>
#map = affine_map<(d0, d1) -> (0, 0)>
#map1 = affine_map<(d0, d1) -> (0, 0, 0)>
module attributes {stable_mosaic.version = 14 : i64} {
  func.func @_embed_kernel(%arg0: i32, %arg1: i32, %arg2: memref<16384x200xi32, #tpu.memory_space<hbm>>, %arg3: memref<1000000x32xf32, #tpu.memory_space<hbm>>, %arg4: memref<16384x200x32xf32, #tpu.memory_space<hbm>>, %arg5: memref<2x8x200xi32, #tpu.memory_space<vmem>>, %arg6: memref<2x8x200x32xf32, #tpu.memory_space<vmem>>, %arg7: memref<!tpu.dma_semaphore, #tpu.memory_space<semaphore_mem>>, %arg8: memref<!tpu.dma_semaphore, #tpu.memory_space<semaphore_mem>>) attributes {dimension_semantics = [#tpu.dimension_semantics<core_parallel>, #tpu.dimension_semantics<subcore_parallel>], iteration_bounds = array<i64: 2, 16>, scalar_prefetch = 0 : i64, scratch_operands = 4 : i64, tpu.core_type = #tpu.core_type<sc_vector_subcore>, window_params = [{transform_indices = #map}, {transform_indices = #map}, {transform_indices = #map1}]} {
    %mul3A = arith.constant 2 : i32
    %mul3A_0 = arith.muli %arg1, %mul3A : i32
    %add3A = arith.addi %mul3A_0, %arg0 : i32
    %mul3A_1 = arith.constant 512 : i32
    %mul3A_2 = arith.muli %add3A, %mul3A_1 : i32
    %broadcast_in_dim3A = arith.constant 0.000000e+00 : f32
    %broadcast_in_dim3A_3 = vector.broadcast %broadcast_in_dim3A : f32 to vector<16xf32>
    %iota3A = tpu.iota {dimensions = array<i32: 0>} : vector<16xi32>
    %add3A_4 = arith.constant 0 : i32
    %add3A_5 = arith.addi %mul3A_2, %add3A_4 : i32
    %run_scoped3A = arith.constant 0 : i32
    "tpu.region"() ({
      %run_scoped3A_271 = tpu.sem_alloc : memref<!tpu.dma_semaphore, #tpu.memory_space<semaphore_mem>>
      %dma_start3A_272 = arith.constant 0 : i32
      %dma_start3A_273 = arith.constant 0 : i32
      %dma_start3A_274 = tpu.memref_slice %arg5[%run_scoped3A, %dma_start3A_272, %dma_start3A_273] : memref<2x8x200xi32, #tpu.memory_space<vmem>> -> memref<1x8x200xi32, #tpu.memory_space<vmem>>
      %dma_start3A_275 = tpu.memref_squeeze %dma_start3A_274 : memref<1x8x200xi32, #tpu.memory_space<vmem>> -> memref<8x200xi32, #tpu.memory_space<vmem>>
      %dma_start3A_276 = arith.constant 0 : i32
      %dma_start3A_277 = tpu.memref_slice %arg2[%add3A_5, %dma_start3A_276] : memref<16384x200xi32, #tpu.memory_space<hbm>> -> memref<8x200xi32, #tpu.memory_space<hbm>>
      %dma_start3A_278 = arith.constant 0 : i32
      %dma_start3A_279 = arith.constant 0 : i32
      %dma_start3A_280 = tpu.memref_slice %arg5[%run_scoped3A, %dma_start3A_278, %dma_start3A_279] : memref<2x8x200xi32, #tpu.memory_space<vmem>> -> memref<1x8x200xi32, #tpu.memory_space<vmem>>
      %dma_start3A_281 = tpu.memref_squeeze %dma_start3A_280 : memref<1x8x200xi32, #tpu.memory_space<vmem>> -> memref<8x200xi32, #tpu.memory_space<vmem>>
      %dma_start3A_282 = arith.constant 0 : i32
      %dma_start3A_283 = tpu.memref_slice %arg2[%add3A_5, %dma_start3A_282] : memref<16384x200xi32, #tpu.memory_space<hbm>> -> memref<8x200xi32, #tpu.memory_space<hbm>>
      tpu.enqueue_dma source(%dma_start3A_283 : memref<8x200xi32, #tpu.memory_space<hbm>>) target(%dma_start3A_281 : memref<8x200xi32, #tpu.memory_space<vmem>>) target_semaphore(%run_scoped3A_271 : memref<!tpu.dma_semaphore, #tpu.memory_space<semaphore_mem>>)
      %dma_wait3A_284 = arith.constant 0 : i32
      %dma_wait3A_285 = arith.constant 0 : i32
      %dma_wait3A_286 = tpu.memref_slice %arg5[%run_scoped3A, %dma_wait3A_284, %dma_wait3A_285] : memref<2x8x200xi32, #tpu.memory_space<vmem>> -> memref<1x8x200xi32, #tpu.memory_space<vmem>>
      %dma_wait3A_287 = tpu.memref_squeeze %dma_wait3A_286 : memref<1x8x200xi32, #tpu.memory_space<vmem>> -> memref<8x200xi32, #tpu.memory_space<vmem>>
      %dma_wait3A_288 = arith.constant 0 : i32
      %dma_wait3A_289 = tpu.memref_slice %arg2[%add3A_5, %dma_wait3A_288] : memref<16384x200xi32, #tpu.memory_space<hbm>> -> memref<8x200xi32, #tpu.memory_space<hbm>>
      %dma_wait3A_290 = arith.constant 0 : i32
      %dma_wait3A_291 = arith.constant 0 : i32
      %dma_wait3A_292 = tpu.memref_slice %arg5[%run_scoped3A, %dma_wait3A_290, %dma_wait3A_291] : memref<2x8x200xi32, #tpu.memory_space<vmem>> -> memref<1x8x200xi32, #tpu.memory_space<vmem>>
      %dma_wait3A_293 = tpu.memref_squeeze %dma_wait3A_292 : memref<1x8x200xi32, #tpu.memory_space<vmem>> -> memref<8x200xi32, #tpu.memory_space<vmem>>
      %dma_wait3A_294 = arith.constant 0 : i32
      %dma_wait3A_295 = tpu.memref_slice %arg2[%add3A_5, %dma_wait3A_294] : memref<16384x200xi32, #tpu.memory_space<hbm>> -> memref<8x200xi32, #tpu.memory_space<hbm>>
      tpu.wait_dma2 semaphore(%run_scoped3A_271 : memref<!tpu.dma_semaphore, #tpu.memory_space<semaphore_mem>>) src(%dma_wait3A_295 : memref<8x200xi32, #tpu.memory_space<hbm>>) dst(%dma_wait3A_293 : memref<8x200xi32, #tpu.memory_space<vmem>>)
      tpu.yield
    }) : () -> ()
    %dma_start3A = arith.constant 0 : i32
    %dma_start3A_6 = arith.constant 0 : i32
    %dma_start3A_7 = arith.constant 0 : i32
    %dma_start3A_8 = arith.constant 0 : i32
    %dma_start3A_9 = arith.constant 0 : i32
    %dma_start3A_10 = arith.constant 0 : i32
    %dma_start3A_11 = tpu.memref_slice %arg6[%dma_start3A_7, %dma_start3A_8, %dma_start3A_9, %dma_start3A_10] : memref<2x8x200x32xf32, #tpu.memory_space<vmem>> -> memref<1x1x128x32xf32, #tpu.memory_space<vmem>>
    %dma_start3A_12 = tpu.memref_squeeze %dma_start3A_11 : memref<1x1x128x32xf32, #tpu.memory_space<vmem>> -> memref<128x32xf32, #tpu.memory_space<vmem>>
    %dma_start3A_13 = arith.constant 0 : i32
    %dma_start3A_14 = tpu.memref_slice %arg5[%dma_start3A, %dma_start3A_6, %dma_start3A_13] : memref<2x8x200xi32, #tpu.memory_space<vmem>> -> memref<1x1x128xi32, #tpu.memory_space<vmem>>
    %dma_start3A_15 = tpu.memref_squeeze %dma_start3A_14 : memref<1x1x128xi32, #tpu.memory_space<vmem>> -> memref<128xi32, #tpu.memory_space<vmem>>
    %dma_start3A_16 = arith.constant 0 : i32
    %dma_start3A_17 = arith.constant 0 : i32
    %dma_start3A_18 = tpu.memref_slice %arg3[%dma_start3A_16, %dma_start3A_17] : memref<1000000x32xf32, #tpu.memory_space<hbm>> -> memref<1000000x32xf32, #tpu.memory_space<hbm>>
    tpu.enqueue_indirect_dma source(%dma_start3A_18 : memref<1000000x32xf32, #tpu.memory_space<hbm>>) target(%dma_start3A_12 : memref<128x32xf32, #tpu.memory_space<vmem>>) offsets(%dma_start3A_15 : memref<128xi32, #tpu.memory_space<vmem>>) semaphore(%arg7 : memref<!tpu.dma_semaphore, #tpu.memory_space<semaphore_mem>>)
    %dma_start3A_19 = arith.constant 0 : i32
    %dma_start3A_20 = arith.constant 0 : i32
    %dma_start3A_21 = arith.constant 0 : i32
    %dma_start3A_22 = arith.constant 0 : i32
    %dma_start3A_23 = arith.constant 128 : i32
    %dma_start3A_24 = arith.constant 0 : i32
    %dma_start3A_25 = tpu.memref_slice %arg6[%dma_start3A_21, %dma_start3A_22, %dma_start3A_23, %dma_start3A_24] : memref<2x8x200x32xf32, #tpu.memory_space<vmem>> -> memref<1x1x72x32xf32, #tpu.memory_space<vmem>>
    %dma_start3A_26 = tpu.memref_squeeze %dma_start3A_25 : memref<1x1x72x32xf32, #tpu.memory_space<vmem>> -> memref<72x32xf32, #tpu.memory_space<vmem>>
    %dma_start3A_27 = arith.constant 128 : i32
    %dma_start3A_28 = tpu.memref_slice %arg5[%dma_start3A_19, %dma_start3A_20, %dma_start3A_27] : memref<2x8x200xi32, #tpu.memory_space<vmem>> -> memref<1x1x72xi32, #tpu.memory_space<vmem>>
    %dma_start3A_29 = tpu.memref_squeeze %dma_start3A_28 : memref<1x1x72xi32, #tpu.memory_space<vmem>> -> memref<72xi32, #tpu.memory_space<vmem>>
    %dma_start3A_30 = arith.constant 0 : i32
    %dma_start3A_31 = arith.constant 0 : i32
    %dma_start3A_32 = tpu.memref_slice %arg3[%dma_start3A_30, %dma_start3A_31] : memref<1000000x32xf32, #tpu.memory_space<hbm>> -> memref<1000000x32xf32, #tpu.memory_space<hbm>>
    tpu.enqueue_indirect_dma source(%dma_start3A_32 : memref<1000000x32xf32, #tpu.memory_space<hbm>>) target(%dma_start3A_26 : memref<72x32xf32, #tpu.memory_space<vmem>>) offsets(%dma_start3A_29 : memref<72xi32, #tpu.memory_space<vmem>>) semaphore(%arg7 : memref<!tpu.dma_semaphore, #tpu.memory_space<semaphore_mem>>)
    %dma_start3A_33 = arith.constant 0 : i32
    %dma_start3A_34 = arith.constant 1 : i32
    %dma_start3A_35 = arith.constant 0 : i32
    %dma_start3A_36 = arith.constant 1 : i32
    %dma_start3A_37 = arith.constant 0 : i32
    %dma_start3A_38 = arith.constant 0 : i32
    %dma_start3A_39 = tpu.memref_slice %arg6[%dma_start3A_35, %dma_start3A_36, %dma_start3A_37, %dma_start3A_38] : memref<2x8x200x32xf32, #tpu.memory_space<vmem>> -> memref<1x1x128x32xf32, #tpu.memory_space<vmem>>
    %dma_start3A_40 = tpu.memref_squeeze %dma_start3A_39 : memref<1x1x128x32xf32, #tpu.memory_space<vmem>> -> memref<128x32xf32, #tpu.memory_space<vmem>>
    %dma_start3A_41 = arith.constant 0 : i32
    %dma_start3A_42 = tpu.memref_slice %arg5[%dma_start3A_33, %dma_start3A_34, %dma_start3A_41] : memref<2x8x200xi32, #tpu.memory_space<vmem>> -> memref<1x1x128xi32, #tpu.memory_space<vmem>>
    %dma_start3A_43 = tpu.memref_squeeze %dma_start3A_42 : memref<1x1x128xi32, #tpu.memory_space<vmem>> -> memref<128xi32, #tpu.memory_space<vmem>>
    %dma_start3A_44 = arith.constant 0 : i32
    %dma_start3A_45 = arith.constant 0 : i32
    %dma_start3A_46 = tpu.memref_slice %arg3[%dma_start3A_44, %dma_start3A_45] : memref<1000000x32xf32, #tpu.memory_space<hbm>> -> memref<1000000x32xf32, #tpu.memory_space<hbm>>
    tpu.enqueue_indirect_dma source(%dma_start3A_46 : memref<1000000x32xf32, #tpu.memory_space<hbm>>) target(%dma_start3A_40 : memref<128x32xf32, #tpu.memory_space<vmem>>) offsets(%dma_start3A_43 : memref<128xi32, #tpu.memory_space<vmem>>) semaphore(%arg7 : memref<!tpu.dma_semaphore, #tpu.memory_space<semaphore_mem>>)
    %dma_start3A_47 = arith.constant 0 : i32
    %dma_start3A_48 = arith.constant 1 : i32
    %dma_start3A_49 = arith.constant 0 : i32
    %dma_start3A_50 = arith.constant 1 : i32
    %dma_start3A_51 = arith.constant 128 : i32
    %dma_start3A_52 = arith.constant 0 : i32
    %dma_start3A_53 = tpu.memref_slice %arg6[%dma_start3A_49, %dma_start3A_50, %dma_start3A_51, %dma_start3A_52] : memref<2x8x200x32xf32, #tpu.memory_space<vmem>> -> memref<1x1x72x32xf32, #tpu.memory_space<vmem>>
    %dma_start3A_54 = tpu.memref_squeeze %dma_start3A_53 : memref<1x1x72x32xf32, #tpu.memory_space<vmem>> -> memref<72x32xf32, #tpu.memory_space<vmem>>
    %dma_start3A_55 = arith.constant 128 : i32
    %dma_start3A_56 = tpu.memref_slice %arg5[%dma_start3A_47, %dma_start3A_48, %dma_start3A_55] : memref<2x8x200xi32, #tpu.memory_space<vmem>> -> memref<1x1x72xi32, #tpu.memory_space<vmem>>
    %dma_start3A_57 = tpu.memref_squeeze %dma_start3A_56 : memref<1x1x72xi32, #tpu.memory_space<vmem>> -> memref<72xi32, #tpu.memory_space<vmem>>
    %dma_start3A_58 = arith.constant 0 : i32
    %dma_start3A_59 = arith.constant 0 : i32
    %dma_start3A_60 = tpu.memref_slice %arg3[%dma_start3A_58, %dma_start3A_59] : memref<1000000x32xf32, #tpu.memory_space<hbm>> -> memref<1000000x32xf32, #tpu.memory_space<hbm>>
    tpu.enqueue_indirect_dma source(%dma_start3A_60 : memref<1000000x32xf32, #tpu.memory_space<hbm>>) target(%dma_start3A_54 : memref<72x32xf32, #tpu.memory_space<vmem>>) offsets(%dma_start3A_57 : memref<72xi32, #tpu.memory_space<vmem>>) semaphore(%arg7 : memref<!tpu.dma_semaphore, #tpu.memory_space<semaphore_mem>>)
    %dma_start3A_61 = arith.constant 0 : i32
    %dma_start3A_62 = arith.constant 2 : i32
    %dma_start3A_63 = arith.constant 0 : i32
    %dma_start3A_64 = arith.constant 2 : i32
    %dma_start3A_65 = arith.constant 0 : i32
    %dma_start3A_66 = arith.constant 0 : i32
    %dma_start3A_67 = tpu.memref_slice %arg6[%dma_start3A_63, %dma_start3A_64, %dma_start3A_65, %dma_start3A_66] : memref<2x8x200x32xf32, #tpu.memory_space<vmem>> -> memref<1x1x128x32xf32, #tpu.memory_space<vmem>>
    %dma_start3A_68 = tpu.memref_squeeze %dma_start3A_67 : memref<1x1x128x32xf32, #tpu.memory_space<vmem>> -> memref<128x32xf32, #tpu.memory_space<vmem>>
    %dma_start3A_69 = arith.constant 0 : i32
    %dma_start3A_70 = tpu.memref_slice %arg5[%dma_start3A_61, %dma_start3A_62, %dma_start3A_69] : memref<2x8x200xi32, #tpu.memory_space<vmem>> -> memref<1x1x128xi32, #tpu.memory_space<vmem>>
    %dma_start3A_71 = tpu.memref_squeeze %dma_start3A_70 : memref<1x1x128xi32, #tpu.memory_space<vmem>> -> memref<128xi32, #tpu.memory_space<vmem>>
    %dma_start3A_72 = arith.constant 0 : i32
    %dma_start3A_73 = arith.constant 0 : i32
    %dma_start3A_74 = tpu.memref_slice %arg3[%dma_start3A_72, %dma_start3A_73] : memref<1000000x32xf32, #tpu.memory_space<hbm>> -> memref<1000000x32xf32, #tpu.memory_space<hbm>>
    tpu.enqueue_indirect_dma source(%dma_start3A_74 : memref<1000000x32xf32, #tpu.memory_space<hbm>>) target(%dma_start3A_68 : memref<128x32xf32, #tpu.memory_space<vmem>>) offsets(%dma_start3A_71 : memref<128xi32, #tpu.memory_space<vmem>>) semaphore(%arg7 : memref<!tpu.dma_semaphore, #tpu.memory_space<semaphore_mem>>)
    %dma_start3A_75 = arith.constant 0 : i32
    %dma_start3A_76 = arith.constant 2 : i32
    %dma_start3A_77 = arith.constant 0 : i32
    %dma_start3A_78 = arith.constant 2 : i32
    %dma_start3A_79 = arith.constant 128 : i32
    %dma_start3A_80 = arith.constant 0 : i32
    %dma_start3A_81 = tpu.memref_slice %arg6[%dma_start3A_77, %dma_start3A_78, %dma_start3A_79, %dma_start3A_80] : memref<2x8x200x32xf32, #tpu.memory_space<vmem>> -> memref<1x1x72x32xf32, #tpu.memory_space<vmem>>
    %dma_start3A_82 = tpu.memref_squeeze %dma_start3A_81 : memref<1x1x72x32xf32, #tpu.memory_space<vmem>> -> memref<72x32xf32, #tpu.memory_space<vmem>>
    %dma_start3A_83 = arith.constant 128 : i32
    %dma_start3A_84 = tpu.memref_slice %arg5[%dma_start3A_75, %dma_start3A_76, %dma_start3A_83] : memref<2x8x200xi32, #tpu.memory_space<vmem>> -> memref<1x1x72xi32, #tpu.memory_space<vmem>>
    %dma_start3A_85 = tpu.memref_squeeze %dma_start3A_84 : memref<1x1x72xi32, #tpu.memory_space<vmem>> -> memref<72xi32, #tpu.memory_space<vmem>>
    %dma_start3A_86 = arith.constant 0 : i32
    %dma_start3A_87 = arith.constant 0 : i32
    %dma_start3A_88 = tpu.memref_slice %arg3[%dma_start3A_86, %dma_start3A_87] : memref<1000000x32xf32, #tpu.memory_space<hbm>> -> memref<1000000x32xf32, #tpu.memory_space<hbm>>
    tpu.enqueue_indirect_dma source(%dma_start3A_88 : memref<1000000x32xf32, #tpu.memory_space<hbm>>) target(%dma_start3A_82 : memref<72x32xf32, #tpu.memory_space<vmem>>) offsets(%dma_start3A_85 : memref<72xi32, #tpu.memory_space<vmem>>) semaphore(%arg7 : memref<!tpu.dma_semaphore, #tpu.memory_space<semaphore_mem>>)
    %dma_start3A_89 = arith.constant 0 : i32
    %dma_start3A_90 = arith.constant 3 : i32
    %dma_start3A_91 = arith.constant 0 : i32
    %dma_start3A_92 = arith.constant 3 : i32
    %dma_start3A_93 = arith.constant 0 : i32
    %dma_start3A_94 = arith.constant 0 : i32
    %dma_start3A_95 = tpu.memref_slice %arg6[%dma_start3A_91, %dma_start3A_92, %dma_start3A_93, %dma_start3A_94] : memref<2x8x200x32xf32, #tpu.memory_space<vmem>> -> memref<1x1x128x32xf32, #tpu.memory_space<vmem>>
    %dma_start3A_96 = tpu.memref_squeeze %dma_start3A_95 : memref<1x1x128x32xf32, #tpu.memory_space<vmem>> -> memref<128x32xf32, #tpu.memory_space<vmem>>
    %dma_start3A_97 = arith.constant 0 : i32
    %dma_start3A_98 = tpu.memref_slice %arg5[%dma_start3A_89, %dma_start3A_90, %dma_start3A_97] : memref<2x8x200xi32, #tpu.memory_space<vmem>> -> memref<1x1x128xi32, #tpu.memory_space<vmem>>
    %dma_start3A_99 = tpu.memref_squeeze %dma_start3A_98 : memref<1x1x128xi32, #tpu.memory_space<vmem>> -> memref<128xi32, #tpu.memory_space<vmem>>
    %dma_start3A_100 = arith.constant 0 : i32
    %dma_start3A_101 = arith.constant 0 : i32
    %dma_start3A_102 = tpu.memref_slice %arg3[%dma_start3A_100, %dma_start3A_101] : memref<1000000x32xf32, #tpu.memory_space<hbm>> -> memref<1000000x32xf32, #tpu.memory_space<hbm>>
    tpu.enqueue_indirect_dma source(%dma_start3A_102 : memref<1000000x32xf32, #tpu.memory_space<hbm>>) target(%dma_start3A_96 : memref<128x32xf32, #tpu.memory_space<vmem>>) offsets(%dma_start3A_99 : memref<128xi32, #tpu.memory_space<vmem>>) semaphore(%arg7 : memref<!tpu.dma_semaphore, #tpu.memory_space<semaphore_mem>>)
    %dma_start3A_103 = arith.constant 0 : i32
    %dma_start3A_104 = arith.constant 3 : i32
    %dma_start3A_105 = arith.constant 0 : i32
    %dma_start3A_106 = arith.constant 3 : i32
    %dma_start3A_107 = arith.constant 128 : i32
    %dma_start3A_108 = arith.constant 0 : i32
    %dma_start3A_109 = tpu.memref_slice %arg6[%dma_start3A_105, %dma_start3A_106, %dma_start3A_107, %dma_start3A_108] : memref<2x8x200x32xf32, #tpu.memory_space<vmem>> -> memref<1x1x72x32xf32, #tpu.memory_space<vmem>>
    %dma_start3A_110 = tpu.memref_squeeze %dma_start3A_109 : memref<1x1x72x32xf32, #tpu.memory_space<vmem>> -> memref<72x32xf32, #tpu.memory_space<vmem>>
    %dma_start3A_111 = arith.constant 128 : i32
    %dma_start3A_112 = tpu.memref_slice %arg5[%dma_start3A_103, %dma_start3A_104, %dma_start3A_111] : memref<2x8x200xi32, #tpu.memory_space<vmem>> -> memref<1x1x72xi32, #tpu.memory_space<vmem>>
    %dma_start3A_113 = tpu.memref_squeeze %dma_start3A_112 : memref<1x1x72xi32, #tpu.memory_space<vmem>> -> memref<72xi32, #tpu.memory_space<vmem>>
    %dma_start3A_114 = arith.constant 0 : i32
    %dma_start3A_115 = arith.constant 0 : i32
    %dma_start3A_116 = tpu.memref_slice %arg3[%dma_start3A_114, %dma_start3A_115] : memref<1000000x32xf32, #tpu.memory_space<hbm>> -> memref<1000000x32xf32, #tpu.memory_space<hbm>>
    tpu.enqueue_indirect_dma source(%dma_start3A_116 : memref<1000000x32xf32, #tpu.memory_space<hbm>>) target(%dma_start3A_110 : memref<72x32xf32, #tpu.memory_space<vmem>>) offsets(%dma_start3A_113 : memref<72xi32, #tpu.memory_space<vmem>>) semaphore(%arg7 : memref<!tpu.dma_semaphore, #tpu.memory_space<semaphore_mem>>)
    %dma_start3A_117 = arith.constant 0 : i32
    %dma_start3A_118 = arith.constant 4 : i32
    %dma_start3A_119 = arith.constant 0 : i32
    %dma_start3A_120 = arith.constant 4 : i32
    %dma_start3A_121 = arith.constant 0 : i32
    %dma_start3A_122 = arith.constant 0 : i32
    %dma_start3A_123 = tpu.memref_slice %arg6[%dma_start3A_119, %dma_start3A_120, %dma_start3A_121, %dma_start3A_122] : memref<2x8x200x32xf32, #tpu.memory_space<vmem>> -> memref<1x1x128x32xf32, #tpu.memory_space<vmem>>
    %dma_start3A_124 = tpu.memref_squeeze %dma_start3A_123 : memref<1x1x128x32xf32, #tpu.memory_space<vmem>> -> memref<128x32xf32, #tpu.memory_space<vmem>>
    %dma_start3A_125 = arith.constant 0 : i32
    %dma_start3A_126 = tpu.memref_slice %arg5[%dma_start3A_117, %dma_start3A_118, %dma_start3A_125] : memref<2x8x200xi32, #tpu.memory_space<vmem>> -> memref<1x1x128xi32, #tpu.memory_space<vmem>>
    %dma_start3A_127 = tpu.memref_squeeze %dma_start3A_126 : memref<1x1x128xi32, #tpu.memory_space<vmem>> -> memref<128xi32, #tpu.memory_space<vmem>>
    %dma_start3A_128 = arith.constant 0 : i32
    %dma_start3A_129 = arith.constant 0 : i32
    %dma_start3A_130 = tpu.memref_slice %arg3[%dma_start3A_128, %dma_start3A_129] : memref<1000000x32xf32, #tpu.memory_space<hbm>> -> memref<1000000x32xf32, #tpu.memory_space<hbm>>
    tpu.enqueue_indirect_dma source(%dma_start3A_130 : memref<1000000x32xf32, #tpu.memory_space<hbm>>) target(%dma_start3A_124 : memref<128x32xf32, #tpu.memory_space<vmem>>) offsets(%dma_start3A_127 : memref<128xi32, #tpu.memory_space<vmem>>) semaphore(%arg7 : memref<!tpu.dma_semaphore, #tpu.memory_space<semaphore_mem>>)
    %dma_start3A_131 = arith.constant 0 : i32
    %dma_start3A_132 = arith.constant 4 : i32
    %dma_start3A_133 = arith.constant 0 : i32
    %dma_start3A_134 = arith.constant 4 : i32
    %dma_start3A_135 = arith.constant 128 : i32
    %dma_start3A_136 = arith.constant 0 : i32
    %dma_start3A_137 = tpu.memref_slice %arg6[%dma_start3A_133, %dma_start3A_134, %dma_start3A_135, %dma_start3A_136] : memref<2x8x200x32xf32, #tpu.memory_space<vmem>> -> memref<1x1x72x32xf32, #tpu.memory_space<vmem>>
    %dma_start3A_138 = tpu.memref_squeeze %dma_start3A_137 : memref<1x1x72x32xf32, #tpu.memory_space<vmem>> -> memref<72x32xf32, #tpu.memory_space<vmem>>
    %dma_start3A_139 = arith.constant 128 : i32
    %dma_start3A_140 = tpu.memref_slice %arg5[%dma_start3A_131, %dma_start3A_132, %dma_start3A_139] : memref<2x8x200xi32, #tpu.memory_space<vmem>> -> memref<1x1x72xi32, #tpu.memory_space<vmem>>
    %dma_start3A_141 = tpu.memref_squeeze %dma_start3A_140 : memref<1x1x72xi32, #tpu.memory_space<vmem>> -> memref<72xi32, #tpu.memory_space<vmem>>
    %dma_start3A_142 = arith.constant 0 : i32
    %dma_start3A_143 = arith.constant 0 : i32
    %dma_start3A_144 = tpu.memref_slice %arg3[%dma_start3A_142, %dma_start3A_143] : memref<1000000x32xf32, #tpu.memory_space<hbm>> -> memref<1000000x32xf32, #tpu.memory_space<hbm>>
    tpu.enqueue_indirect_dma source(%dma_start3A_144 : memref<1000000x32xf32, #tpu.memory_space<hbm>>) target(%dma_start3A_138 : memref<72x32xf32, #tpu.memory_space<vmem>>) offsets(%dma_start3A_141 : memref<72xi32, #tpu.memory_space<vmem>>) semaphore(%arg7 : memref<!tpu.dma_semaphore, #tpu.memory_space<semaphore_mem>>)
    %dma_start3A_145 = arith.constant 0 : i32
    %dma_start3A_146 = arith.constant 5 : i32
    %dma_start3A_147 = arith.constant 0 : i32
    %dma_start3A_148 = arith.constant 5 : i32
    %dma_start3A_149 = arith.constant 0 : i32
    %dma_start3A_150 = arith.constant 0 : i32
    %dma_start3A_151 = tpu.memref_slice %arg6[%dma_start3A_147, %dma_start3A_148, %dma_start3A_149, %dma_start3A_150] : memref<2x8x200x32xf32, #tpu.memory_space<vmem>> -> memref<1x1x128x32xf32, #tpu.memory_space<vmem>>
    %dma_start3A_152 = tpu.memref_squeeze %dma_start3A_151 : memref<1x1x128x32xf32, #tpu.memory_space<vmem>> -> memref<128x32xf32, #tpu.memory_space<vmem>>
    %dma_start3A_153 = arith.constant 0 : i32
    %dma_start3A_154 = tpu.memref_slice %arg5[%dma_start3A_145, %dma_start3A_146, %dma_start3A_153] : memref<2x8x200xi32, #tpu.memory_space<vmem>> -> memref<1x1x128xi32, #tpu.memory_space<vmem>>
    %dma_start3A_155 = tpu.memref_squeeze %dma_start3A_154 : memref<1x1x128xi32, #tpu.memory_space<vmem>> -> memref<128xi32, #tpu.memory_space<vmem>>
    %dma_start3A_156 = arith.constant 0 : i32
    %dma_start3A_157 = arith.constant 0 : i32
    %dma_start3A_158 = tpu.memref_slice %arg3[%dma_start3A_156, %dma_start3A_157] : memref<1000000x32xf32, #tpu.memory_space<hbm>> -> memref<1000000x32xf32, #tpu.memory_space<hbm>>
    tpu.enqueue_indirect_dma source(%dma_start3A_158 : memref<1000000x32xf32, #tpu.memory_space<hbm>>) target(%dma_start3A_152 : memref<128x32xf32, #tpu.memory_space<vmem>>) offsets(%dma_start3A_155 : memref<128xi32, #tpu.memory_space<vmem>>) semaphore(%arg7 : memref<!tpu.dma_semaphore, #tpu.memory_space<semaphore_mem>>)
    %dma_start3A_159 = arith.constant 0 : i32
    %dma_start3A_160 = arith.constant 5 : i32
    %dma_start3A_161 = arith.constant 0 : i32
    %dma_start3A_162 = arith.constant 5 : i32
    %dma_start3A_163 = arith.constant 128 : i32
    %dma_start3A_164 = arith.constant 0 : i32
    %dma_start3A_165 = tpu.memref_slice %arg6[%dma_start3A_161, %dma_start3A_162, %dma_start3A_163, %dma_start3A_164] : memref<2x8x200x32xf32, #tpu.memory_space<vmem>> -> memref<1x1x72x32xf32, #tpu.memory_space<vmem>>
    %dma_start3A_166 = tpu.memref_squeeze %dma_start3A_165 : memref<1x1x72x32xf32, #tpu.memory_space<vmem>> -> memref<72x32xf32, #tpu.memory_space<vmem>>
    %dma_start3A_167 = arith.constant 128 : i32
    %dma_start3A_168 = tpu.memref_slice %arg5[%dma_start3A_159, %dma_start3A_160, %dma_start3A_167] : memref<2x8x200xi32, #tpu.memory_space<vmem>> -> memref<1x1x72xi32, #tpu.memory_space<vmem>>
    %dma_start3A_169 = tpu.memref_squeeze %dma_start3A_168 : memref<1x1x72xi32, #tpu.memory_space<vmem>> -> memref<72xi32, #tpu.memory_space<vmem>>
    %dma_start3A_170 = arith.constant 0 : i32
    %dma_start3A_171 = arith.constant 0 : i32
    %dma_start3A_172 = tpu.memref_slice %arg3[%dma_start3A_170, %dma_start3A_171] : memref<1000000x32xf32, #tpu.memory_space<hbm>> -> memref<1000000x32xf32, #tpu.memory_space<hbm>>
    tpu.enqueue_indirect_dma source(%dma_start3A_172 : memref<1000000x32xf32, #tpu.memory_space<hbm>>) target(%dma_start3A_166 : memref<72x32xf32, #tpu.memory_space<vmem>>) offsets(%dma_start3A_169 : memref<72xi32, #tpu.memory_space<vmem>>) semaphore(%arg7 : memref<!tpu.dma_semaphore, #tpu.memory_space<semaphore_mem>>)
    %dma_start3A_173 = arith.constant 0 : i32
    %dma_start3A_174 = arith.constant 6 : i32
    %dma_start3A_175 = arith.constant 0 : i32
    %dma_start3A_176 = arith.constant 6 : i32
    %dma_start3A_177 = arith.constant 0 : i32
    %dma_start3A_178 = arith.constant 0 : i32
    %dma_start3A_179 = tpu.memref_slice %arg6[%dma_start3A_175, %dma_start3A_176, %dma_start3A_177, %dma_start3A_178] : memref<2x8x200x32xf32, #tpu.memory_space<vmem>> -> memref<1x1x128x32xf32, #tpu.memory_space<vmem>>
    %dma_start3A_180 = tpu.memref_squeeze %dma_start3A_179 : memref<1x1x128x32xf32, #tpu.memory_space<vmem>> -> memref<128x32xf32, #tpu.memory_space<vmem>>
    %dma_start3A_181 = arith.constant 0 : i32
    %dma_start3A_182 = tpu.memref_slice %arg5[%dma_start3A_173, %dma_start3A_174, %dma_start3A_181] : memref<2x8x200xi32, #tpu.memory_space<vmem>> -> memref<1x1x128xi32, #tpu.memory_space<vmem>>
    %dma_start3A_183 = tpu.memref_squeeze %dma_start3A_182 : memref<1x1x128xi32, #tpu.memory_space<vmem>> -> memref<128xi32, #tpu.memory_space<vmem>>
    %dma_start3A_184 = arith.constant 0 : i32
    %dma_start3A_185 = arith.constant 0 : i32
    %dma_start3A_186 = tpu.memref_slice %arg3[%dma_start3A_184, %dma_start3A_185] : memref<1000000x32xf32, #tpu.memory_space<hbm>> -> memref<1000000x32xf32, #tpu.memory_space<hbm>>
    tpu.enqueue_indirect_dma source(%dma_start3A_186 : memref<1000000x32xf32, #tpu.memory_space<hbm>>) target(%dma_start3A_180 : memref<128x32xf32, #tpu.memory_space<vmem>>) offsets(%dma_start3A_183 : memref<128xi32, #tpu.memory_space<vmem>>) semaphore(%arg7 : memref<!tpu.dma_semaphore, #tpu.memory_space<semaphore_mem>>)
    %dma_start3A_187 = arith.constant 0 : i32
    %dma_start3A_188 = arith.constant 6 : i32
    %dma_start3A_189 = arith.constant 0 : i32
    %dma_start3A_190 = arith.constant 6 : i32
    %dma_start3A_191 = arith.constant 128 : i32
    %dma_start3A_192 = arith.constant 0 : i32
    %dma_start3A_193 = tpu.memref_slice %arg6[%dma_start3A_189, %dma_start3A_190, %dma_start3A_191, %dma_start3A_192] : memref<2x8x200x32xf32, #tpu.memory_space<vmem>> -> memref<1x1x72x32xf32, #tpu.memory_space<vmem>>
    %dma_start3A_194 = tpu.memref_squeeze %dma_start3A_193 : memref<1x1x72x32xf32, #tpu.memory_space<vmem>> -> memref<72x32xf32, #tpu.memory_space<vmem>>
    %dma_start3A_195 = arith.constant 128 : i32
    %dma_start3A_196 = tpu.memref_slice %arg5[%dma_start3A_187, %dma_start3A_188, %dma_start3A_195] : memref<2x8x200xi32, #tpu.memory_space<vmem>> -> memref<1x1x72xi32, #tpu.memory_space<vmem>>
    %dma_start3A_197 = tpu.memref_squeeze %dma_start3A_196 : memref<1x1x72xi32, #tpu.memory_space<vmem>> -> memref<72xi32, #tpu.memory_space<vmem>>
    %dma_start3A_198 = arith.constant 0 : i32
    %dma_start3A_199 = arith.constant 0 : i32
    %dma_start3A_200 = tpu.memref_slice %arg3[%dma_start3A_198, %dma_start3A_199] : memref<1000000x32xf32, #tpu.memory_space<hbm>> -> memref<1000000x32xf32, #tpu.memory_space<hbm>>
    tpu.enqueue_indirect_dma source(%dma_start3A_200 : memref<1000000x32xf32, #tpu.memory_space<hbm>>) target(%dma_start3A_194 : memref<72x32xf32, #tpu.memory_space<vmem>>) offsets(%dma_start3A_197 : memref<72xi32, #tpu.memory_space<vmem>>) semaphore(%arg7 : memref<!tpu.dma_semaphore, #tpu.memory_space<semaphore_mem>>)
    %dma_start3A_201 = arith.constant 0 : i32
    %dma_start3A_202 = arith.constant 7 : i32
    %dma_start3A_203 = arith.constant 0 : i32
    %dma_start3A_204 = arith.constant 7 : i32
    %dma_start3A_205 = arith.constant 0 : i32
    %dma_start3A_206 = arith.constant 0 : i32
    %dma_start3A_207 = tpu.memref_slice %arg6[%dma_start3A_203, %dma_start3A_204, %dma_start3A_205, %dma_start3A_206] : memref<2x8x200x32xf32, #tpu.memory_space<vmem>> -> memref<1x1x128x32xf32, #tpu.memory_space<vmem>>
    %dma_start3A_208 = tpu.memref_squeeze %dma_start3A_207 : memref<1x1x128x32xf32, #tpu.memory_space<vmem>> -> memref<128x32xf32, #tpu.memory_space<vmem>>
    %dma_start3A_209 = arith.constant 0 : i32
    %dma_start3A_210 = tpu.memref_slice %arg5[%dma_start3A_201, %dma_start3A_202, %dma_start3A_209] : memref<2x8x200xi32, #tpu.memory_space<vmem>> -> memref<1x1x128xi32, #tpu.memory_space<vmem>>
    %dma_start3A_211 = tpu.memref_squeeze %dma_start3A_210 : memref<1x1x128xi32, #tpu.memory_space<vmem>> -> memref<128xi32, #tpu.memory_space<vmem>>
    %dma_start3A_212 = arith.constant 0 : i32
    %dma_start3A_213 = arith.constant 0 : i32
    %dma_start3A_214 = tpu.memref_slice %arg3[%dma_start3A_212, %dma_start3A_213] : memref<1000000x32xf32, #tpu.memory_space<hbm>> -> memref<1000000x32xf32, #tpu.memory_space<hbm>>
    tpu.enqueue_indirect_dma source(%dma_start3A_214 : memref<1000000x32xf32, #tpu.memory_space<hbm>>) target(%dma_start3A_208 : memref<128x32xf32, #tpu.memory_space<vmem>>) offsets(%dma_start3A_211 : memref<128xi32, #tpu.memory_space<vmem>>) semaphore(%arg7 : memref<!tpu.dma_semaphore, #tpu.memory_space<semaphore_mem>>)
    %dma_start3A_215 = arith.constant 0 : i32
    %dma_start3A_216 = arith.constant 7 : i32
    %dma_start3A_217 = arith.constant 0 : i32
    %dma_start3A_218 = arith.constant 7 : i32
    %dma_start3A_219 = arith.constant 128 : i32
    %dma_start3A_220 = arith.constant 0 : i32
    %dma_start3A_221 = tpu.memref_slice %arg6[%dma_start3A_217, %dma_start3A_218, %dma_start3A_219, %dma_start3A_220] : memref<2x8x200x32xf32, #tpu.memory_space<vmem>> -> memref<1x1x72x32xf32, #tpu.memory_space<vmem>>
    %dma_start3A_222 = tpu.memref_squeeze %dma_start3A_221 : memref<1x1x72x32xf32, #tpu.memory_space<vmem>> -> memref<72x32xf32, #tpu.memory_space<vmem>>
    %dma_start3A_223 = arith.constant 128 : i32
    %dma_start3A_224 = tpu.memref_slice %arg5[%dma_start3A_215, %dma_start3A_216, %dma_start3A_223] : memref<2x8x200xi32, #tpu.memory_space<vmem>> -> memref<1x1x72xi32, #tpu.memory_space<vmem>>
    %dma_start3A_225 = tpu.memref_squeeze %dma_start3A_224 : memref<1x1x72xi32, #tpu.memory_space<vmem>> -> memref<72xi32, #tpu.memory_space<vmem>>
    %dma_start3A_226 = arith.constant 0 : i32
    %dma_start3A_227 = arith.constant 0 : i32
    %dma_start3A_228 = tpu.memref_slice %arg3[%dma_start3A_226, %dma_start3A_227] : memref<1000000x32xf32, #tpu.memory_space<hbm>> -> memref<1000000x32xf32, #tpu.memory_space<hbm>>
    tpu.enqueue_indirect_dma source(%dma_start3A_228 : memref<1000000x32xf32, #tpu.memory_space<hbm>>) target(%dma_start3A_222 : memref<72x32xf32, #tpu.memory_space<vmem>>) offsets(%dma_start3A_225 : memref<72xi32, #tpu.memory_space<vmem>>) semaphore(%arg7 : memref<!tpu.dma_semaphore, #tpu.memory_space<semaphore_mem>>)
    %scan3A = arith.constant 0 : i32
    %scan3A_229 = arith.constant 0 : i32
    %scan3A_230 = arith.constant 64 : i32
    %scan3A_231 = arith.addi %scan3A_229, %scan3A_230 : i32
    %scan3A_232 = arith.constant 1 : i32
    scf.for %scan3A_271 = %scan3A_229 to %scan3A_231 step %scan3A_232  : i32 {
      %jit3A = arith.constant 2 : i32
      %eq3A = arith.constant 0 : i32
      %eq3A_272 = arith.cmpi eq, %jit3A, %eq3A : i32
      %jit3A_273 = arith.constant 1 : i32
      %select_n3A = arith.select %eq3A_272, %jit3A_273, %jit3A : i32
      %rem3A = arith.remsi %scan3A_271, %select_n3A : i32
      %ne3A = arith.constant 0 : i32
      %ne3A_274 = arith.cmpi ne, %rem3A, %ne3A : i32
      %lt3A = arith.constant 0 : i32
      %lt3A_275 = arith.cmpi slt, %rem3A, %lt3A : i32
      %lt3A_276 = arith.constant 0 : i32
      %lt3A_277 = arith.cmpi slt, %select_n3A, %lt3A_276 : i32
      %ne3A_278 = arith.xori %lt3A_275, %lt3A_277 : i1
      %and3A = arith.andi %ne3A_278, %ne3A_274 : i1
      %add3A_279 = arith.addi %rem3A, %select_n3A : i32
      %select_n3A_280 = arith.select %and3A, %add3A_279, %rem3A : i32
      %add3A_281 = arith.constant 1 : i32
      %add3A_282 = arith.addi %scan3A_271, %add3A_281 : i32
      %jit3A_283 = arith.constant 2 : i32
      %eq3A_284 = arith.constant 0 : i32
      %eq3A_285 = arith.cmpi eq, %jit3A_283, %eq3A_284 : i32
      %jit3A_286 = arith.constant 1 : i32
      %select_n3A_287 = arith.select %eq3A_285, %jit3A_286, %jit3A_283 : i32
      %rem3A_288 = arith.remsi %add3A_282, %select_n3A_287 : i32
      %ne3A_289 = arith.constant 0 : i32
      %ne3A_290 = arith.cmpi ne, %rem3A_288, %ne3A_289 : i32
      %lt3A_291 = arith.constant 0 : i32
      %lt3A_292 = arith.cmpi slt, %rem3A_288, %lt3A_291 : i32
      %lt3A_293 = arith.constant 0 : i32
      %lt3A_294 = arith.cmpi slt, %select_n3A_287, %lt3A_293 : i32
      %ne3A_295 = arith.xori %lt3A_292, %lt3A_294 : i1
      %and3A_296 = arith.andi %ne3A_295, %ne3A_290 : i1
      %add3A_297 = arith.addi %rem3A_288, %select_n3A_287 : i32
      %select_n3A_298 = arith.select %and3A_296, %add3A_297, %rem3A_288 : i32
      %dma_wait3A_299 = arith.constant 0 : i32
      %dma_wait3A_300 = arith.constant 0 : i32
      %dma_wait3A_301 = arith.constant 0 : i32
      %dma_wait3A_302 = arith.constant 0 : i32
      %dma_wait3A_303 = tpu.memref_slice %arg6[%select_n3A_280, %dma_wait3A_300, %dma_wait3A_301, %dma_wait3A_302] : memref<2x8x200x32xf32, #tpu.memory_space<vmem>> -> memref<1x1x128x32xf32, #tpu.memory_space<vmem>>
      %dma_wait3A_304 = tpu.memref_squeeze %dma_wait3A_303 : memref<1x1x128x32xf32, #tpu.memory_space<vmem>> -> memref<128x32xf32, #tpu.memory_space<vmem>>
      %dma_wait3A_305 = arith.constant 0 : i32
      %dma_wait3A_306 = tpu.memref_slice %arg5[%select_n3A_280, %dma_wait3A_299, %dma_wait3A_305] : memref<2x8x200xi32, #tpu.memory_space<vmem>> -> memref<1x1x128xi32, #tpu.memory_space<vmem>>
      %dma_wait3A_307 = tpu.memref_squeeze %dma_wait3A_306 : memref<1x1x128xi32, #tpu.memory_space<vmem>> -> memref<128xi32, #tpu.memory_space<vmem>>
      %dma_wait3A_308 = arith.constant 0 : i32
      %dma_wait3A_309 = arith.constant 0 : i32
      %dma_wait3A_310 = tpu.memref_slice %arg3[%dma_wait3A_308, %dma_wait3A_309] : memref<1000000x32xf32, #tpu.memory_space<hbm>> -> memref<1000000x32xf32, #tpu.memory_space<hbm>>
      tpu.wait_indirect_dma semaphore(%arg7 : memref<!tpu.dma_semaphore, #tpu.memory_space<semaphore_mem>>) src(%dma_wait3A_310 : memref<1000000x32xf32, #tpu.memory_space<hbm>>) dst(%dma_wait3A_304 : memref<128x32xf32, #tpu.memory_space<vmem>>)
      %dma_wait3A_311 = arith.constant 0 : i32
      %dma_wait3A_312 = arith.constant 0 : i32
      %dma_wait3A_313 = arith.constant 128 : i32
      %dma_wait3A_314 = arith.constant 0 : i32
      %dma_wait3A_315 = tpu.memref_slice %arg6[%select_n3A_280, %dma_wait3A_312, %dma_wait3A_313, %dma_wait3A_314] : memref<2x8x200x32xf32, #tpu.memory_space<vmem>> -> memref<1x1x72x32xf32, #tpu.memory_space<vmem>>
      %dma_wait3A_316 = tpu.memref_squeeze %dma_wait3A_315 : memref<1x1x72x32xf32, #tpu.memory_space<vmem>> -> memref<72x32xf32, #tpu.memory_space<vmem>>
      %dma_wait3A_317 = arith.constant 128 : i32
      %dma_wait3A_318 = tpu.memref_slice %arg5[%select_n3A_280, %dma_wait3A_311, %dma_wait3A_317] : memref<2x8x200xi32, #tpu.memory_space<vmem>> -> memref<1x1x72xi32, #tpu.memory_space<vmem>>
      %dma_wait3A_319 = tpu.memref_squeeze %dma_wait3A_318 : memref<1x1x72xi32, #tpu.memory_space<vmem>> -> memref<72xi32, #tpu.memory_space<vmem>>
      %dma_wait3A_320 = arith.constant 0 : i32
      %dma_wait3A_321 = arith.constant 0 : i32
      %dma_wait3A_322 = tpu.memref_slice %arg3[%dma_wait3A_320, %dma_wait3A_321] : memref<1000000x32xf32, #tpu.memory_space<hbm>> -> memref<1000000x32xf32, #tpu.memory_space<hbm>>
      tpu.wait_indirect_dma semaphore(%arg7 : memref<!tpu.dma_semaphore, #tpu.memory_space<semaphore_mem>>) src(%dma_wait3A_322 : memref<1000000x32xf32, #tpu.memory_space<hbm>>) dst(%dma_wait3A_316 : memref<72x32xf32, #tpu.memory_space<vmem>>)
      %dma_wait3A_323 = arith.constant 1 : i32
      %dma_wait3A_324 = arith.constant 1 : i32
      %dma_wait3A_325 = arith.constant 0 : i32
      %dma_wait3A_326 = arith.constant 0 : i32
      %dma_wait3A_327 = tpu.memref_slice %arg6[%select_n3A_280, %dma_wait3A_324, %dma_wait3A_325, %dma_wait3A_326] : memref<2x8x200x32xf32, #tpu.memory_space<vmem>> -> memref<1x1x128x32xf32, #tpu.memory_space<vmem>>
      %dma_wait3A_328 = tpu.memref_squeeze %dma_wait3A_327 : memref<1x1x128x32xf32, #tpu.memory_space<vmem>> -> memref<128x32xf32, #tpu.memory_space<vmem>>
      %dma_wait3A_329 = arith.constant 0 : i32
      %dma_wait3A_330 = tpu.memref_slice %arg5[%select_n3A_280, %dma_wait3A_323, %dma_wait3A_329] : memref<2x8x200xi32, #tpu.memory_space<vmem>> -> memref<1x1x128xi32, #tpu.memory_space<vmem>>
      %dma_wait3A_331 = tpu.memref_squeeze %dma_wait3A_330 : memref<1x1x128xi32, #tpu.memory_space<vmem>> -> memref<128xi32, #tpu.memory_space<vmem>>
      %dma_wait3A_332 = arith.constant 0 : i32
      %dma_wait3A_333 = arith.constant 0 : i32
      %dma_wait3A_334 = tpu.memref_slice %arg3[%dma_wait3A_332, %dma_wait3A_333] : memref<1000000x32xf32, #tpu.memory_space<hbm>> -> memref<1000000x32xf32, #tpu.memory_space<hbm>>
      tpu.wait_indirect_dma semaphore(%arg7 : memref<!tpu.dma_semaphore, #tpu.memory_space<semaphore_mem>>) src(%dma_wait3A_334 : memref<1000000x32xf32, #tpu.memory_space<hbm>>) dst(%dma_wait3A_328 : memref<128x32xf32, #tpu.memory_space<vmem>>)
      %dma_wait3A_335 = arith.constant 1 : i32
      %dma_wait3A_336 = arith.constant 1 : i32
      %dma_wait3A_337 = arith.constant 128 : i32
      %dma_wait3A_338 = arith.constant 0 : i32
      %dma_wait3A_339 = tpu.memref_slice %arg6[%select_n3A_280, %dma_wait3A_336, %dma_wait3A_337, %dma_wait3A_338] : memref<2x8x200x32xf32, #tpu.memory_space<vmem>> -> memref<1x1x72x32xf32, #tpu.memory_space<vmem>>
      %dma_wait3A_340 = tpu.memref_squeeze %dma_wait3A_339 : memref<1x1x72x32xf32, #tpu.memory_space<vmem>> -> memref<72x32xf32, #tpu.memory_space<vmem>>
      %dma_wait3A_341 = arith.constant 128 : i32
      %dma_wait3A_342 = tpu.memref_slice %arg5[%select_n3A_280, %dma_wait3A_335, %dma_wait3A_341] : memref<2x8x200xi32, #tpu.memory_space<vmem>> -> memref<1x1x72xi32, #tpu.memory_space<vmem>>
      %dma_wait3A_343 = tpu.memref_squeeze %dma_wait3A_342 : memref<1x1x72xi32, #tpu.memory_space<vmem>> -> memref<72xi32, #tpu.memory_space<vmem>>
      %dma_wait3A_344 = arith.constant 0 : i32
      %dma_wait3A_345 = arith.constant 0 : i32
      %dma_wait3A_346 = tpu.memref_slice %arg3[%dma_wait3A_344, %dma_wait3A_345] : memref<1000000x32xf32, #tpu.memory_space<hbm>> -> memref<1000000x32xf32, #tpu.memory_space<hbm>>
      tpu.wait_indirect_dma semaphore(%arg7 : memref<!tpu.dma_semaphore, #tpu.memory_space<semaphore_mem>>) src(%dma_wait3A_346 : memref<1000000x32xf32, #tpu.memory_space<hbm>>) dst(%dma_wait3A_340 : memref<72x32xf32, #tpu.memory_space<vmem>>)
      %dma_wait3A_347 = arith.constant 2 : i32
      %dma_wait3A_348 = arith.constant 2 : i32
      %dma_wait3A_349 = arith.constant 0 : i32
      %dma_wait3A_350 = arith.constant 0 : i32
      %dma_wait3A_351 = tpu.memref_slice %arg6[%select_n3A_280, %dma_wait3A_348, %dma_wait3A_349, %dma_wait3A_350] : memref<2x8x200x32xf32, #tpu.memory_space<vmem>> -> memref<1x1x128x32xf32, #tpu.memory_space<vmem>>
      %dma_wait3A_352 = tpu.memref_squeeze %dma_wait3A_351 : memref<1x1x128x32xf32, #tpu.memory_space<vmem>> -> memref<128x32xf32, #tpu.memory_space<vmem>>
      %dma_wait3A_353 = arith.constant 0 : i32
      %dma_wait3A_354 = tpu.memref_slice %arg5[%select_n3A_280, %dma_wait3A_347, %dma_wait3A_353] : memref<2x8x200xi32, #tpu.memory_space<vmem>> -> memref<1x1x128xi32, #tpu.memory_space<vmem>>
      %dma_wait3A_355 = tpu.memref_squeeze %dma_wait3A_354 : memref<1x1x128xi32, #tpu.memory_space<vmem>> -> memref<128xi32, #tpu.memory_space<vmem>>
      %dma_wait3A_356 = arith.constant 0 : i32
      %dma_wait3A_357 = arith.constant 0 : i32
      %dma_wait3A_358 = tpu.memref_slice %arg3[%dma_wait3A_356, %dma_wait3A_357] : memref<1000000x32xf32, #tpu.memory_space<hbm>> -> memref<1000000x32xf32, #tpu.memory_space<hbm>>
      tpu.wait_indirect_dma semaphore(%arg7 : memref<!tpu.dma_semaphore, #tpu.memory_space<semaphore_mem>>) src(%dma_wait3A_358 : memref<1000000x32xf32, #tpu.memory_space<hbm>>) dst(%dma_wait3A_352 : memref<128x32xf32, #tpu.memory_space<vmem>>)
      %dma_wait3A_359 = arith.constant 2 : i32
      %dma_wait3A_360 = arith.constant 2 : i32
      %dma_wait3A_361 = arith.constant 128 : i32
      %dma_wait3A_362 = arith.constant 0 : i32
      %dma_wait3A_363 = tpu.memref_slice %arg6[%select_n3A_280, %dma_wait3A_360, %dma_wait3A_361, %dma_wait3A_362] : memref<2x8x200x32xf32, #tpu.memory_space<vmem>> -> memref<1x1x72x32xf32, #tpu.memory_space<vmem>>
      %dma_wait3A_364 = tpu.memref_squeeze %dma_wait3A_363 : memref<1x1x72x32xf32, #tpu.memory_space<vmem>> -> memref<72x32xf32, #tpu.memory_space<vmem>>
      %dma_wait3A_365 = arith.constant 128 : i32
      %dma_wait3A_366 = tpu.memref_slice %arg5[%select_n3A_280, %dma_wait3A_359, %dma_wait3A_365] : memref<2x8x200xi32, #tpu.memory_space<vmem>> -> memref<1x1x72xi32, #tpu.memory_space<vmem>>
      %dma_wait3A_367 = tpu.memref_squeeze %dma_wait3A_366 : memref<1x1x72xi32, #tpu.memory_space<vmem>> -> memref<72xi32, #tpu.memory_space<vmem>>
      %dma_wait3A_368 = arith.constant 0 : i32
      %dma_wait3A_369 = arith.constant 0 : i32
      %dma_wait3A_370 = tpu.memref_slice %arg3[%dma_wait3A_368, %dma_wait3A_369] : memref<1000000x32xf32, #tpu.memory_space<hbm>> -> memref<1000000x32xf32, #tpu.memory_space<hbm>>
      tpu.wait_indirect_dma semaphore(%arg7 : memref<!tpu.dma_semaphore, #tpu.memory_space<semaphore_mem>>) src(%dma_wait3A_370 : memref<1000000x32xf32, #tpu.memory_space<hbm>>) dst(%dma_wait3A_364 : memref<72x32xf32, #tpu.memory_space<vmem>>)
      %dma_wait3A_371 = arith.constant 3 : i32
      %dma_wait3A_372 = arith.constant 3 : i32
      %dma_wait3A_373 = arith.constant 0 : i32
      %dma_wait3A_374 = arith.constant 0 : i32
      %dma_wait3A_375 = tpu.memref_slice %arg6[%select_n3A_280, %dma_wait3A_372, %dma_wait3A_373, %dma_wait3A_374] : memref<2x8x200x32xf32, #tpu.memory_space<vmem>> -> memref<1x1x128x32xf32, #tpu.memory_space<vmem>>
      %dma_wait3A_376 = tpu.memref_squeeze %dma_wait3A_375 : memref<1x1x128x32xf32, #tpu.memory_space<vmem>> -> memref<128x32xf32, #tpu.memory_space<vmem>>
      %dma_wait3A_377 = arith.constant 0 : i32
      %dma_wait3A_378 = tpu.memref_slice %arg5[%select_n3A_280, %dma_wait3A_371, %dma_wait3A_377] : memref<2x8x200xi32, #tpu.memory_space<vmem>> -> memref<1x1x128xi32, #tpu.memory_space<vmem>>
      %dma_wait3A_379 = tpu.memref_squeeze %dma_wait3A_378 : memref<1x1x128xi32, #tpu.memory_space<vmem>> -> memref<128xi32, #tpu.memory_space<vmem>>
      %dma_wait3A_380 = arith.constant 0 : i32
      %dma_wait3A_381 = arith.constant 0 : i32
      %dma_wait3A_382 = tpu.memref_slice %arg3[%dma_wait3A_380, %dma_wait3A_381] : memref<1000000x32xf32, #tpu.memory_space<hbm>> -> memref<1000000x32xf32, #tpu.memory_space<hbm>>
      tpu.wait_indirect_dma semaphore(%arg7 : memref<!tpu.dma_semaphore, #tpu.memory_space<semaphore_mem>>) src(%dma_wait3A_382 : memref<1000000x32xf32, #tpu.memory_space<hbm>>) dst(%dma_wait3A_376 : memref<128x32xf32, #tpu.memory_space<vmem>>)
      %dma_wait3A_383 = arith.constant 3 : i32
      %dma_wait3A_384 = arith.constant 3 : i32
      %dma_wait3A_385 = arith.constant 128 : i32
      %dma_wait3A_386 = arith.constant 0 : i32
      %dma_wait3A_387 = tpu.memref_slice %arg6[%select_n3A_280, %dma_wait3A_384, %dma_wait3A_385, %dma_wait3A_386] : memref<2x8x200x32xf32, #tpu.memory_space<vmem>> -> memref<1x1x72x32xf32, #tpu.memory_space<vmem>>
      %dma_wait3A_388 = tpu.memref_squeeze %dma_wait3A_387 : memref<1x1x72x32xf32, #tpu.memory_space<vmem>> -> memref<72x32xf32, #tpu.memory_space<vmem>>
      %dma_wait3A_389 = arith.constant 128 : i32
      %dma_wait3A_390 = tpu.memref_slice %arg5[%select_n3A_280, %dma_wait3A_383, %dma_wait3A_389] : memref<2x8x200xi32, #tpu.memory_space<vmem>> -> memref<1x1x72xi32, #tpu.memory_space<vmem>>
      %dma_wait3A_391 = tpu.memref_squeeze %dma_wait3A_390 : memref<1x1x72xi32, #tpu.memory_space<vmem>> -> memref<72xi32, #tpu.memory_space<vmem>>
      %dma_wait3A_392 = arith.constant 0 : i32
      %dma_wait3A_393 = arith.constant 0 : i32
      %dma_wait3A_394 = tpu.memref_slice %arg3[%dma_wait3A_392, %dma_wait3A_393] : memref<1000000x32xf32, #tpu.memory_space<hbm>> -> memref<1000000x32xf32, #tpu.memory_space<hbm>>
      tpu.wait_indirect_dma semaphore(%arg7 : memref<!tpu.dma_semaphore, #tpu.memory_space<semaphore_mem>>) src(%dma_wait3A_394 : memref<1000000x32xf32, #tpu.memory_space<hbm>>) dst(%dma_wait3A_388 : memref<72x32xf32, #tpu.memory_space<vmem>>)
      %dma_wait3A_395 = arith.constant 4 : i32
      %dma_wait3A_396 = arith.constant 4 : i32
      %dma_wait3A_397 = arith.constant 0 : i32
      %dma_wait3A_398 = arith.constant 0 : i32
      %dma_wait3A_399 = tpu.memref_slice %arg6[%select_n3A_280, %dma_wait3A_396, %dma_wait3A_397, %dma_wait3A_398] : memref<2x8x200x32xf32, #tpu.memory_space<vmem>> -> memref<1x1x128x32xf32, #tpu.memory_space<vmem>>
      %dma_wait3A_400 = tpu.memref_squeeze %dma_wait3A_399 : memref<1x1x128x32xf32, #tpu.memory_space<vmem>> -> memref<128x32xf32, #tpu.memory_space<vmem>>
      %dma_wait3A_401 = arith.constant 0 : i32
      %dma_wait3A_402 = tpu.memref_slice %arg5[%select_n3A_280, %dma_wait3A_395, %dma_wait3A_401] : memref<2x8x200xi32, #tpu.memory_space<vmem>> -> memref<1x1x128xi32, #tpu.memory_space<vmem>>
      %dma_wait3A_403 = tpu.memref_squeeze %dma_wait3A_402 : memref<1x1x128xi32, #tpu.memory_space<vmem>> -> memref<128xi32, #tpu.memory_space<vmem>>
      %dma_wait3A_404 = arith.constant 0 : i32
      %dma_wait3A_405 = arith.constant 0 : i32
      %dma_wait3A_406 = tpu.memref_slice %arg3[%dma_wait3A_404, %dma_wait3A_405] : memref<1000000x32xf32, #tpu.memory_space<hbm>> -> memref<1000000x32xf32, #tpu.memory_space<hbm>>
      tpu.wait_indirect_dma semaphore(%arg7 : memref<!tpu.dma_semaphore, #tpu.memory_space<semaphore_mem>>) src(%dma_wait3A_406 : memref<1000000x32xf32, #tpu.memory_space<hbm>>) dst(%dma_wait3A_400 : memref<128x32xf32, #tpu.memory_space<vmem>>)
      %dma_wait3A_407 = arith.constant 4 : i32
      %dma_wait3A_408 = arith.constant 4 : i32
      %dma_wait3A_409 = arith.constant 128 : i32
      %dma_wait3A_410 = arith.constant 0 : i32
      %dma_wait3A_411 = tpu.memref_slice %arg6[%select_n3A_280, %dma_wait3A_408, %dma_wait3A_409, %dma_wait3A_410] : memref<2x8x200x32xf32, #tpu.memory_space<vmem>> -> memref<1x1x72x32xf32, #tpu.memory_space<vmem>>
      %dma_wait3A_412 = tpu.memref_squeeze %dma_wait3A_411 : memref<1x1x72x32xf32, #tpu.memory_space<vmem>> -> memref<72x32xf32, #tpu.memory_space<vmem>>
      %dma_wait3A_413 = arith.constant 128 : i32
      %dma_wait3A_414 = tpu.memref_slice %arg5[%select_n3A_280, %dma_wait3A_407, %dma_wait3A_413] : memref<2x8x200xi32, #tpu.memory_space<vmem>> -> memref<1x1x72xi32, #tpu.memory_space<vmem>>
      %dma_wait3A_415 = tpu.memref_squeeze %dma_wait3A_414 : memref<1x1x72xi32, #tpu.memory_space<vmem>> -> memref<72xi32, #tpu.memory_space<vmem>>
      %dma_wait3A_416 = arith.constant 0 : i32
      %dma_wait3A_417 = arith.constant 0 : i32
      %dma_wait3A_418 = tpu.memref_slice %arg3[%dma_wait3A_416, %dma_wait3A_417] : memref<1000000x32xf32, #tpu.memory_space<hbm>> -> memref<1000000x32xf32, #tpu.memory_space<hbm>>
      tpu.wait_indirect_dma semaphore(%arg7 : memref<!tpu.dma_semaphore, #tpu.memory_space<semaphore_mem>>) src(%dma_wait3A_418 : memref<1000000x32xf32, #tpu.memory_space<hbm>>) dst(%dma_wait3A_412 : memref<72x32xf32, #tpu.memory_space<vmem>>)
      %dma_wait3A_419 = arith.constant 5 : i32
      %dma_wait3A_420 = arith.constant 5 : i32
      %dma_wait3A_421 = arith.constant 0 : i32
      %dma_wait3A_422 = arith.constant 0 : i32
      %dma_wait3A_423 = tpu.memref_slice %arg6[%select_n3A_280, %dma_wait3A_420, %dma_wait3A_421, %dma_wait3A_422] : memref<2x8x200x32xf32, #tpu.memory_space<vmem>> -> memref<1x1x128x32xf32, #tpu.memory_space<vmem>>
      %dma_wait3A_424 = tpu.memref_squeeze %dma_wait3A_423 : memref<1x1x128x32xf32, #tpu.memory_space<vmem>> -> memref<128x32xf32, #tpu.memory_space<vmem>>
      %dma_wait3A_425 = arith.constant 0 : i32
      %dma_wait3A_426 = tpu.memref_slice %arg5[%select_n3A_280, %dma_wait3A_419, %dma_wait3A_425] : memref<2x8x200xi32, #tpu.memory_space<vmem>> -> memref<1x1x128xi32, #tpu.memory_space<vmem>>
      %dma_wait3A_427 = tpu.memref_squeeze %dma_wait3A_426 : memref<1x1x128xi32, #tpu.memory_space<vmem>> -> memref<128xi32, #tpu.memory_space<vmem>>
      %dma_wait3A_428 = arith.constant 0 : i32
      %dma_wait3A_429 = arith.constant 0 : i32
      %dma_wait3A_430 = tpu.memref_slice %arg3[%dma_wait3A_428, %dma_wait3A_429] : memref<1000000x32xf32, #tpu.memory_space<hbm>> -> memref<1000000x32xf32, #tpu.memory_space<hbm>>
      tpu.wait_indirect_dma semaphore(%arg7 : memref<!tpu.dma_semaphore, #tpu.memory_space<semaphore_mem>>) src(%dma_wait3A_430 : memref<1000000x32xf32, #tpu.memory_space<hbm>>) dst(%dma_wait3A_424 : memref<128x32xf32, #tpu.memory_space<vmem>>)
      %dma_wait3A_431 = arith.constant 5 : i32
      %dma_wait3A_432 = arith.constant 5 : i32
      %dma_wait3A_433 = arith.constant 128 : i32
      %dma_wait3A_434 = arith.constant 0 : i32
      %dma_wait3A_435 = tpu.memref_slice %arg6[%select_n3A_280, %dma_wait3A_432, %dma_wait3A_433, %dma_wait3A_434] : memref<2x8x200x32xf32, #tpu.memory_space<vmem>> -> memref<1x1x72x32xf32, #tpu.memory_space<vmem>>
      %dma_wait3A_436 = tpu.memref_squeeze %dma_wait3A_435 : memref<1x1x72x32xf32, #tpu.memory_space<vmem>> -> memref<72x32xf32, #tpu.memory_space<vmem>>
      %dma_wait3A_437 = arith.constant 128 : i32
      %dma_wait3A_438 = tpu.memref_slice %arg5[%select_n3A_280, %dma_wait3A_431, %dma_wait3A_437] : memref<2x8x200xi32, #tpu.memory_space<vmem>> -> memref<1x1x72xi32, #tpu.memory_space<vmem>>
      %dma_wait3A_439 = tpu.memref_squeeze %dma_wait3A_438 : memref<1x1x72xi32, #tpu.memory_space<vmem>> -> memref<72xi32, #tpu.memory_space<vmem>>
      %dma_wait3A_440 = arith.constant 0 : i32
      %dma_wait3A_441 = arith.constant 0 : i32
      %dma_wait3A_442 = tpu.memref_slice %arg3[%dma_wait3A_440, %dma_wait3A_441] : memref<1000000x32xf32, #tpu.memory_space<hbm>> -> memref<1000000x32xf32, #tpu.memory_space<hbm>>
      tpu.wait_indirect_dma semaphore(%arg7 : memref<!tpu.dma_semaphore, #tpu.memory_space<semaphore_mem>>) src(%dma_wait3A_442 : memref<1000000x32xf32, #tpu.memory_space<hbm>>) dst(%dma_wait3A_436 : memref<72x32xf32, #tpu.memory_space<vmem>>)
      %dma_wait3A_443 = arith.constant 6 : i32
      %dma_wait3A_444 = arith.constant 6 : i32
      %dma_wait3A_445 = arith.constant 0 : i32
      %dma_wait3A_446 = arith.constant 0 : i32
      %dma_wait3A_447 = tpu.memref_slice %arg6[%select_n3A_280, %dma_wait3A_444, %dma_wait3A_445, %dma_wait3A_446] : memref<2x8x200x32xf32, #tpu.memory_space<vmem>> -> memref<1x1x128x32xf32, #tpu.memory_space<vmem>>
      %dma_wait3A_448 = tpu.memref_squeeze %dma_wait3A_447 : memref<1x1x128x32xf32, #tpu.memory_space<vmem>> -> memref<128x32xf32, #tpu.memory_space<vmem>>
      %dma_wait3A_449 = arith.constant 0 : i32
      %dma_wait3A_450 = tpu.memref_slice %arg5[%select_n3A_280, %dma_wait3A_443, %dma_wait3A_449] : memref<2x8x200xi32, #tpu.memory_space<vmem>> -> memref<1x1x128xi32, #tpu.memory_space<vmem>>
      %dma_wait3A_451 = tpu.memref_squeeze %dma_wait3A_450 : memref<1x1x128xi32, #tpu.memory_space<vmem>> -> memref<128xi32, #tpu.memory_space<vmem>>
      %dma_wait3A_452 = arith.constant 0 : i32
      %dma_wait3A_453 = arith.constant 0 : i32
      %dma_wait3A_454 = tpu.memref_slice %arg3[%dma_wait3A_452, %dma_wait3A_453] : memref<1000000x32xf32, #tpu.memory_space<hbm>> -> memref<1000000x32xf32, #tpu.memory_space<hbm>>
      tpu.wait_indirect_dma semaphore(%arg7 : memref<!tpu.dma_semaphore, #tpu.memory_space<semaphore_mem>>) src(%dma_wait3A_454 : memref<1000000x32xf32, #tpu.memory_space<hbm>>) dst(%dma_wait3A_448 : memref<128x32xf32, #tpu.memory_space<vmem>>)
      %dma_wait3A_455 = arith.constant 6 : i32
      %dma_wait3A_456 = arith.constant 6 : i32
      %dma_wait3A_457 = arith.constant 128 : i32
      %dma_wait3A_458 = arith.constant 0 : i32
      %dma_wait3A_459 = tpu.memref_slice %arg6[%select_n3A_280, %dma_wait3A_456, %dma_wait3A_457, %dma_wait3A_458] : memref<2x8x200x32xf32, #tpu.memory_space<vmem>> -> memref<1x1x72x32xf32, #tpu.memory_space<vmem>>
      %dma_wait3A_460 = tpu.memref_squeeze %dma_wait3A_459 : memref<1x1x72x32xf32, #tpu.memory_space<vmem>> -> memref<72x32xf32, #tpu.memory_space<vmem>>
      %dma_wait3A_461 = arith.constant 128 : i32
      %dma_wait3A_462 = tpu.memref_slice %arg5[%select_n3A_280, %dma_wait3A_455, %dma_wait3A_461] : memref<2x8x200xi32, #tpu.memory_space<vmem>> -> memref<1x1x72xi32, #tpu.memory_space<vmem>>
      %dma_wait3A_463 = tpu.memref_squeeze %dma_wait3A_462 : memref<1x1x72xi32, #tpu.memory_space<vmem>> -> memref<72xi32, #tpu.memory_space<vmem>>
      %dma_wait3A_464 = arith.constant 0 : i32
      %dma_wait3A_465 = arith.constant 0 : i32
      %dma_wait3A_466 = tpu.memref_slice %arg3[%dma_wait3A_464, %dma_wait3A_465] : memref<1000000x32xf32, #tpu.memory_space<hbm>> -> memref<1000000x32xf32, #tpu.memory_space<hbm>>
      tpu.wait_indirect_dma semaphore(%arg7 : memref<!tpu.dma_semaphore, #tpu.memory_space<semaphore_mem>>) src(%dma_wait3A_466 : memref<1000000x32xf32, #tpu.memory_space<hbm>>) dst(%dma_wait3A_460 : memref<72x32xf32, #tpu.memory_space<vmem>>)
      %dma_wait3A_467 = arith.constant 7 : i32
      %dma_wait3A_468 = arith.constant 7 : i32
      %dma_wait3A_469 = arith.constant 0 : i32
      %dma_wait3A_470 = arith.constant 0 : i32
      %dma_wait3A_471 = tpu.memref_slice %arg6[%select_n3A_280, %dma_wait3A_468, %dma_wait3A_469, %dma_wait3A_470] : memref<2x8x200x32xf32, #tpu.memory_space<vmem>> -> memref<1x1x128x32xf32, #tpu.memory_space<vmem>>
      %dma_wait3A_472 = tpu.memref_squeeze %dma_wait3A_471 : memref<1x1x128x32xf32, #tpu.memory_space<vmem>> -> memref<128x32xf32, #tpu.memory_space<vmem>>
      %dma_wait3A_473 = arith.constant 0 : i32
      %dma_wait3A_474 = tpu.memref_slice %arg5[%select_n3A_280, %dma_wait3A_467, %dma_wait3A_473] : memref<2x8x200xi32, #tpu.memory_space<vmem>> -> memref<1x1x128xi32, #tpu.memory_space<vmem>>
      %dma_wait3A_475 = tpu.memref_squeeze %dma_wait3A_474 : memref<1x1x128xi32, #tpu.memory_space<vmem>> -> memref<128xi32, #tpu.memory_space<vmem>>
      %dma_wait3A_476 = arith.constant 0 : i32
      %dma_wait3A_477 = arith.constant 0 : i32
      %dma_wait3A_478 = tpu.memref_slice %arg3[%dma_wait3A_476, %dma_wait3A_477] : memref<1000000x32xf32, #tpu.memory_space<hbm>> -> memref<1000000x32xf32, #tpu.memory_space<hbm>>
      tpu.wait_indirect_dma semaphore(%arg7 : memref<!tpu.dma_semaphore, #tpu.memory_space<semaphore_mem>>) src(%dma_wait3A_478 : memref<1000000x32xf32, #tpu.memory_space<hbm>>) dst(%dma_wait3A_472 : memref<128x32xf32, #tpu.memory_space<vmem>>)
      %dma_wait3A_479 = arith.constant 7 : i32
      %dma_wait3A_480 = arith.constant 7 : i32
      %dma_wait3A_481 = arith.constant 128 : i32
      %dma_wait3A_482 = arith.constant 0 : i32
      %dma_wait3A_483 = tpu.memref_slice %arg6[%select_n3A_280, %dma_wait3A_480, %dma_wait3A_481, %dma_wait3A_482] : memref<2x8x200x32xf32, #tpu.memory_space<vmem>> -> memref<1x1x72x32xf32, #tpu.memory_space<vmem>>
      %dma_wait3A_484 = tpu.memref_squeeze %dma_wait3A_483 : memref<1x1x72x32xf32, #tpu.memory_space<vmem>> -> memref<72x32xf32, #tpu.memory_space<vmem>>
      %dma_wait3A_485 = arith.constant 128 : i32
      %dma_wait3A_486 = tpu.memref_slice %arg5[%select_n3A_280, %dma_wait3A_479, %dma_wait3A_485] : memref<2x8x200xi32, #tpu.memory_space<vmem>> -> memref<1x1x72xi32, #tpu.memory_space<vmem>>
      %dma_wait3A_487 = tpu.memref_squeeze %dma_wait3A_486 : memref<1x1x72xi32, #tpu.memory_space<vmem>> -> memref<72xi32, #tpu.memory_space<vmem>>
      %dma_wait3A_488 = arith.constant 0 : i32
      %dma_wait3A_489 = arith.constant 0 : i32
      %dma_wait3A_490 = tpu.memref_slice %arg3[%dma_wait3A_488, %dma_wait3A_489] : memref<1000000x32xf32, #tpu.memory_space<hbm>> -> memref<1000000x32xf32, #tpu.memory_space<hbm>>
      tpu.wait_indirect_dma semaphore(%arg7 : memref<!tpu.dma_semaphore, #tpu.memory_space<semaphore_mem>>) src(%dma_wait3A_490 : memref<1000000x32xf32, #tpu.memory_space<hbm>>) dst(%dma_wait3A_484 : memref<72x32xf32, #tpu.memory_space<vmem>>)
      %broadcast_in_dim3A_491 = arith.constant 1000000 : i32
      %broadcast_in_dim3A_492 = vector.broadcast %broadcast_in_dim3A_491 : i32 to vector<16xi32>
      %get3A = arith.constant 0 : i32
      %get3A_493 = arith.index_cast %select_n3A_280 : i32 to index
      %get3A_494 = arith.index_cast %get3A : i32 to index
      %get3A_495 = arith.constant 0 : index
      %get3A_496 = tpu.vector_load %arg5[%get3A_493, %get3A_494, %get3A_495] {strides = array<i32>} : memref<2x8x200xi32, #tpu.memory_space<vmem>>, vector<16xi32>,
      %min3A = arith.minsi %broadcast_in_dim3A_492, %get3A_496 : vector<16xi32>
      %get3A_497 = arith.constant 0 : i32
      %get3A_498 = arith.index_cast %select_n3A_280 : i32 to index
      %get3A_499 = arith.index_cast %get3A_497 : i32 to index
      %get3A_500 = arith.constant 16 : index
      %get3A_501 = tpu.vector_load %arg5[%get3A_498, %get3A_499, %get3A_500] {strides = array<i32>} : memref<2x8x200xi32, #tpu.memory_space<vmem>>, vector<16xi32>,
      %min3A_502 = arith.minsi %min3A, %get3A_501 : vector<16xi32>
      %get3A_503 = arith.constant 0 : i32
      %get3A_504 = arith.index_cast %select_n3A_280 : i32 to index
      %get3A_505 = arith.index_cast %get3A_503 : i32 to index
      %get3A_506 = arith.constant 32 : index
      %get3A_507 = tpu.vector_load %arg5[%get3A_504, %get3A_505, %get3A_506] {strides = array<i32>} : memref<2x8x200xi32, #tpu.memory_space<vmem>>, vector<16xi32>,
      %min3A_508 = arith.minsi %min3A_502, %get3A_507 : vector<16xi32>
      %get3A_509 = arith.constant 0 : i32
      %get3A_510 = arith.index_cast %select_n3A_280 : i32 to index
      %get3A_511 = arith.index_cast %get3A_509 : i32 to index
      %get3A_512 = arith.constant 48 : index
      %get3A_513 = tpu.vector_load %arg5[%get3A_510, %get3A_511, %get3A_512] {strides = array<i32>} : memref<2x8x200xi32, #tpu.memory_space<vmem>>, vector<16xi32>,
      %min3A_514 = arith.minsi %min3A_508, %get3A_513 : vector<16xi32>
      %get3A_515 = arith.constant 0 : i32
      %get3A_516 = arith.index_cast %select_n3A_280 : i32 to index
      %get3A_517 = arith.index_cast %get3A_515 : i32 to index
      %get3A_518 = arith.constant 64 : index
      %get3A_519 = tpu.vector_load %arg5[%get3A_516, %get3A_517, %get3A_518] {strides = array<i32>} : memref<2x8x200xi32, #tpu.memory_space<vmem>>, vector<16xi32>,
      %min3A_520 = arith.minsi %min3A_514, %get3A_519 : vector<16xi32>
      %get3A_521 = arith.constant 0 : i32
      %get3A_522 = arith.index_cast %select_n3A_280 : i32 to index
      %get3A_523 = arith.index_cast %get3A_521 : i32 to index
      %get3A_524 = arith.constant 80 : index
      %get3A_525 = tpu.vector_load %arg5[%get3A_522, %get3A_523, %get3A_524] {strides = array<i32>} : memref<2x8x200xi32, #tpu.memory_space<vmem>>, vector<16xi32>,
      %min3A_526 = arith.minsi %min3A_520, %get3A_525 : vector<16xi32>
      %get3A_527 = arith.constant 0 : i32
      %get3A_528 = arith.index_cast %select_n3A_280 : i32 to index
      %get3A_529 = arith.index_cast %get3A_527 : i32 to index
      %get3A_530 = arith.constant 96 : index
      %get3A_531 = tpu.vector_load %arg5[%get3A_528, %get3A_529, %get3A_530] {strides = array<i32>} : memref<2x8x200xi32, #tpu.memory_space<vmem>>, vector<16xi32>,
      %min3A_532 = arith.minsi %min3A_526, %get3A_531 : vector<16xi32>
      %get3A_533 = arith.constant 0 : i32
      %get3A_534 = arith.index_cast %select_n3A_280 : i32 to index
      %get3A_535 = arith.index_cast %get3A_533 : i32 to index
      %get3A_536 = arith.constant 112 : index
      %get3A_537 = tpu.vector_load %arg5[%get3A_534, %get3A_535, %get3A_536] {strides = array<i32>} : memref<2x8x200xi32, #tpu.memory_space<vmem>>, vector<16xi32>,
      %min3A_538 = arith.minsi %min3A_532, %get3A_537 : vector<16xi32>
      %get3A_539 = arith.constant 0 : i32
      %get3A_540 = arith.index_cast %select_n3A_280 : i32 to index
      %get3A_541 = arith.index_cast %get3A_539 : i32 to index
      %get3A_542 = arith.constant 128 : index
      %get3A_543 = tpu.vector_load %arg5[%get3A_540, %get3A_541, %get3A_542] {strides = array<i32>} : memref<2x8x200xi32, #tpu.memory_space<vmem>>, vector<16xi32>,
      %min3A_544 = arith.minsi %min3A_538, %get3A_543 : vector<16xi32>
      %get3A_545 = arith.constant 0 : i32
      %get3A_546 = arith.index_cast %select_n3A_280 : i32 to index
      %get3A_547 = arith.index_cast %get3A_545 : i32 to index
      %get3A_548 = arith.constant 144 : index
      %get3A_549 = tpu.vector_load %arg5[%get3A_546, %get3A_547, %get3A_548] {strides = array<i32>} : memref<2x8x200xi32, #tpu.memory_space<vmem>>, vector<16xi32>,
      %min3A_550 = arith.minsi %min3A_544, %get3A_549 : vector<16xi32>
      %get3A_551 = arith.constant 0 : i32
      %get3A_552 = arith.index_cast %select_n3A_280 : i32 to index
      %get3A_553 = arith.index_cast %get3A_551 : i32 to index
      %get3A_554 = arith.constant 160 : index
      %get3A_555 = tpu.vector_load %arg5[%get3A_552, %get3A_553, %get3A_554] {strides = array<i32>} : memref<2x8x200xi32, #tpu.memory_space<vmem>>, vector<16xi32>,
      %min3A_556 = arith.minsi %min3A_550, %get3A_555 : vector<16xi32>
      %get3A_557 = arith.constant 0 : i32
      %get3A_558 = arith.index_cast %select_n3A_280 : i32 to index
      %get3A_559 = arith.index_cast %get3A_557 : i32 to index
      %get3A_560 = arith.constant 176 : index
      %get3A_561 = tpu.vector_load %arg5[%get3A_558, %get3A_559, %get3A_560] {strides = array<i32>} : memref<2x8x200xi32, #tpu.memory_space<vmem>>, vector<16xi32>,
      %min3A_562 = arith.minsi %min3A_556, %get3A_561 : vector<16xi32>
      %get3A_563 = arith.constant 0 : i32
      %get3A_564 = arith.index_cast %select_n3A_280 : i32 to index
      %get3A_565 = arith.index_cast %get3A_563 : i32 to index
      %get3A_566 = arith.constant 184 : index
      %get3A_567 = tpu.vector_load %arg5[%get3A_564, %get3A_565, %get3A_566] {strides = array<i32>} : memref<2x8x200xi32, #tpu.memory_space<vmem>>, vector<16xi32>,
      %min3A_568 = arith.minsi %min3A_562, %get3A_567 : vector<16xi32>
      %get3A_569 = arith.constant 1 : i32
      %get3A_570 = arith.index_cast %select_n3A_280 : i32 to index
      %get3A_571 = arith.index_cast %get3A_569 : i32 to index
      %get3A_572 = arith.constant 0 : index
      %get3A_573 = tpu.vector_load %arg5[%get3A_570, %get3A_571, %get3A_572] {strides = array<i32>} : memref<2x8x200xi32, #tpu.memory_space<vmem>>, vector<16xi32>,
      %min3A_574 = arith.minsi %min3A_568, %get3A_573 : vector<16xi32>
      %get3A_575 = arith.constant 1 : i32
      %get3A_576 = arith.index_cast %select_n3A_280 : i32 to index
      %get3A_577 = arith.index_cast %get3A_575 : i32 to index
      %get3A_578 = arith.constant 16 : index
      %get3A_579 = tpu.vector_load %arg5[%get3A_576, %get3A_577, %get3A_578] {strides = array<i32>} : memref<2x8x200xi32, #tpu.memory_space<vmem>>, vector<16xi32>,
      %min3A_580 = arith.minsi %min3A_574, %get3A_579 : vector<16xi32>
      %get3A_581 = arith.constant 1 : i32
      %get3A_582 = arith.index_cast %select_n3A_280 : i32 to index
      %get3A_583 = arith.index_cast %get3A_581 : i32 to index
      %get3A_584 = arith.constant 32 : index
      %get3A_585 = tpu.vector_load %arg5[%get3A_582, %get3A_583, %get3A_584] {strides = array<i32>} : memref<2x8x200xi32, #tpu.memory_space<vmem>>, vector<16xi32>,
      %min3A_586 = arith.minsi %min3A_580, %get3A_585 : vector<16xi32>
      %get3A_587 = arith.constant 1 : i32
      %get3A_588 = arith.index_cast %select_n3A_280 : i32 to index
      %get3A_589 = arith.index_cast %get3A_587 : i32 to index
      %get3A_590 = arith.constant 48 : index
      %get3A_591 = tpu.vector_load %arg5[%get3A_588, %get3A_589, %get3A_590] {strides = array<i32>} : memref<2x8x200xi32, #tpu.memory_space<vmem>>, vector<16xi32>,
      %min3A_592 = arith.minsi %min3A_586, %get3A_591 : vector<16xi32>
      %get3A_593 = arith.constant 1 : i32
      %get3A_594 = arith.index_cast %select_n3A_280 : i32 to index
      %get3A_595 = arith.index_cast %get3A_593 : i32 to index
      %get3A_596 = arith.constant 64 : index
      %get3A_597 = tpu.vector_load %arg5[%get3A_594, %get3A_595, %get3A_596] {strides = array<i32>} : memref<2x8x200xi32, #tpu.memory_space<vmem>>, vector<16xi32>,
      %min3A_598 = arith.minsi %min3A_592, %get3A_597 : vector<16xi32>
      %get3A_599 = arith.constant 1 : i32
      %get3A_600 = arith.index_cast %select_n3A_280 : i32 to index
      %get3A_601 = arith.index_cast %get3A_599 : i32 to index
      %get3A_602 = arith.constant 80 : index
      %get3A_603 = tpu.vector_load %arg5[%get3A_600, %get3A_601, %get3A_602] {strides = array<i32>} : memref<2x8x200xi32, #tpu.memory_space<vmem>>, vector<16xi32>,
      %min3A_604 = arith.minsi %min3A_598, %get3A_603 : vector<16xi32>
      %get3A_605 = arith.constant 1 : i32
      %get3A_606 = arith.index_cast %select_n3A_280 : i32 to index
      %get3A_607 = arith.index_cast %get3A_605 : i32 to index
      %get3A_608 = arith.constant 96 : index
      %get3A_609 = tpu.vector_load %arg5[%get3A_606, %get3A_607, %get3A_608] {strides = array<i32>} : memref<2x8x200xi32, #tpu.memory_space<vmem>>, vector<16xi32>,
      %min3A_610 = arith.minsi %min3A_604, %get3A_609 : vector<16xi32>
      %get3A_611 = arith.constant 1 : i32
      %get3A_612 = arith.index_cast %select_n3A_280 : i32 to index
      %get3A_613 = arith.index_cast %get3A_611 : i32 to index
      %get3A_614 = arith.constant 112 : index
      %get3A_615 = tpu.vector_load %arg5[%get3A_612, %get3A_613, %get3A_614] {strides = array<i32>} : memref<2x8x200xi32, #tpu.memory_space<vmem>>, vector<16xi32>,
      %min3A_616 = arith.minsi %min3A_610, %get3A_615 : vector<16xi32>
      %get3A_617 = arith.constant 1 : i32
      %get3A_618 = arith.index_cast %select_n3A_280 : i32 to index
      %get3A_619 = arith.index_cast %get3A_617 : i32 to index
      %get3A_620 = arith.constant 128 : index
      %get3A_621 = tpu.vector_load %arg5[%get3A_618, %get3A_619, %get3A_620] {strides = array<i32>} : memref<2x8x200xi32, #tpu.memory_space<vmem>>, vector<16xi32>,
      %min3A_622 = arith.minsi %min3A_616, %get3A_621 : vector<16xi32>
      %get3A_623 = arith.constant 1 : i32
      %get3A_624 = arith.index_cast %select_n3A_280 : i32 to index
      %get3A_625 = arith.index_cast %get3A_623 : i32 to index
      %get3A_626 = arith.constant 144 : index
      %get3A_627 = tpu.vector_load %arg5[%get3A_624, %get3A_625, %get3A_626] {strides = array<i32>} : memref<2x8x200xi32, #tpu.memory_space<vmem>>, vector<16xi32>,
      %min3A_628 = arith.minsi %min3A_622, %get3A_627 : vector<16xi32>
      %get3A_629 = arith.constant 1 : i32
      %get3A_630 = arith.index_cast %select_n3A_280 : i32 to index
      %get3A_631 = arith.index_cast %get3A_629 : i32 to index
      %get3A_632 = arith.constant 160 : index
      %get3A_633 = tpu.vector_load %arg5[%get3A_630, %get3A_631, %get3A_632] {strides = array<i32>} : memref<2x8x200xi32, #tpu.memory_space<vmem>>, vector<16xi32>,
      %min3A_634 = arith.minsi %min3A_628, %get3A_633 : vector<16xi32>
      %get3A_635 = arith.constant 1 : i32
      %get3A_636 = arith.index_cast %select_n3A_280 : i32 to index
      %get3A_637 = arith.index_cast %get3A_635 : i32 to index
      %get3A_638 = arith.constant 176 : index
      %get3A_639 = tpu.vector_load %arg5[%get3A_636, %get3A_637, %get3A_638] {strides = array<i32>} : memref<2x8x200xi32, #tpu.memory_space<vmem>>, vector<16xi32>,
      %min3A_640 = arith.minsi %min3A_634, %get3A_639 : vector<16xi32>
      %get3A_641 = arith.constant 1 : i32
      %get3A_642 = arith.index_cast %select_n3A_280 : i32 to index
      %get3A_643 = arith.index_cast %get3A_641 : i32 to index
      %get3A_644 = arith.constant 184 : index
      %get3A_645 = tpu.vector_load %arg5[%get3A_642, %get3A_643, %get3A_644] {strides = array<i32>} : memref<2x8x200xi32, #tpu.memory_space<vmem>>, vector<16xi32>,
      %min3A_646 = arith.minsi %min3A_640, %get3A_645 : vector<16xi32>
      %get3A_647 = arith.constant 2 : i32
      %get3A_648 = arith.index_cast %select_n3A_280 : i32 to index
      %get3A_649 = arith.index_cast %get3A_647 : i32 to index
      %get3A_650 = arith.constant 0 : index
      %get3A_651 = tpu.vector_load %arg5[%get3A_648, %get3A_649, %get3A_650] {strides = array<i32>} : memref<2x8x200xi32, #tpu.memory_space<vmem>>, vector<16xi32>,
      %min3A_652 = arith.minsi %min3A_646, %get3A_651 : vector<16xi32>
      %get3A_653 = arith.constant 2 : i32
      %get3A_654 = arith.index_cast %select_n3A_280 : i32 to index
      %get3A_655 = arith.index_cast %get3A_653 : i32 to index
      %get3A_656 = arith.constant 16 : index
      %get3A_657 = tpu.vector_load %arg5[%get3A_654, %get3A_655, %get3A_656] {strides = array<i32>} : memref<2x8x200xi32, #tpu.memory_space<vmem>>, vector<16xi32>,
      %min3A_658 = arith.minsi %min3A_652, %get3A_657 : vector<16xi32>
      %get3A_659 = arith.constant 2 : i32
      %get3A_660 = arith.index_cast %select_n3A_280 : i32 to index
      %get3A_661 = arith.index_cast %get3A_659 : i32 to index
      %get3A_662 = arith.constant 32 : index
      %get3A_663 = tpu.vector_load %arg5[%get3A_660, %get3A_661, %get3A_662] {strides = array<i32>} : memref<2x8x200xi32, #tpu.memory_space<vmem>>, vector<16xi32>,
      %min3A_664 = arith.minsi %min3A_658, %get3A_663 : vector<16xi32>
      %get3A_665 = arith.constant 2 : i32
      %get3A_666 = arith.index_cast %select_n3A_280 : i32 to index
      %get3A_667 = arith.index_cast %get3A_665 : i32 to index
      %get3A_668 = arith.constant 48 : index
      %get3A_669 = tpu.vector_load %arg5[%get3A_666, %get3A_667, %get3A_668] {strides = array<i32>} : memref<2x8x200xi32, #tpu.memory_space<vmem>>, vector<16xi32>,
      %min3A_670 = arith.minsi %min3A_664, %get3A_669 : vector<16xi32>
      %get3A_671 = arith.constant 2 : i32
      %get3A_672 = arith.index_cast %select_n3A_280 : i32 to index
      %get3A_673 = arith.index_cast %get3A_671 : i32 to index
      %get3A_674 = arith.constant 64 : index
      %get3A_675 = tpu.vector_load %arg5[%get3A_672, %get3A_673, %get3A_674] {strides = array<i32>} : memref<2x8x200xi32, #tpu.memory_space<vmem>>, vector<16xi32>,
      %min3A_676 = arith.minsi %min3A_670, %get3A_675 : vector<16xi32>
      %get3A_677 = arith.constant 2 : i32
      %get3A_678 = arith.index_cast %select_n3A_280 : i32 to index
      %get3A_679 = arith.index_cast %get3A_677 : i32 to index
      %get3A_680 = arith.constant 80 : index
      %get3A_681 = tpu.vector_load %arg5[%get3A_678, %get3A_679, %get3A_680] {strides = array<i32>} : memref<2x8x200xi32, #tpu.memory_space<vmem>>, vector<16xi32>,
      %min3A_682 = arith.minsi %min3A_676, %get3A_681 : vector<16xi32>
      %get3A_683 = arith.constant 2 : i32
      %get3A_684 = arith.index_cast %select_n3A_280 : i32 to index
      %get3A_685 = arith.index_cast %get3A_683 : i32 to index
      %get3A_686 = arith.constant 96 : index
      %get3A_687 = tpu.vector_load %arg5[%get3A_684, %get3A_685, %get3A_686] {strides = array<i32>} : memref<2x8x200xi32, #tpu.memory_space<vmem>>, vector<16xi32>,
      %min3A_688 = arith.minsi %min3A_682, %get3A_687 : vector<16xi32>
      %get3A_689 = arith.constant 2 : i32
      %get3A_690 = arith.index_cast %select_n3A_280 : i32 to index
      %get3A_691 = arith.index_cast %get3A_689 : i32 to index
      %get3A_692 = arith.constant 112 : index
      %get3A_693 = tpu.vector_load %arg5[%get3A_690, %get3A_691, %get3A_692] {strides = array<i32>} : memref<2x8x200xi32, #tpu.memory_space<vmem>>, vector<16xi32>,
      %min3A_694 = arith.minsi %min3A_688, %get3A_693 : vector<16xi32>
      %get3A_695 = arith.constant 2 : i32
      %get3A_696 = arith.index_cast %select_n3A_280 : i32 to index
      %get3A_697 = arith.index_cast %get3A_695 : i32 to index
      %get3A_698 = arith.constant 128 : index
      %get3A_699 = tpu.vector_load %arg5[%get3A_696, %get3A_697, %get3A_698] {strides = array<i32>} : memref<2x8x200xi32, #tpu.memory_space<vmem>>, vector<16xi32>,
      %min3A_700 = arith.minsi %min3A_694, %get3A_699 : vector<16xi32>
      %get3A_701 = arith.constant 2 : i32
      %get3A_702 = arith.index_cast %select_n3A_280 : i32 to index
      %get3A_703 = arith.index_cast %get3A_701 : i32 to index
      %get3A_704 = arith.constant 144 : index
      %get3A_705 = tpu.vector_load %arg5[%get3A_702, %get3A_703, %get3A_704] {strides = array<i32>} : memref<2x8x200xi32, #tpu.memory_space<vmem>>, vector<16xi32>,
      %min3A_706 = arith.minsi %min3A_700, %get3A_705 : vector<16xi32>
      %get3A_707 = arith.constant 2 : i32
      %get3A_708 = arith.index_cast %select_n3A_280 : i32 to index
      %get3A_709 = arith.index_cast %get3A_707 : i32 to index
      %get3A_710 = arith.constant 160 : index
      %get3A_711 = tpu.vector_load %arg5[%get3A_708, %get3A_709, %get3A_710] {strides = array<i32>} : memref<2x8x200xi32, #tpu.memory_space<vmem>>, vector<16xi32>,
      %min3A_712 = arith.minsi %min3A_706, %get3A_711 : vector<16xi32>
      %get3A_713 = arith.constant 2 : i32
      %get3A_714 = arith.index_cast %select_n3A_280 : i32 to index
      %get3A_715 = arith.index_cast %get3A_713 : i32 to index
      %get3A_716 = arith.constant 176 : index
      %get3A_717 = tpu.vector_load %arg5[%get3A_714, %get3A_715, %get3A_716] {strides = array<i32>} : memref<2x8x200xi32, #tpu.memory_space<vmem>>, vector<16xi32>,
      %min3A_718 = arith.minsi %min3A_712, %get3A_717 : vector<16xi32>
      %get3A_719 = arith.constant 2 : i32
      %get3A_720 = arith.index_cast %select_n3A_280 : i32 to index
      %get3A_721 = arith.index_cast %get3A_719 : i32 to index
      %get3A_722 = arith.constant 184 : index
      %get3A_723 = tpu.vector_load %arg5[%get3A_720, %get3A_721, %get3A_722] {strides = array<i32>} : memref<2x8x200xi32, #tpu.memory_space<vmem>>, vector<16xi32>,
      %min3A_724 = arith.minsi %min3A_718, %get3A_723 : vector<16xi32>
      %get3A_725 = arith.constant 3 : i32
      %get3A_726 = arith.index_cast %select_n3A_280 : i32 to index
      %get3A_727 = arith.index_cast %get3A_725 : i32 to index
      %get3A_728 = arith.constant 0 : index
      %get3A_729 = tpu.vector_load %arg5[%get3A_726, %get3A_727, %get3A_728] {strides = array<i32>} : memref<2x8x200xi32, #tpu.memory_space<vmem>>, vector<16xi32>,
      %min3A_730 = arith.minsi %min3A_724, %get3A_729 : vector<16xi32>
      %get3A_731 = arith.constant 3 : i32
      %get3A_732 = arith.index_cast %select_n3A_280 : i32 to index
      %get3A_733 = arith.index_cast %get3A_731 : i32 to index
      %get3A_734 = arith.constant 16 : index
      %get3A_735 = tpu.vector_load %arg5[%get3A_732, %get3A_733, %get3A_734] {strides = array<i32>} : memref<2x8x200xi32, #tpu.memory_space<vmem>>, vector<16xi32>,
      %min3A_736 = arith.minsi %min3A_730, %get3A_735 : vector<16xi32>
      %get3A_737 = arith.constant 3 : i32
      %get3A_738 = arith.index_cast %select_n3A_280 : i32 to index
      %get3A_739 = arith.index_cast %get3A_737 : i32 to index
      %get3A_740 = arith.constant 32 : index
      %get3A_741 = tpu.vector_load %arg5[%get3A_738, %get3A_739, %get3A_740] {strides = array<i32>} : memref<2x8x200xi32, #tpu.memory_space<vmem>>, vector<16xi32>,
      %min3A_742 = arith.minsi %min3A_736, %get3A_741 : vector<16xi32>
      %get3A_743 = arith.constant 3 : i32
      %get3A_744 = arith.index_cast %select_n3A_280 : i32 to index
      %get3A_745 = arith.index_cast %get3A_743 : i32 to index
      %get3A_746 = arith.constant 48 : index
      %get3A_747 = tpu.vector_load %arg5[%get3A_744, %get3A_745, %get3A_746] {strides = array<i32>} : memref<2x8x200xi32, #tpu.memory_space<vmem>>, vector<16xi32>,
      %min3A_748 = arith.minsi %min3A_742, %get3A_747 : vector<16xi32>
      %get3A_749 = arith.constant 3 : i32
      %get3A_750 = arith.index_cast %select_n3A_280 : i32 to index
      %get3A_751 = arith.index_cast %get3A_749 : i32 to index
      %get3A_752 = arith.constant 64 : index
      %get3A_753 = tpu.vector_load %arg5[%get3A_750, %get3A_751, %get3A_752] {strides = array<i32>} : memref<2x8x200xi32, #tpu.memory_space<vmem>>, vector<16xi32>,
      %min3A_754 = arith.minsi %min3A_748, %get3A_753 : vector<16xi32>
      %get3A_755 = arith.constant 3 : i32
      %get3A_756 = arith.index_cast %select_n3A_280 : i32 to index
      %get3A_757 = arith.index_cast %get3A_755 : i32 to index
      %get3A_758 = arith.constant 80 : index
      %get3A_759 = tpu.vector_load %arg5[%get3A_756, %get3A_757, %get3A_758] {strides = array<i32>} : memref<2x8x200xi32, #tpu.memory_space<vmem>>, vector<16xi32>,
      %min3A_760 = arith.minsi %min3A_754, %get3A_759 : vector<16xi32>
      %get3A_761 = arith.constant 3 : i32
      %get3A_762 = arith.index_cast %select_n3A_280 : i32 to index
      %get3A_763 = arith.index_cast %get3A_761 : i32 to index
      %get3A_764 = arith.constant 96 : index
      %get3A_765 = tpu.vector_load %arg5[%get3A_762, %get3A_763, %get3A_764] {strides = array<i32>} : memref<2x8x200xi32, #tpu.memory_space<vmem>>, vector<16xi32>,
      %min3A_766 = arith.minsi %min3A_760, %get3A_765 : vector<16xi32>
      %get3A_767 = arith.constant 3 : i32
      %get3A_768 = arith.index_cast %select_n3A_280 : i32 to index
      %get3A_769 = arith.index_cast %get3A_767 : i32 to index
      %get3A_770 = arith.constant 112 : index
      %get3A_771 = tpu.vector_load %arg5[%get3A_768, %get3A_769, %get3A_770] {strides = array<i32>} : memref<2x8x200xi32, #tpu.memory_space<vmem>>, vector<16xi32>,
      %min3A_772 = arith.minsi %min3A_766, %get3A_771 : vector<16xi32>
      %get3A_773 = arith.constant 3 : i32
      %get3A_774 = arith.index_cast %select_n3A_280 : i32 to index
      %get3A_775 = arith.index_cast %get3A_773 : i32 to index
      %get3A_776 = arith.constant 128 : index
      %get3A_777 = tpu.vector_load %arg5[%get3A_774, %get3A_775, %get3A_776] {strides = array<i32>} : memref<2x8x200xi32, #tpu.memory_space<vmem>>, vector<16xi32>,
      %min3A_778 = arith.minsi %min3A_772, %get3A_777 : vector<16xi32>
      %get3A_779 = arith.constant 3 : i32
      %get3A_780 = arith.index_cast %select_n3A_280 : i32 to index
      %get3A_781 = arith.index_cast %get3A_779 : i32 to index
      %get3A_782 = arith.constant 144 : index
      %get3A_783 = tpu.vector_load %arg5[%get3A_780, %get3A_781, %get3A_782] {strides = array<i32>} : memref<2x8x200xi32, #tpu.memory_space<vmem>>, vector<16xi32>,
      %min3A_784 = arith.minsi %min3A_778, %get3A_783 : vector<16xi32>
      %get3A_785 = arith.constant 3 : i32
      %get3A_786 = arith.index_cast %select_n3A_280 : i32 to index
      %get3A_787 = arith.index_cast %get3A_785 : i32 to index
      %get3A_788 = arith.constant 160 : index
      %get3A_789 = tpu.vector_load %arg5[%get3A_786, %get3A_787, %get3A_788] {strides = array<i32>} : memref<2x8x200xi32, #tpu.memory_space<vmem>>, vector<16xi32>,
      %min3A_790 = arith.minsi %min3A_784, %get3A_789 : vector<16xi32>
      %get3A_791 = arith.constant 3 : i32
      %get3A_792 = arith.index_cast %select_n3A_280 : i32 to index
      %get3A_793 = arith.index_cast %get3A_791 : i32 to index
      %get3A_794 = arith.constant 176 : index
      %get3A_795 = tpu.vector_load %arg5[%get3A_792, %get3A_793, %get3A_794] {strides = array<i32>} : memref<2x8x200xi32, #tpu.memory_space<vmem>>, vector<16xi32>,
      %min3A_796 = arith.minsi %min3A_790, %get3A_795 : vector<16xi32>
      %get3A_797 = arith.constant 3 : i32
      %get3A_798 = arith.index_cast %select_n3A_280 : i32 to index
      %get3A_799 = arith.index_cast %get3A_797 : i32 to index
      %get3A_800 = arith.constant 184 : index
      %get3A_801 = tpu.vector_load %arg5[%get3A_798, %get3A_799, %get3A_800] {strides = array<i32>} : memref<2x8x200xi32, #tpu.memory_space<vmem>>, vector<16xi32>,
      %min3A_802 = arith.minsi %min3A_796, %get3A_801 : vector<16xi32>
      %get3A_803 = arith.constant 4 : i32
      %get3A_804 = arith.index_cast %select_n3A_280 : i32 to index
      %get3A_805 = arith.index_cast %get3A_803 : i32 to index
      %get3A_806 = arith.constant 0 : index
      %get3A_807 = tpu.vector_load %arg5[%get3A_804, %get3A_805, %get3A_806] {strides = array<i32>} : memref<2x8x200xi32, #tpu.memory_space<vmem>>, vector<16xi32>,
      %min3A_808 = arith.minsi %min3A_802, %get3A_807 : vector<16xi32>
      %get3A_809 = arith.constant 4 : i32
      %get3A_810 = arith.index_cast %select_n3A_280 : i32 to index
      %get3A_811 = arith.index_cast %get3A_809 : i32 to index
      %get3A_812 = arith.constant 16 : index
      %get3A_813 = tpu.vector_load %arg5[%get3A_810, %get3A_811, %get3A_812] {strides = array<i32>} : memref<2x8x200xi32, #tpu.memory_space<vmem>>, vector<16xi32>,
      %min3A_814 = arith.minsi %min3A_808, %get3A_813 : vector<16xi32>
      %get3A_815 = arith.constant 4 : i32
      %get3A_816 = arith.index_cast %select_n3A_280 : i32 to index
      %get3A_817 = arith.index_cast %get3A_815 : i32 to index
      %get3A_818 = arith.constant 32 : index
      %get3A_819 = tpu.vector_load %arg5[%get3A_816, %get3A_817, %get3A_818] {strides = array<i32>} : memref<2x8x200xi32, #tpu.memory_space<vmem>>, vector<16xi32>,
      %min3A_820 = arith.minsi %min3A_814, %get3A_819 : vector<16xi32>
      %get3A_821 = arith.constant 4 : i32
      %get3A_822 = arith.index_cast %select_n3A_280 : i32 to index
      %get3A_823 = arith.index_cast %get3A_821 : i32 to index
      %get3A_824 = arith.constant 48 : index
      %get3A_825 = tpu.vector_load %arg5[%get3A_822, %get3A_823, %get3A_824] {strides = array<i32>} : memref<2x8x200xi32, #tpu.memory_space<vmem>>, vector<16xi32>,
      %min3A_826 = arith.minsi %min3A_820, %get3A_825 : vector<16xi32>
      %get3A_827 = arith.constant 4 : i32
      %get3A_828 = arith.index_cast %select_n3A_280 : i32 to index
      %get3A_829 = arith.index_cast %get3A_827 : i32 to index
      %get3A_830 = arith.constant 64 : index
      %get3A_831 = tpu.vector_load %arg5[%get3A_828, %get3A_829, %get3A_830] {strides = array<i32>} : memref<2x8x200xi32, #tpu.memory_space<vmem>>, vector<16xi32>,
      %min3A_832 = arith.minsi %min3A_826, %get3A_831 : vector<16xi32>
      %get3A_833 = arith.constant 4 : i32
      %get3A_834 = arith.index_cast %select_n3A_280 : i32 to index
      %get3A_835 = arith.index_cast %get3A_833 : i32 to index
      %get3A_836 = arith.constant 80 : index
      %get3A_837 = tpu.vector_load %arg5[%get3A_834, %get3A_835, %get3A_836] {strides = array<i32>} : memref<2x8x200xi32, #tpu.memory_space<vmem>>, vector<16xi32>,
      %min3A_838 = arith.minsi %min3A_832, %get3A_837 : vector<16xi32>
      %get3A_839 = arith.constant 4 : i32
      %get3A_840 = arith.index_cast %select_n3A_280 : i32 to index
      %get3A_841 = arith.index_cast %get3A_839 : i32 to index
      %get3A_842 = arith.constant 96 : index
      %get3A_843 = tpu.vector_load %arg5[%get3A_840, %get3A_841, %get3A_842] {strides = array<i32>} : memref<2x8x200xi32, #tpu.memory_space<vmem>>, vector<16xi32>,
      %min3A_844 = arith.minsi %min3A_838, %get3A_843 : vector<16xi32>
      %get3A_845 = arith.constant 4 : i32
      %get3A_846 = arith.index_cast %select_n3A_280 : i32 to index
      %get3A_847 = arith.index_cast %get3A_845 : i32 to index
      %get3A_848 = arith.constant 112 : index
      %get3A_849 = tpu.vector_load %arg5[%get3A_846, %get3A_847, %get3A_848] {strides = array<i32>} : memref<2x8x200xi32, #tpu.memory_space<vmem>>, vector<16xi32>,
      %min3A_850 = arith.minsi %min3A_844, %get3A_849 : vector<16xi32>
      %get3A_851 = arith.constant 4 : i32
      %get3A_852 = arith.index_cast %select_n3A_280 : i32 to index
      %get3A_853 = arith.index_cast %get3A_851 : i32 to index
      %get3A_854 = arith.constant 128 : index
      %get3A_855 = tpu.vector_load %arg5[%get3A_852, %get3A_853, %get3A_854] {strides = array<i32>} : memref<2x8x200xi32, #tpu.memory_space<vmem>>, vector<16xi32>,
      %min3A_856 = arith.minsi %min3A_850, %get3A_855 : vector<16xi32>
      %get3A_857 = arith.constant 4 : i32
      %get3A_858 = arith.index_cast %select_n3A_280 : i32 to index
      %get3A_859 = arith.index_cast %get3A_857 : i32 to index
      %get3A_860 = arith.constant 144 : index
      %get3A_861 = tpu.vector_load %arg5[%get3A_858, %get3A_859, %get3A_860] {strides = array<i32>} : memref<2x8x200xi32, #tpu.memory_space<vmem>>, vector<16xi32>,
      %min3A_862 = arith.minsi %min3A_856, %get3A_861 : vector<16xi32>
      %get3A_863 = arith.constant 4 : i32
      %get3A_864 = arith.index_cast %select_n3A_280 : i32 to index
      %get3A_865 = arith.index_cast %get3A_863 : i32 to index
      %get3A_866 = arith.constant 160 : index
      %get3A_867 = tpu.vector_load %arg5[%get3A_864, %get3A_865, %get3A_866] {strides = array<i32>} : memref<2x8x200xi32, #tpu.memory_space<vmem>>, vector<16xi32>,
      %min3A_868 = arith.minsi %min3A_862, %get3A_867 : vector<16xi32>
      %get3A_869 = arith.constant 4 : i32
      %get3A_870 = arith.index_cast %select_n3A_280 : i32 to index
      %get3A_871 = arith.index_cast %get3A_869 : i32 to index
      %get3A_872 = arith.constant 176 : index
      %get3A_873 = tpu.vector_load %arg5[%get3A_870, %get3A_871, %get3A_872] {strides = array<i32>} : memref<2x8x200xi32, #tpu.memory_space<vmem>>, vector<16xi32>,
      %min3A_874 = arith.minsi %min3A_868, %get3A_873 : vector<16xi32>
      %get3A_875 = arith.constant 4 : i32
      %get3A_876 = arith.index_cast %select_n3A_280 : i32 to index
      %get3A_877 = arith.index_cast %get3A_875 : i32 to index
      %get3A_878 = arith.constant 184 : index
      %get3A_879 = tpu.vector_load %arg5[%get3A_876, %get3A_877, %get3A_878] {strides = array<i32>} : memref<2x8x200xi32, #tpu.memory_space<vmem>>, vector<16xi32>,
      %min3A_880 = arith.minsi %min3A_874, %get3A_879 : vector<16xi32>
      %get3A_881 = arith.constant 5 : i32
      %get3A_882 = arith.index_cast %select_n3A_280 : i32 to index
      %get3A_883 = arith.index_cast %get3A_881 : i32 to index
      %get3A_884 = arith.constant 0 : index
      %get3A_885 = tpu.vector_load %arg5[%get3A_882, %get3A_883, %get3A_884] {strides = array<i32>} : memref<2x8x200xi32, #tpu.memory_space<vmem>>, vector<16xi32>,
      %min3A_886 = arith.minsi %min3A_880, %get3A_885 : vector<16xi32>
      %get3A_887 = arith.constant 5 : i32
      %get3A_888 = arith.index_cast %select_n3A_280 : i32 to index
      %get3A_889 = arith.index_cast %get3A_887 : i32 to index
      %get3A_890 = arith.constant 16 : index
      %get3A_891 = tpu.vector_load %arg5[%get3A_888, %get3A_889, %get3A_890] {strides = array<i32>} : memref<2x8x200xi32, #tpu.memory_space<vmem>>, vector<16xi32>,
      %min3A_892 = arith.minsi %min3A_886, %get3A_891 : vector<16xi32>
      %get3A_893 = arith.constant 5 : i32
      %get3A_894 = arith.index_cast %select_n3A_280 : i32 to index
      %get3A_895 = arith.index_cast %get3A_893 : i32 to index
      %get3A_896 = arith.constant 32 : index
      %get3A_897 = tpu.vector_load %arg5[%get3A_894, %get3A_895, %get3A_896] {strides = array<i32>} : memref<2x8x200xi32, #tpu.memory_space<vmem>>, vector<16xi32>,
      %min3A_898 = arith.minsi %min3A_892, %get3A_897 : vector<16xi32>
      %get3A_899 = arith.constant 5 : i32
      %get3A_900 = arith.index_cast %select_n3A_280 : i32 to index
      %get3A_901 = arith.index_cast %get3A_899 : i32 to index
      %get3A_902 = arith.constant 48 : index
      %get3A_903 = tpu.vector_load %arg5[%get3A_900, %get3A_901, %get3A_902] {strides = array<i32>} : memref<2x8x200xi32, #tpu.memory_space<vmem>>, vector<16xi32>,
      %min3A_904 = arith.minsi %min3A_898, %get3A_903 : vector<16xi32>
      %get3A_905 = arith.constant 5 : i32
      %get3A_906 = arith.index_cast %select_n3A_280 : i32 to index
      %get3A_907 = arith.index_cast %get3A_905 : i32 to index
      %get3A_908 = arith.constant 64 : index
      %get3A_909 = tpu.vector_load %arg5[%get3A_906, %get3A_907, %get3A_908] {strides = array<i32>} : memref<2x8x200xi32, #tpu.memory_space<vmem>>, vector<16xi32>,
      %min3A_910 = arith.minsi %min3A_904, %get3A_909 : vector<16xi32>
      %get3A_911 = arith.constant 5 : i32
      %get3A_912 = arith.index_cast %select_n3A_280 : i32 to index
      %get3A_913 = arith.index_cast %get3A_911 : i32 to index
      %get3A_914 = arith.constant 80 : index
      %get3A_915 = tpu.vector_load %arg5[%get3A_912, %get3A_913, %get3A_914] {strides = array<i32>} : memref<2x8x200xi32, #tpu.memory_space<vmem>>, vector<16xi32>,
      %min3A_916 = arith.minsi %min3A_910, %get3A_915 : vector<16xi32>
      %get3A_917 = arith.constant 5 : i32
      %get3A_918 = arith.index_cast %select_n3A_280 : i32 to index
      %get3A_919 = arith.index_cast %get3A_917 : i32 to index
      %get3A_920 = arith.constant 96 : index
      %get3A_921 = tpu.vector_load %arg5[%get3A_918, %get3A_919, %get3A_920] {strides = array<i32>} : memref<2x8x200xi32, #tpu.memory_space<vmem>>, vector<16xi32>,
      %min3A_922 = arith.minsi %min3A_916, %get3A_921 : vector<16xi32>
      %get3A_923 = arith.constant 5 : i32
      %get3A_924 = arith.index_cast %select_n3A_280 : i32 to index
      %get3A_925 = arith.index_cast %get3A_923 : i32 to index
      %get3A_926 = arith.constant 112 : index
      %get3A_927 = tpu.vector_load %arg5[%get3A_924, %get3A_925, %get3A_926] {strides = array<i32>} : memref<2x8x200xi32, #tpu.memory_space<vmem>>, vector<16xi32>,
      %min3A_928 = arith.minsi %min3A_922, %get3A_927 : vector<16xi32>
      %get3A_929 = arith.constant 5 : i32
      %get3A_930 = arith.index_cast %select_n3A_280 : i32 to index
      %get3A_931 = arith.index_cast %get3A_929 : i32 to index
      %get3A_932 = arith.constant 128 : index
      %get3A_933 = tpu.vector_load %arg5[%get3A_930, %get3A_931, %get3A_932] {strides = array<i32>} : memref<2x8x200xi32, #tpu.memory_space<vmem>>, vector<16xi32>,
      %min3A_934 = arith.minsi %min3A_928, %get3A_933 : vector<16xi32>
      %get3A_935 = arith.constant 5 : i32
      %get3A_936 = arith.index_cast %select_n3A_280 : i32 to index
      %get3A_937 = arith.index_cast %get3A_935 : i32 to index
      %get3A_938 = arith.constant 144 : index
      %get3A_939 = tpu.vector_load %arg5[%get3A_936, %get3A_937, %get3A_938] {strides = array<i32>} : memref<2x8x200xi32, #tpu.memory_space<vmem>>, vector<16xi32>,
      %min3A_940 = arith.minsi %min3A_934, %get3A_939 : vector<16xi32>
      %get3A_941 = arith.constant 5 : i32
      %get3A_942 = arith.index_cast %select_n3A_280 : i32 to index
      %get3A_943 = arith.index_cast %get3A_941 : i32 to index
      %get3A_944 = arith.constant 160 : index
      %get3A_945 = tpu.vector_load %arg5[%get3A_942, %get3A_943, %get3A_944] {strides = array<i32>} : memref<2x8x200xi32, #tpu.memory_space<vmem>>, vector<16xi32>,
      %min3A_946 = arith.minsi %min3A_940, %get3A_945 : vector<16xi32>
      %get3A_947 = arith.constant 5 : i32
      %get3A_948 = arith.index_cast %select_n3A_280 : i32 to index
      %get3A_949 = arith.index_cast %get3A_947 : i32 to index
      %get3A_950 = arith.constant 176 : index
      %get3A_951 = tpu.vector_load %arg5[%get3A_948, %get3A_949, %get3A_950] {strides = array<i32>} : memref<2x8x200xi32, #tpu.memory_space<vmem>>, vector<16xi32>,
      %min3A_952 = arith.minsi %min3A_946, %get3A_951 : vector<16xi32>
      %get3A_953 = arith.constant 5 : i32
      %get3A_954 = arith.index_cast %select_n3A_280 : i32 to index
      %get3A_955 = arith.index_cast %get3A_953 : i32 to index
      %get3A_956 = arith.constant 184 : index
      %get3A_957 = tpu.vector_load %arg5[%get3A_954, %get3A_955, %get3A_956] {strides = array<i32>} : memref<2x8x200xi32, #tpu.memory_space<vmem>>, vector<16xi32>,
      %min3A_958 = arith.minsi %min3A_952, %get3A_957 : vector<16xi32>
      %get3A_959 = arith.constant 6 : i32
      %get3A_960 = arith.index_cast %select_n3A_280 : i32 to index
      %get3A_961 = arith.index_cast %get3A_959 : i32 to index
      %get3A_962 = arith.constant 0 : index
      %get3A_963 = tpu.vector_load %arg5[%get3A_960, %get3A_961, %get3A_962] {strides = array<i32>} : memref<2x8x200xi32, #tpu.memory_space<vmem>>, vector<16xi32>,
      %min3A_964 = arith.minsi %min3A_958, %get3A_963 : vector<16xi32>
      %get3A_965 = arith.constant 6 : i32
      %get3A_966 = arith.index_cast %select_n3A_280 : i32 to index
      %get3A_967 = arith.index_cast %get3A_965 : i32 to index
      %get3A_968 = arith.constant 16 : index
      %get3A_969 = tpu.vector_load %arg5[%get3A_966, %get3A_967, %get3A_968] {strides = array<i32>} : memref<2x8x200xi32, #tpu.memory_space<vmem>>, vector<16xi32>,
      %min3A_970 = arith.minsi %min3A_964, %get3A_969 : vector<16xi32>
      %get3A_971 = arith.constant 6 : i32
      %get3A_972 = arith.index_cast %select_n3A_280 : i32 to index
      %get3A_973 = arith.index_cast %get3A_971 : i32 to index
      %get3A_974 = arith.constant 32 : index
      %get3A_975 = tpu.vector_load %arg5[%get3A_972, %get3A_973, %get3A_974] {strides = array<i32>} : memref<2x8x200xi32, #tpu.memory_space<vmem>>, vector<16xi32>,
      %min3A_976 = arith.minsi %min3A_970, %get3A_975 : vector<16xi32>
      %get3A_977 = arith.constant 6 : i32
      %get3A_978 = arith.index_cast %select_n3A_280 : i32 to index
      %get3A_979 = arith.index_cast %get3A_977 : i32 to index
      %get3A_980 = arith.constant 48 : index
      %get3A_981 = tpu.vector_load %arg5[%get3A_978, %get3A_979, %get3A_980] {strides = array<i32>} : memref<2x8x200xi32, #tpu.memory_space<vmem>>, vector<16xi32>,
      %min3A_982 = arith.minsi %min3A_976, %get3A_981 : vector<16xi32>
      %get3A_983 = arith.constant 6 : i32
      %get3A_984 = arith.index_cast %select_n3A_280 : i32 to index
      %get3A_985 = arith.index_cast %get3A_983 : i32 to index
      %get3A_986 = arith.constant 64 : index
      %get3A_987 = tpu.vector_load %arg5[%get3A_984, %get3A_985, %get3A_986] {strides = array<i32>} : memref<2x8x200xi32, #tpu.memory_space<vmem>>, vector<16xi32>,
      %min3A_988 = arith.minsi %min3A_982, %get3A_987 : vector<16xi32>
      %get3A_989 = arith.constant 6 : i32
      %get3A_990 = arith.index_cast %select_n3A_280 : i32 to index
      %get3A_991 = arith.index_cast %get3A_989 : i32 to index
      %get3A_992 = arith.constant 80 : index
      %get3A_993 = tpu.vector_load %arg5[%get3A_990, %get3A_991, %get3A_992] {strides = array<i32>} : memref<2x8x200xi32, #tpu.memory_space<vmem>>, vector<16xi32>,
      %min3A_994 = arith.minsi %min3A_988, %get3A_993 : vector<16xi32>
      %get3A_995 = arith.constant 6 : i32
      %get3A_996 = arith.index_cast %select_n3A_280 : i32 to index
      %get3A_997 = arith.index_cast %get3A_995 : i32 to index
      %get3A_998 = arith.constant 96 : index
      %get3A_999 = tpu.vector_load %arg5[%get3A_996, %get3A_997, %get3A_998] {strides = array<i32>} : memref<2x8x200xi32, #tpu.memory_space<vmem>>, vector<16xi32>,
      %min3A_1000 = arith.minsi %min3A_994, %get3A_999 : vector<16xi32>
      %get3A_1001 = arith.constant 6 : i32
      %get3A_1002 = arith.index_cast %select_n3A_280 : i32 to index
      %get3A_1003 = arith.index_cast %get3A_1001 : i32 to index
      %get3A_1004 = arith.constant 112 : index
      %get3A_1005 = tpu.vector_load %arg5[%get3A_1002, %get3A_1003, %get3A_1004] {strides = array<i32>} : memref<2x8x200xi32, #tpu.memory_space<vmem>>, vector<16xi32>,
      %min3A_1006 = arith.minsi %min3A_1000, %get3A_1005 : vector<16xi32>
      %get3A_1007 = arith.constant 6 : i32
      %get3A_1008 = arith.index_cast %select_n3A_280 : i32 to index
      %get3A_1009 = arith.index_cast %get3A_1007 : i32 to index
      %get3A_1010 = arith.constant 128 : index
      %get3A_1011 = tpu.vector_load %arg5[%get3A_1008, %get3A_1009, %get3A_1010] {strides = array<i32>} : memref<2x8x200xi32, #tpu.memory_space<vmem>>, vector<16xi32>,
      %min3A_1012 = arith.minsi %min3A_1006, %get3A_1011 : vector<16xi32>
      %get3A_1013 = arith.constant 6 : i32
      %get3A_1014 = arith.index_cast %select_n3A_280 : i32 to index
      %get3A_1015 = arith.index_cast %get3A_1013 : i32 to index
      %get3A_1016 = arith.constant 144 : index
      %get3A_1017 = tpu.vector_load %arg5[%get3A_1014, %get3A_1015, %get3A_1016] {strides = array<i32>} : memref<2x8x200xi32, #tpu.memory_space<vmem>>, vector<16xi32>,
      %min3A_1018 = arith.minsi %min3A_1012, %get3A_1017 : vector<16xi32>
      %get3A_1019 = arith.constant 6 : i32
      %get3A_1020 = arith.index_cast %select_n3A_280 : i32 to index
      %get3A_1021 = arith.index_cast %get3A_1019 : i32 to index
      %get3A_1022 = arith.constant 160 : index
      %get3A_1023 = tpu.vector_load %arg5[%get3A_1020, %get3A_1021, %get3A_1022] {strides = array<i32>} : memref<2x8x200xi32, #tpu.memory_space<vmem>>, vector<16xi32>,
      %min3A_1024 = arith.minsi %min3A_1018, %get3A_1023 : vector<16xi32>
      %get3A_1025 = arith.constant 6 : i32
      %get3A_1026 = arith.index_cast %select_n3A_280 : i32 to index
      %get3A_1027 = arith.index_cast %get3A_1025 : i32 to index
      %get3A_1028 = arith.constant 176 : index
      %get3A_1029 = tpu.vector_load %arg5[%get3A_1026, %get3A_1027, %get3A_1028] {strides = array<i32>} : memref<2x8x200xi32, #tpu.memory_space<vmem>>, vector<16xi32>,
      %min3A_1030 = arith.minsi %min3A_1024, %get3A_1029 : vector<16xi32>
      %get3A_1031 = arith.constant 6 : i32
      %get3A_1032 = arith.index_cast %select_n3A_280 : i32 to index
      %get3A_1033 = arith.index_cast %get3A_1031 : i32 to index
      %get3A_1034 = arith.constant 184 : index
      %get3A_1035 = tpu.vector_load %arg5[%get3A_1032, %get3A_1033, %get3A_1034] {strides = array<i32>} : memref<2x8x200xi32, #tpu.memory_space<vmem>>, vector<16xi32>,
      %min3A_1036 = arith.minsi %min3A_1030, %get3A_1035 : vector<16xi32>
      %get3A_1037 = arith.constant 7 : i32
      %get3A_1038 = arith.index_cast %select_n3A_280 : i32 to index
      %get3A_1039 = arith.index_cast %get3A_1037 : i32 to index
      %get3A_1040 = arith.constant 0 : index
      %get3A_1041 = tpu.vector_load %arg5[%get3A_1038, %get3A_1039, %get3A_1040] {strides = array<i32>} : memref<2x8x200xi32, #tpu.memory_space<vmem>>, vector<16xi32>,
      %min3A_1042 = arith.minsi %min3A_1036, %get3A_1041 : vector<16xi32>
      %get3A_1043 = arith.constant 7 : i32
      %get3A_1044 = arith.index_cast %select_n3A_280 : i32 to index
      %get3A_1045 = arith.index_cast %get3A_1043 : i32 to index
      %get3A_1046 = arith.constant 16 : index
      %get3A_1047 = tpu.vector_load %arg5[%get3A_1044, %get3A_1045, %get3A_1046] {strides = array<i32>} : memref<2x8x200xi32, #tpu.memory_space<vmem>>, vector<16xi32>,
      %min3A_1048 = arith.minsi %min3A_1042, %get3A_1047 : vector<16xi32>
      %get3A_1049 = arith.constant 7 : i32
      %get3A_1050 = arith.index_cast %select_n3A_280 : i32 to index
      %get3A_1051 = arith.index_cast %get3A_1049 : i32 to index
      %get3A_1052 = arith.constant 32 : index
      %get3A_1053 = tpu.vector_load %arg5[%get3A_1050, %get3A_1051, %get3A_1052] {strides = array<i32>} : memref<2x8x200xi32, #tpu.memory_space<vmem>>, vector<16xi32>,
      %min3A_1054 = arith.minsi %min3A_1048, %get3A_1053 : vector<16xi32>
      %get3A_1055 = arith.constant 7 : i32
      %get3A_1056 = arith.index_cast %select_n3A_280 : i32 to index
      %get3A_1057 = arith.index_cast %get3A_1055 : i32 to index
      %get3A_1058 = arith.constant 48 : index
      %get3A_1059 = tpu.vector_load %arg5[%get3A_1056, %get3A_1057, %get3A_1058] {strides = array<i32>} : memref<2x8x200xi32, #tpu.memory_space<vmem>>, vector<16xi32>,
      %min3A_1060 = arith.minsi %min3A_1054, %get3A_1059 : vector<16xi32>
      %get3A_1061 = arith.constant 7 : i32
      %get3A_1062 = arith.index_cast %select_n3A_280 : i32 to index
      %get3A_1063 = arith.index_cast %get3A_1061 : i32 to index
      %get3A_1064 = arith.constant 64 : index
      %get3A_1065 = tpu.vector_load %arg5[%get3A_1062, %get3A_1063, %get3A_1064] {strides = array<i32>} : memref<2x8x200xi32, #tpu.memory_space<vmem>>, vector<16xi32>,
      %min3A_1066 = arith.minsi %min3A_1060, %get3A_1065 : vector<16xi32>
      %get3A_1067 = arith.constant 7 : i32
      %get3A_1068 = arith.index_cast %select_n3A_280 : i32 to index
      %get3A_1069 = arith.index_cast %get3A_1067 : i32 to index
      %get3A_1070 = arith.constant 80 : index
      %get3A_1071 = tpu.vector_load %arg5[%get3A_1068, %get3A_1069, %get3A_1070] {strides = array<i32>} : memref<2x8x200xi32, #tpu.memory_space<vmem>>, vector<16xi32>,
      %min3A_1072 = arith.minsi %min3A_1066, %get3A_1071 : vector<16xi32>
      %get3A_1073 = arith.constant 7 : i32
      %get3A_1074 = arith.index_cast %select_n3A_280 : i32 to index
      %get3A_1075 = arith.index_cast %get3A_1073 : i32 to index
      %get3A_1076 = arith.constant 96 : index
      %get3A_1077 = tpu.vector_load %arg5[%get3A_1074, %get3A_1075, %get3A_1076] {strides = array<i32>} : memref<2x8x200xi32, #tpu.memory_space<vmem>>, vector<16xi32>,
      %min3A_1078 = arith.minsi %min3A_1072, %get3A_1077 : vector<16xi32>
      %get3A_1079 = arith.constant 7 : i32
      %get3A_1080 = arith.index_cast %select_n3A_280 : i32 to index
      %get3A_1081 = arith.index_cast %get3A_1079 : i32 to index
      %get3A_1082 = arith.constant 112 : index
      %get3A_1083 = tpu.vector_load %arg5[%get3A_1080, %get3A_1081, %get3A_1082] {strides = array<i32>} : memref<2x8x200xi32, #tpu.memory_space<vmem>>, vector<16xi32>,
      %min3A_1084 = arith.minsi %min3A_1078, %get3A_1083 : vector<16xi32>
      %get3A_1085 = arith.constant 7 : i32
      %get3A_1086 = arith.index_cast %select_n3A_280 : i32 to index
      %get3A_1087 = arith.index_cast %get3A_1085 : i32 to index
      %get3A_1088 = arith.constant 128 : index
      %get3A_1089 = tpu.vector_load %arg5[%get3A_1086, %get3A_1087, %get3A_1088] {strides = array<i32>} : memref<2x8x200xi32, #tpu.memory_space<vmem>>, vector<16xi32>,
      %min3A_1090 = arith.minsi %min3A_1084, %get3A_1089 : vector<16xi32>
      %get3A_1091 = arith.constant 7 : i32
      %get3A_1092 = arith.index_cast %select_n3A_280 : i32 to index
      %get3A_1093 = arith.index_cast %get3A_1091 : i32 to index
      %get3A_1094 = arith.constant 144 : index
      %get3A_1095 = tpu.vector_load %arg5[%get3A_1092, %get3A_1093, %get3A_1094] {strides = array<i32>} : memref<2x8x200xi32, #tpu.memory_space<vmem>>, vector<16xi32>,
      %min3A_1096 = arith.minsi %min3A_1090, %get3A_1095 : vector<16xi32>
      %get3A_1097 = arith.constant 7 : i32
      %get3A_1098 = arith.index_cast %select_n3A_280 : i32 to index
      %get3A_1099 = arith.index_cast %get3A_1097 : i32 to index
      %get3A_1100 = arith.constant 160 : index
      %get3A_1101 = tpu.vector_load %arg5[%get3A_1098, %get3A_1099, %get3A_1100] {strides = array<i32>} : memref<2x8x200xi32, #tpu.memory_space<vmem>>, vector<16xi32>,
      %min3A_1102 = arith.minsi %min3A_1096, %get3A_1101 : vector<16xi32>
      %get3A_1103 = arith.constant 7 : i32
      %get3A_1104 = arith.index_cast %select_n3A_280 : i32 to index
      %get3A_1105 = arith.index_cast %get3A_1103 : i32 to index
      %get3A_1106 = arith.constant 176 : index
      %get3A_1107 = tpu.vector_load %arg5[%get3A_1104, %get3A_1105, %get3A_1106] {strides = array<i32>} : memref<2x8x200xi32, #tpu.memory_space<vmem>>, vector<16xi32>,
      %min3A_1108 = arith.minsi %min3A_1102, %get3A_1107 : vector<16xi32>
      %get3A_1109 = arith.constant 7 : i32
      %get3A_1110 = arith.index_cast %select_n3A_280 : i32 to index
      %get3A_1111 = arith.index_cast %get3A_1109 : i32 to index
      %get3A_1112 = arith.constant 184 : index
      %get3A_1113 = tpu.vector_load %arg5[%get3A_1110, %get3A_1111, %get3A_1112] {strides = array<i32>} : memref<2x8x200xi32, #tpu.memory_space<vmem>>, vector<16xi32>,
      %min3A_1114 = arith.minsi %min3A_1108, %get3A_1113 : vector<16xi32>
      %eq3A_1115 = arith.constant 0 : i32
      %eq3A_1116 = vector.broadcast %eq3A_1115 : i32 to vector<16xi32>
      %eq3A_1117 = arith.cmpi eq, %min3A_1114, %eq3A_1116 : vector<16xi32>
      %all_reduce_population_count3A = tpu.all_reduce %eq3A_1117 {dim = 0 : i64, kind = #tpu.reduction_kind<sum>} : vector<16xi1> -> vector<16xi32>
      %slice3A = vector.extract_strided_slice %all_reduce_population_count3A {offsets = [0], sizes = [1], strides = [1]} : vector<16xi32> to vector<1xi32>
      %squeeze3A = vector.extract %slice3A[0] : i32 from vector<1xi32>
      %gt3A = arith.constant 0 : i32
      %gt3A_1118 = arith.cmpi sgt, %squeeze3A, %gt3A : i32
      %convert_element_type3A = arith.extui %gt3A_1118 : i1 to i32
      %cond3A = arith.constant 0 : i32
      %cond3A_1119 = arith.cmpi ne, %convert_element_type3A, %cond3A : i32
      scf.if %cond3A_1119 {
        %broadcast_in_dim3A_1146 = vector.broadcast %select_n3A_280 : i32 to vector<16xi32>
        %scan3A_1147 = arith.constant 0 : i32
        %scan3A_1148 = arith.constant 0 : i32
        %scan3A_1149 = arith.constant 8 : i32
        %scan3A_1150 = arith.addi %scan3A_1148, %scan3A_1149 : i32
        %scan3A_1151 = arith.constant 1 : i32
        scf.for %scan3A_1153 = %scan3A_1148 to %scan3A_1150 step %scan3A_1151  : i32 {
          %broadcast_in_dim3A_1154 = vector.broadcast %scan3A_1153 : i32 to vector<16xi32>
          %get3A_1155 = arith.index_cast %select_n3A_280 : i32 to index
          %get3A_1156 = arith.index_cast %scan3A_1153 : i32 to index
          %get3A_1157 = arith.constant 0 : index
          %get3A_1158 = tpu.vector_load %arg5[%get3A_1155, %get3A_1156, %get3A_1157] {strides = array<i32>} : memref<2x8x200xi32, #tpu.memory_space<vmem>>, vector<16xi32>,
          %eq3A_1159 = arith.constant 0 : i32
          %eq3A_1160 = vector.broadcast %eq3A_1159 : i32 to vector<16xi32>
          %eq3A_1161 = arith.cmpi eq, %get3A_1158, %eq3A_1160 : vector<16xi32>
          %add3A_1162 = arith.constant 0 : i32
          %add3A_1163 = vector.broadcast %add3A_1162 : i32 to vector<16xi32>
          %add3A_1164 = arith.addi %add3A_1163, %iota3A : vector<16xi32>
          %broadcast_in_dim3A_1165 = arith.constant 0 : i32
          %broadcast_in_dim3A_1166 = vector.broadcast %broadcast_in_dim3A_1165 : i32 to vector<16xi32>
          tpu.vector_store_idx %arg6[%broadcast_in_dim3A_1146, %broadcast_in_dim3A_1154, %add3A_1164, %broadcast_in_dim3A_1166], %broadcast_in_dim3A_3 masked %eq3A_1161 : memref<2x8x200x32xf32, #tpu.memory_space<vmem>>[vector<16xi32>, vector<16xi32>, vector<16xi32>, vector<16xi32>], vector<16xf32>, vector<16xi1>
          %broadcast_in_dim3A_1167 = arith.constant 1 : i32
          %broadcast_in_dim3A_1168 = vector.broadcast %broadcast_in_dim3A_1167 : i32 to vector<16xi32>
          tpu.vector_store_idx %arg6[%broadcast_in_dim3A_1146, %broadcast_in_dim3A_1154, %add3A_1164, %broadcast_in_dim3A_1168], %broadcast_in_dim3A_3 masked %eq3A_1161 : memref<2x8x200x32xf32, #tpu.memory_space<vmem>>[vector<16xi32>, vector<16xi32>, vector<16xi32>, vector<16xi32>], vector<16xf32>, vector<16xi1>
          %broadcast_in_dim3A_1169 = arith.constant 2 : i32
          %broadcast_in_dim3A_1170 = vector.broadcast %broadcast_in_dim3A_1169 : i32 to vector<16xi32>
          tpu.vector_store_idx %arg6[%broadcast_in_dim3A_1146, %broadcast_in_dim3A_1154, %add3A_1164, %broadcast_in_dim3A_1170], %broadcast_in_dim3A_3 masked %eq3A_1161 : memref<2x8x200x32xf32, #tpu.memory_space<vmem>>[vector<16xi32>, vector<16xi32>, vector<16xi32>, vector<16xi32>], vector<16xf32>, vector<16xi1>
          %broadcast_in_dim3A_1171 = arith.constant 3 : i32
          %broadcast_in_dim3A_1172 = vector.broadcast %broadcast_in_dim3A_1171 : i32 to vector<16xi32>
          tpu.vector_store_idx %arg6[%broadcast_in_dim3A_1146, %broadcast_in_dim3A_1154, %add3A_1164, %broadcast_in_dim3A_1172], %broadcast_in_dim3A_3 masked %eq3A_1161 : memref<2x8x200x32xf32, #tpu.memory_space<vmem>>[vector<16xi32>, vector<16xi32>, vector<16xi32>, vector<16xi32>], vector<16xf32>, vector<16xi1>
          %broadcast_in_dim3A_1173 = arith.constant 4 : i32
          %broadcast_in_dim3A_1174 = vector.broadcast %broadcast_in_dim3A_1173 : i32 to vector<16xi32>
          tpu.vector_store_idx %arg6[%broadcast_in_dim3A_1146, %broadcast_in_dim3A_1154, %add3A_1164, %broadcast_in_dim3A_1174], %broadcast_in_dim3A_3 masked %eq3A_1161 : memref<2x8x200x32xf32, #tpu.memory_space<vmem>>[vector<16xi32>, vector<16xi32>, vector<16xi32>, vector<16xi32>], vector<16xf32>, vector<16xi1>
          %broadcast_in_dim3A_1175 = arith.constant 5 : i32
          %broadcast_in_dim3A_1176 = vector.broadcast %broadcast_in_dim3A_1175 : i32 to vector<16xi32>
          tpu.vector_store_idx %arg6[%broadcast_in_dim3A_1146, %broadcast_in_dim3A_1154, %add3A_1164, %broadcast_in_dim3A_1176], %broadcast_in_dim3A_3 masked %eq3A_1161 : memref<2x8x200x32xf32, #tpu.memory_space<vmem>>[vector<16xi32>, vector<16xi32>, vector<16xi32>, vector<16xi32>], vector<16xf32>, vector<16xi1>
          %broadcast_in_dim3A_1177 = arith.constant 6 : i32
          %broadcast_in_dim3A_1178 = vector.broadcast %broadcast_in_dim3A_1177 : i32 to vector<16xi32>
          tpu.vector_store_idx %arg6[%broadcast_in_dim3A_1146, %broadcast_in_dim3A_1154, %add3A_1164, %broadcast_in_dim3A_1178], %broadcast_in_dim3A_3 masked %eq3A_1161 : memref<2x8x200x32xf32, #tpu.memory_space<vmem>>[vector<16xi32>, vector<16xi32>, vector<16xi32>, vector<16xi32>], vector<16xf32>, vector<16xi1>
          %broadcast_in_dim3A_1179 = arith.constant 7 : i32
          %broadcast_in_dim3A_1180 = vector.broadcast %broadcast_in_dim3A_1179 : i32 to vector<16xi32>
          tpu.vector_store_idx %arg6[%broadcast_in_dim3A_1146, %broadcast_in_dim3A_1154, %add3A_1164, %broadcast_in_dim3A_1180], %broadcast_in_dim3A_3 masked %eq3A_1161 : memref<2x8x200x32xf32, #tpu.memory_space<vmem>>[vector<16xi32>, vector<16xi32>, vector<16xi32>, vector<16xi32>], vector<16xf32>, vector<16xi1>
          %broadcast_in_dim3A_1181 = arith.constant 8 : i32
          %broadcast_in_dim3A_1182 = vector.broadcast %broadcast_in_dim3A_1181 : i32 to vector<16xi32>
          tpu.vector_store_idx %arg6[%broadcast_in_dim3A_1146, %broadcast_in_dim3A_1154, %add3A_1164, %broadcast_in_dim3A_1182], %broadcast_in_dim3A_3 masked %eq3A_1161 : memref<2x8x200x32xf32, #tpu.memory_space<vmem>>[vector<16xi32>, vector<16xi32>, vector<16xi32>, vector<16xi32>], vector<16xf32>, vector<16xi1>
          %broadcast_in_dim3A_1183 = arith.constant 9 : i32
          %broadcast_in_dim3A_1184 = vector.broadcast %broadcast_in_dim3A_1183 : i32 to vector<16xi32>
          tpu.vector_store_idx %arg6[%broadcast_in_dim3A_1146, %broadcast_in_dim3A_1154, %add3A_1164, %broadcast_in_dim3A_1184], %broadcast_in_dim3A_3 masked %eq3A_1161 : memref<2x8x200x32xf32, #tpu.memory_space<vmem>>[vector<16xi32>, vector<16xi32>, vector<16xi32>, vector<16xi32>], vector<16xf32>, vector<16xi1>
          %broadcast_in_dim3A_1185 = arith.constant 10 : i32
          %broadcast_in_dim3A_1186 = vector.broadcast %broadcast_in_dim3A_1185 : i32 to vector<16xi32>
          tpu.vector_store_idx %arg6[%broadcast_in_dim3A_1146, %broadcast_in_dim3A_1154, %add3A_1164, %broadcast_in_dim3A_1186], %broadcast_in_dim3A_3 masked %eq3A_1161 : memref<2x8x200x32xf32, #tpu.memory_space<vmem>>[vector<16xi32>, vector<16xi32>, vector<16xi32>, vector<16xi32>], vector<16xf32>, vector<16xi1>
          %broadcast_in_dim3A_1187 = arith.constant 11 : i32
          %broadcast_in_dim3A_1188 = vector.broadcast %broadcast_in_dim3A_1187 : i32 to vector<16xi32>
          tpu.vector_store_idx %arg6[%broadcast_in_dim3A_1146, %broadcast_in_dim3A_1154, %add3A_1164, %broadcast_in_dim3A_1188], %broadcast_in_dim3A_3 masked %eq3A_1161 : memref<2x8x200x32xf32, #tpu.memory_space<vmem>>[vector<16xi32>, vector<16xi32>, vector<16xi32>, vector<16xi32>], vector<16xf32>, vector<16xi1>
          %broadcast_in_dim3A_1189 = arith.constant 12 : i32
          %broadcast_in_dim3A_1190 = vector.broadcast %broadcast_in_dim3A_1189 : i32 to vector<16xi32>
          tpu.vector_store_idx %arg6[%broadcast_in_dim3A_1146, %broadcast_in_dim3A_1154, %add3A_1164, %broadcast_in_dim3A_1190], %broadcast_in_dim3A_3 masked %eq3A_1161 : memref<2x8x200x32xf32, #tpu.memory_space<vmem>>[vector<16xi32>, vector<16xi32>, vector<16xi32>, vector<16xi32>], vector<16xf32>, vector<16xi1>
          %broadcast_in_dim3A_1191 = arith.constant 13 : i32
          %broadcast_in_dim3A_1192 = vector.broadcast %broadcast_in_dim3A_1191 : i32 to vector<16xi32>
          tpu.vector_store_idx %arg6[%broadcast_in_dim3A_1146, %broadcast_in_dim3A_1154, %add3A_1164, %broadcast_in_dim3A_1192], %broadcast_in_dim3A_3 masked %eq3A_1161 : memref<2x8x200x32xf32, #tpu.memory_space<vmem>>[vector<16xi32>, vector<16xi32>, vector<16xi32>, vector<16xi32>], vector<16xf32>, vector<16xi1>
          %broadcast_in_dim3A_1193 = arith.constant 14 : i32
          %broadcast_in_dim3A_1194 = vector.broadcast %broadcast_in_dim3A_1193 : i32 to vector<16xi32>
          tpu.vector_store_idx %arg6[%broadcast_in_dim3A_1146, %broadcast_in_dim3A_1154, %add3A_1164, %broadcast_in_dim3A_1194], %broadcast_in_dim3A_3 masked %eq3A_1161 : memref<2x8x200x32xf32, #tpu.memory_space<vmem>>[vector<16xi32>, vector<16xi32>, vector<16xi32>, vector<16xi32>], vector<16xf32>, vector<16xi1>
          %broadcast_in_dim3A_1195 = arith.constant 15 : i32
          %broadcast_in_dim3A_1196 = vector.broadcast %broadcast_in_dim3A_1195 : i32 to vector<16xi32>
          tpu.vector_store_idx %arg6[%broadcast_in_dim3A_1146, %broadcast_in_dim3A_1154, %add3A_1164, %broadcast_in_dim3A_1196], %broadcast_in_dim3A_3 masked %eq3A_1161 : memref<2x8x200x32xf32, #tpu.memory_space<vmem>>[vector<16xi32>, vector<16xi32>, vector<16xi32>, vector<16xi32>], vector<16xf32>, vector<16xi1>
          %broadcast_in_dim3A_1197 = arith.constant 16 : i32
          %broadcast_in_dim3A_1198 = vector.broadcast %broadcast_in_dim3A_1197 : i32 to vector<16xi32>
          tpu.vector_store_idx %arg6[%broadcast_in_dim3A_1146, %broadcast_in_dim3A_1154, %add3A_1164, %broadcast_in_dim3A_1198], %broadcast_in_dim3A_3 masked %eq3A_1161 : memref<2x8x200x32xf32, #tpu.memory_space<vmem>>[vector<16xi32>, vector<16xi32>, vector<16xi32>, vector<16xi32>], vector<16xf32>, vector<16xi1>
          %broadcast_in_dim3A_1199 = arith.constant 17 : i32
          %broadcast_in_dim3A_1200 = vector.broadcast %broadcast_in_dim3A_1199 : i32 to vector<16xi32>
          tpu.vector_store_idx %arg6[%broadcast_in_dim3A_1146, %broadcast_in_dim3A_1154, %add3A_1164, %broadcast_in_dim3A_1200], %broadcast_in_dim3A_3 masked %eq3A_1161 : memref<2x8x200x32xf32, #tpu.memory_space<vmem>>[vector<16xi32>, vector<16xi32>, vector<16xi32>, vector<16xi32>], vector<16xf32>, vector<16xi1>
          %broadcast_in_dim3A_1201 = arith.constant 18 : i32
          %broadcast_in_dim3A_1202 = vector.broadcast %broadcast_in_dim3A_1201 : i32 to vector<16xi32>
          tpu.vector_store_idx %arg6[%broadcast_in_dim3A_1146, %broadcast_in_dim3A_1154, %add3A_1164, %broadcast_in_dim3A_1202], %broadcast_in_dim3A_3 masked %eq3A_1161 : memref<2x8x200x32xf32, #tpu.memory_space<vmem>>[vector<16xi32>, vector<16xi32>, vector<16xi32>, vector<16xi32>], vector<16xf32>, vector<16xi1>
          %broadcast_in_dim3A_1203 = arith.constant 19 : i32
          %broadcast_in_dim3A_1204 = vector.broadcast %broadcast_in_dim3A_1203 : i32 to vector<16xi32>
          tpu.vector_store_idx %arg6[%broadcast_in_dim3A_1146, %broadcast_in_dim3A_1154, %add3A_1164, %broadcast_in_dim3A_1204], %broadcast_in_dim3A_3 masked %eq3A_1161 : memref<2x8x200x32xf32, #tpu.memory_space<vmem>>[vector<16xi32>, vector<16xi32>, vector<16xi32>, vector<16xi32>], vector<16xf32>, vector<16xi1>
          %broadcast_in_dim3A_1205 = arith.constant 20 : i32
          %broadcast_in_dim3A_1206 = vector.broadcast %broadcast_in_dim3A_1205 : i32 to vector<16xi32>
          tpu.vector_store_idx %arg6[%broadcast_in_dim3A_1146, %broadcast_in_dim3A_1154, %add3A_1164, %broadcast_in_dim3A_1206], %broadcast_in_dim3A_3 masked %eq3A_1161 : memref<2x8x200x32xf32, #tpu.memory_space<vmem>>[vector<16xi32>, vector<16xi32>, vector<16xi32>, vector<16xi32>], vector<16xf32>, vector<16xi1>
          %broadcast_in_dim3A_1207 = arith.constant 21 : i32
          %broadcast_in_dim3A_1208 = vector.broadcast %broadcast_in_dim3A_1207 : i32 to vector<16xi32>
          tpu.vector_store_idx %arg6[%broadcast_in_dim3A_1146, %broadcast_in_dim3A_1154, %add3A_1164, %broadcast_in_dim3A_1208], %broadcast_in_dim3A_3 masked %eq3A_1161 : memref<2x8x200x32xf32, #tpu.memory_space<vmem>>[vector<16xi32>, vector<16xi32>, vector<16xi32>, vector<16xi32>], vector<16xf32>, vector<16xi1>
          %broadcast_in_dim3A_1209 = arith.constant 22 : i32
          %broadcast_in_dim3A_1210 = vector.broadcast %broadcast_in_dim3A_1209 : i32 to vector<16xi32>
          tpu.vector_store_idx %arg6[%broadcast_in_dim3A_1146, %broadcast_in_dim3A_1154, %add3A_1164, %broadcast_in_dim3A_1210], %broadcast_in_dim3A_3 masked %eq3A_1161 : memref<2x8x200x32xf32, #tpu.memory_space<vmem>>[vector<16xi32>, vector<16xi32>, vector<16xi32>, vector<16xi32>], vector<16xf32>, vector<16xi1>
          %broadcast_in_dim3A_1211 = arith.constant 23 : i32
          %broadcast_in_dim3A_1212 = vector.broadcast %broadcast_in_dim3A_1211 : i32 to vector<16xi32>
          tpu.vector_store_idx %arg6[%broadcast_in_dim3A_1146, %broadcast_in_dim3A_1154, %add3A_1164, %broadcast_in_dim3A_1212], %broadcast_in_dim3A_3 masked %eq3A_1161 : memref<2x8x200x32xf32, #tpu.memory_space<vmem>>[vector<16xi32>, vector<16xi32>, vector<16xi32>, vector<16xi32>], vector<16xf32>, vector<16xi1>
          %broadcast_in_dim3A_1213 = arith.constant 24 : i32
          %broadcast_in_dim3A_1214 = vector.broadcast %broadcast_in_dim3A_1213 : i32 to vector<16xi32>
          tpu.vector_store_idx %arg6[%broadcast_in_dim3A_1146, %broadcast_in_dim3A_1154, %add3A_1164, %broadcast_in_dim3A_1214], %broadcast_in_dim3A_3 masked %eq3A_1161 : memref<2x8x200x32xf32, #tpu.memory_space<vmem>>[vector<16xi32>, vector<16xi32>, vector<16xi32>, vector<16xi32>], vector<16xf32>, vector<16xi1>
          %broadcast_in_dim3A_1215 = arith.constant 25 : i32
          %broadcast_in_dim3A_1216 = vector.broadcast %broadcast_in_dim3A_1215 : i32 to vector<16xi32>
          tpu.vector_store_idx %arg6[%broadcast_in_dim3A_1146, %broadcast_in_dim3A_1154, %add3A_1164, %broadcast_in_dim3A_1216], %broadcast_in_dim3A_3 masked %eq3A_1161 : memref<2x8x200x32xf32, #tpu.memory_space<vmem>>[vector<16xi32>, vector<16xi32>, vector<16xi32>, vector<16xi32>], vector<16xf32>, vector<16xi1>
          %broadcast_in_dim3A_1217 = arith.constant 26 : i32
          %broadcast_in_dim3A_1218 = vector.broadcast %broadcast_in_dim3A_1217 : i32 to vector<16xi32>
          tpu.vector_store_idx %arg6[%broadcast_in_dim3A_1146, %broadcast_in_dim3A_1154, %add3A_1164, %broadcast_in_dim3A_1218], %broadcast_in_dim3A_3 masked %eq3A_1161 : memref<2x8x200x32xf32, #tpu.memory_space<vmem>>[vector<16xi32>, vector<16xi32>, vector<16xi32>, vector<16xi32>], vector<16xf32>, vector<16xi1>
          %broadcast_in_dim3A_1219 = arith.constant 27 : i32
          %broadcast_in_dim3A_1220 = vector.broadcast %broadcast_in_dim3A_1219 : i32 to vector<16xi32>
          tpu.vector_store_idx %arg6[%broadcast_in_dim3A_1146, %broadcast_in_dim3A_1154, %add3A_1164, %broadcast_in_dim3A_1220], %broadcast_in_dim3A_3 masked %eq3A_1161 : memref<2x8x200x32xf32, #tpu.memory_space<vmem>>[vector<16xi32>, vector<16xi32>, vector<16xi32>, vector<16xi32>], vector<16xf32>, vector<16xi1>
          %broadcast_in_dim3A_1221 = arith.constant 28 : i32
          %broadcast_in_dim3A_1222 = vector.broadcast %broadcast_in_dim3A_1221 : i32 to vector<16xi32>
          tpu.vector_store_idx %arg6[%broadcast_in_dim3A_1146, %broadcast_in_dim3A_1154, %add3A_1164, %broadcast_in_dim3A_1222], %broadcast_in_dim3A_3 masked %eq3A_1161 : memref<2x8x200x32xf32, #tpu.memory_space<vmem>>[vector<16xi32>, vector<16xi32>, vector<16xi32>, vector<16xi32>], vector<16xf32>, vector<16xi1>
          %broadcast_in_dim3A_1223 = arith.constant 29 : i32
          %broadcast_in_dim3A_1224 = vector.broadcast %broadcast_in_dim3A_1223 : i32 to vector<16xi32>
          tpu.vector_store_idx %arg6[%broadcast_in_dim3A_1146, %broadcast_in_dim3A_1154, %add3A_1164, %broadcast_in_dim3A_1224], %broadcast_in_dim3A_3 masked %eq3A_1161 : memref<2x8x200x32xf32, #tpu.memory_space<vmem>>[vector<16xi32>, vector<16xi32>, vector<16xi32>, vector<16xi32>], vector<16xf32>, vector<16xi1>
          %broadcast_in_dim3A_1225 = arith.constant 30 : i32
          %broadcast_in_dim3A_1226 = vector.broadcast %broadcast_in_dim3A_1225 : i32 to vector<16xi32>
          tpu.vector_store_idx %arg6[%broadcast_in_dim3A_1146, %broadcast_in_dim3A_1154, %add3A_1164, %broadcast_in_dim3A_1226], %broadcast_in_dim3A_3 masked %eq3A_1161 : memref<2x8x200x32xf32, #tpu.memory_space<vmem>>[vector<16xi32>, vector<16xi32>, vector<16xi32>, vector<16xi32>], vector<16xf32>, vector<16xi1>
          %broadcast_in_dim3A_1227 = arith.constant 31 : i32
          %broadcast_in_dim3A_1228 = vector.broadcast %broadcast_in_dim3A_1227 : i32 to vector<16xi32>
          tpu.vector_store_idx %arg6[%broadcast_in_dim3A_1146, %broadcast_in_dim3A_1154, %add3A_1164, %broadcast_in_dim3A_1228], %broadcast_in_dim3A_3 masked %eq3A_1161 : memref<2x8x200x32xf32, #tpu.memory_space<vmem>>[vector<16xi32>, vector<16xi32>, vector<16xi32>, vector<16xi32>], vector<16xf32>, vector<16xi1>
          %get3A_1229 = arith.index_cast %select_n3A_280 : i32 to index
          %get3A_1230 = arith.index_cast %scan3A_1153 : i32 to index
          %get3A_1231 = arith.constant 16 : index
          %get3A_1232 = tpu.vector_load %arg5[%get3A_1229, %get3A_1230, %get3A_1231] {strides = array<i32>} : memref<2x8x200xi32, #tpu.memory_space<vmem>>, vector<16xi32>,
          %eq3A_1233 = arith.constant 0 : i32
          %eq3A_1234 = vector.broadcast %eq3A_1233 : i32 to vector<16xi32>
          %eq3A_1235 = arith.cmpi eq, %get3A_1232, %eq3A_1234 : vector<16xi32>
          %add3A_1236 = arith.constant 16 : i32
          %add3A_1237 = vector.broadcast %add3A_1236 : i32 to vector<16xi32>
          %add3A_1238 = arith.addi %add3A_1237, %iota3A : vector<16xi32>
          %broadcast_in_dim3A_1239 = arith.constant 0 : i32
          %broadcast_in_dim3A_1240 = vector.broadcast %broadcast_in_dim3A_1239 : i32 to vector<16xi32>
          tpu.vector_store_idx %arg6[%broadcast_in_dim3A_1146, %broadcast_in_dim3A_1154, %add3A_1238, %broadcast_in_dim3A_1240], %broadcast_in_dim3A_3 masked %eq3A_1235 : memref<2x8x200x32xf32, #tpu.memory_space<vmem>>[vector<16xi32>, vector<16xi32>, vector<16xi32>, vector<16xi32>], vector<16xf32>, vector<16xi1>
          %broadcast_in_dim3A_1241 = arith.constant 1 : i32
          %broadcast_in_dim3A_1242 = vector.broadcast %broadcast_in_dim3A_1241 : i32 to vector<16xi32>
          tpu.vector_store_idx %arg6[%broadcast_in_dim3A_1146, %broadcast_in_dim3A_1154, %add3A_1238, %broadcast_in_dim3A_1242], %broadcast_in_dim3A_3 masked %eq3A_1235 : memref<2x8x200x32xf32, #tpu.memory_space<vmem>>[vector<16xi32>, vector<16xi32>, vector<16xi32>, vector<16xi32>], vector<16xf32>, vector<16xi1>
          %broadcast_in_dim3A_1243 = arith.constant 2 : i32
          %broadcast_in_dim3A_1244 = vector.broadcast %broadcast_in_dim3A_1243 : i32 to vector<16xi32>
          tpu.vector_store_idx %arg6[%broadcast_in_dim3A_1146, %broadcast_in_dim3A_1154, %add3A_1238, %broadcast_in_dim3A_1244], %broadcast_in_dim3A_3 masked %eq3A_1235 : memref<2x8x200x32xf32, #tpu.memory_space<vmem>>[vector<16xi32>, vector<16xi32>, vector<16xi32>, vector<16xi32>], vector<16xf32>, vector<16xi1>
          %broadcast_in_dim3A_1245 = arith.constant 3 : i32
          %broadcast_in_dim3A_1246 = vector.broadcast %broadcast_in_dim3A_1245 : i32 to vector<16xi32>
          tpu.vector_store_idx %arg6[%broadcast_in_dim3A_1146, %broadcast_in_dim3A_1154, %add3A_1238, %broadcast_in_dim3A_1246], %broadcast_in_dim3A_3 masked %eq3A_1235 : memref<2x8x200x32xf32, #tpu.memory_space<vmem>>[vector<16xi32>, vector<16xi32>, vector<16xi32>, vector<16xi32>], vector<16xf32>, vector<16xi1>
          %broadcast_in_dim3A_1247 = arith.constant 4 : i32
          %broadcast_in_dim3A_1248 = vector.broadcast %broadcast_in_dim3A_1247 : i32 to vector<16xi32>
          tpu.vector_store_idx %arg6[%broadcast_in_dim3A_1146, %broadcast_in_dim3A_1154, %add3A_1238, %broadcast_in_dim3A_1248], %broadcast_in_dim3A_3 masked %eq3A_1235 : memref<2x8x200x32xf32, #tpu.memory_space<vmem>>[vector<16xi32>, vector<16xi32>, vector<16xi32>, vector<16xi32>], vector<16xf32>, vector<16xi1>
          %broadcast_in_dim3A_1249 = arith.constant 5 : i32
          %broadcast_in_dim3A_1250 = vector.broadcast %broadcast_in_dim3A_1249 : i32 to vector<16xi32>
          tpu.vector_store_idx %arg6[%broadcast_in_dim3A_1146, %broadcast_in_dim3A_1154, %add3A_1238, %broadcast_in_dim3A_1250], %broadcast_in_dim3A_3 masked %eq3A_1235 : memref<2x8x200x32xf32, #tpu.memory_space<vmem>>[vector<16xi32>, vector<16xi32>, vector<16xi32>, vector<16xi32>], vector<16xf32>, vector<16xi1>
          %broadcast_in_dim3A_1251 = arith.constant 6 : i32
          %broadcast_in_dim3A_1252 = vector.broadcast %broadcast_in_dim3A_1251 : i32 to vector<16xi32>
          tpu.vector_store_idx %arg6[%broadcast_in_dim3A_1146, %broadcast_in_dim3A_1154, %add3A_1238, %broadcast_in_dim3A_1252], %broadcast_in_dim3A_3 masked %eq3A_1235 : memref<2x8x200x32xf32, #tpu.memory_space<vmem>>[vector<16xi32>, vector<16xi32>, vector<16xi32>, vector<16xi32>], vector<16xf32>, vector<16xi1>
          %broadcast_in_dim3A_1253 = arith.constant 7 : i32
          %broadcast_in_dim3A_1254 = vector.broadcast %broadcast_in_dim3A_1253 : i32 to vector<16xi32>
          tpu.vector_store_idx %arg6[%broadcast_in_dim3A_1146, %broadcast_in_dim3A_1154, %add3A_1238, %broadcast_in_dim3A_1254], %broadcast_in_dim3A_3 masked %eq3A_1235 : memref<2x8x200x32xf32, #tpu.memory_space<vmem>>[vector<16xi32>, vector<16xi32>, vector<16xi32>, vector<16xi32>], vector<16xf32>, vector<16xi1>
          %broadcast_in_dim3A_1255 = arith.constant 8 : i32
          %broadcast_in_dim3A_1256 = vector.broadcast %broadcast_in_dim3A_1255 : i32 to vector<16xi32>
          tpu.vector_store_idx %arg6[%broadcast_in_dim3A_1146, %broadcast_in_dim3A_1154, %add3A_1238, %broadcast_in_dim3A_1256], %broadcast_in_dim3A_3 masked %eq3A_1235 : memref<2x8x200x32xf32, #tpu.memory_space<vmem>>[vector<16xi32>, vector<16xi32>, vector<16xi32>, vector<16xi32>], vector<16xf32>, vector<16xi1>
          %broadcast_in_dim3A_1257 = arith.constant 9 : i32
          %broadcast_in_dim3A_1258 = vector.broadcast %broadcast_in_dim3A_1257 : i32 to vector<16xi32>
          tpu.vector_store_idx %arg6[%broadcast_in_dim3A_1146, %broadcast_in_dim3A_1154, %add3A_1238, %broadcast_in_dim3A_1258], %broadcast_in_dim3A_3 masked %eq3A_1235 : memref<2x8x200x32xf32, #tpu.memory_space<vmem>>[vector<16xi32>, vector<16xi32>, vector<16xi32>, vector<16xi32>], vector<16xf32>, vector<16xi1>
          %broadcast_in_dim3A_1259 = arith.constant 10 : i32
          %broadcast_in_dim3A_1260 = vector.broadcast %broadcast_in_dim3A_1259 : i32 to vector<16xi32>
          tpu.vector_store_idx %arg6[%broadcast_in_dim3A_1146, %broadcast_in_dim3A_1154, %add3A_1238, %broadcast_in_dim3A_1260], %broadcast_in_dim3A_3 masked %eq3A_1235 : memref<2x8x200x32xf32, #tpu.memory_space<vmem>>[vector<16xi32>, vector<16xi32>, vector<16xi32>, vector<16xi32>], vector<16xf32>, vector<16xi1>
          %broadcast_in_dim3A_1261 = arith.constant 11 : i32
          %broadcast_in_dim3A_1262 = vector.broadcast %broadcast_in_dim3A_1261 : i32 to vector<16xi32>
          tpu.vector_store_idx %arg6[%broadcast_in_dim3A_1146, %broadcast_in_dim3A_1154, %add3A_1238, %broadcast_in_dim3A_1262], %broadcast_in_dim3A_3 masked %eq3A_1235 : memref<2x8x200x32xf32, #tpu.memory_space<vmem>>[vector<16xi32>, vector<16xi32>, vector<16xi32>, vector<16xi32>], vector<16xf32>, vector<16xi1>
          %broadcast_in_dim3A_1263 = arith.constant 12 : i32
          %broadcast_in_dim3A_1264 = vector.broadcast %broadcast_in_dim3A_1263 : i32 to vector<16xi32>
          tpu.vector_store_idx %arg6[%broadcast_in_dim3A_1146, %broadcast_in_dim3A_1154, %add3A_1238, %broadcast_in_dim3A_1264], %broadcast_in_dim3A_3 masked %eq3A_1235 : memref<2x8x200x32xf32, #tpu.memory_space<vmem>>[vector<16xi32>, vector<16xi32>, vector<16xi32>, vector<16xi32>], vector<16xf32>, vector<16xi1>
          %broadcast_in_dim3A_1265 = arith.constant 13 : i32
          %broadcast_in_dim3A_1266 = vector.broadcast %broadcast_in_dim3A_1265 : i32 to vector<16xi32>
          tpu.vector_store_idx %arg6[%broadcast_in_dim3A_1146, %broadcast_in_dim3A_1154, %add3A_1238, %broadcast_in_dim3A_1266], %broadcast_in_dim3A_3 masked %eq3A_1235 : memref<2x8x200x32xf32, #tpu.memory_space<vmem>>[vector<16xi32>, vector<16xi32>, vector<16xi32>, vector<16xi32>], vector<16xf32>, vector<16xi1>
          %broadcast_in_dim3A_1267 = arith.constant 14 : i32
          %broadcast_in_dim3A_1268 = vector.broadcast %broadcast_in_dim3A_1267 : i32 to vector<16xi32>
          tpu.vector_store_idx %arg6[%broadcast_in_dim3A_1146, %broadcast_in_dim3A_1154, %add3A_1238, %broadcast_in_dim3A_1268], %broadcast_in_dim3A_3 masked %eq3A_1235 : memref<2x8x200x32xf32, #tpu.memory_space<vmem>>[vector<16xi32>, vector<16xi32>, vector<16xi32>, vector<16xi32>], vector<16xf32>, vector<16xi1>
          %broadcast_in_dim3A_1269 = arith.constant 15 : i32
          %broadcast_in_dim3A_1270 = vector.broadcast %broadcast_in_dim3A_1269 : i32 to vector<16xi32>
          tpu.vector_store_idx %arg6[%broadcast_in_dim3A_1146, %broadcast_in_dim3A_1154, %add3A_1238, %broadcast_in_dim3A_1270], %broadcast_in_dim3A_3 masked %eq3A_1235 : memref<2x8x200x32xf32, #tpu.memory_space<vmem>>[vector<16xi32>, vector<16xi32>, vector<16xi32>, vector<16xi32>], vector<16xf32>, vector<16xi1>
          %broadcast_in_dim3A_1271 = arith.constant 16 : i32
          %broadcast_in_dim3A_1272 = vector.broadcast %broadcast_in_dim3A_1271 : i32 to vector<16xi32>
          tpu.vector_store_idx %arg6[%broadcast_in_dim3A_1146, %broadcast_in_dim3A_1154, %add3A_1238, %broadcast_in_dim3A_1272], %broadcast_in_dim3A_3 masked %eq3A_1235 : memref<2x8x200x32xf32, #tpu.memory_space<vmem>>[vector<16xi32>, vector<16xi32>, vector<16xi32>, vector<16xi32>], vector<16xf32>, vector<16xi1>
          %broadcast_in_dim3A_1273 = arith.constant 17 : i32
          %broadcast_in_dim3A_1274 = vector.broadcast %broadcast_in_dim3A_1273 : i32 to vector<16xi32>
          tpu.vector_store_idx %arg6[%broadcast_in_dim3A_1146, %broadcast_in_dim3A_1154, %add3A_1238, %broadcast_in_dim3A_1274], %broadcast_in_dim3A_3 masked %eq3A_1235 : memref<2x8x200x32xf32, #tpu.memory_space<vmem>>[vector<16xi32>, vector<16xi32>, vector<16xi32>, vector<16xi32>], vector<16xf32>, vector<16xi1>
          %broadcast_in_dim3A_1275 = arith.constant 18 : i32
          %broadcast_in_dim3A_1276 = vector.broadcast %broadcast_in_dim3A_1275 : i32 to vector<16xi32>
          tpu.vector_store_idx %arg6[%broadcast_in_dim3A_1146, %broadcast_in_dim3A_1154, %add3A_1238, %broadcast_in_dim3A_1276], %broadcast_in_dim3A_3 masked %eq3A_1235 : memref<2x8x200x32xf32, #tpu.memory_space<vmem>>[vector<16xi32>, vector<16xi32>, vector<16xi32>, vector<16xi32>], vector<16xf32>, vector<16xi1>
          %broadcast_in_dim3A_1277 = arith.constant 19 : i32
          %broadcast_in_dim3A_1278 = vector.broadcast %broadcast_in_dim3A_1277 : i32 to vector<16xi32>
          tpu.vector_store_idx %arg6[%broadcast_in_dim3A_1146, %broadcast_in_dim3A_1154, %add3A_1238, %broadcast_in_dim3A_1278], %broadcast_in_dim3A_3 masked %eq3A_1235 : memref<2x8x200x32xf32, #tpu.memory_space<vmem>>[vector<16xi32>, vector<16xi32>, vector<16xi32>, vector<16xi32>], vector<16xf32>, vector<16xi1>
          %broadcast_in_dim3A_1279 = arith.constant 20 : i32
          %broadcast_in_dim3A_1280 = vector.broadcast %broadcast_in_dim3A_1279 : i32 to vector<16xi32>
          tpu.vector_store_idx %arg6[%broadcast_in_dim3A_1146, %broadcast_in_dim3A_1154, %add3A_1238, %broadcast_in_dim3A_1280], %broadcast_in_dim3A_3 masked %eq3A_1235 : memref<2x8x200x32xf32, #tpu.memory_space<vmem>>[vector<16xi32>, vector<16xi32>, vector<16xi32>, vector<16xi32>], vector<16xf32>, vector<16xi1>
          %broadcast_in_dim3A_1281 = arith.constant 21 : i32
          %broadcast_in_dim3A_1282 = vector.broadcast %broadcast_in_dim3A_1281 : i32 to vector<16xi32>
          tpu.vector_store_idx %arg6[%broadcast_in_dim3A_1146, %broadcast_in_dim3A_1154, %add3A_1238, %broadcast_in_dim3A_1282], %broadcast_in_dim3A_3 masked %eq3A_1235 : memref<2x8x200x32xf32, #tpu.memory_space<vmem>>[vector<16xi32>, vector<16xi32>, vector<16xi32>, vector<16xi32>], vector<16xf32>, vector<16xi1>
          %broadcast_in_dim3A_1283 = arith.constant 22 : i32
          %broadcast_in_dim3A_1284 = vector.broadcast %broadcast_in_dim3A_1283 : i32 to vector<16xi32>
          tpu.vector_store_idx %arg6[%broadcast_in_dim3A_1146, %broadcast_in_dim3A_1154, %add3A_1238, %broadcast_in_dim3A_1284], %broadcast_in_dim3A_3 masked %eq3A_1235 : memref<2x8x200x32xf32, #tpu.memory_space<vmem>>[vector<16xi32>, vector<16xi32>, vector<16xi32>, vector<16xi32>], vector<16xf32>, vector<16xi1>
          %broadcast_in_dim3A_1285 = arith.constant 23 : i32
          %broadcast_in_dim3A_1286 = vector.broadcast %broadcast_in_dim3A_1285 : i32 to vector<16xi32>
          tpu.vector_store_idx %arg6[%broadcast_in_dim3A_1146, %broadcast_in_dim3A_1154, %add3A_1238, %broadcast_in_dim3A_1286], %broadcast_in_dim3A_3 masked %eq3A_1235 : memref<2x8x200x32xf32, #tpu.memory_space<vmem>>[vector<16xi32>, vector<16xi32>, vector<16xi32>, vector<16xi32>], vector<16xf32>, vector<16xi1>
          %broadcast_in_dim3A_1287 = arith.constant 24 : i32
          %broadcast_in_dim3A_1288 = vector.broadcast %broadcast_in_dim3A_1287 : i32 to vector<16xi32>
          tpu.vector_store_idx %arg6[%broadcast_in_dim3A_1146, %broadcast_in_dim3A_1154, %add3A_1238, %broadcast_in_dim3A_1288], %broadcast_in_dim3A_3 masked %eq3A_1235 : memref<2x8x200x32xf32, #tpu.memory_space<vmem>>[vector<16xi32>, vector<16xi32>, vector<16xi32>, vector<16xi32>], vector<16xf32>, vector<16xi1>
          %broadcast_in_dim3A_1289 = arith.constant 25 : i32
          %broadcast_in_dim3A_1290 = vector.broadcast %broadcast_in_dim3A_1289 : i32 to vector<16xi32>
          tpu.vector_store_idx %arg6[%broadcast_in_dim3A_1146, %broadcast_in_dim3A_1154, %add3A_1238, %broadcast_in_dim3A_1290], %broadcast_in_dim3A_3 masked %eq3A_1235 : memref<2x8x200x32xf32, #tpu.memory_space<vmem>>[vector<16xi32>, vector<16xi32>, vector<16xi32>, vector<16xi32>], vector<16xf32>, vector<16xi1>
          %broadcast_in_dim3A_1291 = arith.constant 26 : i32
          %broadcast_in_dim3A_1292 = vector.broadcast %broadcast_in_dim3A_1291 : i32 to vector<16xi32>
          tpu.vector_store_idx %arg6[%broadcast_in_dim3A_1146, %broadcast_in_dim3A_1154, %add3A_1238, %broadcast_in_dim3A_1292], %broadcast_in_dim3A_3 masked %eq3A_1235 : memref<2x8x200x32xf32, #tpu.memory_space<vmem>>[vector<16xi32>, vector<16xi32>, vector<16xi32>, vector<16xi32>], vector<16xf32>, vector<16xi1>
          %broadcast_in_dim3A_1293 = arith.constant 27 : i32
          %broadcast_in_dim3A_1294 = vector.broadcast %broadcast_in_dim3A_1293 : i32 to vector<16xi32>
          tpu.vector_store_idx %arg6[%broadcast_in_dim3A_1146, %broadcast_in_dim3A_1154, %add3A_1238, %broadcast_in_dim3A_1294], %broadcast_in_dim3A_3 masked %eq3A_1235 : memref<2x8x200x32xf32, #tpu.memory_space<vmem>>[vector<16xi32>, vector<16xi32>, vector<16xi32>, vector<16xi32>], vector<16xf32>, vector<16xi1>
          %broadcast_in_dim3A_1295 = arith.constant 28 : i32
          %broadcast_in_dim3A_1296 = vector.broadcast %broadcast_in_dim3A_1295 : i32 to vector<16xi32>
          tpu.vector_store_idx %arg6[%broadcast_in_dim3A_1146, %broadcast_in_dim3A_1154, %add3A_1238, %broadcast_in_dim3A_1296], %broadcast_in_dim3A_3 masked %eq3A_1235 : memref<2x8x200x32xf32, #tpu.memory_space<vmem>>[vector<16xi32>, vector<16xi32>, vector<16xi32>, vector<16xi32>], vector<16xf32>, vector<16xi1>
          %broadcast_in_dim3A_1297 = arith.constant 29 : i32
          %broadcast_in_dim3A_1298 = vector.broadcast %broadcast_in_dim3A_1297 : i32 to vector<16xi32>
          tpu.vector_store_idx %arg6[%broadcast_in_dim3A_1146, %broadcast_in_dim3A_1154, %add3A_1238, %broadcast_in_dim3A_1298], %broadcast_in_dim3A_3 masked %eq3A_1235 : memref<2x8x200x32xf32, #tpu.memory_space<vmem>>[vector<16xi32>, vector<16xi32>, vector<16xi32>, vector<16xi32>], vector<16xf32>, vector<16xi1>
          %broadcast_in_dim3A_1299 = arith.constant 30 : i32
          %broadcast_in_dim3A_1300 = vector.broadcast %broadcast_in_dim3A_1299 : i32 to vector<16xi32>
          tpu.vector_store_idx %arg6[%broadcast_in_dim3A_1146, %broadcast_in_dim3A_1154, %add3A_1238, %broadcast_in_dim3A_1300], %broadcast_in_dim3A_3 masked %eq3A_1235 : memref<2x8x200x32xf32, #tpu.memory_space<vmem>>[vector<16xi32>, vector<16xi32>, vector<16xi32>, vector<16xi32>], vector<16xf32>, vector<16xi1>
          %broadcast_in_dim3A_1301 = arith.constant 31 : i32
          %broadcast_in_dim3A_1302 = vector.broadcast %broadcast_in_dim3A_1301 : i32 to vector<16xi32>
          tpu.vector_store_idx %arg6[%broadcast_in_dim3A_1146, %broadcast_in_dim3A_1154, %add3A_1238, %broadcast_in_dim3A_1302], %broadcast_in_dim3A_3 masked %eq3A_1235 : memref<2x8x200x32xf32, #tpu.memory_space<vmem>>[vector<16xi32>, vector<16xi32>, vector<16xi32>, vector<16xi32>], vector<16xf32>, vector<16xi1>
          %get3A_1303 = arith.index_cast %select_n3A_280 : i32 to index
          %get3A_1304 = arith.index_cast %scan3A_1153 : i32 to index
          %get3A_1305 = arith.constant 32 : index
          %get3A_1306 = tpu.vector_load %arg5[%get3A_1303, %get3A_1304, %get3A_1305] {strides = array<i32>} : memref<2x8x200xi32, #tpu.memory_space<vmem>>, vector<16xi32>,
          %eq3A_1307 = arith.constant 0 : i32
          %eq3A_1308 = vector.broadcast %eq3A_1307 : i32 to vector<16xi32>
          %eq3A_1309 = arith.cmpi eq, %get3A_1306, %eq3A_1308 : vector<16xi32>
          %add3A_1310 = arith.constant 32 : i32
          %add3A_1311 = vector.broadcast %add3A_1310 : i32 to vector<16xi32>
          %add3A_1312 = arith.addi %add3A_1311, %iota3A : vector<16xi32>
          %broadcast_in_dim3A_1313 = arith.constant 0 : i32
          %broadcast_in_dim3A_1314 = vector.broadcast %broadcast_in_dim3A_1313 : i32 to vector<16xi32>
          tpu.vector_store_idx %arg6[%broadcast_in_dim3A_1146, %broadcast_in_dim3A_1154, %add3A_1312, %broadcast_in_dim3A_1314], %broadcast_in_dim3A_3 masked %eq3A_1309 : memref<2x8x200x32xf32, #tpu.memory_space<vmem>>[vector<16xi32>, vector<16xi32>, vector<16xi32>, vector<16xi32>], vector<16xf32>, vector<16xi1>
          %broadcast_in_dim3A_1315 = arith.constant 1 : i32
          %broadcast_in_dim3A_1316 = vector.broadcast %broadcast_in_dim3A_1315 : i32 to vector<16xi32>
          tpu.vector_store_idx %arg6[%broadcast_in_dim3A_1146, %broadcast_in_dim3A_1154, %add3A_1312, %broadcast_in_dim3A_1316], %broadcast_in_dim3A_3 masked %eq3A_1309 : memref<2x8x200x32xf32, #tpu.memory_space<vmem>>[vector<16xi32>, vector<16xi32>, vector<16xi32>, vector<16xi32>], vector<16xf32>, vector<16xi1>
          %broadcast_in_dim3A_1317 = arith.constant 2 : i32
          %broadcast_in_dim3A_1318 = vector.broadcast %broadcast_in_dim3A_1317 : i32 to vector<16xi32>
          tpu.vector_store_idx %arg6[%broadcast_in_dim3A_1146, %broadcast_in_dim3A_1154, %add3A_1312, %broadcast_in_dim3A_1318], %broadcast_in_dim3A_3 masked %eq3A_1309 : memref<2x8x200x32xf32, #tpu.memory_space<vmem>>[vector<16xi32>, vector<16xi32>, vector<16xi32>, vector<16xi32>], vector<16xf32>, vector<16xi1>
          %broadcast_in_dim3A_1319 = arith.constant 3 : i32
          %broadcast_in_dim3A_1320 = vector.broadcast %broadcast_in_dim3A_1319 : i32 to vector<16xi32>
          tpu.vector_store_idx %arg6[%broadcast_in_dim3A_1146, %broadcast_in_dim3A_1154, %add3A_1312, %broadcast_in_dim3A_1320], %broadcast_in_dim3A_3 masked %eq3A_1309 : memref<2x8x200x32xf32, #tpu.memory_space<vmem>>[vector<16xi32>, vector<16xi32>, vector<16xi32>, vector<16xi32>], vector<16xf32>, vector<16xi1>
          %broadcast_in_dim3A_1321 = arith.constant 4 : i32
          %broadcast_in_dim3A_1322 = vector.broadcast %broadcast_in_dim3A_1321 : i32 to vector<16xi32>
          tpu.vector_store_idx %arg6[%broadcast_in_dim3A_1146, %broadcast_in_dim3A_1154, %add3A_1312, %broadcast_in_dim3A_1322], %broadcast_in_dim3A_3 masked %eq3A_1309 : memref<2x8x200x32xf32, #tpu.memory_space<vmem>>[vector<16xi32>, vector<16xi32>, vector<16xi32>, vector<16xi32>], vector<16xf32>, vector<16xi1>
          %broadcast_in_dim3A_1323 = arith.constant 5 : i32
          %broadcast_in_dim3A_1324 = vector.broadcast %broadcast_in_dim3A_1323 : i32 to vector<16xi32>
          tpu.vector_store_idx %arg6[%broadcast_in_dim3A_1146, %broadcast_in_dim3A_1154, %add3A_1312, %broadcast_in_dim3A_1324], %broadcast_in_dim3A_3 masked %eq3A_1309 : memref<2x8x200x32xf32, #tpu.memory_space<vmem>>[vector<16xi32>, vector<16xi32>, vector<16xi32>, vector<16xi32>], vector<16xf32>, vector<16xi1>
          %broadcast_in_dim3A_1325 = arith.constant 6 : i32
          %broadcast_in_dim3A_1326 = vector.broadcast %broadcast_in_dim3A_1325 : i32 to vector<16xi32>
          tpu.vector_store_idx %arg6[%broadcast_in_dim3A_1146, %broadcast_in_dim3A_1154, %add3A_1312, %broadcast_in_dim3A_1326], %broadcast_in_dim3A_3 masked %eq3A_1309 : memref<2x8x200x32xf32, #tpu.memory_space<vmem>>[vector<16xi32>, vector<16xi32>, vector<16xi32>, vector<16xi32>], vector<16xf32>, vector<16xi1>
          %broadcast_in_dim3A_1327 = arith.constant 7 : i32
          %broadcast_in_dim3A_1328 = vector.broadcast %broadcast_in_dim3A_1327 : i32 to vector<16xi32>
          tpu.vector_store_idx %arg6[%broadcast_in_dim3A_1146, %broadcast_in_dim3A_1154, %add3A_1312, %broadcast_in_dim3A_1328], %broadcast_in_dim3A_3 masked %eq3A_1309 : memref<2x8x200x32xf32, #tpu.memory_space<vmem>>[vector<16xi32>, vector<16xi32>, vector<16xi32>, vector<16xi32>], vector<16xf32>, vector<16xi1>
          %broadcast_in_dim3A_1329 = arith.constant 8 : i32
          %broadcast_in_dim3A_1330 = vector.broadcast %broadcast_in_dim3A_1329 : i32 to vector<16xi32>
          tpu.vector_store_idx %arg6[%broadcast_in_dim3A_1146, %broadcast_in_dim3A_1154, %add3A_1312, %broadcast_in_dim3A_1330], %broadcast_in_dim3A_3 masked %eq3A_1309 : memref<2x8x200x32xf32, #tpu.memory_space<vmem>>[vector<16xi32>, vector<16xi32>, vector<16xi32>, vector<16xi32>], vector<16xf32>, vector<16xi1>
          %broadcast_in_dim3A_1331 = arith.constant 9 : i32
          %broadcast_in_dim3A_1332 = vector.broadcast %broadcast_in_dim3A_1331 : i32 to vector<16xi32>
          tpu.vector_store_idx %arg6[%broadcast_in_dim3A_1146, %broadcast_in_dim3A_1154, %add3A_1312, %broadcast_in_dim3A_1332], %broadcast_in_dim3A_3 masked %eq3A_1309 : memref<2x8x200x32xf32, #tpu.memory_space<vmem>>[vector<16xi32>, vector<16xi32>, vector<16xi32>, vector<16xi32>], vector<16xf32>, vector<16xi1>
          %broadcast_in_dim3A_1333 = arith.constant 10 : i32
          %broadcast_in_dim3A_1334 = vector.broadcast %broadcast_in_dim3A_1333 : i32 to vector<16xi32>
          tpu.vector_store_idx %arg6[%broadcast_in_dim3A_1146, %broadcast_in_dim3A_1154, %add3A_1312, %broadcast_in_dim3A_1334], %broadcast_in_dim3A_3 masked %eq3A_1309 : memref<2x8x200x32xf32, #tpu.memory_space<vmem>>[vector<16xi32>, vector<16xi32>, vector<16xi32>, vector<16xi32>], vector<16xf32>, vector<16xi1>
          %broadcast_in_dim3A_1335 = arith.constant 11 : i32
          %broadcast_in_dim3A_1336 = vector.broadcast %broadcast_in_dim3A_1335 : i32 to vector<16xi32>
          tpu.vector_store_idx %arg6[%broadcast_in_dim3A_1146, %broadcast_in_dim3A_1154, %add3A_1312, %broadcast_in_dim3A_1336], %broadcast_in_dim3A_3 masked %eq3A_1309 : memref<2x8x200x32xf32, #tpu.memory_space<vmem>>[vector<16xi32>, vector<16xi32>, vector<16xi32>, vector<16xi32>], vector<16xf32>, vector<16xi1>
          %broadcast_in_dim3A_1337 = arith.constant 12 : i32
          %broadcast_in_dim3A_1338 = vector.broadcast %broadcast_in_dim3A_1337 : i32 to vector<16xi32>
          tpu.vector_store_idx %arg6[%broadcast_in_dim3A_1146, %broadcast_in_dim3A_1154, %add3A_1312, %broadcast_in_dim3A_1338], %broadcast_in_dim3A_3 masked %eq3A_1309 : memref<2x8x200x32xf32, #tpu.memory_space<vmem>>[vector<16xi32>, vector<16xi32>, vector<16xi32>, vector<16xi32>], vector<16xf32>, vector<16xi1>
          %broadcast_in_dim3A_1339 = arith.constant 13 : i32
          %broadcast_in_dim3A_1340 = vector.broadcast %broadcast_in_dim3A_1339 : i32 to vector<16xi32>
          tpu.vector_store_idx %arg6[%broadcast_in_dim3A_1146, %broadcast_in_dim3A_1154, %add3A_1312, %broadcast_in_dim3A_1340], %broadcast_in_dim3A_3 masked %eq3A_1309 : memref<2x8x200x32xf32, #tpu.memory_space<vmem>>[vector<16xi32>, vector<16xi32>, vector<16xi32>, vector<16xi32>], vector<16xf32>, vector<16xi1>
          %broadcast_in_dim3A_1341 = arith.constant 14 : i32
          %broadcast_in_dim3A_1342 = vector.broadcast %broadcast_in_dim3A_1341 : i32 to vector<16xi32>
          tpu.vector_store_idx %arg6[%broadcast_in_dim3A_1146, %broadcast_in_dim3A_1154, %add3A_1312, %broadcast_in_dim3A_1342], %broadcast_in_dim3A_3 masked %eq3A_1309 : memref<2x8x200x32xf32, #tpu.memory_space<vmem>>[vector<16xi32>, vector<16xi32>, vector<16xi32>, vector<16xi32>], vector<16xf32>, vector<16xi1>
          %broadcast_in_dim3A_1343 = arith.constant 15 : i32
          %broadcast_in_dim3A_1344 = vector.broadcast %broadcast_in_dim3A_1343 : i32 to vector<16xi32>
          tpu.vector_store_idx %arg6[%broadcast_in_dim3A_1146, %broadcast_in_dim3A_1154, %add3A_1312, %broadcast_in_dim3A_1344], %broadcast_in_dim3A_3 masked %eq3A_1309 : memref<2x8x200x32xf32, #tpu.memory_space<vmem>>[vector<16xi32>, vector<16xi32>, vector<16xi32>, vector<16xi32>], vector<16xf32>, vector<16xi1>
          %broadcast_in_dim3A_1345 = arith.constant 16 : i32
          %broadcast_in_dim3A_1346 = vector.broadcast %broadcast_in_dim3A_1345 : i32 to vector<16xi32>
          tpu.vector_store_idx %arg6[%broadcast_in_dim3A_1146, %broadcast_in_dim3A_1154, %add3A_1312, %broadcast_in_dim3A_1346], %broadcast_in_dim3A_3 masked %eq3A_1309 : memref<2x8x200x32xf32, #tpu.memory_space<vmem>>[vector<16xi32>, vector<16xi32>, vector<16xi32>, vector<16xi32>], vector<16xf32>, vector<16xi1>
          %broadcast_in_dim3A_1347 = arith.constant 17 : i32
          %broadcast_in_dim3A_1348 = vector.broadcast %broadcast_in_dim3A_1347 : i32 to vector<16xi32>
          tpu.vector_store_idx %arg6[%broadcast_in_dim3A_1146, %broadcast_in_dim3A_1154, %add3A_1312, %broadcast_in_dim3A_1348], %broadcast_in_dim3A_3 masked %eq3A_1309 : memref<2x8x200x32xf32, #tpu.memory_space<vmem>>[vector<16xi32>, vector<16xi32>, vector<16xi32>, vector<16xi32>], vector<16xf32>, vector<16xi1>
          %broadcast_in_dim3A_1349 = arith.constant 18 : i32
          %broadcast_in_dim3A_1350 = vector.broadcast %broadcast_in_dim3A_1349 : i32 to vector<16xi32>
          tpu.vector_store_idx %arg6[%broadcast_in_dim3A_1146, %broadcast_in_dim3A_1154, %add3A_1312, %broadcast_in_dim3A_1350], %broadcast_in_dim3A_3 masked %eq3A_1309 : memref<2x8x200x32xf32, #tpu.memory_space<vmem>>[vector<16xi32>, vector<16xi32>, vector<16xi32>, vector<16xi32>], vector<16xf32>, vector<16xi1>
          %broadcast_in_dim3A_1351 = arith.constant 19 : i32
          %broadcast_in_dim3A_1352 = vector.broadcast %broadcast_in_dim3A_1351 : i32 to vector<16xi32>
          tpu.vector_store_idx %arg6[%broadcast_in_dim3A_1146, %broadcast_in_dim3A_1154, %add3A_1312, %broadcast_in_dim3A_1352], %broadcast_in_dim3A_3 masked %eq3A_1309 : memref<2x8x200x32xf32, #tpu.memory_space<vmem>>[vector<16xi32>, vector<16xi32>, vector<16xi32>, vector<16xi32>], vector<16xf32>, vector<16xi1>
          %broadcast_in_dim3A_1353 = arith.constant 20 : i32
          %broadcast_in_dim3A_1354 = vector.broadcast %broadcast_in_dim3A_1353 : i32 to vector<16xi32>
          tpu.vector_store_idx %arg6[%broadcast_in_dim3A_1146, %broadcast_in_dim3A_1154, %add3A_1312, %broadcast_in_dim3A_1354], %broadcast_in_dim3A_3 masked %eq3A_1309 : memref<2x8x200x32xf32, #tpu.memory_space<vmem>>[vector<16xi32>, vector<16xi32>, vector<16xi32>, vector<16xi32>], vector<16xf32>, vector<16xi1>
          %broadcast_in_dim3A_1355 = arith.constant 21 : i32
          %broadcast_in_dim3A_1356 = vector.broadcast %broadcast_in_dim3A_1355 : i32 to vector<16xi32>
          tpu.vector_store_idx %arg6[%broadcast_in_dim3A_1146, %broadcast_in_dim3A_1154, %add3A_1312, %broadcast_in_dim3A_1356], %broadcast_in_dim3A_3 masked %eq3A_1309 : memref<2x8x200x32xf32, #tpu.memory_space<vmem>>[vector<16xi32>, vector<16xi32>, vector<16xi32>, vector<16xi32>], vector<16xf32>, vector<16xi1>
          %broadcast_in_dim3A_1357 = arith.constant 22 : i32
          %broadcast_in_dim3A_1358 = vector.broadcast %broadcast_in_dim3A_1357 : i32 to vector<16xi32>
          tpu.vector_store_idx %arg6[%broadcast_in_dim3A_1146, %broadcast_in_dim3A_1154, %add3A_1312, %broadcast_in_dim3A_1358], %broadcast_in_dim3A_3 masked %eq3A_1309 : memref<2x8x200x32xf32, #tpu.memory_space<vmem>>[vector<16xi32>, vector<16xi32>, vector<16xi32>, vector<16xi32>], vector<16xf32>, vector<16xi1>
          %broadcast_in_dim3A_1359 = arith.constant 23 : i32
          %broadcast_in_dim3A_1360 = vector.broadcast %broadcast_in_dim3A_1359 : i32 to vector<16xi32>
          tpu.vector_store_idx %arg6[%broadcast_in_dim3A_1146, %broadcast_in_dim3A_1154, %add3A_1312, %broadcast_in_dim3A_1360], %broadcast_in_dim3A_3 masked %eq3A_1309 : memref<2x8x200x32xf32, #tpu.memory_space<vmem>>[vector<16xi32>, vector<16xi32>, vector<16xi32>, vector<16xi32>], vector<16xf32>, vector<16xi1>
          %broadcast_in_dim3A_1361 = arith.constant 24 : i32
          %broadcast_in_dim3A_1362 = vector.broadcast %broadcast_in_dim3A_1361 : i32 to vector<16xi32>
          tpu.vector_store_idx %arg6[%broadcast_in_dim3A_1146, %broadcast_in_dim3A_1154, %add3A_1312, %broadcast_in_dim3A_1362], %broadcast_in_dim3A_3 masked %eq3A_1309 : memref<2x8x200x32xf32, #tpu.memory_space<vmem>>[vector<16xi32>, vector<16xi32>, vector<16xi32>, vector<16xi32>], vector<16xf32>, vector<16xi1>
          %broadcast_in_dim3A_1363 = arith.constant 25 : i32
          %broadcast_in_dim3A_1364 = vector.broadcast %broadcast_in_dim3A_1363 : i32 to vector<16xi32>
          tpu.vector_store_idx %arg6[%broadcast_in_dim3A_1146, %broadcast_in_dim3A_1154, %add3A_1312, %broadcast_in_dim3A_1364], %broadcast_in_dim3A_3 masked %eq3A_1309 : memref<2x8x200x32xf32, #tpu.memory_space<vmem>>[vector<16xi32>, vector<16xi32>, vector<16xi32>, vector<16xi32>], vector<16xf32>, vector<16xi1>
          %broadcast_in_dim3A_1365 = arith.constant 26 : i32
          %broadcast_in_dim3A_1366 = vector.broadcast %broadcast_in_dim3A_1365 : i32 to vector<16xi32>
          tpu.vector_store_idx %arg6[%broadcast_in_dim3A_1146, %broadcast_in_dim3A_1154, %add3A_1312, %broadcast_in_dim3A_1366], %broadcast_in_dim3A_3 masked %eq3A_1309 : memref<2x8x200x32xf32, #tpu.memory_space<vmem>>[vector<16xi32>, vector<16xi32>, vector<16xi32>, vector<16xi32>], vector<16xf32>, vector<16xi1>
          %broadcast_in_dim3A_1367 = arith.constant 27 : i32
          %broadcast_in_dim3A_1368 = vector.broadcast %broadcast_in_dim3A_1367 : i32 to vector<16xi32>
          tpu.vector_store_idx %arg6[%broadcast_in_dim3A_1146, %broadcast_in_dim3A_1154, %add3A_1312, %broadcast_in_dim3A_1368], %broadcast_in_dim3A_3 masked %eq3A_1309 : memref<2x8x200x32xf32, #tpu.memory_space<vmem>>[vector<16xi32>, vector<16xi32>, vector<16xi32>, vector<16xi32>], vector<16xf32>, vector<16xi1>
          %broadcast_in_dim3A_1369 = arith.constant 28 : i32
          %broadcast_in_dim3A_1370 = vector.broadcast %broadcast_in_dim3A_1369 : i32 to vector<16xi32>
          tpu.vector_store_idx %arg6[%broadcast_in_dim3A_1146, %broadcast_in_dim3A_1154, %add3A_1312, %broadcast_in_dim3A_1370], %broadcast_in_dim3A_3 masked %eq3A_1309 : memref<2x8x200x32xf32, #tpu.memory_space<vmem>>[vector<16xi32>, vector<16xi32>, vector<16xi32>, vector<16xi32>], vector<16xf32>, vector<16xi1>
          %broadcast_in_dim3A_1371 = arith.constant 29 : i32
          %broadcast_in_dim3A_1372 = vector.broadcast %broadcast_in_dim3A_1371 : i32 to vector<16xi32>
          tpu.vector_store_idx %arg6[%broadcast_in_dim3A_1146, %broadcast_in_dim3A_1154, %add3A_1312, %broadcast_in_dim3A_1372], %broadcast_in_dim3A_3 masked %eq3A_1309 : memref<2x8x200x32xf32, #tpu.memory_space<vmem>>[vector<16xi32>, vector<16xi32>, vector<16xi32>, vector<16xi32>], vector<16xf32>, vector<16xi1>
          %broadcast_in_dim3A_1373 = arith.constant 30 : i32
          %broadcast_in_dim3A_1374 = vector.broadcast %broadcast_in_dim3A_1373 : i32 to vector<16xi32>
          tpu.vector_store_idx %arg6[%broadcast_in_dim3A_1146, %broadcast_in_dim3A_1154, %add3A_1312, %broadcast_in_dim3A_1374], %broadcast_in_dim3A_3 masked %eq3A_1309 : memref<2x8x200x32xf32, #tpu.memory_space<vmem>>[vector<16xi32>, vector<16xi32>, vector<16xi32>, vector<16xi32>], vector<16xf32>, vector<16xi1>
          %broadcast_in_dim3A_1375 = arith.constant 31 : i32
          %broadcast_in_dim3A_1376 = vector.broadcast %broadcast_in_dim3A_1375 : i32 to vector<16xi32>
          tpu.vector_store_idx %arg6[%broadcast_in_dim3A_1146, %broadcast_in_dim3A_1154, %add3A_1312, %broadcast_in_dim3A_1376], %broadcast_in_dim3A_3 masked %eq3A_1309 : memref<2x8x200x32xf32, #tpu.memory_space<vmem>>[vector<16xi32>, vector<16xi32>, vector<16xi32>, vector<16xi32>], vector<16xf32>, vector<16xi1>
          %get3A_1377 = arith.index_cast %select_n3A_280 : i32 to index
          %get3A_1378 = arith.index_cast %scan3A_1153 : i32 to index
          %get3A_1379 = arith.constant 48 : index
          %get3A_1380 = tpu.vector_load %arg5[%get3A_1377, %get3A_1378, %get3A_1379] {strides = array<i32>} : memref<2x8x200xi32, #tpu.memory_space<vmem>>, vector<16xi32>,
          %eq3A_1381 = arith.constant 0 : i32
          %eq3A_1382 = vector.broadcast %eq3A_1381 : i32 to vector<16xi32>
          %eq3A_1383 = arith.cmpi eq, %get3A_1380, %eq3A_1382 : vector<16xi32>
          %add3A_1384 = arith.constant 48 : i32
          %add3A_1385 = vector.broadcast %add3A_1384 : i32 to vector<16xi32>
          %add3A_1386 = arith.addi %add3A_1385, %iota3A : vector<16xi32>
          %broadcast_in_dim3A_1387 = arith.constant 0 : i32
          %broadcast_in_dim3A_1388 = vector.broadcast %broadcast_in_dim3A_1387 : i32 to vector<16xi32>
          tpu.vector_store_idx %arg6[%broadcast_in_dim3A_1146, %broadcast_in_dim3A_1154, %add3A_1386, %broadcast_in_dim3A_1388], %broadcast_in_dim3A_3 masked %eq3A_1383 : memref<2x8x200x32xf32, #tpu.memory_space<vmem>>[vector<16xi32>, vector<16xi32>, vector<16xi32>, vector<16xi32>], vector<16xf32>, vector<16xi1>
          %broadcast_in_dim3A_1389 = arith.constant 1 : i32
          %broadcast_in_dim3A_1390 = vector.broadcast %broadcast_in_dim3A_1389 : i32 to vector<16xi32>
          tpu.vector_store_idx %arg6[%broadcast_in_dim3A_1146, %broadcast_in_dim3A_1154, %add3A_1386, %broadcast_in_dim3A_1390], %broadcast_in_dim3A_3 masked %eq3A_1383 : memref<2x8x200x32xf32, #tpu.memory_space<vmem>>[vector<16xi32>, vector<16xi32>, vector<16xi32>, vector<16xi32>], vector<16xf32>, vector<16xi1>
          %broadcast_in_dim3A_1391 = arith.constant 2 : i32
          %broadcast_in_dim3A_1392 = vector.broadcast %broadcast_in_dim3A_1391 : i32 to vector<16xi32>
          tpu.vector_store_idx %arg6[%broadcast_in_dim3A_1146, %broadcast_in_dim3A_1154, %add3A_1386, %broadcast_in_dim3A_1392], %broadcast_in_dim3A_3 masked %eq3A_1383 : memref<2x8x200x32xf32, #tpu.memory_space<vmem>>[vector<16xi32>, vector<16xi32>, vector<16xi32>, vector<16xi32>], vector<16xf32>, vector<16xi1>
          %broadcast_in_dim3A_1393 = arith.constant 3 : i32
          %broadcast_in_dim3A_1394 = vector.broadcast %broadcast_in_dim3A_1393 : i32 to vector<16xi32>
          tpu.vector_store_idx %arg6[%broadcast_in_dim3A_1146, %broadcast_in_dim3A_1154, %add3A_1386, %broadcast_in_dim3A_1394], %broadcast_in_dim3A_3 masked %eq3A_1383 : memref<2x8x200x32xf32, #tpu.memory_space<vmem>>[vector<16xi32>, vector<16xi32>, vector<16xi32>, vector<16xi32>], vector<16xf32>, vector<16xi1>
          %broadcast_in_dim3A_1395 = arith.constant 4 : i32
          %broadcast_in_dim3A_1396 = vector.broadcast %broadcast_in_dim3A_1395 : i32 to vector<16xi32>
          tpu.vector_store_idx %arg6[%broadcast_in_dim3A_1146, %broadcast_in_dim3A_1154, %add3A_1386, %broadcast_in_dim3A_1396], %broadcast_in_dim3A_3 masked %eq3A_1383 : memref<2x8x200x32xf32, #tpu.memory_space<vmem>>[vector<16xi32>, vector<16xi32>, vector<16xi32>, vector<16xi32>], vector<16xf32>, vector<16xi1>
          %broadcast_in_dim3A_1397 = arith.constant 5 : i32
          %broadcast_in_dim3A_1398 = vector.broadcast %broadcast_in_dim3A_1397 : i32 to vector<16xi32>
          tpu.vector_store_idx %arg6[%broadcast_in_dim3A_1146, %broadcast_in_dim3A_1154, %add3A_1386, %broadcast_in_dim3A_1398], %broadcast_in_dim3A_3 masked %eq3A_1383 : memref<2x8x200x32xf32, #tpu.memory_space<vmem>>[vector<16xi32>, vector<16xi32>, vector<16xi32>, vector<16xi32>], vector<16xf32>, vector<16xi1>
          %broadcast_in_dim3A_1399 = arith.constant 6 : i32
          %broadcast_in_dim3A_1400 = vector.broadcast %broadcast_in_dim3A_1399 : i32 to vector<16xi32>
          tpu.vector_store_idx %arg6[%broadcast_in_dim3A_1146, %broadcast_in_dim3A_1154, %add3A_1386, %broadcast_in_dim3A_1400], %broadcast_in_dim3A_3 masked %eq3A_1383 : memref<2x8x200x32xf32, #tpu.memory_space<vmem>>[vector<16xi32>, vector<16xi32>, vector<16xi32>, vector<16xi32>], vector<16xf32>, vector<16xi1>
          %broadcast_in_dim3A_1401 = arith.constant 7 : i32
          %broadcast_in_dim3A_1402 = vector.broadcast %broadcast_in_dim3A_1401 : i32 to vector<16xi32>
          tpu.vector_store_idx %arg6[%broadcast_in_dim3A_1146, %broadcast_in_dim3A_1154, %add3A_1386, %broadcast_in_dim3A_1402], %broadcast_in_dim3A_3 masked %eq3A_1383 : memref<2x8x200x32xf32, #tpu.memory_space<vmem>>[vector<16xi32>, vector<16xi32>, vector<16xi32>, vector<16xi32>], vector<16xf32>, vector<16xi1>
          %broadcast_in_dim3A_1403 = arith.constant 8 : i32
          %broadcast_in_dim3A_1404 = vector.broadcast %broadcast_in_dim3A_1403 : i32 to vector<16xi32>
          tpu.vector_store_idx %arg6[%broadcast_in_dim3A_1146, %broadcast_in_dim3A_1154, %add3A_1386, %broadcast_in_dim3A_1404], %broadcast_in_dim3A_3 masked %eq3A_1383 : memref<2x8x200x32xf32, #tpu.memory_space<vmem>>[vector<16xi32>, vector<16xi32>, vector<16xi32>, vector<16xi32>], vector<16xf32>, vector<16xi1>
          %broadcast_in_dim3A_1405 = arith.constant 9 : i32
          %broadcast_in_dim3A_1406 = vector.broadcast %broadcast_in_dim3A_1405 : i32 to vector<16xi32>
          tpu.vector_store_idx %arg6[%broadcast_in_dim3A_1146, %broadcast_in_dim3A_1154, %add3A_1386, %broadcast_in_dim3A_1406], %broadcast_in_dim3A_3 masked %eq3A_1383 : memref<2x8x200x32xf32, #tpu.memory_space<vmem>>[vector<16xi32>, vector<16xi32>, vector<16xi32>, vector<16xi32>], vector<16xf32>, vector<16xi1>
          %broadcast_in_dim3A_1407 = arith.constant 10 : i32
          %broadcast_in_dim3A_1408 = vector.broadcast %broadcast_in_dim3A_1407 : i32 to vector<16xi32>
          tpu.vector_store_idx %arg6[%broadcast_in_dim3A_1146, %broadcast_in_dim3A_1154, %add3A_1386, %broadcast_in_dim3A_1408], %broadcast_in_dim3A_3 masked %eq3A_1383 : memref<2x8x200x32xf32, #tpu.memory_space<vmem>>[vector<16xi32>, vector<16xi32>, vector<16xi32>, vector<16xi32>], vector<16xf32>, vector<16xi1>
          %broadcast_in_dim3A_1409 = arith.constant 11 : i32
          %broadcast_in_dim3A_1410 = vector.broadcast %broadcast_in_dim3A_1409 : i32 to vector<16xi32>
          tpu.vector_store_idx %arg6[%broadcast_in_dim3A_1146, %broadcast_in_dim3A_1154, %add3A_1386, %broadcast_in_dim3A_1410], %broadcast_in_dim3A_3 masked %eq3A_1383 : memref<2x8x200x32xf32, #tpu.memory_space<vmem>>[vector<16xi32>, vector<16xi32>, vector<16xi32>, vector<16xi32>], vector<16xf32>, vector<16xi1>
          %broadcast_in_dim3A_1411 = arith.constant 12 : i32
          %broadcast_in_dim3A_1412 = vector.broadcast %broadcast_in_dim3A_1411 : i32 to vector<16xi32>
          tpu.vector_store_idx %arg6[%broadcast_in_dim3A_1146, %broadcast_in_dim3A_1154, %add3A_1386, %broadcast_in_dim3A_1412], %broadcast_in_dim3A_3 masked %eq3A_1383 : memref<2x8x200x32xf32, #tpu.memory_space<vmem>>[vector<16xi32>, vector<16xi32>, vector<16xi32>, vector<16xi32>], vector<16xf32>, vector<16xi1>
          %broadcast_in_dim3A_1413 = arith.constant 13 : i32
          %broadcast_in_dim3A_1414 = vector.broadcast %broadcast_in_dim3A_1413 : i32 to vector<16xi32>
          tpu.vector_store_idx %arg6[%broadcast_in_dim3A_1146, %broadcast_in_dim3A_1154, %add3A_1386, %broadcast_in_dim3A_1414], %broadcast_in_dim3A_3 masked %eq3A_1383 : memref<2x8x200x32xf32, #tpu.memory_space<vmem>>[vector<16xi32>, vector<16xi32>, vector<16xi32>, vector<16xi32>], vector<16xf32>, vector<16xi1>
          %broadcast_in_dim3A_1415 = arith.constant 14 : i32
          %broadcast_in_dim3A_1416 = vector.broadcast %broadcast_in_dim3A_1415 : i32 to vector<16xi32>
          tpu.vector_store_idx %arg6[%broadcast_in_dim3A_1146, %broadcast_in_dim3A_1154, %add3A_1386, %broadcast_in_dim3A_1416], %broadcast_in_dim3A_3 masked %eq3A_1383 : memref<2x8x200x32xf32, #tpu.memory_space<vmem>>[vector<16xi32>, vector<16xi32>, vector<16xi32>, vector<16xi32>], vector<16xf32>, vector<16xi1>
          %broadcast_in_dim3A_1417 = arith.constant 15 : i32
          %broadcast_in_dim3A_1418 = vector.broadcast %broadcast_in_dim3A_1417 : i32 to vector<16xi32>
          tpu.vector_store_idx %arg6[%broadcast_in_dim3A_1146, %broadcast_in_dim3A_1154, %add3A_1386, %broadcast_in_dim3A_1418], %broadcast_in_dim3A_3 masked %eq3A_1383 : memref<2x8x200x32xf32, #tpu.memory_space<vmem>>[vector<16xi32>, vector<16xi32>, vector<16xi32>, vector<16xi32>], vector<16xf32>, vector<16xi1>
          %broadcast_in_dim3A_1419 = arith.constant 16 : i32
          %broadcast_in_dim3A_1420 = vector.broadcast %broadcast_in_dim3A_1419 : i32 to vector<16xi32>
          tpu.vector_store_idx %arg6[%broadcast_in_dim3A_1146, %broadcast_in_dim3A_1154, %add3A_1386, %broadcast_in_dim3A_1420], %broadcast_in_dim3A_3 masked %eq3A_1383 : memref<2x8x200x32xf32, #tpu.memory_space<vmem>>[vector<16xi32>, vector<16xi32>, vector<16xi32>, vector<16xi32>], vector<16xf32>, vector<16xi1>
          %broadcast_in_dim3A_1421 = arith.constant 17 : i32
          %broadcast_in_dim3A_1422 = vector.broadcast %broadcast_in_dim3A_1421 : i32 to vector<16xi32>
          tpu.vector_store_idx %arg6[%broadcast_in_dim3A_1146, %broadcast_in_dim3A_1154, %add3A_1386, %broadcast_in_dim3A_1422], %broadcast_in_dim3A_3 masked %eq3A_1383 : memref<2x8x200x32xf32, #tpu.memory_space<vmem>>[vector<16xi32>, vector<16xi32>, vector<16xi32>, vector<16xi32>], vector<16xf32>, vector<16xi1>
          %broadcast_in_dim3A_1423 = arith.constant 18 : i32
          %broadcast_in_dim3A_1424 = vector.broadcast %broadcast_in_dim3A_1423 : i32 to vector<16xi32>
          tpu.vector_store_idx %arg6[%broadcast_in_dim3A_1146, %broadcast_in_dim3A_1154, %add3A_1386, %broadcast_in_dim3A_1424], %broadcast_in_dim3A_3 masked %eq3A_1383 : memref<2x8x200x32xf32, #tpu.memory_space<vmem>>[vector<16xi32>, vector<16xi32>, vector<16xi32>, vector<16xi32>], vector<16xf32>, vector<16xi1>
          %broadcast_in_dim3A_1425 = arith.constant 19 : i32
          %broadcast_in_dim3A_1426 = vector.broadcast %broadcast_in_dim3A_1425 : i32 to vector<16xi32>
          tpu.vector_store_idx %arg6[%broadcast_in_dim3A_1146, %broadcast_in_dim3A_1154, %add3A_1386, %broadcast_in_dim3A_1426], %broadcast_in_dim3A_3 masked %eq3A_1383 : memref<2x8x200x32xf32, #tpu.memory_space<vmem>>[vector<16xi32>, vector<16xi32>, vector<16xi32>, vector<16xi32>], vector<16xf32>, vector<16xi1>
          %broadcast_in_dim3A_1427 = arith.constant 20 : i32
          %broadcast_in_dim3A_1428 = vector.broadcast %broadcast_in_dim3A_1427 : i32 to vector<16xi32>
          tpu.vector_store_idx %arg6[%broadcast_in_dim3A_1146, %broadcast_in_dim3A_1154, %add3A_1386, %broadcast_in_dim3A_1428], %broadcast_in_dim3A_3 masked %eq3A_1383 : memref<2x8x200x32xf32, #tpu.memory_space<vmem>>[vector<16xi32>, vector<16xi32>, vector<16xi32>, vector<16xi32>], vector<16xf32>, vector<16xi1>
          %broadcast_in_dim3A_1429 = arith.constant 21 : i32
          %broadcast_in_dim3A_1430 = vector.broadcast %broadcast_in_dim3A_1429 : i32 to vector<16xi32>
          tpu.vector_store_idx %arg6[%broadcast_in_dim3A_1146, %broadcast_in_dim3A_1154, %add3A_1386, %broadcast_in_dim3A_1430], %broadcast_in_dim3A_3 masked %eq3A_1383 : memref<2x8x200x32xf32, #tpu.memory_space<vmem>>[vector<16xi32>, vector<16xi32>, vector<16xi32>, vector<16xi32>], vector<16xf32>, vector<16xi1>
          %broadcast_in_dim3A_1431 = arith.constant 22 : i32
          %broadcast_in_dim3A_1432 = vector.broadcast %broadcast_in_dim3A_1431 : i32 to vector<16xi32>
          tpu.vector_store_idx %arg6[%broadcast_in_dim3A_1146, %broadcast_in_dim3A_1154, %add3A_1386, %broadcast_in_dim3A_1432], %broadcast_in_dim3A_3 masked %eq3A_1383 : memref<2x8x200x32xf32, #tpu.memory_space<vmem>>[vector<16xi32>, vector<16xi32>, vector<16xi32>, vector<16xi32>], vector<16xf32>, vector<16xi1>
          %broadcast_in_dim3A_1433 = arith.constant 23 : i32
          %broadcast_in_dim3A_1434 = vector.broadcast %broadcast_in_dim3A_1433 : i32 to vector<16xi32>
          tpu.vector_store_idx %arg6[%broadcast_in_dim3A_1146, %broadcast_in_dim3A_1154, %add3A_1386, %broadcast_in_dim3A_1434], %broadcast_in_dim3A_3 masked %eq3A_1383 : memref<2x8x200x32xf32, #tpu.memory_space<vmem>>[vector<16xi32>, vector<16xi32>, vector<16xi32>, vector<16xi32>], vector<16xf32>, vector<16xi1>
          %broadcast_in_dim3A_1435 = arith.constant 24 : i32
          %broadcast_in_dim3A_1436 = vector.broadcast %broadcast_in_dim3A_1435 : i32 to vector<16xi32>
          tpu.vector_store_idx %arg6[%broadcast_in_dim3A_1146, %broadcast_in_dim3A_1154, %add3A_1386, %broadcast_in_dim3A_1436], %broadcast_in_dim3A_3 masked %eq3A_1383 : memref<2x8x200x32xf32, #tpu.memory_space<vmem>>[vector<16xi32>, vector<16xi32>, vector<16xi32>, vector<16xi32>], vector<16xf32>, vector<16xi1>
          %broadcast_in_dim3A_1437 = arith.constant 25 : i32
          %broadcast_in_dim3A_1438 = vector.broadcast %broadcast_in_dim3A_1437 : i32 to vector<16xi32>
          tpu.vector_store_idx %arg6[%broadcast_in_dim3A_1146, %broadcast_in_dim3A_1154, %add3A_1386, %broadcast_in_dim3A_1438], %broadcast_in_dim3A_3 masked %eq3A_1383 : memref<2x8x200x32xf32, #tpu.memory_space<vmem>>[vector<16xi32>, vector<16xi32>, vector<16xi32>, vector<16xi32>], vector<16xf32>, vector<16xi1>
          %broadcast_in_dim3A_1439 = arith.constant 26 : i32
          %broadcast_in_dim3A_1440 = vector.broadcast %broadcast_in_dim3A_1439 : i32 to vector<16xi32>
          tpu.vector_store_idx %arg6[%broadcast_in_dim3A_1146, %broadcast_in_dim3A_1154, %add3A_1386, %broadcast_in_dim3A_1440], %broadcast_in_dim3A_3 masked %eq3A_1383 : memref<2x8x200x32xf32, #tpu.memory_space<vmem>>[vector<16xi32>, vector<16xi32>, vector<16xi32>, vector<16xi32>], vector<16xf32>, vector<16xi1>
          %broadcast_in_dim3A_1441 = arith.constant 27 : i32
          %broadcast_in_dim3A_1442 = vector.broadcast %broadcast_in_dim3A_1441 : i32 to vector<16xi32>
          tpu.vector_store_idx %arg6[%broadcast_in_dim3A_1146, %broadcast_in_dim3A_1154, %add3A_1386, %broadcast_in_dim3A_1442], %broadcast_in_dim3A_3 masked %eq3A_1383 : memref<2x8x200x32xf32, #tpu.memory_space<vmem>>[vector<16xi32>, vector<16xi32>, vector<16xi32>, vector<16xi32>], vector<16xf32>, vector<16xi1>
          %broadcast_in_dim3A_1443 = arith.constant 28 : i32
          %broadcast_in_dim3A_1444 = vector.broadcast %broadcast_in_dim3A_1443 : i32 to vector<16xi32>
          tpu.vector_store_idx %arg6[%broadcast_in_dim3A_1146, %broadcast_in_dim3A_1154, %add3A_1386, %broadcast_in_dim3A_1444], %broadcast_in_dim3A_3 masked %eq3A_1383 : memref<2x8x200x32xf32, #tpu.memory_space<vmem>>[vector<16xi32>, vector<16xi32>, vector<16xi32>, vector<16xi32>], vector<16xf32>, vector<16xi1>
          %broadcast_in_dim3A_1445 = arith.constant 29 : i32
          %broadcast_in_dim3A_1446 = vector.broadcast %broadcast_in_dim3A_1445 : i32 to vector<16xi32>
          tpu.vector_store_idx %arg6[%broadcast_in_dim3A_1146, %broadcast_in_dim3A_1154, %add3A_1386, %broadcast_in_dim3A_1446], %broadcast_in_dim3A_3 masked %eq3A_1383 : memref<2x8x200x32xf32, #tpu.memory_space<vmem>>[vector<16xi32>, vector<16xi32>, vector<16xi32>, vector<16xi32>], vector<16xf32>, vector<16xi1>
          %broadcast_in_dim3A_1447 = arith.constant 30 : i32
          %broadcast_in_dim3A_1448 = vector.broadcast %broadcast_in_dim3A_1447 : i32 to vector<16xi32>
          tpu.vector_store_idx %arg6[%broadcast_in_dim3A_1146, %broadcast_in_dim3A_1154, %add3A_1386, %broadcast_in_dim3A_1448], %broadcast_in_dim3A_3 masked %eq3A_1383 : memref<2x8x200x32xf32, #tpu.memory_space<vmem>>[vector<16xi32>, vector<16xi32>, vector<16xi32>, vector<16xi32>], vector<16xf32>, vector<16xi1>
          %broadcast_in_dim3A_1449 = arith.constant 31 : i32
          %broadcast_in_dim3A_1450 = vector.broadcast %broadcast_in_dim3A_1449 : i32 to vector<16xi32>
          tpu.vector_store_idx %arg6[%broadcast_in_dim3A_1146, %broadcast_in_dim3A_1154, %add3A_1386, %broadcast_in_dim3A_1450], %broadcast_in_dim3A_3 masked %eq3A_1383 : memref<2x8x200x32xf32, #tpu.memory_space<vmem>>[vector<16xi32>, vector<16xi32>, vector<16xi32>, vector<16xi32>], vector<16xf32>, vector<16xi1>
          %get3A_1451 = arith.index_cast %select_n3A_280 : i32 to index
          %get3A_1452 = arith.index_cast %scan3A_1153 : i32 to index
          %get3A_1453 = arith.constant 64 : index
          %get3A_1454 = tpu.vector_load %arg5[%get3A_1451, %get3A_1452, %get3A_1453] {strides = array<i32>} : memref<2x8x200xi32, #tpu.memory_space<vmem>>, vector<16xi32>,
          %eq3A_1455 = arith.constant 0 : i32
          %eq3A_1456 = vector.broadcast %eq3A_1455 : i32 to vector<16xi32>
          %eq3A_1457 = arith.cmpi eq, %get3A_1454, %eq3A_1456 : vector<16xi32>
          %add3A_1458 = arith.constant 64 : i32
          %add3A_1459 = vector.broadcast %add3A_1458 : i32 to vector<16xi32>
          %add3A_1460 = arith.addi %add3A_1459, %iota3A : vector<16xi32>
          %broadcast_in_dim3A_1461 = arith.constant 0 : i32
          %broadcast_in_dim3A_1462 = vector.broadcast %broadcast_in_dim3A_1461 : i32 to vector<16xi32>
          tpu.vector_store_idx %arg6[%broadcast_in_dim3A_1146, %broadcast_in_dim3A_1154, %add3A_1460, %broadcast_in_dim3A_1462], %broadcast_in_dim3A_3 masked %eq3A_1457 : memref<2x8x200x32xf32, #tpu.memory_space<vmem>>[vector<16xi32>, vector<16xi32>, vector<16xi32>, vector<16xi32>], vector<16xf32>, vector<16xi1>
          %broadcast_in_dim3A_1463 = arith.constant 1 : i32
          %broadcast_in_dim3A_1464 = vector.broadcast %broadcast_in_dim3A_1463 : i32 to vector<16xi32>
          tpu.vector_store_idx %arg6[%broadcast_in_dim3A_1146, %broadcast_in_dim3A_1154, %add3A_1460, %broadcast_in_dim3A_1464], %broadcast_in_dim3A_3 masked %eq3A_1457 : memref<2x8x200x32xf32, #tpu.memory_space<vmem>>[vector<16xi32>, vector<16xi32>, vector<16xi32>, vector<16xi32>], vector<16xf32>, vector<16xi1>
          %broadcast_in_dim3A_1465 = arith.constant 2 : i32
          %broadcast_in_dim3A_1466 = vector.broadcast %broadcast_in_dim3A_1465 : i32 to vector<16xi32>
          tpu.vector_store_idx %arg6[%broadcast_in_dim3A_1146, %broadcast_in_dim3A_1154, %add3A_1460, %broadcast_in_dim3A_1466], %broadcast_in_dim3A_3 masked %eq3A_1457 : memref<2x8x200x32xf32, #tpu.memory_space<vmem>>[vector<16xi32>, vector<16xi32>, vector<16xi32>, vector<16xi32>], vector<16xf32>, vector<16xi1>
          %broadcast_in_dim3A_1467 = arith.constant 3 : i32
          %broadcast_in_dim3A_1468 = vector.broadcast %broadcast_in_dim3A_1467 : i32 to vector<16xi32>
          tpu.vector_store_idx %arg6[%broadcast_in_dim3A_1146, %broadcast_in_dim3A_1154, %add3A_1460, %broadcast_in_dim3A_1468], %broadcast_in_dim3A_3 masked %eq3A_1457 : memref<2x8x200x32xf32, #tpu.memory_space<vmem>>[vector<16xi32>, vector<16xi32>, vector<16xi32>, vector<16xi32>], vector<16xf32>, vector<16xi1>
          %broadcast_in_dim3A_1469 = arith.constant 4 : i32
          %broadcast_in_dim3A_1470 = vector.broadcast %broadcast_in_dim3A_1469 : i32 to vector<16xi32>
          tpu.vector_store_idx %arg6[%broadcast_in_dim3A_1146, %broadcast_in_dim3A_1154, %add3A_1460, %broadcast_in_dim3A_1470], %broadcast_in_dim3A_3 masked %eq3A_1457 : memref<2x8x200x32xf32, #tpu.memory_space<vmem>>[vector<16xi32>, vector<16xi32>, vector<16xi32>, vector<16xi32>], vector<16xf32>, vector<16xi1>
          %broadcast_in_dim3A_1471 = arith.constant 5 : i32
          %broadcast_in_dim3A_1472 = vector.broadcast %broadcast_in_dim3A_1471 : i32 to vector<16xi32>
          tpu.vector_store_idx %arg6[%broadcast_in_dim3A_1146, %broadcast_in_dim3A_1154, %add3A_1460, %broadcast_in_dim3A_1472], %broadcast_in_dim3A_3 masked %eq3A_1457 : memref<2x8x200x32xf32, #tpu.memory_space<vmem>>[vector<16xi32>, vector<16xi32>, vector<16xi32>, vector<16xi32>], vector<16xf32>, vector<16xi1>
          %broadcast_in_dim3A_1473 = arith.constant 6 : i32
          %broadcast_in_dim3A_1474 = vector.broadcast %broadcast_in_dim3A_1473 : i32 to vector<16xi32>
          tpu.vector_store_idx %arg6[%broadcast_in_dim3A_1146, %broadcast_in_dim3A_1154, %add3A_1460, %broadcast_in_dim3A_1474], %broadcast_in_dim3A_3 masked %eq3A_1457 : memref<2x8x200x32xf32, #tpu.memory_space<vmem>>[vector<16xi32>, vector<16xi32>, vector<16xi32>, vector<16xi32>], vector<16xf32>, vector<16xi1>
          %broadcast_in_dim3A_1475 = arith.constant 7 : i32
          %broadcast_in_dim3A_1476 = vector.broadcast %broadcast_in_dim3A_1475 : i32 to vector<16xi32>
          tpu.vector_store_idx %arg6[%broadcast_in_dim3A_1146, %broadcast_in_dim3A_1154, %add3A_1460, %broadcast_in_dim3A_1476], %broadcast_in_dim3A_3 masked %eq3A_1457 : memref<2x8x200x32xf32, #tpu.memory_space<vmem>>[vector<16xi32>, vector<16xi32>, vector<16xi32>, vector<16xi32>], vector<16xf32>, vector<16xi1>
          %broadcast_in_dim3A_1477 = arith.constant 8 : i32
          %broadcast_in_dim3A_1478 = vector.broadcast %broadcast_in_dim3A_1477 : i32 to vector<16xi32>
          tpu.vector_store_idx %arg6[%broadcast_in_dim3A_1146, %broadcast_in_dim3A_1154, %add3A_1460, %broadcast_in_dim3A_1478], %broadcast_in_dim3A_3 masked %eq3A_1457 : memref<2x8x200x32xf32, #tpu.memory_space<vmem>>[vector<16xi32>, vector<16xi32>, vector<16xi32>, vector<16xi32>], vector<16xf32>, vector<16xi1>
          %broadcast_in_dim3A_1479 = arith.constant 9 : i32
          %broadcast_in_dim3A_1480 = vector.broadcast %broadcast_in_dim3A_1479 : i32 to vector<16xi32>
          tpu.vector_store_idx %arg6[%broadcast_in_dim3A_1146, %broadcast_in_dim3A_1154, %add3A_1460, %broadcast_in_dim3A_1480], %broadcast_in_dim3A_3 masked %eq3A_1457 : memref<2x8x200x32xf32, #tpu.memory_space<vmem>>[vector<16xi32>, vector<16xi32>, vector<16xi32>, vector<16xi32>], vector<16xf32>, vector<16xi1>
          %broadcast_in_dim3A_1481 = arith.constant 10 : i32
          %broadcast_in_dim3A_1482 = vector.broadcast %broadcast_in_dim3A_1481 : i32 to vector<16xi32>
          tpu.vector_store_idx %arg6[%broadcast_in_dim3A_1146, %broadcast_in_dim3A_1154, %add3A_1460, %broadcast_in_dim3A_1482], %broadcast_in_dim3A_3 masked %eq3A_1457 : memref<2x8x200x32xf32, #tpu.memory_space<vmem>>[vector<16xi32>, vector<16xi32>, vector<16xi32>, vector<16xi32>], vector<16xf32>, vector<16xi1>
          %broadcast_in_dim3A_1483 = arith.constant 11 : i32
          %broadcast_in_dim3A_1484 = vector.broadcast %broadcast_in_dim3A_1483 : i32 to vector<16xi32>
          tpu.vector_store_idx %arg6[%broadcast_in_dim3A_1146, %broadcast_in_dim3A_1154, %add3A_1460, %broadcast_in_dim3A_1484], %broadcast_in_dim3A_3 masked %eq3A_1457 : memref<2x8x200x32xf32, #tpu.memory_space<vmem>>[vector<16xi32>, vector<16xi32>, vector<16xi32>, vector<16xi32>], vector<16xf32>, vector<16xi1>
          %broadcast_in_dim3A_1485 = arith.constant 12 : i32
          %broadcast_in_dim3A_1486 = vector.broadcast %broadcast_in_dim3A_1485 : i32 to vector<16xi32>
          tpu.vector_store_idx %arg6[%broadcast_in_dim3A_1146, %broadcast_in_dim3A_1154, %add3A_1460, %broadcast_in_dim3A_1486], %broadcast_in_dim3A_3 masked %eq3A_1457 : memref<2x8x200x32xf32, #tpu.memory_space<vmem>>[vector<16xi32>, vector<16xi32>, vector<16xi32>, vector<16xi32>], vector<16xf32>, vector<16xi1>
          %broadcast_in_dim3A_1487 = arith.constant 13 : i32
          %broadcast_in_dim3A_1488 = vector.broadcast %broadcast_in_dim3A_1487 : i32 to vector<16xi32>
          tpu.vector_store_idx %arg6[%broadcast_in_dim3A_1146, %broadcast_in_dim3A_1154, %add3A_1460, %broadcast_in_dim3A_1488], %broadcast_in_dim3A_3 masked %eq3A_1457 : memref<2x8x200x32xf32, #tpu.memory_space<vmem>>[vector<16xi32>, vector<16xi32>, vector<16xi32>, vector<16xi32>], vector<16xf32>, vector<16xi1>
          %broadcast_in_dim3A_1489 = arith.constant 14 : i32
          %broadcast_in_dim3A_1490 = vector.broadcast %broadcast_in_dim3A_1489 : i32 to vector<16xi32>
          tpu.vector_store_idx %arg6[%broadcast_in_dim3A_1146, %broadcast_in_dim3A_1154, %add3A_1460, %broadcast_in_dim3A_1490], %broadcast_in_dim3A_3 masked %eq3A_1457 : memref<2x8x200x32xf32, #tpu.memory_space<vmem>>[vector<16xi32>, vector<16xi32>, vector<16xi32>, vector<16xi32>], vector<16xf32>, vector<16xi1>
          %broadcast_in_dim3A_1491 = arith.constant 15 : i32
          %broadcast_in_dim3A_1492 = vector.broadcast %broadcast_in_dim3A_1491 : i32 to vector<16xi32>
          tpu.vector_store_idx %arg6[%broadcast_in_dim3A_1146, %broadcast_in_dim3A_1154, %add3A_1460, %broadcast_in_dim3A_1492], %broadcast_in_dim3A_3 masked %eq3A_1457 : memref<2x8x200x32xf32, #tpu.memory_space<vmem>>[vector<16xi32>, vector<16xi32>, vector<16xi32>, vector<16xi32>], vector<16xf32>, vector<16xi1>
          %broadcast_in_dim3A_1493 = arith.constant 16 : i32
          %broadcast_in_dim3A_1494 = vector.broadcast %broadcast_in_dim3A_1493 : i32 to vector<16xi32>
          tpu.vector_store_idx %arg6[%broadcast_in_dim3A_1146, %broadcast_in_dim3A_1154, %add3A_1460, %broadcast_in_dim3A_1494], %broadcast_in_dim3A_3 masked %eq3A_1457 : memref<2x8x200x32xf32, #tpu.memory_space<vmem>>[vector<16xi32>, vector<16xi32>, vector<16xi32>, vector<16xi32>], vector<16xf32>, vector<16xi1>
          %broadcast_in_dim3A_1495 = arith.constant 17 : i32
          %broadcast_in_dim3A_1496 = vector.broadcast %broadcast_in_dim3A_1495 : i32 to vector<16xi32>
          tpu.vector_store_idx %arg6[%broadcast_in_dim3A_1146, %broadcast_in_dim3A_1154, %add3A_1460, %broadcast_in_dim3A_1496], %broadcast_in_dim3A_3 masked %eq3A_1457 : memref<2x8x200x32xf32, #tpu.memory_space<vmem>>[vector<16xi32>, vector<16xi32>, vector<16xi32>, vector<16xi32>], vector<16xf32>, vector<16xi1>
          %broadcast_in_dim3A_1497 = arith.constant 18 : i32
          %broadcast_in_dim3A_1498 = vector.broadcast %broadcast_in_dim3A_1497 : i32 to vector<16xi32>
          tpu.vector_store_idx %arg6[%broadcast_in_dim3A_1146, %broadcast_in_dim3A_1154, %add3A_1460, %broadcast_in_dim3A_1498], %broadcast_in_dim3A_3 masked %eq3A_1457 : memref<2x8x200x32xf32, #tpu.memory_space<vmem>>[vector<16xi32>, vector<16xi32>, vector<16xi32>, vector<16xi32>], vector<16xf32>, vector<16xi1>
          %broadcast_in_dim3A_1499 = arith.constant 19 : i32
          %broadcast_in_dim3A_1500 = vector.broadcast %broadcast_in_dim3A_1499 : i32 to vector<16xi32>
          tpu.vector_store_idx %arg6[%broadcast_in_dim3A_1146, %broadcast_in_dim3A_1154, %add3A_1460, %broadcast_in_dim3A_1500], %broadcast_in_dim3A_3 masked %eq3A_1457 : memref<2x8x200x32xf32, #tpu.memory_space<vmem>>[vector<16xi32>, vector<16xi32>, vector<16xi32>, vector<16xi32>], vector<16xf32>, vector<16xi1>
          %broadcast_in_dim3A_1501 = arith.constant 20 : i32
          %broadcast_in_dim3A_1502 = vector.broadcast %broadcast_in_dim3A_1501 : i32 to vector<16xi32>
          tpu.vector_store_idx %arg6[%broadcast_in_dim3A_1146, %broadcast_in_dim3A_1154, %add3A_1460, %broadcast_in_dim3A_1502], %broadcast_in_dim3A_3 masked %eq3A_1457 : memref<2x8x200x32xf32, #tpu.memory_space<vmem>>[vector<16xi32>, vector<16xi32>, vector<16xi32>, vector<16xi32>], vector<16xf32>, vector<16xi1>
          %broadcast_in_dim3A_1503 = arith.constant 21 : i32
          %broadcast_in_dim3A_1504 = vector.broadcast %broadcast_in_dim3A_1503 : i32 to vector<16xi32>
          tpu.vector_store_idx %arg6[%broadcast_in_dim3A_1146, %broadcast_in_dim3A_1154, %add3A_1460, %broadcast_in_dim3A_1504], %broadcast_in_dim3A_3 masked %eq3A_1457 : memref<2x8x200x32xf32, #tpu.memory_space<vmem>>[vector<16xi32>, vector<16xi32>, vector<16xi32>, vector<16xi32>], vector<16xf32>, vector<16xi1>
          %broadcast_in_dim3A_1505 = arith.constant 22 : i32
          %broadcast_in_dim3A_1506 = vector.broadcast %broadcast_in_dim3A_1505 : i32 to vector<16xi32>
          tpu.vector_store_idx %arg6[%broadcast_in_dim3A_1146, %broadcast_in_dim3A_1154, %add3A_1460, %broadcast_in_dim3A_1506], %broadcast_in_dim3A_3 masked %eq3A_1457 : memref<2x8x200x32xf32, #tpu.memory_space<vmem>>[vector<16xi32>, vector<16xi32>, vector<16xi32>, vector<16xi32>], vector<16xf32>, vector<16xi1>
          %broadcast_in_dim3A_1507 = arith.constant 23 : i32
          %broadcast_in_dim3A_1508 = vector.broadcast %broadcast_in_dim3A_1507 : i32 to vector<16xi32>
          tpu.vector_store_idx %arg6[%broadcast_in_dim3A_1146, %broadcast_in_dim3A_1154, %add3A_1460, %broadcast_in_dim3A_1508], %broadcast_in_dim3A_3 masked %eq3A_1457 : memref<2x8x200x32xf32, #tpu.memory_space<vmem>>[vector<16xi32>, vector<16xi32>, vector<16xi32>, vector<16xi32>], vector<16xf32>, vector<16xi1>
          %broadcast_in_dim3A_1509 = arith.constant 24 : i32
          %broadcast_in_dim3A_1510 = vector.broadcast %broadcast_in_dim3A_1509 : i32 to vector<16xi32>
          tpu.vector_store_idx %arg6[%broadcast_in_dim3A_1146, %broadcast_in_dim3A_1154, %add3A_1460, %broadcast_in_dim3A_1510], %broadcast_in_dim3A_3 masked %eq3A_1457 : memref<2x8x200x32xf32, #tpu.memory_space<vmem>>[vector<16xi32>, vector<16xi32>, vector<16xi32>, vector<16xi32>], vector<16xf32>, vector<16xi1>
          %broadcast_in_dim3A_1511 = arith.constant 25 : i32
          %broadcast_in_dim3A_1512 = vector.broadcast %broadcast_in_dim3A_1511 : i32 to vector<16xi32>
          tpu.vector_store_idx %arg6[%broadcast_in_dim3A_1146, %broadcast_in_dim3A_1154, %add3A_1460, %broadcast_in_dim3A_1512], %broadcast_in_dim3A_3 masked %eq3A_1457 : memref<2x8x200x32xf32, #tpu.memory_space<vmem>>[vector<16xi32>, vector<16xi32>, vector<16xi32>, vector<16xi32>], vector<16xf32>, vector<16xi1>
          %broadcast_in_dim3A_1513 = arith.constant 26 : i32
          %broadcast_in_dim3A_1514 = vector.broadcast %broadcast_in_dim3A_1513 : i32 to vector<16xi32>
          tpu.vector_store_idx %arg6[%broadcast_in_dim3A_1146, %broadcast_in_dim3A_1154, %add3A_1460, %broadcast_in_dim3A_1514], %broadcast_in_dim3A_3 masked %eq3A_1457 : memref<2x8x200x32xf32, #tpu.memory_space<vmem>>[vector<16xi32>, vector<16xi32>, vector<16xi32>, vector<16xi32>], vector<16xf32>, vector<16xi1>
          %broadcast_in_dim3A_1515 = arith.constant 27 : i32
          %broadcast_in_dim3A_1516 = vector.broadcast %broadcast_in_dim3A_1515 : i32 to vector<16xi32>
          tpu.vector_store_idx %arg6[%broadcast_in_dim3A_1146, %broadcast_in_dim3A_1154, %add3A_1460, %broadcast_in_dim3A_1516], %broadcast_in_dim3A_3 masked %eq3A_1457 : memref<2x8x200x32xf32, #tpu.memory_space<vmem>>[vector<16xi32>, vector<16xi32>, vector<16xi32>, vector<16xi32>], vector<16xf32>, vector<16xi1>
          %broadcast_in_dim3A_1517 = arith.constant 28 : i32
          %broadcast_in_dim3A_1518 = vector.broadcast %broadcast_in_dim3A_1517 : i32 to vector<16xi32>
          tpu.vector_store_idx %arg6[%broadcast_in_dim3A_1146, %broadcast_in_dim3A_1154, %add3A_1460, %broadcast_in_dim3A_1518], %broadcast_in_dim3A_3 masked %eq3A_1457 : memref<2x8x200x32xf32, #tpu.memory_space<vmem>>[vector<16xi32>, vector<16xi32>, vector<16xi32>, vector<16xi32>], vector<16xf32>, vector<16xi1>
          %broadcast_in_dim3A_1519 = arith.constant 29 : i32
          %broadcast_in_dim3A_1520 = vector.broadcast %broadcast_in_dim3A_1519 : i32 to vector<16xi32>
          tpu.vector_store_idx %arg6[%broadcast_in_dim3A_1146, %broadcast_in_dim3A_1154, %add3A_1460, %broadcast_in_dim3A_1520], %broadcast_in_dim3A_3 masked %eq3A_1457 : memref<2x8x200x32xf32, #tpu.memory_space<vmem>>[vector<16xi32>, vector<16xi32>, vector<16xi32>, vector<16xi32>], vector<16xf32>, vector<16xi1>
          %broadcast_in_dim3A_1521 = arith.constant 30 : i32
          %broadcast_in_dim3A_1522 = vector.broadcast %broadcast_in_dim3A_1521 : i32 to vector<16xi32>
          tpu.vector_store_idx %arg6[%broadcast_in_dim3A_1146, %broadcast_in_dim3A_1154, %add3A_1460, %broadcast_in_dim3A_1522], %broadcast_in_dim3A_3 masked %eq3A_1457 : memref<2x8x200x32xf32, #tpu.memory_space<vmem>>[vector<16xi32>, vector<16xi32>, vector<16xi32>, vector<16xi32>], vector<16xf32>, vector<16xi1>
          %broadcast_in_dim3A_1523 = arith.constant 31 : i32
          %broadcast_in_dim3A_1524 = vector.broadcast %broadcast_in_dim3A_1523 : i32 to vector<16xi32>
          tpu.vector_store_idx %arg6[%broadcast_in_dim3A_1146, %broadcast_in_dim3A_1154, %add3A_1460, %broadcast_in_dim3A_1524], %broadcast_in_dim3A_3 masked %eq3A_1457 : memref<2x8x200x32xf32, #tpu.memory_space<vmem>>[vector<16xi32>, vector<16xi32>, vector<16xi32>, vector<16xi32>], vector<16xf32>, vector<16xi1>
          %get3A_1525 = arith.index_cast %select_n3A_280 : i32 to index
          %get3A_1526 = arith.index_cast %scan3A_1153 : i32 to index
          %get3A_1527 = arith.constant 80 : index
          %get3A_1528 = tpu.vector_load %arg5[%get3A_1525, %get3A_1526, %get3A_1527] {strides = array<i32>} : memref<2x8x200xi32, #tpu.memory_space<vmem>>, vector<16xi32>,
          %eq3A_1529 = arith.constant 0 : i32
          %eq3A_1530 = vector.broadcast %eq3A_1529 : i32 to vector<16xi32>
          %eq3A_1531 = arith.cmpi eq, %get3A_1528, %eq3A_1530 : vector<16xi32>
          %add3A_1532 = arith.constant 80 : i32
          %add3A_1533 = vector.broadcast %add3A_1532 : i32 to vector<16xi32>
          %add3A_1534 = arith.addi %add3A_1533, %iota3A : vector<16xi32>
          %broadcast_in_dim3A_1535 = arith.constant 0 : i32
          %broadcast_in_dim3A_1536 = vector.broadcast %broadcast_in_dim3A_1535 : i32 to vector<16xi32>
          tpu.vector_store_idx %arg6[%broadcast_in_dim3A_1146, %broadcast_in_dim3A_1154, %add3A_1534, %broadcast_in_dim3A_1536], %broadcast_in_dim3A_3 masked %eq3A_1531 : memref<2x8x200x32xf32, #tpu.memory_space<vmem>>[vector<16xi32>, vector<16xi32>, vector<16xi32>, vector<16xi32>], vector<16xf32>, vector<16xi1>
          %broadcast_in_dim3A_1537 = arith.constant 1 : i32
          %broadcast_in_dim3A_1538 = vector.broadcast %broadcast_in_dim3A_1537 : i32 to vector<16xi32>
          tpu.vector_store_idx %arg6[%broadcast_in_dim3A_1146, %broadcast_in_dim3A_1154, %add3A_1534, %broadcast_in_dim3A_1538], %broadcast_in_dim3A_3 masked %eq3A_1531 : memref<2x8x200x32xf32, #tpu.memory_space<vmem>>[vector<16xi32>, vector<16xi32>, vector<16xi32>, vector<16xi32>], vector<16xf32>, vector<16xi1>
          %broadcast_in_dim3A_1539 = arith.constant 2 : i32
          %broadcast_in_dim3A_1540 = vector.broadcast %broadcast_in_dim3A_1539 : i32 to vector<16xi32>
          tpu.vector_store_idx %arg6[%broadcast_in_dim3A_1146, %broadcast_in_dim3A_1154, %add3A_1534, %broadcast_in_dim3A_1540], %broadcast_in_dim3A_3 masked %eq3A_1531 : memref<2x8x200x32xf32, #tpu.memory_space<vmem>>[vector<16xi32>, vector<16xi32>, vector<16xi32>, vector<16xi32>], vector<16xf32>, vector<16xi1>
          %broadcast_in_dim3A_1541 = arith.constant 3 : i32
          %broadcast_in_dim3A_1542 = vector.broadcast %broadcast_in_dim3A_1541 : i32 to vector<16xi32>
          tpu.vector_store_idx %arg6[%broadcast_in_dim3A_1146, %broadcast_in_dim3A_1154, %add3A_1534, %broadcast_in_dim3A_1542], %broadcast_in_dim3A_3 masked %eq3A_1531 : memref<2x8x200x32xf32, #tpu.memory_space<vmem>>[vector<16xi32>, vector<16xi32>, vector<16xi32>, vector<16xi32>], vector<16xf32>, vector<16xi1>
          %broadcast_in_dim3A_1543 = arith.constant 4 : i32
          %broadcast_in_dim3A_1544 = vector.broadcast %broadcast_in_dim3A_1543 : i32 to vector<16xi32>
          tpu.vector_store_idx %arg6[%broadcast_in_dim3A_1146, %broadcast_in_dim3A_1154, %add3A_1534, %broadcast_in_dim3A_1544], %broadcast_in_dim3A_3 masked %eq3A_1531 : memref<2x8x200x32xf32, #tpu.memory_space<vmem>>[vector<16xi32>, vector<16xi32>, vector<16xi32>, vector<16xi32>], vector<16xf32>, vector<16xi1>
          %broadcast_in_dim3A_1545 = arith.constant 5 : i32
          %broadcast_in_dim3A_1546 = vector.broadcast %broadcast_in_dim3A_1545 : i32 to vector<16xi32>
          tpu.vector_store_idx %arg6[%broadcast_in_dim3A_1146, %broadcast_in_dim3A_1154, %add3A_1534, %broadcast_in_dim3A_1546], %broadcast_in_dim3A_3 masked %eq3A_1531 : memref<2x8x200x32xf32, #tpu.memory_space<vmem>>[vector<16xi32>, vector<16xi32>, vector<16xi32>, vector<16xi32>], vector<16xf32>, vector<16xi1>
          %broadcast_in_dim3A_1547 = arith.constant 6 : i32
          %broadcast_in_dim3A_1548 = vector.broadcast %broadcast_in_dim3A_1547 : i32 to vector<16xi32>
          tpu.vector_store_idx %arg6[%broadcast_in_dim3A_1146, %broadcast_in_dim3A_1154, %add3A_1534, %broadcast_in_dim3A_1548], %broadcast_in_dim3A_3 masked %eq3A_1531 : memref<2x8x200x32xf32, #tpu.memory_space<vmem>>[vector<16xi32>, vector<16xi32>, vector<16xi32>, vector<16xi32>], vector<16xf32>, vector<16xi1>
          %broadcast_in_dim3A_1549 = arith.constant 7 : i32
          %broadcast_in_dim3A_1550 = vector.broadcast %broadcast_in_dim3A_1549 : i32 to vector<16xi32>
          tpu.vector_store_idx %arg6[%broadcast_in_dim3A_1146, %broadcast_in_dim3A_1154, %add3A_1534, %broadcast_in_dim3A_1550], %broadcast_in_dim3A_3 masked %eq3A_1531 : memref<2x8x200x32xf32, #tpu.memory_space<vmem>>[vector<16xi32>, vector<16xi32>, vector<16xi32>, vector<16xi32>], vector<16xf32>, vector<16xi1>
          %broadcast_in_dim3A_1551 = arith.constant 8 : i32
          %broadcast_in_dim3A_1552 = vector.broadcast %broadcast_in_dim3A_1551 : i32 to vector<16xi32>
          tpu.vector_store_idx %arg6[%broadcast_in_dim3A_1146, %broadcast_in_dim3A_1154, %add3A_1534, %broadcast_in_dim3A_1552], %broadcast_in_dim3A_3 masked %eq3A_1531 : memref<2x8x200x32xf32, #tpu.memory_space<vmem>>[vector<16xi32>, vector<16xi32>, vector<16xi32>, vector<16xi32>], vector<16xf32>, vector<16xi1>
          %broadcast_in_dim3A_1553 = arith.constant 9 : i32
          %broadcast_in_dim3A_1554 = vector.broadcast %broadcast_in_dim3A_1553 : i32 to vector<16xi32>
          tpu.vector_store_idx %arg6[%broadcast_in_dim3A_1146, %broadcast_in_dim3A_1154, %add3A_1534, %broadcast_in_dim3A_1554], %broadcast_in_dim3A_3 masked %eq3A_1531 : memref<2x8x200x32xf32, #tpu.memory_space<vmem>>[vector<16xi32>, vector<16xi32>, vector<16xi32>, vector<16xi32>], vector<16xf32>, vector<16xi1>
          %broadcast_in_dim3A_1555 = arith.constant 10 : i32
          %broadcast_in_dim3A_1556 = vector.broadcast %broadcast_in_dim3A_1555 : i32 to vector<16xi32>
          tpu.vector_store_idx %arg6[%broadcast_in_dim3A_1146, %broadcast_in_dim3A_1154, %add3A_1534, %broadcast_in_dim3A_1556], %broadcast_in_dim3A_3 masked %eq3A_1531 : memref<2x8x200x32xf32, #tpu.memory_space<vmem>>[vector<16xi32>, vector<16xi32>, vector<16xi32>, vector<16xi32>], vector<16xf32>, vector<16xi1>
          %broadcast_in_dim3A_1557 = arith.constant 11 : i32
          %broadcast_in_dim3A_1558 = vector.broadcast %broadcast_in_dim3A_1557 : i32 to vector<16xi32>
          tpu.vector_store_idx %arg6[%broadcast_in_dim3A_1146, %broadcast_in_dim3A_1154, %add3A_1534, %broadcast_in_dim3A_1558], %broadcast_in_dim3A_3 masked %eq3A_1531 : memref<2x8x200x32xf32, #tpu.memory_space<vmem>>[vector<16xi32>, vector<16xi32>, vector<16xi32>, vector<16xi32>], vector<16xf32>, vector<16xi1>
          %broadcast_in_dim3A_1559 = arith.constant 12 : i32
          %broadcast_in_dim3A_1560 = vector.broadcast %broadcast_in_dim3A_1559 : i32 to vector<16xi32>
          tpu.vector_store_idx %arg6[%broadcast_in_dim3A_1146, %broadcast_in_dim3A_1154, %add3A_1534, %broadcast_in_dim3A_1560], %broadcast_in_dim3A_3 masked %eq3A_1531 : memref<2x8x200x32xf32, #tpu.memory_space<vmem>>[vector<16xi32>, vector<16xi32>, vector<16xi32>, vector<16xi32>], vector<16xf32>, vector<16xi1>
          %broadcast_in_dim3A_1561 = arith.constant 13 : i32
          %broadcast_in_dim3A_1562 = vector.broadcast %broadcast_in_dim3A_1561 : i32 to vector<16xi32>
          tpu.vector_store_idx %arg6[%broadcast_in_dim3A_1146, %broadcast_in_dim3A_1154, %add3A_1534, %broadcast_in_dim3A_1562], %broadcast_in_dim3A_3 masked %eq3A_1531 : memref<2x8x200x32xf32, #tpu.memory_space<vmem>>[vector<16xi32>, vector<16xi32>, vector<16xi32>, vector<16xi32>], vector<16xf32>, vector<16xi1>
          %broadcast_in_dim3A_1563 = arith.constant 14 : i32
          %broadcast_in_dim3A_1564 = vector.broadcast %broadcast_in_dim3A_1563 : i32 to vector<16xi32>
          tpu.vector_store_idx %arg6[%broadcast_in_dim3A_1146, %broadcast_in_dim3A_1154, %add3A_1534, %broadcast_in_dim3A_1564], %broadcast_in_dim3A_3 masked %eq3A_1531 : memref<2x8x200x32xf32, #tpu.memory_space<vmem>>[vector<16xi32>, vector<16xi32>, vector<16xi32>, vector<16xi32>], vector<16xf32>, vector<16xi1>
          %broadcast_in_dim3A_1565 = arith.constant 15 : i32
          %broadcast_in_dim3A_1566 = vector.broadcast %broadcast_in_dim3A_1565 : i32 to vector<16xi32>
          tpu.vector_store_idx %arg6[%broadcast_in_dim3A_1146, %broadcast_in_dim3A_1154, %add3A_1534, %broadcast_in_dim3A_1566], %broadcast_in_dim3A_3 masked %eq3A_1531 : memref<2x8x200x32xf32, #tpu.memory_space<vmem>>[vector<16xi32>, vector<16xi32>, vector<16xi32>, vector<16xi32>], vector<16xf32>, vector<16xi1>
          %broadcast_in_dim3A_1567 = arith.constant 16 : i32
          %broadcast_in_dim3A_1568 = vector.broadcast %broadcast_in_dim3A_1567 : i32 to vector<16xi32>
          tpu.vector_store_idx %arg6[%broadcast_in_dim3A_1146, %broadcast_in_dim3A_1154, %add3A_1534, %broadcast_in_dim3A_1568], %broadcast_in_dim3A_3 masked %eq3A_1531 : memref<2x8x200x32xf32, #tpu.memory_space<vmem>>[vector<16xi32>, vector<16xi32>, vector<16xi32>, vector<16xi32>], vector<16xf32>, vector<16xi1>
          %broadcast_in_dim3A_1569 = arith.constant 17 : i32
          %broadcast_in_dim3A_1570 = vector.broadcast %broadcast_in_dim3A_1569 : i32 to vector<16xi32>
          tpu.vector_store_idx %arg6[%broadcast_in_dim3A_1146, %broadcast_in_dim3A_1154, %add3A_1534, %broadcast_in_dim3A_1570], %broadcast_in_dim3A_3 masked %eq3A_1531 : memref<2x8x200x32xf32, #tpu.memory_space<vmem>>[vector<16xi32>, vector<16xi32>, vector<16xi32>, vector<16xi32>], vector<16xf32>, vector<16xi1>
          %broadcast_in_dim3A_1571 = arith.constant 18 : i32
          %broadcast_in_dim3A_1572 = vector.broadcast %broadcast_in_dim3A_1571 : i32 to vector<16xi32>
          tpu.vector_store_idx %arg6[%broadcast_in_dim3A_1146, %broadcast_in_dim3A_1154, %add3A_1534, %broadcast_in_dim3A_1572], %broadcast_in_dim3A_3 masked %eq3A_1531 : memref<2x8x200x32xf32, #tpu.memory_space<vmem>>[vector<16xi32>, vector<16xi32>, vector<16xi32>, vector<16xi32>], vector<16xf32>, vector<16xi1>
          %broadcast_in_dim3A_1573 = arith.constant 19 : i32
          %broadcast_in_dim3A_1574 = vector.broadcast %broadcast_in_dim3A_1573 : i32 to vector<16xi32>
          tpu.vector_store_idx %arg6[%broadcast_in_dim3A_1146, %broadcast_in_dim3A_1154, %add3A_1534, %broadcast_in_dim3A_1574], %broadcast_in_dim3A_3 masked %eq3A_1531 : memref<2x8x200x32xf32, #tpu.memory_space<vmem>>[vector<16xi32>, vector<16xi32>, vector<16xi32>, vector<16xi32>], vector<16xf32>, vector<16xi1>
          %broadcast_in_dim3A_1575 = arith.constant 20 : i32
          %broadcast_in_dim3A_1576 = vector.broadcast %broadcast_in_dim3A_1575 : i32 to vector<16xi32>
          tpu.vector_store_idx %arg6[%broadcast_in_dim3A_1146, %broadcast_in_dim3A_1154, %add3A_1534, %broadcast_in_dim3A_1576], %broadcast_in_dim3A_3 masked %eq3A_1531 : memref<2x8x200x32xf32, #tpu.memory_space<vmem>>[vector<16xi32>, vector<16xi32>, vector<16xi32>, vector<16xi32>], vector<16xf32>, vector<16xi1>
          %broadcast_in_dim3A_1577 = arith.constant 21 : i32
          %broadcast_in_dim3A_1578 = vector.broadcast %broadcast_in_dim3A_1577 : i32 to vector<16xi32>
          tpu.vector_store_idx %arg6[%broadcast_in_dim3A_1146, %broadcast_in_dim3A_1154, %add3A_1534, %broadcast_in_dim3A_1578], %broadcast_in_dim3A_3 masked %eq3A_1531 : memref<2x8x200x32xf32, #tpu.memory_space<vmem>>[vector<16xi32>, vector<16xi32>, vector<16xi32>, vector<16xi32>], vector<16xf32>, vector<16xi1>
          %broadcast_in_dim3A_1579 = arith.constant 22 : i32
          %broadcast_in_dim3A_1580 = vector.broadcast %broadcast_in_dim3A_1579 : i32 to vector<16xi32>
          tpu.vector_store_idx %arg6[%broadcast_in_dim3A_1146, %broadcast_in_dim3A_1154, %add3A_1534, %broadcast_in_dim3A_1580], %broadcast_in_dim3A_3 masked %eq3A_1531 : memref<2x8x200x32xf32, #tpu.memory_space<vmem>>[vector<16xi32>, vector<16xi32>, vector<16xi32>, vector<16xi32>], vector<16xf32>, vector<16xi1>
          %broadcast_in_dim3A_1581 = arith.constant 23 : i32
          %broadcast_in_dim3A_1582 = vector.broadcast %broadcast_in_dim3A_1581 : i32 to vector<16xi32>
          tpu.vector_store_idx %arg6[%broadcast_in_dim3A_1146, %broadcast_in_dim3A_1154, %add3A_1534, %broadcast_in_dim3A_1582], %broadcast_in_dim3A_3 masked %eq3A_1531 : memref<2x8x200x32xf32, #tpu.memory_space<vmem>>[vector<16xi32>, vector<16xi32>, vector<16xi32>, vector<16xi32>], vector<16xf32>, vector<16xi1>
          %broadcast_in_dim3A_1583 = arith.constant 24 : i32
          %broadcast_in_dim3A_1584 = vector.broadcast %broadcast_in_dim3A_1583 : i32 to vector<16xi32>
          tpu.vector_store_idx %arg6[%broadcast_in_dim3A_1146, %broadcast_in_dim3A_1154, %add3A_1534, %broadcast_in_dim3A_1584], %broadcast_in_dim3A_3 masked %eq3A_1531 : memref<2x8x200x32xf32, #tpu.memory_space<vmem>>[vector<16xi32>, vector<16xi32>, vector<16xi32>, vector<16xi32>], vector<16xf32>, vector<16xi1>
          %broadcast_in_dim3A_1585 = arith.constant 25 : i32
          %broadcast_in_dim3A_1586 = vector.broadcast %broadcast_in_dim3A_1585 : i32 to vector<16xi32>
          tpu.vector_store_idx %arg6[%broadcast_in_dim3A_1146, %broadcast_in_dim3A_1154, %add3A_1534, %broadcast_in_dim3A_1586], %broadcast_in_dim3A_3 masked %eq3A_1531 : memref<2x8x200x32xf32, #tpu.memory_space<vmem>>[vector<16xi32>, vector<16xi32>, vector<16xi32>, vector<16xi32>], vector<16xf32>, vector<16xi1>
          %broadcast_in_dim3A_1587 = arith.constant 26 : i32
          %broadcast_in_dim3A_1588 = vector.broadcast %broadcast_in_dim3A_1587 : i32 to vector<16xi32>
          tpu.vector_store_idx %arg6[%broadcast_in_dim3A_1146, %broadcast_in_dim3A_1154, %add3A_1534, %broadcast_in_dim3A_1588], %broadcast_in_dim3A_3 masked %eq3A_1531 : memref<2x8x200x32xf32, #tpu.memory_space<vmem>>[vector<16xi32>, vector<16xi32>, vector<16xi32>, vector<16xi32>], vector<16xf32>, vector<16xi1>
          %broadcast_in_dim3A_1589 = arith.constant 27 : i32
          %broadcast_in_dim3A_1590 = vector.broadcast %broadcast_in_dim3A_1589 : i32 to vector<16xi32>
          tpu.vector_store_idx %arg6[%broadcast_in_dim3A_1146, %broadcast_in_dim3A_1154, %add3A_1534, %broadcast_in_dim3A_1590], %broadcast_in_dim3A_3 masked %eq3A_1531 : memref<2x8x200x32xf32, #tpu.memory_space<vmem>>[vector<16xi32>, vector<16xi32>, vector<16xi32>, vector<16xi32>], vector<16xf32>, vector<16xi1>
          %broadcast_in_dim3A_1591 = arith.constant 28 : i32
          %broadcast_in_dim3A_1592 = vector.broadcast %broadcast_in_dim3A_1591 : i32 to vector<16xi32>
          tpu.vector_store_idx %arg6[%broadcast_in_dim3A_1146, %broadcast_in_dim3A_1154, %add3A_1534, %broadcast_in_dim3A_1592], %broadcast_in_dim3A_3 masked %eq3A_1531 : memref<2x8x200x32xf32, #tpu.memory_space<vmem>>[vector<16xi32>, vector<16xi32>, vector<16xi32>, vector<16xi32>], vector<16xf32>, vector<16xi1>
          %broadcast_in_dim3A_1593 = arith.constant 29 : i32
          %broadcast_in_dim3A_1594 = vector.broadcast %broadcast_in_dim3A_1593 : i32 to vector<16xi32>
          tpu.vector_store_idx %arg6[%broadcast_in_dim3A_1146, %broadcast_in_dim3A_1154, %add3A_1534, %broadcast_in_dim3A_1594], %broadcast_in_dim3A_3 masked %eq3A_1531 : memref<2x8x200x32xf32, #tpu.memory_space<vmem>>[vector<16xi32>, vector<16xi32>, vector<16xi32>, vector<16xi32>], vector<16xf32>, vector<16xi1>
          %broadcast_in_dim3A_1595 = arith.constant 30 : i32
          %broadcast_in_dim3A_1596 = vector.broadcast %broadcast_in_dim3A_1595 : i32 to vector<16xi32>
          tpu.vector_store_idx %arg6[%broadcast_in_dim3A_1146, %broadcast_in_dim3A_1154, %add3A_1534, %broadcast_in_dim3A_1596], %broadcast_in_dim3A_3 masked %eq3A_1531 : memref<2x8x200x32xf32, #tpu.memory_space<vmem>>[vector<16xi32>, vector<16xi32>, vector<16xi32>, vector<16xi32>], vector<16xf32>, vector<16xi1>
          %broadcast_in_dim3A_1597 = arith.constant 31 : i32
          %broadcast_in_dim3A_1598 = vector.broadcast %broadcast_in_dim3A_1597 : i32 to vector<16xi32>
          tpu.vector_store_idx %arg6[%broadcast_in_dim3A_1146, %broadcast_in_dim3A_1154, %add3A_1534, %broadcast_in_dim3A_1598], %broadcast_in_dim3A_3 masked %eq3A_1531 : memref<2x8x200x32xf32, #tpu.memory_space<vmem>>[vector<16xi32>, vector<16xi32>, vector<16xi32>, vector<16xi32>], vector<16xf32>, vector<16xi1>
          %get3A_1599 = arith.index_cast %select_n3A_280 : i32 to index
          %get3A_1600 = arith.index_cast %scan3A_1153 : i32 to index
          %get3A_1601 = arith.constant 96 : index
          %get3A_1602 = tpu.vector_load %arg5[%get3A_1599, %get3A_1600, %get3A_1601] {strides = array<i32>} : memref<2x8x200xi32, #tpu.memory_space<vmem>>, vector<16xi32>,
          %eq3A_1603 = arith.constant 0 : i32
          %eq3A_1604 = vector.broadcast %eq3A_1603 : i32 to vector<16xi32>
          %eq3A_1605 = arith.cmpi eq, %get3A_1602, %eq3A_1604 : vector<16xi32>
          %add3A_1606 = arith.constant 96 : i32
          %add3A_1607 = vector.broadcast %add3A_1606 : i32 to vector<16xi32>
          %add3A_1608 = arith.addi %add3A_1607, %iota3A : vector<16xi32>
          %broadcast_in_dim3A_1609 = arith.constant 0 : i32
          %broadcast_in_dim3A_1610 = vector.broadcast %broadcast_in_dim3A_1609 : i32 to vector<16xi32>
          tpu.vector_store_idx %arg6[%broadcast_in_dim3A_1146, %broadcast_in_dim3A_1154, %add3A_1608, %broadcast_in_dim3A_1610], %broadcast_in_dim3A_3 masked %eq3A_1605 : memref<2x8x200x32xf32, #tpu.memory_space<vmem>>[vector<16xi32>, vector<16xi32>, vector<16xi32>, vector<16xi32>], vector<16xf32>, vector<16xi1>
          %broadcast_in_dim3A_1611 = arith.constant 1 : i32
          %broadcast_in_dim3A_1612 = vector.broadcast %broadcast_in_dim3A_1611 : i32 to vector<16xi32>
          tpu.vector_store_idx %arg6[%broadcast_in_dim3A_1146, %broadcast_in_dim3A_1154, %add3A_1608, %broadcast_in_dim3A_1612], %broadcast_in_dim3A_3 masked %eq3A_1605 : memref<2x8x200x32xf32, #tpu.memory_space<vmem>>[vector<16xi32>, vector<16xi32>, vector<16xi32>, vector<16xi32>], vector<16xf32>, vector<16xi1>
          %broadcast_in_dim3A_1613 = arith.constant 2 : i32
          %broadcast_in_dim3A_1614 = vector.broadcast %broadcast_in_dim3A_1613 : i32 to vector<16xi32>
          tpu.vector_store_idx %arg6[%broadcast_in_dim3A_1146, %broadcast_in_dim3A_1154, %add3A_1608, %broadcast_in_dim3A_1614], %broadcast_in_dim3A_3 masked %eq3A_1605 : memref<2x8x200x32xf32, #tpu.memory_space<vmem>>[vector<16xi32>, vector<16xi32>, vector<16xi32>, vector<16xi32>], vector<16xf32>, vector<16xi1>
          %broadcast_in_dim3A_1615 = arith.constant 3 : i32
          %broadcast_in_dim3A_1616 = vector.broadcast %broadcast_in_dim3A_1615 : i32 to vector<16xi32>
          tpu.vector_store_idx %arg6[%broadcast_in_dim3A_1146, %broadcast_in_dim3A_1154, %add3A_1608, %broadcast_in_dim3A_1616], %broadcast_in_dim3A_3 masked %eq3A_1605 : memref<2x8x200x32xf32, #tpu.memory_space<vmem>>[vector<16xi32>, vector<16xi32>, vector<16xi32>, vector<16xi32>], vector<16xf32>, vector<16xi1>
          %broadcast_in_dim3A_1617 = arith.constant 4 : i32
          %broadcast_in_dim3A_1618 = vector.broadcast %broadcast_in_dim3A_1617 : i32 to vector<16xi32>
          tpu.vector_store_idx %arg6[%broadcast_in_dim3A_1146, %broadcast_in_dim3A_1154, %add3A_1608, %broadcast_in_dim3A_1618], %broadcast_in_dim3A_3 masked %eq3A_1605 : memref<2x8x200x32xf32, #tpu.memory_space<vmem>>[vector<16xi32>, vector<16xi32>, vector<16xi32>, vector<16xi32>], vector<16xf32>, vector<16xi1>
          %broadcast_in_dim3A_1619 = arith.constant 5 : i32
          %broadcast_in_dim3A_1620 = vector.broadcast %broadcast_in_dim3A_1619 : i32 to vector<16xi32>
          tpu.vector_store_idx %arg6[%broadcast_in_dim3A_1146, %broadcast_in_dim3A_1154, %add3A_1608, %broadcast_in_dim3A_1620], %broadcast_in_dim3A_3 masked %eq3A_1605 : memref<2x8x200x32xf32, #tpu.memory_space<vmem>>[vector<16xi32>, vector<16xi32>, vector<16xi32>, vector<16xi32>], vector<16xf32>, vector<16xi1>
          %broadcast_in_dim3A_1621 = arith.constant 6 : i32
          %broadcast_in_dim3A_1622 = vector.broadcast %broadcast_in_dim3A_1621 : i32 to vector<16xi32>
          tpu.vector_store_idx %arg6[%broadcast_in_dim3A_1146, %broadcast_in_dim3A_1154, %add3A_1608, %broadcast_in_dim3A_1622], %broadcast_in_dim3A_3 masked %eq3A_1605 : memref<2x8x200x32xf32, #tpu.memory_space<vmem>>[vector<16xi32>, vector<16xi32>, vector<16xi32>, vector<16xi32>], vector<16xf32>, vector<16xi1>
          %broadcast_in_dim3A_1623 = arith.constant 7 : i32
          %broadcast_in_dim3A_1624 = vector.broadcast %broadcast_in_dim3A_1623 : i32 to vector<16xi32>
          tpu.vector_store_idx %arg6[%broadcast_in_dim3A_1146, %broadcast_in_dim3A_1154, %add3A_1608, %broadcast_in_dim3A_1624], %broadcast_in_dim3A_3 masked %eq3A_1605 : memref<2x8x200x32xf32, #tpu.memory_space<vmem>>[vector<16xi32>, vector<16xi32>, vector<16xi32>, vector<16xi32>], vector<16xf32>, vector<16xi1>
          %broadcast_in_dim3A_1625 = arith.constant 8 : i32
          %broadcast_in_dim3A_1626 = vector.broadcast %broadcast_in_dim3A_1625 : i32 to vector<16xi32>
          tpu.vector_store_idx %arg6[%broadcast_in_dim3A_1146, %broadcast_in_dim3A_1154, %add3A_1608, %broadcast_in_dim3A_1626], %broadcast_in_dim3A_3 masked %eq3A_1605 : memref<2x8x200x32xf32, #tpu.memory_space<vmem>>[vector<16xi32>, vector<16xi32>, vector<16xi32>, vector<16xi32>], vector<16xf32>, vector<16xi1>
          %broadcast_in_dim3A_1627 = arith.constant 9 : i32
          %broadcast_in_dim3A_1628 = vector.broadcast %broadcast_in_dim3A_1627 : i32 to vector<16xi32>
          tpu.vector_store_idx %arg6[%broadcast_in_dim3A_1146, %broadcast_in_dim3A_1154, %add3A_1608, %broadcast_in_dim3A_1628], %broadcast_in_dim3A_3 masked %eq3A_1605 : memref<2x8x200x32xf32, #tpu.memory_space<vmem>>[vector<16xi32>, vector<16xi32>, vector<16xi32>, vector<16xi32>], vector<16xf32>, vector<16xi1>
          %broadcast_in_dim3A_1629 = arith.constant 10 : i32
          %broadcast_in_dim3A_1630 = vector.broadcast %broadcast_in_dim3A_1629 : i32 to vector<16xi32>
          tpu.vector_store_idx %arg6[%broadcast_in_dim3A_1146, %broadcast_in_dim3A_1154, %add3A_1608, %broadcast_in_dim3A_1630], %broadcast_in_dim3A_3 masked %eq3A_1605 : memref<2x8x200x32xf32, #tpu.memory_space<vmem>>[vector<16xi32>, vector<16xi32>, vector<16xi32>, vector<16xi32>], vector<16xf32>, vector<16xi1>
          %broadcast_in_dim3A_1631 = arith.constant 11 : i32
          %broadcast_in_dim3A_1632 = vector.broadcast %broadcast_in_dim3A_1631 : i32 to vector<16xi32>
          tpu.vector_store_idx %arg6[%broadcast_in_dim3A_1146, %broadcast_in_dim3A_1154, %add3A_1608, %broadcast_in_dim3A_1632], %broadcast_in_dim3A_3 masked %eq3A_1605 : memref<2x8x200x32xf32, #tpu.memory_space<vmem>>[vector<16xi32>, vector<16xi32>, vector<16xi32>, vector<16xi32>], vector<16xf32>, vector<16xi1>
          %broadcast_in_dim3A_1633 = arith.constant 12 : i32
          %broadcast_in_dim3A_1634 = vector.broadcast %broadcast_in_dim3A_1633 : i32 to vector<16xi32>
          tpu.vector_store_idx %arg6[%broadcast_in_dim3A_1146, %broadcast_in_dim3A_1154, %add3A_1608, %broadcast_in_dim3A_1634], %broadcast_in_dim3A_3 masked %eq3A_1605 : memref<2x8x200x32xf32, #tpu.memory_space<vmem>>[vector<16xi32>, vector<16xi32>, vector<16xi32>, vector<16xi32>], vector<16xf32>, vector<16xi1>
          %broadcast_in_dim3A_1635 = arith.constant 13 : i32
          %broadcast_in_dim3A_1636 = vector.broadcast %broadcast_in_dim3A_1635 : i32 to vector<16xi32>
          tpu.vector_store_idx %arg6[%broadcast_in_dim3A_1146, %broadcast_in_dim3A_1154, %add3A_1608, %broadcast_in_dim3A_1636], %broadcast_in_dim3A_3 masked %eq3A_1605 : memref<2x8x200x32xf32, #tpu.memory_space<vmem>>[vector<16xi32>, vector<16xi32>, vector<16xi32>, vector<16xi32>], vector<16xf32>, vector<16xi1>
          %broadcast_in_dim3A_1637 = arith.constant 14 : i32
          %broadcast_in_dim3A_1638 = vector.broadcast %broadcast_in_dim3A_1637 : i32 to vector<16xi32>
          tpu.vector_store_idx %arg6[%broadcast_in_dim3A_1146, %broadcast_in_dim3A_1154, %add3A_1608, %broadcast_in_dim3A_1638], %broadcast_in_dim3A_3 masked %eq3A_1605 : memref<2x8x200x32xf32, #tpu.memory_space<vmem>>[vector<16xi32>, vector<16xi32>, vector<16xi32>, vector<16xi32>], vector<16xf32>, vector<16xi1>
          %broadcast_in_dim3A_1639 = arith.constant 15 : i32
          %broadcast_in_dim3A_1640 = vector.broadcast %broadcast_in_dim3A_1639 : i32 to vector<16xi32>
          tpu.vector_store_idx %arg6[%broadcast_in_dim3A_1146, %broadcast_in_dim3A_1154, %add3A_1608, %broadcast_in_dim3A_1640], %broadcast_in_dim3A_3 masked %eq3A_1605 : memref<2x8x200x32xf32, #tpu.memory_space<vmem>>[vector<16xi32>, vector<16xi32>, vector<16xi32>, vector<16xi32>], vector<16xf32>, vector<16xi1>
          %broadcast_in_dim3A_1641 = arith.constant 16 : i32
          %broadcast_in_dim3A_1642 = vector.broadcast %broadcast_in_dim3A_1641 : i32 to vector<16xi32>
          tpu.vector_store_idx %arg6[%broadcast_in_dim3A_1146, %broadcast_in_dim3A_1154, %add3A_1608, %broadcast_in_dim3A_1642], %broadcast_in_dim3A_3 masked %eq3A_1605 : memref<2x8x200x32xf32, #tpu.memory_space<vmem>>[vector<16xi32>, vector<16xi32>, vector<16xi32>, vector<16xi32>], vector<16xf32>, vector<16xi1>
          %broadcast_in_dim3A_1643 = arith.constant 17 : i32
          %broadcast_in_dim3A_1644 = vector.broadcast %broadcast_in_dim3A_1643 : i32 to vector<16xi32>
          tpu.vector_store_idx %arg6[%broadcast_in_dim3A_1146, %broadcast_in_dim3A_1154, %add3A_1608, %broadcast_in_dim3A_1644], %broadcast_in_dim3A_3 masked %eq3A_1605 : memref<2x8x200x32xf32, #tpu.memory_space<vmem>>[vector<16xi32>, vector<16xi32>, vector<16xi32>, vector<16xi32>], vector<16xf32>, vector<16xi1>
          %broadcast_in_dim3A_1645 = arith.constant 18 : i32
          %broadcast_in_dim3A_1646 = vector.broadcast %broadcast_in_dim3A_1645 : i32 to vector<16xi32>
          tpu.vector_store_idx %arg6[%broadcast_in_dim3A_1146, %broadcast_in_dim3A_1154, %add3A_1608, %broadcast_in_dim3A_1646], %broadcast_in_dim3A_3 masked %eq3A_1605 : memref<2x8x200x32xf32, #tpu.memory_space<vmem>>[vector<16xi32>, vector<16xi32>, vector<16xi32>, vector<16xi32>], vector<16xf32>, vector<16xi1>
          %broadcast_in_dim3A_1647 = arith.constant 19 : i32
          %broadcast_in_dim3A_1648 = vector.broadcast %broadcast_in_dim3A_1647 : i32 to vector<16xi32>
          tpu.vector_store_idx %arg6[%broadcast_in_dim3A_1146, %broadcast_in_dim3A_1154, %add3A_1608, %broadcast_in_dim3A_1648], %broadcast_in_dim3A_3 masked %eq3A_1605 : memref<2x8x200x32xf32, #tpu.memory_space<vmem>>[vector<16xi32>, vector<16xi32>, vector<16xi32>, vector<16xi32>], vector<16xf32>, vector<16xi1>
          %broadcast_in_dim3A_1649 = arith.constant 20 : i32
          %broadcast_in_dim3A_1650 = vector.broadcast %broadcast_in_dim3A_1649 : i32 to vector<16xi32>
          tpu.vector_store_idx %arg6[%broadcast_in_dim3A_1146, %broadcast_in_dim3A_1154, %add3A_1608, %broadcast_in_dim3A_1650], %broadcast_in_dim3A_3 masked %eq3A_1605 : memref<2x8x200x32xf32, #tpu.memory_space<vmem>>[vector<16xi32>, vector<16xi32>, vector<16xi32>, vector<16xi32>], vector<16xf32>, vector<16xi1>
          %broadcast_in_dim3A_1651 = arith.constant 21 : i32
          %broadcast_in_dim3A_1652 = vector.broadcast %broadcast_in_dim3A_1651 : i32 to vector<16xi32>
          tpu.vector_store_idx %arg6[%broadcast_in_dim3A_1146, %broadcast_in_dim3A_1154, %add3A_1608, %broadcast_in_dim3A_1652], %broadcast_in_dim3A_3 masked %eq3A_1605 : memref<2x8x200x32xf32, #tpu.memory_space<vmem>>[vector<16xi32>, vector<16xi32>, vector<16xi32>, vector<16xi32>], vector<16xf32>, vector<16xi1>
          %broadcast_in_dim3A_1653 = arith.constant 22 : i32
          %broadcast_in_dim3A_1654 = vector.broadcast %broadcast_in_dim3A_1653 : i32 to vector<16xi32>
          tpu.vector_store_idx %arg6[%broadcast_in_dim3A_1146, %broadcast_in_dim3A_1154, %add3A_1608, %broadcast_in_dim3A_1654], %broadcast_in_dim3A_3 masked %eq3A_1605 : memref<2x8x200x32xf32, #tpu.memory_space<vmem>>[vector<16xi32>, vector<16xi32>, vector<16xi32>, vector<16xi32>], vector<16xf32>, vector<16xi1>
          %broadcast_in_dim3A_1655 = arith.constant 23 : i32
          %broadcast_in_dim3A_1656 = vector.broadcast %broadcast_in_dim3A_1655 : i32 to vector<16xi32>
          tpu.vector_store_idx %arg6[%broadcast_in_dim3A_1146, %broadcast_in_dim3A_1154, %add3A_1608, %broadcast_in_dim3A_1656], %broadcast_in_dim3A_3 masked %eq3A_1605 : memref<2x8x200x32xf32, #tpu.memory_space<vmem>>[vector<16xi32>, vector<16xi32>, vector<16xi32>, vector<16xi32>], vector<16xf32>, vector<16xi1>
          %broadcast_in_dim3A_1657 = arith.constant 24 : i32
          %broadcast_in_dim3A_1658 = vector.broadcast %broadcast_in_dim3A_1657 : i32 to vector<16xi32>
          tpu.vector_store_idx %arg6[%broadcast_in_dim3A_1146, %broadcast_in_dim3A_1154, %add3A_1608, %broadcast_in_dim3A_1658], %broadcast_in_dim3A_3 masked %eq3A_1605 : memref<2x8x200x32xf32, #tpu.memory_space<vmem>>[vector<16xi32>, vector<16xi32>, vector<16xi32>, vector<16xi32>], vector<16xf32>, vector<16xi1>
          %broadcast_in_dim3A_1659 = arith.constant 25 : i32
          %broadcast_in_dim3A_1660 = vector.broadcast %broadcast_in_dim3A_1659 : i32 to vector<16xi32>
          tpu.vector_store_idx %arg6[%broadcast_in_dim3A_1146, %broadcast_in_dim3A_1154, %add3A_1608, %broadcast_in_dim3A_1660], %broadcast_in_dim3A_3 masked %eq3A_1605 : memref<2x8x200x32xf32, #tpu.memory_space<vmem>>[vector<16xi32>, vector<16xi32>, vector<16xi32>, vector<16xi32>], vector<16xf32>, vector<16xi1>
          %broadcast_in_dim3A_1661 = arith.constant 26 : i32
          %broadcast_in_dim3A_1662 = vector.broadcast %broadcast_in_dim3A_1661 : i32 to vector<16xi32>
          tpu.vector_store_idx %arg6[%broadcast_in_dim3A_1146, %broadcast_in_dim3A_1154, %add3A_1608, %broadcast_in_dim3A_1662], %broadcast_in_dim3A_3 masked %eq3A_1605 : memref<2x8x200x32xf32, #tpu.memory_space<vmem>>[vector<16xi32>, vector<16xi32>, vector<16xi32>, vector<16xi32>], vector<16xf32>, vector<16xi1>
          %broadcast_in_dim3A_1663 = arith.constant 27 : i32
          %broadcast_in_dim3A_1664 = vector.broadcast %broadcast_in_dim3A_1663 : i32 to vector<16xi32>
          tpu.vector_store_idx %arg6[%broadcast_in_dim3A_1146, %broadcast_in_dim3A_1154, %add3A_1608, %broadcast_in_dim3A_1664], %broadcast_in_dim3A_3 masked %eq3A_1605 : memref<2x8x200x32xf32, #tpu.memory_space<vmem>>[vector<16xi32>, vector<16xi32>, vector<16xi32>, vector<16xi32>], vector<16xf32>, vector<16xi1>
          %broadcast_in_dim3A_1665 = arith.constant 28 : i32
          %broadcast_in_dim3A_1666 = vector.broadcast %broadcast_in_dim3A_1665 : i32 to vector<16xi32>
          tpu.vector_store_idx %arg6[%broadcast_in_dim3A_1146, %broadcast_in_dim3A_1154, %add3A_1608, %broadcast_in_dim3A_1666], %broadcast_in_dim3A_3 masked %eq3A_1605 : memref<2x8x200x32xf32, #tpu.memory_space<vmem>>[vector<16xi32>, vector<16xi32>, vector<16xi32>, vector<16xi32>], vector<16xf32>, vector<16xi1>
          %broadcast_in_dim3A_1667 = arith.constant 29 : i32
          %broadcast_in_dim3A_1668 = vector.broadcast %broadcast_in_dim3A_1667 : i32 to vector<16xi32>
          tpu.vector_store_idx %arg6[%broadcast_in_dim3A_1146, %broadcast_in_dim3A_1154, %add3A_1608, %broadcast_in_dim3A_1668], %broadcast_in_dim3A_3 masked %eq3A_1605 : memref<2x8x200x32xf32, #tpu.memory_space<vmem>>[vector<16xi32>, vector<16xi32>, vector<16xi32>, vector<16xi32>], vector<16xf32>, vector<16xi1>
          %broadcast_in_dim3A_1669 = arith.constant 30 : i32
          %broadcast_in_dim3A_1670 = vector.broadcast %broadcast_in_dim3A_1669 : i32 to vector<16xi32>
          tpu.vector_store_idx %arg6[%broadcast_in_dim3A_1146, %broadcast_in_dim3A_1154, %add3A_1608, %broadcast_in_dim3A_1670], %broadcast_in_dim3A_3 masked %eq3A_1605 : memref<2x8x200x32xf32, #tpu.memory_space<vmem>>[vector<16xi32>, vector<16xi32>, vector<16xi32>, vector<16xi32>], vector<16xf32>, vector<16xi1>
          %broadcast_in_dim3A_1671 = arith.constant 31 : i32
          %broadcast_in_dim3A_1672 = vector.broadcast %broadcast_in_dim3A_1671 : i32 to vector<16xi32>
          tpu.vector_store_idx %arg6[%broadcast_in_dim3A_1146, %broadcast_in_dim3A_1154, %add3A_1608, %broadcast_in_dim3A_1672], %broadcast_in_dim3A_3 masked %eq3A_1605 : memref<2x8x200x32xf32, #tpu.memory_space<vmem>>[vector<16xi32>, vector<16xi32>, vector<16xi32>, vector<16xi32>], vector<16xf32>, vector<16xi1>
          %get3A_1673 = arith.index_cast %select_n3A_280 : i32 to index
          %get3A_1674 = arith.index_cast %scan3A_1153 : i32 to index
          %get3A_1675 = arith.constant 112 : index
          %get3A_1676 = tpu.vector_load %arg5[%get3A_1673, %get3A_1674, %get3A_1675] {strides = array<i32>} : memref<2x8x200xi32, #tpu.memory_space<vmem>>, vector<16xi32>,
          %eq3A_1677 = arith.constant 0 : i32
          %eq3A_1678 = vector.broadcast %eq3A_1677 : i32 to vector<16xi32>
          %eq3A_1679 = arith.cmpi eq, %get3A_1676, %eq3A_1678 : vector<16xi32>
          %add3A_1680 = arith.constant 112 : i32
          %add3A_1681 = vector.broadcast %add3A_1680 : i32 to vector<16xi32>
          %add3A_1682 = arith.addi %add3A_1681, %iota3A : vector<16xi32>
          %broadcast_in_dim3A_1683 = arith.constant 0 : i32
          %broadcast_in_dim3A_1684 = vector.broadcast %broadcast_in_dim3A_1683 : i32 to vector<16xi32>
          tpu.vector_store_idx %arg6[%broadcast_in_dim3A_1146, %broadcast_in_dim3A_1154, %add3A_1682, %broadcast_in_dim3A_1684], %broadcast_in_dim3A_3 masked %eq3A_1679 : memref<2x8x200x32xf32, #tpu.memory_space<vmem>>[vector<16xi32>, vector<16xi32>, vector<16xi32>, vector<16xi32>], vector<16xf32>, vector<16xi1>
          %broadcast_in_dim3A_1685 = arith.constant 1 : i32
          %broadcast_in_dim3A_1686 = vector.broadcast %broadcast_in_dim3A_1685 : i32 to vector<16xi32>
          tpu.vector_store_idx %arg6[%broadcast_in_dim3A_1146, %broadcast_in_dim3A_1154, %add3A_1682, %broadcast_in_dim3A_1686], %broadcast_in_dim3A_3 masked %eq3A_1679 : memref<2x8x200x32xf32, #tpu.memory_space<vmem>>[vector<16xi32>, vector<16xi32>, vector<16xi32>, vector<16xi32>], vector<16xf32>, vector<16xi1>
          %broadcast_in_dim3A_1687 = arith.constant 2 : i32
          %broadcast_in_dim3A_1688 = vector.broadcast %broadcast_in_dim3A_1687 : i32 to vector<16xi32>
          tpu.vector_store_idx %arg6[%broadcast_in_dim3A_1146, %broadcast_in_dim3A_1154, %add3A_1682, %broadcast_in_dim3A_1688], %broadcast_in_dim3A_3 masked %eq3A_1679 : memref<2x8x200x32xf32, #tpu.memory_space<vmem>>[vector<16xi32>, vector<16xi32>, vector<16xi32>, vector<16xi32>], vector<16xf32>, vector<16xi1>
          %broadcast_in_dim3A_1689 = arith.constant 3 : i32
          %broadcast_in_dim3A_1690 = vector.broadcast %broadcast_in_dim3A_1689 : i32 to vector<16xi32>
          tpu.vector_store_idx %arg6[%broadcast_in_dim3A_1146, %broadcast_in_dim3A_1154, %add3A_1682, %broadcast_in_dim3A_1690], %broadcast_in_dim3A_3 masked %eq3A_1679 : memref<2x8x200x32xf32, #tpu.memory_space<vmem>>[vector<16xi32>, vector<16xi32>, vector<16xi32>, vector<16xi32>], vector<16xf32>, vector<16xi1>
          %broadcast_in_dim3A_1691 = arith.constant 4 : i32
          %broadcast_in_dim3A_1692 = vector.broadcast %broadcast_in_dim3A_1691 : i32 to vector<16xi32>
          tpu.vector_store_idx %arg6[%broadcast_in_dim3A_1146, %broadcast_in_dim3A_1154, %add3A_1682, %broadcast_in_dim3A_1692], %broadcast_in_dim3A_3 masked %eq3A_1679 : memref<2x8x200x32xf32, #tpu.memory_space<vmem>>[vector<16xi32>, vector<16xi32>, vector<16xi32>, vector<16xi32>], vector<16xf32>, vector<16xi1>
          %broadcast_in_dim3A_1693 = arith.constant 5 : i32
          %broadcast_in_dim3A_1694 = vector.broadcast %broadcast_in_dim3A_1693 : i32 to vector<16xi32>
          tpu.vector_store_idx %arg6[%broadcast_in_dim3A_1146, %broadcast_in_dim3A_1154, %add3A_1682, %broadcast_in_dim3A_1694], %broadcast_in_dim3A_3 masked %eq3A_1679 : memref<2x8x200x32xf32, #tpu.memory_space<vmem>>[vector<16xi32>, vector<16xi32>, vector<16xi32>, vector<16xi32>], vector<16xf32>, vector<16xi1>
          %broadcast_in_dim3A_1695 = arith.constant 6 : i32
          %broadcast_in_dim3A_1696 = vector.broadcast %broadcast_in_dim3A_1695 : i32 to vector<16xi32>
          tpu.vector_store_idx %arg6[%broadcast_in_dim3A_1146, %broadcast_in_dim3A_1154, %add3A_1682, %broadcast_in_dim3A_1696], %broadcast_in_dim3A_3 masked %eq3A_1679 : memref<2x8x200x32xf32, #tpu.memory_space<vmem>>[vector<16xi32>, vector<16xi32>, vector<16xi32>, vector<16xi32>], vector<16xf32>, vector<16xi1>
          %broadcast_in_dim3A_1697 = arith.constant 7 : i32
          %broadcast_in_dim3A_1698 = vector.broadcast %broadcast_in_dim3A_1697 : i32 to vector<16xi32>
          tpu.vector_store_idx %arg6[%broadcast_in_dim3A_1146, %broadcast_in_dim3A_1154, %add3A_1682, %broadcast_in_dim3A_1698], %broadcast_in_dim3A_3 masked %eq3A_1679 : memref<2x8x200x32xf32, #tpu.memory_space<vmem>>[vector<16xi32>, vector<16xi32>, vector<16xi32>, vector<16xi32>], vector<16xf32>, vector<16xi1>
          %broadcast_in_dim3A_1699 = arith.constant 8 : i32
          %broadcast_in_dim3A_1700 = vector.broadcast %broadcast_in_dim3A_1699 : i32 to vector<16xi32>
          tpu.vector_store_idx %arg6[%broadcast_in_dim3A_1146, %broadcast_in_dim3A_1154, %add3A_1682, %broadcast_in_dim3A_1700], %broadcast_in_dim3A_3 masked %eq3A_1679 : memref<2x8x200x32xf32, #tpu.memory_space<vmem>>[vector<16xi32>, vector<16xi32>, vector<16xi32>, vector<16xi32>], vector<16xf32>, vector<16xi1>
          %broadcast_in_dim3A_1701 = arith.constant 9 : i32
          %broadcast_in_dim3A_1702 = vector.broadcast %broadcast_in_dim3A_1701 : i32 to vector<16xi32>
          tpu.vector_store_idx %arg6[%broadcast_in_dim3A_1146, %broadcast_in_dim3A_1154, %add3A_1682, %broadcast_in_dim3A_1702], %broadcast_in_dim3A_3 masked %eq3A_1679 : memref<2x8x200x32xf32, #tpu.memory_space<vmem>>[vector<16xi32>, vector<16xi32>, vector<16xi32>, vector<16xi32>], vector<16xf32>, vector<16xi1>
          %broadcast_in_dim3A_1703 = arith.constant 10 : i32
          %broadcast_in_dim3A_1704 = vector.broadcast %broadcast_in_dim3A_1703 : i32 to vector<16xi32>
          tpu.vector_store_idx %arg6[%broadcast_in_dim3A_1146, %broadcast_in_dim3A_1154, %add3A_1682, %broadcast_in_dim3A_1704], %broadcast_in_dim3A_3 masked %eq3A_1679 : memref<2x8x200x32xf32, #tpu.memory_space<vmem>>[vector<16xi32>, vector<16xi32>, vector<16xi32>, vector<16xi32>], vector<16xf32>, vector<16xi1>
          %broadcast_in_dim3A_1705 = arith.constant 11 : i32
          %broadcast_in_dim3A_1706 = vector.broadcast %broadcast_in_dim3A_1705 : i32 to vector<16xi32>
          tpu.vector_store_idx %arg6[%broadcast_in_dim3A_1146, %broadcast_in_dim3A_1154, %add3A_1682, %broadcast_in_dim3A_1706], %broadcast_in_dim3A_3 masked %eq3A_1679 : memref<2x8x200x32xf32, #tpu.memory_space<vmem>>[vector<16xi32>, vector<16xi32>, vector<16xi32>, vector<16xi32>], vector<16xf32>, vector<16xi1>
          %broadcast_in_dim3A_1707 = arith.constant 12 : i32
          %broadcast_in_dim3A_1708 = vector.broadcast %broadcast_in_dim3A_1707 : i32 to vector<16xi32>
          tpu.vector_store_idx %arg6[%broadcast_in_dim3A_1146, %broadcast_in_dim3A_1154, %add3A_1682, %broadcast_in_dim3A_1708], %broadcast_in_dim3A_3 masked %eq3A_1679 : memref<2x8x200x32xf32, #tpu.memory_space<vmem>>[vector<16xi32>, vector<16xi32>, vector<16xi32>, vector<16xi32>], vector<16xf32>, vector<16xi1>
          %broadcast_in_dim3A_1709 = arith.constant 13 : i32
          %broadcast_in_dim3A_1710 = vector.broadcast %broadcast_in_dim3A_1709 : i32 to vector<16xi32>
          tpu.vector_store_idx %arg6[%broadcast_in_dim3A_1146, %broadcast_in_dim3A_1154, %add3A_1682, %broadcast_in_dim3A_1710], %broadcast_in_dim3A_3 masked %eq3A_1679 : memref<2x8x200x32xf32, #tpu.memory_space<vmem>>[vector<16xi32>, vector<16xi32>, vector<16xi32>, vector<16xi32>], vector<16xf32>, vector<16xi1>
          %broadcast_in_dim3A_1711 = arith.constant 14 : i32
          %broadcast_in_dim3A_1712 = vector.broadcast %broadcast_in_dim3A_1711 : i32 to vector<16xi32>
          tpu.vector_store_idx %arg6[%broadcast_in_dim3A_1146, %broadcast_in_dim3A_1154, %add3A_1682, %broadcast_in_dim3A_1712], %broadcast_in_dim3A_3 masked %eq3A_1679 : memref<2x8x200x32xf32, #tpu.memory_space<vmem>>[vector<16xi32>, vector<16xi32>, vector<16xi32>, vector<16xi32>], vector<16xf32>, vector<16xi1>
          %broadcast_in_dim3A_1713 = arith.constant 15 : i32
          %broadcast_in_dim3A_1714 = vector.broadcast %broadcast_in_dim3A_1713 : i32 to vector<16xi32>
          tpu.vector_store_idx %arg6[%broadcast_in_dim3A_1146, %broadcast_in_dim3A_1154, %add3A_1682, %broadcast_in_dim3A_1714], %broadcast_in_dim3A_3 masked %eq3A_1679 : memref<2x8x200x32xf32, #tpu.memory_space<vmem>>[vector<16xi32>, vector<16xi32>, vector<16xi32>, vector<16xi32>], vector<16xf32>, vector<16xi1>
          %broadcast_in_dim3A_1715 = arith.constant 16 : i32
          %broadcast_in_dim3A_1716 = vector.broadcast %broadcast_in_dim3A_1715 : i32 to vector<16xi32>
          tpu.vector_store_idx %arg6[%broadcast_in_dim3A_1146, %broadcast_in_dim3A_1154, %add3A_1682, %broadcast_in_dim3A_1716], %broadcast_in_dim3A_3 masked %eq3A_1679 : memref<2x8x200x32xf32, #tpu.memory_space<vmem>>[vector<16xi32>, vector<16xi32>, vector<16xi32>, vector<16xi32>], vector<16xf32>, vector<16xi1>
          %broadcast_in_dim3A_1717 = arith.constant 17 : i32
          %broadcast_in_dim3A_1718 = vector.broadcast %broadcast_in_dim3A_1717 : i32 to vector<16xi32>
          tpu.vector_store_idx %arg6[%broadcast_in_dim3A_1146, %broadcast_in_dim3A_1154, %add3A_1682, %broadcast_in_dim3A_1718], %broadcast_in_dim3A_3 masked %eq3A_1679 : memref<2x8x200x32xf32, #tpu.memory_space<vmem>>[vector<16xi32>, vector<16xi32>, vector<16xi32>, vector<16xi32>], vector<16xf32>, vector<16xi1>
          %broadcast_in_dim3A_1719 = arith.constant 18 : i32
          %broadcast_in_dim3A_1720 = vector.broadcast %broadcast_in_dim3A_1719 : i32 to vector<16xi32>
          tpu.vector_store_idx %arg6[%broadcast_in_dim3A_1146, %broadcast_in_dim3A_1154, %add3A_1682, %broadcast_in_dim3A_1720], %broadcast_in_dim3A_3 masked %eq3A_1679 : memref<2x8x200x32xf32, #tpu.memory_space<vmem>>[vector<16xi32>, vector<16xi32>, vector<16xi32>, vector<16xi32>], vector<16xf32>, vector<16xi1>
          %broadcast_in_dim3A_1721 = arith.constant 19 : i32
          %broadcast_in_dim3A_1722 = vector.broadcast %broadcast_in_dim3A_1721 : i32 to vector<16xi32>
          tpu.vector_store_idx %arg6[%broadcast_in_dim3A_1146, %broadcast_in_dim3A_1154, %add3A_1682, %broadcast_in_dim3A_1722], %broadcast_in_dim3A_3 masked %eq3A_1679 : memref<2x8x200x32xf32, #tpu.memory_space<vmem>>[vector<16xi32>, vector<16xi32>, vector<16xi32>, vector<16xi32>], vector<16xf32>, vector<16xi1>
          %broadcast_in_dim3A_1723 = arith.constant 20 : i32
          %broadcast_in_dim3A_1724 = vector.broadcast %broadcast_in_dim3A_1723 : i32 to vector<16xi32>
          tpu.vector_store_idx %arg6[%broadcast_in_dim3A_1146, %broadcast_in_dim3A_1154, %add3A_1682, %broadcast_in_dim3A_1724], %broadcast_in_dim3A_3 masked %eq3A_1679 : memref<2x8x200x32xf32, #tpu.memory_space<vmem>>[vector<16xi32>, vector<16xi32>, vector<16xi32>, vector<16xi32>], vector<16xf32>, vector<16xi1>
          %broadcast_in_dim3A_1725 = arith.constant 21 : i32
          %broadcast_in_dim3A_1726 = vector.broadcast %broadcast_in_dim3A_1725 : i32 to vector<16xi32>
          tpu.vector_store_idx %arg6[%broadcast_in_dim3A_1146, %broadcast_in_dim3A_1154, %add3A_1682, %broadcast_in_dim3A_1726], %broadcast_in_dim3A_3 masked %eq3A_1679 : memref<2x8x200x32xf32, #tpu.memory_space<vmem>>[vector<16xi32>, vector<16xi32>, vector<16xi32>, vector<16xi32>], vector<16xf32>, vector<16xi1>
          %broadcast_in_dim3A_1727 = arith.constant 22 : i32
          %broadcast_in_dim3A_1728 = vector.broadcast %broadcast_in_dim3A_1727 : i32 to vector<16xi32>
          tpu.vector_store_idx %arg6[%broadcast_in_dim3A_1146, %broadcast_in_dim3A_1154, %add3A_1682, %broadcast_in_dim3A_1728], %broadcast_in_dim3A_3 masked %eq3A_1679 : memref<2x8x200x32xf32, #tpu.memory_space<vmem>>[vector<16xi32>, vector<16xi32>, vector<16xi32>, vector<16xi32>], vector<16xf32>, vector<16xi1>
          %broadcast_in_dim3A_1729 = arith.constant 23 : i32
          %broadcast_in_dim3A_1730 = vector.broadcast %broadcast_in_dim3A_1729 : i32 to vector<16xi32>
          tpu.vector_store_idx %arg6[%broadcast_in_dim3A_1146, %broadcast_in_dim3A_1154, %add3A_1682, %broadcast_in_dim3A_1730], %broadcast_in_dim3A_3 masked %eq3A_1679 : memref<2x8x200x32xf32, #tpu.memory_space<vmem>>[vector<16xi32>, vector<16xi32>, vector<16xi32>, vector<16xi32>], vector<16xf32>, vector<16xi1>
          %broadcast_in_dim3A_1731 = arith.constant 24 : i32
          %broadcast_in_dim3A_1732 = vector.broadcast %broadcast_in_dim3A_1731 : i32 to vector<16xi32>
          tpu.vector_store_idx %arg6[%broadcast_in_dim3A_1146, %broadcast_in_dim3A_1154, %add3A_1682, %broadcast_in_dim3A_1732], %broadcast_in_dim3A_3 masked %eq3A_1679 : memref<2x8x200x32xf32, #tpu.memory_space<vmem>>[vector<16xi32>, vector<16xi32>, vector<16xi32>, vector<16xi32>], vector<16xf32>, vector<16xi1>
          %broadcast_in_dim3A_1733 = arith.constant 25 : i32
          %broadcast_in_dim3A_1734 = vector.broadcast %broadcast_in_dim3A_1733 : i32 to vector<16xi32>
          tpu.vector_store_idx %arg6[%broadcast_in_dim3A_1146, %broadcast_in_dim3A_1154, %add3A_1682, %broadcast_in_dim3A_1734], %broadcast_in_dim3A_3 masked %eq3A_1679 : memref<2x8x200x32xf32, #tpu.memory_space<vmem>>[vector<16xi32>, vector<16xi32>, vector<16xi32>, vector<16xi32>], vector<16xf32>, vector<16xi1>
          %broadcast_in_dim3A_1735 = arith.constant 26 : i32
          %broadcast_in_dim3A_1736 = vector.broadcast %broadcast_in_dim3A_1735 : i32 to vector<16xi32>
          tpu.vector_store_idx %arg6[%broadcast_in_dim3A_1146, %broadcast_in_dim3A_1154, %add3A_1682, %broadcast_in_dim3A_1736], %broadcast_in_dim3A_3 masked %eq3A_1679 : memref<2x8x200x32xf32, #tpu.memory_space<vmem>>[vector<16xi32>, vector<16xi32>, vector<16xi32>, vector<16xi32>], vector<16xf32>, vector<16xi1>
          %broadcast_in_dim3A_1737 = arith.constant 27 : i32
          %broadcast_in_dim3A_1738 = vector.broadcast %broadcast_in_dim3A_1737 : i32 to vector<16xi32>
          tpu.vector_store_idx %arg6[%broadcast_in_dim3A_1146, %broadcast_in_dim3A_1154, %add3A_1682, %broadcast_in_dim3A_1738], %broadcast_in_dim3A_3 masked %eq3A_1679 : memref<2x8x200x32xf32, #tpu.memory_space<vmem>>[vector<16xi32>, vector<16xi32>, vector<16xi32>, vector<16xi32>], vector<16xf32>, vector<16xi1>
          %broadcast_in_dim3A_1739 = arith.constant 28 : i32
          %broadcast_in_dim3A_1740 = vector.broadcast %broadcast_in_dim3A_1739 : i32 to vector<16xi32>
          tpu.vector_store_idx %arg6[%broadcast_in_dim3A_1146, %broadcast_in_dim3A_1154, %add3A_1682, %broadcast_in_dim3A_1740], %broadcast_in_dim3A_3 masked %eq3A_1679 : memref<2x8x200x32xf32, #tpu.memory_space<vmem>>[vector<16xi32>, vector<16xi32>, vector<16xi32>, vector<16xi32>], vector<16xf32>, vector<16xi1>
          %broadcast_in_dim3A_1741 = arith.constant 29 : i32
          %broadcast_in_dim3A_1742 = vector.broadcast %broadcast_in_dim3A_1741 : i32 to vector<16xi32>
          tpu.vector_store_idx %arg6[%broadcast_in_dim3A_1146, %broadcast_in_dim3A_1154, %add3A_1682, %broadcast_in_dim3A_1742], %broadcast_in_dim3A_3 masked %eq3A_1679 : memref<2x8x200x32xf32, #tpu.memory_space<vmem>>[vector<16xi32>, vector<16xi32>, vector<16xi32>, vector<16xi32>], vector<16xf32>, vector<16xi1>
          %broadcast_in_dim3A_1743 = arith.constant 30 : i32
          %broadcast_in_dim3A_1744 = vector.broadcast %broadcast_in_dim3A_1743 : i32 to vector<16xi32>
          tpu.vector_store_idx %arg6[%broadcast_in_dim3A_1146, %broadcast_in_dim3A_1154, %add3A_1682, %broadcast_in_dim3A_1744], %broadcast_in_dim3A_3 masked %eq3A_1679 : memref<2x8x200x32xf32, #tpu.memory_space<vmem>>[vector<16xi32>, vector<16xi32>, vector<16xi32>, vector<16xi32>], vector<16xf32>, vector<16xi1>
          %broadcast_in_dim3A_1745 = arith.constant 31 : i32
          %broadcast_in_dim3A_1746 = vector.broadcast %broadcast_in_dim3A_1745 : i32 to vector<16xi32>
          tpu.vector_store_idx %arg6[%broadcast_in_dim3A_1146, %broadcast_in_dim3A_1154, %add3A_1682, %broadcast_in_dim3A_1746], %broadcast_in_dim3A_3 masked %eq3A_1679 : memref<2x8x200x32xf32, #tpu.memory_space<vmem>>[vector<16xi32>, vector<16xi32>, vector<16xi32>, vector<16xi32>], vector<16xf32>, vector<16xi1>
          %get3A_1747 = arith.index_cast %select_n3A_280 : i32 to index
          %get3A_1748 = arith.index_cast %scan3A_1153 : i32 to index
          %get3A_1749 = arith.constant 128 : index
          %get3A_1750 = tpu.vector_load %arg5[%get3A_1747, %get3A_1748, %get3A_1749] {strides = array<i32>} : memref<2x8x200xi32, #tpu.memory_space<vmem>>, vector<16xi32>,
          %eq3A_1751 = arith.constant 0 : i32
          %eq3A_1752 = vector.broadcast %eq3A_1751 : i32 to vector<16xi32>
          %eq3A_1753 = arith.cmpi eq, %get3A_1750, %eq3A_1752 : vector<16xi32>
          %add3A_1754 = arith.constant 128 : i32
          %add3A_1755 = vector.broadcast %add3A_1754 : i32 to vector<16xi32>
          %add3A_1756 = arith.addi %add3A_1755, %iota3A : vector<16xi32>
          %broadcast_in_dim3A_1757 = arith.constant 0 : i32
          %broadcast_in_dim3A_1758 = vector.broadcast %broadcast_in_dim3A_1757 : i32 to vector<16xi32>
          tpu.vector_store_idx %arg6[%broadcast_in_dim3A_1146, %broadcast_in_dim3A_1154, %add3A_1756, %broadcast_in_dim3A_1758], %broadcast_in_dim3A_3 masked %eq3A_1753 : memref<2x8x200x32xf32, #tpu.memory_space<vmem>>[vector<16xi32>, vector<16xi32>, vector<16xi32>, vector<16xi32>], vector<16xf32>, vector<16xi1>
          %broadcast_in_dim3A_1759 = arith.constant 1 : i32
          %broadcast_in_dim3A_1760 = vector.broadcast %broadcast_in_dim3A_1759 : i32 to vector<16xi32>
          tpu.vector_store_idx %arg6[%broadcast_in_dim3A_1146, %broadcast_in_dim3A_1154, %add3A_1756, %broadcast_in_dim3A_1760], %broadcast_in_dim3A_3 masked %eq3A_1753 : memref<2x8x200x32xf32, #tpu.memory_space<vmem>>[vector<16xi32>, vector<16xi32>, vector<16xi32>, vector<16xi32>], vector<16xf32>, vector<16xi1>
          %broadcast_in_dim3A_1761 = arith.constant 2 : i32
          %broadcast_in_dim3A_1762 = vector.broadcast %broadcast_in_dim3A_1761 : i32 to vector<16xi32>
          tpu.vector_store_idx %arg6[%broadcast_in_dim3A_1146, %broadcast_in_dim3A_1154, %add3A_1756, %broadcast_in_dim3A_1762], %broadcast_in_dim3A_3 masked %eq3A_1753 : memref<2x8x200x32xf32, #tpu.memory_space<vmem>>[vector<16xi32>, vector<16xi32>, vector<16xi32>, vector<16xi32>], vector<16xf32>, vector<16xi1>
          %broadcast_in_dim3A_1763 = arith.constant 3 : i32
          %broadcast_in_dim3A_1764 = vector.broadcast %broadcast_in_dim3A_1763 : i32 to vector<16xi32>
          tpu.vector_store_idx %arg6[%broadcast_in_dim3A_1146, %broadcast_in_dim3A_1154, %add3A_1756, %broadcast_in_dim3A_1764], %broadcast_in_dim3A_3 masked %eq3A_1753 : memref<2x8x200x32xf32, #tpu.memory_space<vmem>>[vector<16xi32>, vector<16xi32>, vector<16xi32>, vector<16xi32>], vector<16xf32>, vector<16xi1>
          %broadcast_in_dim3A_1765 = arith.constant 4 : i32
          %broadcast_in_dim3A_1766 = vector.broadcast %broadcast_in_dim3A_1765 : i32 to vector<16xi32>
          tpu.vector_store_idx %arg6[%broadcast_in_dim3A_1146, %broadcast_in_dim3A_1154, %add3A_1756, %broadcast_in_dim3A_1766], %broadcast_in_dim3A_3 masked %eq3A_1753 : memref<2x8x200x32xf32, #tpu.memory_space<vmem>>[vector<16xi32>, vector<16xi32>, vector<16xi32>, vector<16xi32>], vector<16xf32>, vector<16xi1>
          %broadcast_in_dim3A_1767 = arith.constant 5 : i32
          %broadcast_in_dim3A_1768 = vector.broadcast %broadcast_in_dim3A_1767 : i32 to vector<16xi32>
          tpu.vector_store_idx %arg6[%broadcast_in_dim3A_1146, %broadcast_in_dim3A_1154, %add3A_1756, %broadcast_in_dim3A_1768], %broadcast_in_dim3A_3 masked %eq3A_1753 : memref<2x8x200x32xf32, #tpu.memory_space<vmem>>[vector<16xi32>, vector<16xi32>, vector<16xi32>, vector<16xi32>], vector<16xf32>, vector<16xi1>
          %broadcast_in_dim3A_1769 = arith.constant 6 : i32
          %broadcast_in_dim3A_1770 = vector.broadcast %broadcast_in_dim3A_1769 : i32 to vector<16xi32>
          tpu.vector_store_idx %arg6[%broadcast_in_dim3A_1146, %broadcast_in_dim3A_1154, %add3A_1756, %broadcast_in_dim3A_1770], %broadcast_in_dim3A_3 masked %eq3A_1753 : memref<2x8x200x32xf32, #tpu.memory_space<vmem>>[vector<16xi32>, vector<16xi32>, vector<16xi32>, vector<16xi32>], vector<16xf32>, vector<16xi1>
          %broadcast_in_dim3A_1771 = arith.constant 7 : i32
          %broadcast_in_dim3A_1772 = vector.broadcast %broadcast_in_dim3A_1771 : i32 to vector<16xi32>
          tpu.vector_store_idx %arg6[%broadcast_in_dim3A_1146, %broadcast_in_dim3A_1154, %add3A_1756, %broadcast_in_dim3A_1772], %broadcast_in_dim3A_3 masked %eq3A_1753 : memref<2x8x200x32xf32, #tpu.memory_space<vmem>>[vector<16xi32>, vector<16xi32>, vector<16xi32>, vector<16xi32>], vector<16xf32>, vector<16xi1>
          %broadcast_in_dim3A_1773 = arith.constant 8 : i32
          %broadcast_in_dim3A_1774 = vector.broadcast %broadcast_in_dim3A_1773 : i32 to vector<16xi32>
          tpu.vector_store_idx %arg6[%broadcast_in_dim3A_1146, %broadcast_in_dim3A_1154, %add3A_1756, %broadcast_in_dim3A_1774], %broadcast_in_dim3A_3 masked %eq3A_1753 : memref<2x8x200x32xf32, #tpu.memory_space<vmem>>[vector<16xi32>, vector<16xi32>, vector<16xi32>, vector<16xi32>], vector<16xf32>, vector<16xi1>
          %broadcast_in_dim3A_1775 = arith.constant 9 : i32
          %broadcast_in_dim3A_1776 = vector.broadcast %broadcast_in_dim3A_1775 : i32 to vector<16xi32>
          tpu.vector_store_idx %arg6[%broadcast_in_dim3A_1146, %broadcast_in_dim3A_1154, %add3A_1756, %broadcast_in_dim3A_1776], %broadcast_in_dim3A_3 masked %eq3A_1753 : memref<2x8x200x32xf32, #tpu.memory_space<vmem>>[vector<16xi32>, vector<16xi32>, vector<16xi32>, vector<16xi32>], vector<16xf32>, vector<16xi1>
          %broadcast_in_dim3A_1777 = arith.constant 10 : i32
          %broadcast_in_dim3A_1778 = vector.broadcast %broadcast_in_dim3A_1777 : i32 to vector<16xi32>
          tpu.vector_store_idx %arg6[%broadcast_in_dim3A_1146, %broadcast_in_dim3A_1154, %add3A_1756, %broadcast_in_dim3A_1778], %broadcast_in_dim3A_3 masked %eq3A_1753 : memref<2x8x200x32xf32, #tpu.memory_space<vmem>>[vector<16xi32>, vector<16xi32>, vector<16xi32>, vector<16xi32>], vector<16xf32>, vector<16xi1>
          %broadcast_in_dim3A_1779 = arith.constant 11 : i32
          %broadcast_in_dim3A_1780 = vector.broadcast %broadcast_in_dim3A_1779 : i32 to vector<16xi32>
          tpu.vector_store_idx %arg6[%broadcast_in_dim3A_1146, %broadcast_in_dim3A_1154, %add3A_1756, %broadcast_in_dim3A_1780], %broadcast_in_dim3A_3 masked %eq3A_1753 : memref<2x8x200x32xf32, #tpu.memory_space<vmem>>[vector<16xi32>, vector<16xi32>, vector<16xi32>, vector<16xi32>], vector<16xf32>, vector<16xi1>
          %broadcast_in_dim3A_1781 = arith.constant 12 : i32
          %broadcast_in_dim3A_1782 = vector.broadcast %broadcast_in_dim3A_1781 : i32 to vector<16xi32>
          tpu.vector_store_idx %arg6[%broadcast_in_dim3A_1146, %broadcast_in_dim3A_1154, %add3A_1756, %broadcast_in_dim3A_1782], %broadcast_in_dim3A_3 masked %eq3A_1753 : memref<2x8x200x32xf32, #tpu.memory_space<vmem>>[vector<16xi32>, vector<16xi32>, vector<16xi32>, vector<16xi32>], vector<16xf32>, vector<16xi1>
          %broadcast_in_dim3A_1783 = arith.constant 13 : i32
          %broadcast_in_dim3A_1784 = vector.broadcast %broadcast_in_dim3A_1783 : i32 to vector<16xi32>
          tpu.vector_store_idx %arg6[%broadcast_in_dim3A_1146, %broadcast_in_dim3A_1154, %add3A_1756, %broadcast_in_dim3A_1784], %broadcast_in_dim3A_3 masked %eq3A_1753 : memref<2x8x200x32xf32, #tpu.memory_space<vmem>>[vector<16xi32>, vector<16xi32>, vector<16xi32>, vector<16xi32>], vector<16xf32>, vector<16xi1>
          %broadcast_in_dim3A_1785 = arith.constant 14 : i32
          %broadcast_in_dim3A_1786 = vector.broadcast %broadcast_in_dim3A_1785 : i32 to vector<16xi32>
          tpu.vector_store_idx %arg6[%broadcast_in_dim3A_1146, %broadcast_in_dim3A_1154, %add3A_1756, %broadcast_in_dim3A_1786], %broadcast_in_dim3A_3 masked %eq3A_1753 : memref<2x8x200x32xf32, #tpu.memory_space<vmem>>[vector<16xi32>, vector<16xi32>, vector<16xi32>, vector<16xi32>], vector<16xf32>, vector<16xi1>
          %broadcast_in_dim3A_1787 = arith.constant 15 : i32
          %broadcast_in_dim3A_1788 = vector.broadcast %broadcast_in_dim3A_1787 : i32 to vector<16xi32>
          tpu.vector_store_idx %arg6[%broadcast_in_dim3A_1146, %broadcast_in_dim3A_1154, %add3A_1756, %broadcast_in_dim3A_1788], %broadcast_in_dim3A_3 masked %eq3A_1753 : memref<2x8x200x32xf32, #tpu.memory_space<vmem>>[vector<16xi32>, vector<16xi32>, vector<16xi32>, vector<16xi32>], vector<16xf32>, vector<16xi1>
          %broadcast_in_dim3A_1789 = arith.constant 16 : i32
          %broadcast_in_dim3A_1790 = vector.broadcast %broadcast_in_dim3A_1789 : i32 to vector<16xi32>
          tpu.vector_store_idx %arg6[%broadcast_in_dim3A_1146, %broadcast_in_dim3A_1154, %add3A_1756, %broadcast_in_dim3A_1790], %broadcast_in_dim3A_3 masked %eq3A_1753 : memref<2x8x200x32xf32, #tpu.memory_space<vmem>>[vector<16xi32>, vector<16xi32>, vector<16xi32>, vector<16xi32>], vector<16xf32>, vector<16xi1>
          %broadcast_in_dim3A_1791 = arith.constant 17 : i32
          %broadcast_in_dim3A_1792 = vector.broadcast %broadcast_in_dim3A_1791 : i32 to vector<16xi32>
          tpu.vector_store_idx %arg6[%broadcast_in_dim3A_1146, %broadcast_in_dim3A_1154, %add3A_1756, %broadcast_in_dim3A_1792], %broadcast_in_dim3A_3 masked %eq3A_1753 : memref<2x8x200x32xf32, #tpu.memory_space<vmem>>[vector<16xi32>, vector<16xi32>, vector<16xi32>, vector<16xi32>], vector<16xf32>, vector<16xi1>
          %broadcast_in_dim3A_1793 = arith.constant 18 : i32
          %broadcast_in_dim3A_1794 = vector.broadcast %broadcast_in_dim3A_1793 : i32 to vector<16xi32>
          tpu.vector_store_idx %arg6[%broadcast_in_dim3A_1146, %broadcast_in_dim3A_1154, %add3A_1756, %broadcast_in_dim3A_1794], %broadcast_in_dim3A_3 masked %eq3A_1753 : memref<2x8x200x32xf32, #tpu.memory_space<vmem>>[vector<16xi32>, vector<16xi32>, vector<16xi32>, vector<16xi32>], vector<16xf32>, vector<16xi1>
          %broadcast_in_dim3A_1795 = arith.constant 19 : i32
          %broadcast_in_dim3A_1796 = vector.broadcast %broadcast_in_dim3A_1795 : i32 to vector<16xi32>
          tpu.vector_store_idx %arg6[%broadcast_in_dim3A_1146, %broadcast_in_dim3A_1154, %add3A_1756, %broadcast_in_dim3A_1796], %broadcast_in_dim3A_3 masked %eq3A_1753 : memref<2x8x200x32xf32, #tpu.memory_space<vmem>>[vector<16xi32>, vector<16xi32>, vector<16xi32>, vector<16xi32>], vector<16xf32>, vector<16xi1>
          %broadcast_in_dim3A_1797 = arith.constant 20 : i32
          %broadcast_in_dim3A_1798 = vector.broadcast %broadcast_in_dim3A_1797 : i32 to vector<16xi32>
          tpu.vector_store_idx %arg6[%broadcast_in_dim3A_1146, %broadcast_in_dim3A_1154, %add3A_1756, %broadcast_in_dim3A_1798], %broadcast_in_dim3A_3 masked %eq3A_1753 : memref<2x8x200x32xf32, #tpu.memory_space<vmem>>[vector<16xi32>, vector<16xi32>, vector<16xi32>, vector<16xi32>], vector<16xf32>, vector<16xi1>
          %broadcast_in_dim3A_1799 = arith.constant 21 : i32
          %broadcast_in_dim3A_1800 = vector.broadcast %broadcast_in_dim3A_1799 : i32 to vector<16xi32>
          tpu.vector_store_idx %arg6[%broadcast_in_dim3A_1146, %broadcast_in_dim3A_1154, %add3A_1756, %broadcast_in_dim3A_1800], %broadcast_in_dim3A_3 masked %eq3A_1753 : memref<2x8x200x32xf32, #tpu.memory_space<vmem>>[vector<16xi32>, vector<16xi32>, vector<16xi32>, vector<16xi32>], vector<16xf32>, vector<16xi1>
          %broadcast_in_dim3A_1801 = arith.constant 22 : i32
          %broadcast_in_dim3A_1802 = vector.broadcast %broadcast_in_dim3A_1801 : i32 to vector<16xi32>
          tpu.vector_store_idx %arg6[%broadcast_in_dim3A_1146, %broadcast_in_dim3A_1154, %add3A_1756, %broadcast_in_dim3A_1802], %broadcast_in_dim3A_3 masked %eq3A_1753 : memref<2x8x200x32xf32, #tpu.memory_space<vmem>>[vector<16xi32>, vector<16xi32>, vector<16xi32>, vector<16xi32>], vector<16xf32>, vector<16xi1>
          %broadcast_in_dim3A_1803 = arith.constant 23 : i32
          %broadcast_in_dim3A_1804 = vector.broadcast %broadcast_in_dim3A_1803 : i32 to vector<16xi32>
          tpu.vector_store_idx %arg6[%broadcast_in_dim3A_1146, %broadcast_in_dim3A_1154, %add3A_1756, %broadcast_in_dim3A_1804], %broadcast_in_dim3A_3 masked %eq3A_1753 : memref<2x8x200x32xf32, #tpu.memory_space<vmem>>[vector<16xi32>, vector<16xi32>, vector<16xi32>, vector<16xi32>], vector<16xf32>, vector<16xi1>
          %broadcast_in_dim3A_1805 = arith.constant 24 : i32
          %broadcast_in_dim3A_1806 = vector.broadcast %broadcast_in_dim3A_1805 : i32 to vector<16xi32>
          tpu.vector_store_idx %arg6[%broadcast_in_dim3A_1146, %broadcast_in_dim3A_1154, %add3A_1756, %broadcast_in_dim3A_1806], %broadcast_in_dim3A_3 masked %eq3A_1753 : memref<2x8x200x32xf32, #tpu.memory_space<vmem>>[vector<16xi32>, vector<16xi32>, vector<16xi32>, vector<16xi32>], vector<16xf32>, vector<16xi1>
          %broadcast_in_dim3A_1807 = arith.constant 25 : i32
          %broadcast_in_dim3A_1808 = vector.broadcast %broadcast_in_dim3A_1807 : i32 to vector<16xi32>
          tpu.vector_store_idx %arg6[%broadcast_in_dim3A_1146, %broadcast_in_dim3A_1154, %add3A_1756, %broadcast_in_dim3A_1808], %broadcast_in_dim3A_3 masked %eq3A_1753 : memref<2x8x200x32xf32, #tpu.memory_space<vmem>>[vector<16xi32>, vector<16xi32>, vector<16xi32>, vector<16xi32>], vector<16xf32>, vector<16xi1>
          %broadcast_in_dim3A_1809 = arith.constant 26 : i32
          %broadcast_in_dim3A_1810 = vector.broadcast %broadcast_in_dim3A_1809 : i32 to vector<16xi32>
          tpu.vector_store_idx %arg6[%broadcast_in_dim3A_1146, %broadcast_in_dim3A_1154, %add3A_1756, %broadcast_in_dim3A_1810], %broadcast_in_dim3A_3 masked %eq3A_1753 : memref<2x8x200x32xf32, #tpu.memory_space<vmem>>[vector<16xi32>, vector<16xi32>, vector<16xi32>, vector<16xi32>], vector<16xf32>, vector<16xi1>
          %broadcast_in_dim3A_1811 = arith.constant 27 : i32
          %broadcast_in_dim3A_1812 = vector.broadcast %broadcast_in_dim3A_1811 : i32 to vector<16xi32>
          tpu.vector_store_idx %arg6[%broadcast_in_dim3A_1146, %broadcast_in_dim3A_1154, %add3A_1756, %broadcast_in_dim3A_1812], %broadcast_in_dim3A_3 masked %eq3A_1753 : memref<2x8x200x32xf32, #tpu.memory_space<vmem>>[vector<16xi32>, vector<16xi32>, vector<16xi32>, vector<16xi32>], vector<16xf32>, vector<16xi1>
          %broadcast_in_dim3A_1813 = arith.constant 28 : i32
          %broadcast_in_dim3A_1814 = vector.broadcast %broadcast_in_dim3A_1813 : i32 to vector<16xi32>
          tpu.vector_store_idx %arg6[%broadcast_in_dim3A_1146, %broadcast_in_dim3A_1154, %add3A_1756, %broadcast_in_dim3A_1814], %broadcast_in_dim3A_3 masked %eq3A_1753 : memref<2x8x200x32xf32, #tpu.memory_space<vmem>>[vector<16xi32>, vector<16xi32>, vector<16xi32>, vector<16xi32>], vector<16xf32>, vector<16xi1>
          %broadcast_in_dim3A_1815 = arith.constant 29 : i32
          %broadcast_in_dim3A_1816 = vector.broadcast %broadcast_in_dim3A_1815 : i32 to vector<16xi32>
          tpu.vector_store_idx %arg6[%broadcast_in_dim3A_1146, %broadcast_in_dim3A_1154, %add3A_1756, %broadcast_in_dim3A_1816], %broadcast_in_dim3A_3 masked %eq3A_1753 : memref<2x8x200x32xf32, #tpu.memory_space<vmem>>[vector<16xi32>, vector<16xi32>, vector<16xi32>, vector<16xi32>], vector<16xf32>, vector<16xi1>
          %broadcast_in_dim3A_1817 = arith.constant 30 : i32
          %broadcast_in_dim3A_1818 = vector.broadcast %broadcast_in_dim3A_1817 : i32 to vector<16xi32>
          tpu.vector_store_idx %arg6[%broadcast_in_dim3A_1146, %broadcast_in_dim3A_1154, %add3A_1756, %broadcast_in_dim3A_1818], %broadcast_in_dim3A_3 masked %eq3A_1753 : memref<2x8x200x32xf32, #tpu.memory_space<vmem>>[vector<16xi32>, vector<16xi32>, vector<16xi32>, vector<16xi32>], vector<16xf32>, vector<16xi1>
          %broadcast_in_dim3A_1819 = arith.constant 31 : i32
          %broadcast_in_dim3A_1820 = vector.broadcast %broadcast_in_dim3A_1819 : i32 to vector<16xi32>
          tpu.vector_store_idx %arg6[%broadcast_in_dim3A_1146, %broadcast_in_dim3A_1154, %add3A_1756, %broadcast_in_dim3A_1820], %broadcast_in_dim3A_3 masked %eq3A_1753 : memref<2x8x200x32xf32, #tpu.memory_space<vmem>>[vector<16xi32>, vector<16xi32>, vector<16xi32>, vector<16xi32>], vector<16xf32>, vector<16xi1>
          %get3A_1821 = arith.index_cast %select_n3A_280 : i32 to index
          %get3A_1822 = arith.index_cast %scan3A_1153 : i32 to index
          %get3A_1823 = arith.constant 144 : index
          %get3A_1824 = tpu.vector_load %arg5[%get3A_1821, %get3A_1822, %get3A_1823] {strides = array<i32>} : memref<2x8x200xi32, #tpu.memory_space<vmem>>, vector<16xi32>,
          %eq3A_1825 = arith.constant 0 : i32
          %eq3A_1826 = vector.broadcast %eq3A_1825 : i32 to vector<16xi32>
          %eq3A_1827 = arith.cmpi eq, %get3A_1824, %eq3A_1826 : vector<16xi32>
          %add3A_1828 = arith.constant 144 : i32
          %add3A_1829 = vector.broadcast %add3A_1828 : i32 to vector<16xi32>
          %add3A_1830 = arith.addi %add3A_1829, %iota3A : vector<16xi32>
          %broadcast_in_dim3A_1831 = arith.constant 0 : i32
          %broadcast_in_dim3A_1832 = vector.broadcast %broadcast_in_dim3A_1831 : i32 to vector<16xi32>
          tpu.vector_store_idx %arg6[%broadcast_in_dim3A_1146, %broadcast_in_dim3A_1154, %add3A_1830, %broadcast_in_dim3A_1832], %broadcast_in_dim3A_3 masked %eq3A_1827 : memref<2x8x200x32xf32, #tpu.memory_space<vmem>>[vector<16xi32>, vector<16xi32>, vector<16xi32>, vector<16xi32>], vector<16xf32>, vector<16xi1>
          %broadcast_in_dim3A_1833 = arith.constant 1 : i32
          %broadcast_in_dim3A_1834 = vector.broadcast %broadcast_in_dim3A_1833 : i32 to vector<16xi32>
          tpu.vector_store_idx %arg6[%broadcast_in_dim3A_1146, %broadcast_in_dim3A_1154, %add3A_1830, %broadcast_in_dim3A_1834], %broadcast_in_dim3A_3 masked %eq3A_1827 : memref<2x8x200x32xf32, #tpu.memory_space<vmem>>[vector<16xi32>, vector<16xi32>, vector<16xi32>, vector<16xi32>], vector<16xf32>, vector<16xi1>
          %broadcast_in_dim3A_1835 = arith.constant 2 : i32
          %broadcast_in_dim3A_1836 = vector.broadcast %broadcast_in_dim3A_1835 : i32 to vector<16xi32>
          tpu.vector_store_idx %arg6[%broadcast_in_dim3A_1146, %broadcast_in_dim3A_1154, %add3A_1830, %broadcast_in_dim3A_1836], %broadcast_in_dim3A_3 masked %eq3A_1827 : memref<2x8x200x32xf32, #tpu.memory_space<vmem>>[vector<16xi32>, vector<16xi32>, vector<16xi32>, vector<16xi32>], vector<16xf32>, vector<16xi1>
          %broadcast_in_dim3A_1837 = arith.constant 3 : i32
          %broadcast_in_dim3A_1838 = vector.broadcast %broadcast_in_dim3A_1837 : i32 to vector<16xi32>
          tpu.vector_store_idx %arg6[%broadcast_in_dim3A_1146, %broadcast_in_dim3A_1154, %add3A_1830, %broadcast_in_dim3A_1838], %broadcast_in_dim3A_3 masked %eq3A_1827 : memref<2x8x200x32xf32, #tpu.memory_space<vmem>>[vector<16xi32>, vector<16xi32>, vector<16xi32>, vector<16xi32>], vector<16xf32>, vector<16xi1>
          %broadcast_in_dim3A_1839 = arith.constant 4 : i32
          %broadcast_in_dim3A_1840 = vector.broadcast %broadcast_in_dim3A_1839 : i32 to vector<16xi32>
          tpu.vector_store_idx %arg6[%broadcast_in_dim3A_1146, %broadcast_in_dim3A_1154, %add3A_1830, %broadcast_in_dim3A_1840], %broadcast_in_dim3A_3 masked %eq3A_1827 : memref<2x8x200x32xf32, #tpu.memory_space<vmem>>[vector<16xi32>, vector<16xi32>, vector<16xi32>, vector<16xi32>], vector<16xf32>, vector<16xi1>
          %broadcast_in_dim3A_1841 = arith.constant 5 : i32
          %broadcast_in_dim3A_1842 = vector.broadcast %broadcast_in_dim3A_1841 : i32 to vector<16xi32>
          tpu.vector_store_idx %arg6[%broadcast_in_dim3A_1146, %broadcast_in_dim3A_1154, %add3A_1830, %broadcast_in_dim3A_1842], %broadcast_in_dim3A_3 masked %eq3A_1827 : memref<2x8x200x32xf32, #tpu.memory_space<vmem>>[vector<16xi32>, vector<16xi32>, vector<16xi32>, vector<16xi32>], vector<16xf32>, vector<16xi1>
          %broadcast_in_dim3A_1843 = arith.constant 6 : i32
          %broadcast_in_dim3A_1844 = vector.broadcast %broadcast_in_dim3A_1843 : i32 to vector<16xi32>
          tpu.vector_store_idx %arg6[%broadcast_in_dim3A_1146, %broadcast_in_dim3A_1154, %add3A_1830, %broadcast_in_dim3A_1844], %broadcast_in_dim3A_3 masked %eq3A_1827 : memref<2x8x200x32xf32, #tpu.memory_space<vmem>>[vector<16xi32>, vector<16xi32>, vector<16xi32>, vector<16xi32>], vector<16xf32>, vector<16xi1>
          %broadcast_in_dim3A_1845 = arith.constant 7 : i32
          %broadcast_in_dim3A_1846 = vector.broadcast %broadcast_in_dim3A_1845 : i32 to vector<16xi32>
          tpu.vector_store_idx %arg6[%broadcast_in_dim3A_1146, %broadcast_in_dim3A_1154, %add3A_1830, %broadcast_in_dim3A_1846], %broadcast_in_dim3A_3 masked %eq3A_1827 : memref<2x8x200x32xf32, #tpu.memory_space<vmem>>[vector<16xi32>, vector<16xi32>, vector<16xi32>, vector<16xi32>], vector<16xf32>, vector<16xi1>
          %broadcast_in_dim3A_1847 = arith.constant 8 : i32
          %broadcast_in_dim3A_1848 = vector.broadcast %broadcast_in_dim3A_1847 : i32 to vector<16xi32>
          tpu.vector_store_idx %arg6[%broadcast_in_dim3A_1146, %broadcast_in_dim3A_1154, %add3A_1830, %broadcast_in_dim3A_1848], %broadcast_in_dim3A_3 masked %eq3A_1827 : memref<2x8x200x32xf32, #tpu.memory_space<vmem>>[vector<16xi32>, vector<16xi32>, vector<16xi32>, vector<16xi32>], vector<16xf32>, vector<16xi1>
          %broadcast_in_dim3A_1849 = arith.constant 9 : i32
          %broadcast_in_dim3A_1850 = vector.broadcast %broadcast_in_dim3A_1849 : i32 to vector<16xi32>
          tpu.vector_store_idx %arg6[%broadcast_in_dim3A_1146, %broadcast_in_dim3A_1154, %add3A_1830, %broadcast_in_dim3A_1850], %broadcast_in_dim3A_3 masked %eq3A_1827 : memref<2x8x200x32xf32, #tpu.memory_space<vmem>>[vector<16xi32>, vector<16xi32>, vector<16xi32>, vector<16xi32>], vector<16xf32>, vector<16xi1>
          %broadcast_in_dim3A_1851 = arith.constant 10 : i32
          %broadcast_in_dim3A_1852 = vector.broadcast %broadcast_in_dim3A_1851 : i32 to vector<16xi32>
          tpu.vector_store_idx %arg6[%broadcast_in_dim3A_1146, %broadcast_in_dim3A_1154, %add3A_1830, %broadcast_in_dim3A_1852], %broadcast_in_dim3A_3 masked %eq3A_1827 : memref<2x8x200x32xf32, #tpu.memory_space<vmem>>[vector<16xi32>, vector<16xi32>, vector<16xi32>, vector<16xi32>], vector<16xf32>, vector<16xi1>
          %broadcast_in_dim3A_1853 = arith.constant 11 : i32
          %broadcast_in_dim3A_1854 = vector.broadcast %broadcast_in_dim3A_1853 : i32 to vector<16xi32>
          tpu.vector_store_idx %arg6[%broadcast_in_dim3A_1146, %broadcast_in_dim3A_1154, %add3A_1830, %broadcast_in_dim3A_1854], %broadcast_in_dim3A_3 masked %eq3A_1827 : memref<2x8x200x32xf32, #tpu.memory_space<vmem>>[vector<16xi32>, vector<16xi32>, vector<16xi32>, vector<16xi32>], vector<16xf32>, vector<16xi1>
          %broadcast_in_dim3A_1855 = arith.constant 12 : i32
          %broadcast_in_dim3A_1856 = vector.broadcast %broadcast_in_dim3A_1855 : i32 to vector<16xi32>
          tpu.vector_store_idx %arg6[%broadcast_in_dim3A_1146, %broadcast_in_dim3A_1154, %add3A_1830, %broadcast_in_dim3A_1856], %broadcast_in_dim3A_3 masked %eq3A_1827 : memref<2x8x200x32xf32, #tpu.memory_space<vmem>>[vector<16xi32>, vector<16xi32>, vector<16xi32>, vector<16xi32>], vector<16xf32>, vector<16xi1>
          %broadcast_in_dim3A_1857 = arith.constant 13 : i32
          %broadcast_in_dim3A_1858 = vector.broadcast %broadcast_in_dim3A_1857 : i32 to vector<16xi32>
          tpu.vector_store_idx %arg6[%broadcast_in_dim3A_1146, %broadcast_in_dim3A_1154, %add3A_1830, %broadcast_in_dim3A_1858], %broadcast_in_dim3A_3 masked %eq3A_1827 : memref<2x8x200x32xf32, #tpu.memory_space<vmem>>[vector<16xi32>, vector<16xi32>, vector<16xi32>, vector<16xi32>], vector<16xf32>, vector<16xi1>
          %broadcast_in_dim3A_1859 = arith.constant 14 : i32
          %broadcast_in_dim3A_1860 = vector.broadcast %broadcast_in_dim3A_1859 : i32 to vector<16xi32>
          tpu.vector_store_idx %arg6[%broadcast_in_dim3A_1146, %broadcast_in_dim3A_1154, %add3A_1830, %broadcast_in_dim3A_1860], %broadcast_in_dim3A_3 masked %eq3A_1827 : memref<2x8x200x32xf32, #tpu.memory_space<vmem>>[vector<16xi32>, vector<16xi32>, vector<16xi32>, vector<16xi32>], vector<16xf32>, vector<16xi1>
          %broadcast_in_dim3A_1861 = arith.constant 15 : i32
          %broadcast_in_dim3A_1862 = vector.broadcast %broadcast_in_dim3A_1861 : i32 to vector<16xi32>
          tpu.vector_store_idx %arg6[%broadcast_in_dim3A_1146, %broadcast_in_dim3A_1154, %add3A_1830, %broadcast_in_dim3A_1862], %broadcast_in_dim3A_3 masked %eq3A_1827 : memref<2x8x200x32xf32, #tpu.memory_space<vmem>>[vector<16xi32>, vector<16xi32>, vector<16xi32>, vector<16xi32>], vector<16xf32>, vector<16xi1>
          %broadcast_in_dim3A_1863 = arith.constant 16 : i32
          %broadcast_in_dim3A_1864 = vector.broadcast %broadcast_in_dim3A_1863 : i32 to vector<16xi32>
          tpu.vector_store_idx %arg6[%broadcast_in_dim3A_1146, %broadcast_in_dim3A_1154, %add3A_1830, %broadcast_in_dim3A_1864], %broadcast_in_dim3A_3 masked %eq3A_1827 : memref<2x8x200x32xf32, #tpu.memory_space<vmem>>[vector<16xi32>, vector<16xi32>, vector<16xi32>, vector<16xi32>], vector<16xf32>, vector<16xi1>
          %broadcast_in_dim3A_1865 = arith.constant 17 : i32
          %broadcast_in_dim3A_1866 = vector.broadcast %broadcast_in_dim3A_1865 : i32 to vector<16xi32>
          tpu.vector_store_idx %arg6[%broadcast_in_dim3A_1146, %broadcast_in_dim3A_1154, %add3A_1830, %broadcast_in_dim3A_1866], %broadcast_in_dim3A_3 masked %eq3A_1827 : memref<2x8x200x32xf32, #tpu.memory_space<vmem>>[vector<16xi32>, vector<16xi32>, vector<16xi32>, vector<16xi32>], vector<16xf32>, vector<16xi1>
          %broadcast_in_dim3A_1867 = arith.constant 18 : i32
          %broadcast_in_dim3A_1868 = vector.broadcast %broadcast_in_dim3A_1867 : i32 to vector<16xi32>
          tpu.vector_store_idx %arg6[%broadcast_in_dim3A_1146, %broadcast_in_dim3A_1154, %add3A_1830, %broadcast_in_dim3A_1868], %broadcast_in_dim3A_3 masked %eq3A_1827 : memref<2x8x200x32xf32, #tpu.memory_space<vmem>>[vector<16xi32>, vector<16xi32>, vector<16xi32>, vector<16xi32>], vector<16xf32>, vector<16xi1>
          %broadcast_in_dim3A_1869 = arith.constant 19 : i32
          %broadcast_in_dim3A_1870 = vector.broadcast %broadcast_in_dim3A_1869 : i32 to vector<16xi32>
          tpu.vector_store_idx %arg6[%broadcast_in_dim3A_1146, %broadcast_in_dim3A_1154, %add3A_1830, %broadcast_in_dim3A_1870], %broadcast_in_dim3A_3 masked %eq3A_1827 : memref<2x8x200x32xf32, #tpu.memory_space<vmem>>[vector<16xi32>, vector<16xi32>, vector<16xi32>, vector<16xi32>], vector<16xf32>, vector<16xi1>
          %broadcast_in_dim3A_1871 = arith.constant 20 : i32
          %broadcast_in_dim3A_1872 = vector.broadcast %broadcast_in_dim3A_1871 : i32 to vector<16xi32>
          tpu.vector_store_idx %arg6[%broadcast_in_dim3A_1146, %broadcast_in_dim3A_1154, %add3A_1830, %broadcast_in_dim3A_1872], %broadcast_in_dim3A_3 masked %eq3A_1827 : memref<2x8x200x32xf32, #tpu.memory_space<vmem>>[vector<16xi32>, vector<16xi32>, vector<16xi32>, vector<16xi32>], vector<16xf32>, vector<16xi1>
          %broadcast_in_dim3A_1873 = arith.constant 21 : i32
          %broadcast_in_dim3A_1874 = vector.broadcast %broadcast_in_dim3A_1873 : i32 to vector<16xi32>
          tpu.vector_store_idx %arg6[%broadcast_in_dim3A_1146, %broadcast_in_dim3A_1154, %add3A_1830, %broadcast_in_dim3A_1874], %broadcast_in_dim3A_3 masked %eq3A_1827 : memref<2x8x200x32xf32, #tpu.memory_space<vmem>>[vector<16xi32>, vector<16xi32>, vector<16xi32>, vector<16xi32>], vector<16xf32>, vector<16xi1>
          %broadcast_in_dim3A_1875 = arith.constant 22 : i32
          %broadcast_in_dim3A_1876 = vector.broadcast %broadcast_in_dim3A_1875 : i32 to vector<16xi32>
          tpu.vector_store_idx %arg6[%broadcast_in_dim3A_1146, %broadcast_in_dim3A_1154, %add3A_1830, %broadcast_in_dim3A_1876], %broadcast_in_dim3A_3 masked %eq3A_1827 : memref<2x8x200x32xf32, #tpu.memory_space<vmem>>[vector<16xi32>, vector<16xi32>, vector<16xi32>, vector<16xi32>], vector<16xf32>, vector<16xi1>
          %broadcast_in_dim3A_1877 = arith.constant 23 : i32
          %broadcast_in_dim3A_1878 = vector.broadcast %broadcast_in_dim3A_1877 : i32 to vector<16xi32>
          tpu.vector_store_idx %arg6[%broadcast_in_dim3A_1146, %broadcast_in_dim3A_1154, %add3A_1830, %broadcast_in_dim3A_1878], %broadcast_in_dim3A_3 masked %eq3A_1827 : memref<2x8x200x32xf32, #tpu.memory_space<vmem>>[vector<16xi32>, vector<16xi32>, vector<16xi32>, vector<16xi32>], vector<16xf32>, vector<16xi1>
          %broadcast_in_dim3A_1879 = arith.constant 24 : i32
          %broadcast_in_dim3A_1880 = vector.broadcast %broadcast_in_dim3A_1879 : i32 to vector<16xi32>
          tpu.vector_store_idx %arg6[%broadcast_in_dim3A_1146, %broadcast_in_dim3A_1154, %add3A_1830, %broadcast_in_dim3A_1880], %broadcast_in_dim3A_3 masked %eq3A_1827 : memref<2x8x200x32xf32, #tpu.memory_space<vmem>>[vector<16xi32>, vector<16xi32>, vector<16xi32>, vector<16xi32>], vector<16xf32>, vector<16xi1>
          %broadcast_in_dim3A_1881 = arith.constant 25 : i32
          %broadcast_in_dim3A_1882 = vector.broadcast %broadcast_in_dim3A_1881 : i32 to vector<16xi32>
          tpu.vector_store_idx %arg6[%broadcast_in_dim3A_1146, %broadcast_in_dim3A_1154, %add3A_1830, %broadcast_in_dim3A_1882], %broadcast_in_dim3A_3 masked %eq3A_1827 : memref<2x8x200x32xf32, #tpu.memory_space<vmem>>[vector<16xi32>, vector<16xi32>, vector<16xi32>, vector<16xi32>], vector<16xf32>, vector<16xi1>
          %broadcast_in_dim3A_1883 = arith.constant 26 : i32
          %broadcast_in_dim3A_1884 = vector.broadcast %broadcast_in_dim3A_1883 : i32 to vector<16xi32>
          tpu.vector_store_idx %arg6[%broadcast_in_dim3A_1146, %broadcast_in_dim3A_1154, %add3A_1830, %broadcast_in_dim3A_1884], %broadcast_in_dim3A_3 masked %eq3A_1827 : memref<2x8x200x32xf32, #tpu.memory_space<vmem>>[vector<16xi32>, vector<16xi32>, vector<16xi32>, vector<16xi32>], vector<16xf32>, vector<16xi1>
          %broadcast_in_dim3A_1885 = arith.constant 27 : i32
          %broadcast_in_dim3A_1886 = vector.broadcast %broadcast_in_dim3A_1885 : i32 to vector<16xi32>
          tpu.vector_store_idx %arg6[%broadcast_in_dim3A_1146, %broadcast_in_dim3A_1154, %add3A_1830, %broadcast_in_dim3A_1886], %broadcast_in_dim3A_3 masked %eq3A_1827 : memref<2x8x200x32xf32, #tpu.memory_space<vmem>>[vector<16xi32>, vector<16xi32>, vector<16xi32>, vector<16xi32>], vector<16xf32>, vector<16xi1>
          %broadcast_in_dim3A_1887 = arith.constant 28 : i32
          %broadcast_in_dim3A_1888 = vector.broadcast %broadcast_in_dim3A_1887 : i32 to vector<16xi32>
          tpu.vector_store_idx %arg6[%broadcast_in_dim3A_1146, %broadcast_in_dim3A_1154, %add3A_1830, %broadcast_in_dim3A_1888], %broadcast_in_dim3A_3 masked %eq3A_1827 : memref<2x8x200x32xf32, #tpu.memory_space<vmem>>[vector<16xi32>, vector<16xi32>, vector<16xi32>, vector<16xi32>], vector<16xf32>, vector<16xi1>
          %broadcast_in_dim3A_1889 = arith.constant 29 : i32
          %broadcast_in_dim3A_1890 = vector.broadcast %broadcast_in_dim3A_1889 : i32 to vector<16xi32>
          tpu.vector_store_idx %arg6[%broadcast_in_dim3A_1146, %broadcast_in_dim3A_1154, %add3A_1830, %broadcast_in_dim3A_1890], %broadcast_in_dim3A_3 masked %eq3A_1827 : memref<2x8x200x32xf32, #tpu.memory_space<vmem>>[vector<16xi32>, vector<16xi32>, vector<16xi32>, vector<16xi32>], vector<16xf32>, vector<16xi1>
          %broadcast_in_dim3A_1891 = arith.constant 30 : i32
          %broadcast_in_dim3A_1892 = vector.broadcast %broadcast_in_dim3A_1891 : i32 to vector<16xi32>
          tpu.vector_store_idx %arg6[%broadcast_in_dim3A_1146, %broadcast_in_dim3A_1154, %add3A_1830, %broadcast_in_dim3A_1892], %broadcast_in_dim3A_3 masked %eq3A_1827 : memref<2x8x200x32xf32, #tpu.memory_space<vmem>>[vector<16xi32>, vector<16xi32>, vector<16xi32>, vector<16xi32>], vector<16xf32>, vector<16xi1>
          %broadcast_in_dim3A_1893 = arith.constant 31 : i32
          %broadcast_in_dim3A_1894 = vector.broadcast %broadcast_in_dim3A_1893 : i32 to vector<16xi32>
          tpu.vector_store_idx %arg6[%broadcast_in_dim3A_1146, %broadcast_in_dim3A_1154, %add3A_1830, %broadcast_in_dim3A_1894], %broadcast_in_dim3A_3 masked %eq3A_1827 : memref<2x8x200x32xf32, #tpu.memory_space<vmem>>[vector<16xi32>, vector<16xi32>, vector<16xi32>, vector<16xi32>], vector<16xf32>, vector<16xi1>
          %get3A_1895 = arith.index_cast %select_n3A_280 : i32 to index
          %get3A_1896 = arith.index_cast %scan3A_1153 : i32 to index
          %get3A_1897 = arith.constant 160 : index
          %get3A_1898 = tpu.vector_load %arg5[%get3A_1895, %get3A_1896, %get3A_1897] {strides = array<i32>} : memref<2x8x200xi32, #tpu.memory_space<vmem>>, vector<16xi32>,
          %eq3A_1899 = arith.constant 0 : i32
          %eq3A_1900 = vector.broadcast %eq3A_1899 : i32 to vector<16xi32>
          %eq3A_1901 = arith.cmpi eq, %get3A_1898, %eq3A_1900 : vector<16xi32>
          %add3A_1902 = arith.constant 160 : i32
          %add3A_1903 = vector.broadcast %add3A_1902 : i32 to vector<16xi32>
          %add3A_1904 = arith.addi %add3A_1903, %iota3A : vector<16xi32>
          %broadcast_in_dim3A_1905 = arith.constant 0 : i32
          %broadcast_in_dim3A_1906 = vector.broadcast %broadcast_in_dim3A_1905 : i32 to vector<16xi32>
          tpu.vector_store_idx %arg6[%broadcast_in_dim3A_1146, %broadcast_in_dim3A_1154, %add3A_1904, %broadcast_in_dim3A_1906], %broadcast_in_dim3A_3 masked %eq3A_1901 : memref<2x8x200x32xf32, #tpu.memory_space<vmem>>[vector<16xi32>, vector<16xi32>, vector<16xi32>, vector<16xi32>], vector<16xf32>, vector<16xi1>
          %broadcast_in_dim3A_1907 = arith.constant 1 : i32
          %broadcast_in_dim3A_1908 = vector.broadcast %broadcast_in_dim3A_1907 : i32 to vector<16xi32>
          tpu.vector_store_idx %arg6[%broadcast_in_dim3A_1146, %broadcast_in_dim3A_1154, %add3A_1904, %broadcast_in_dim3A_1908], %broadcast_in_dim3A_3 masked %eq3A_1901 : memref<2x8x200x32xf32, #tpu.memory_space<vmem>>[vector<16xi32>, vector<16xi32>, vector<16xi32>, vector<16xi32>], vector<16xf32>, vector<16xi1>
          %broadcast_in_dim3A_1909 = arith.constant 2 : i32
          %broadcast_in_dim3A_1910 = vector.broadcast %broadcast_in_dim3A_1909 : i32 to vector<16xi32>
          tpu.vector_store_idx %arg6[%broadcast_in_dim3A_1146, %broadcast_in_dim3A_1154, %add3A_1904, %broadcast_in_dim3A_1910], %broadcast_in_dim3A_3 masked %eq3A_1901 : memref<2x8x200x32xf32, #tpu.memory_space<vmem>>[vector<16xi32>, vector<16xi32>, vector<16xi32>, vector<16xi32>], vector<16xf32>, vector<16xi1>
          %broadcast_in_dim3A_1911 = arith.constant 3 : i32
          %broadcast_in_dim3A_1912 = vector.broadcast %broadcast_in_dim3A_1911 : i32 to vector<16xi32>
          tpu.vector_store_idx %arg6[%broadcast_in_dim3A_1146, %broadcast_in_dim3A_1154, %add3A_1904, %broadcast_in_dim3A_1912], %broadcast_in_dim3A_3 masked %eq3A_1901 : memref<2x8x200x32xf32, #tpu.memory_space<vmem>>[vector<16xi32>, vector<16xi32>, vector<16xi32>, vector<16xi32>], vector<16xf32>, vector<16xi1>
          %broadcast_in_dim3A_1913 = arith.constant 4 : i32
          %broadcast_in_dim3A_1914 = vector.broadcast %broadcast_in_dim3A_1913 : i32 to vector<16xi32>
          tpu.vector_store_idx %arg6[%broadcast_in_dim3A_1146, %broadcast_in_dim3A_1154, %add3A_1904, %broadcast_in_dim3A_1914], %broadcast_in_dim3A_3 masked %eq3A_1901 : memref<2x8x200x32xf32, #tpu.memory_space<vmem>>[vector<16xi32>, vector<16xi32>, vector<16xi32>, vector<16xi32>], vector<16xf32>, vector<16xi1>
          %broadcast_in_dim3A_1915 = arith.constant 5 : i32
          %broadcast_in_dim3A_1916 = vector.broadcast %broadcast_in_dim3A_1915 : i32 to vector<16xi32>
          tpu.vector_store_idx %arg6[%broadcast_in_dim3A_1146, %broadcast_in_dim3A_1154, %add3A_1904, %broadcast_in_dim3A_1916], %broadcast_in_dim3A_3 masked %eq3A_1901 : memref<2x8x200x32xf32, #tpu.memory_space<vmem>>[vector<16xi32>, vector<16xi32>, vector<16xi32>, vector<16xi32>], vector<16xf32>, vector<16xi1>
          %broadcast_in_dim3A_1917 = arith.constant 6 : i32
          %broadcast_in_dim3A_1918 = vector.broadcast %broadcast_in_dim3A_1917 : i32 to vector<16xi32>
          tpu.vector_store_idx %arg6[%broadcast_in_dim3A_1146, %broadcast_in_dim3A_1154, %add3A_1904, %broadcast_in_dim3A_1918], %broadcast_in_dim3A_3 masked %eq3A_1901 : memref<2x8x200x32xf32, #tpu.memory_space<vmem>>[vector<16xi32>, vector<16xi32>, vector<16xi32>, vector<16xi32>], vector<16xf32>, vector<16xi1>
          %broadcast_in_dim3A_1919 = arith.constant 7 : i32
          %broadcast_in_dim3A_1920 = vector.broadcast %broadcast_in_dim3A_1919 : i32 to vector<16xi32>
          tpu.vector_store_idx %arg6[%broadcast_in_dim3A_1146, %broadcast_in_dim3A_1154, %add3A_1904, %broadcast_in_dim3A_1920], %broadcast_in_dim3A_3 masked %eq3A_1901 : memref<2x8x200x32xf32, #tpu.memory_space<vmem>>[vector<16xi32>, vector<16xi32>, vector<16xi32>, vector<16xi32>], vector<16xf32>, vector<16xi1>
          %broadcast_in_dim3A_1921 = arith.constant 8 : i32
          %broadcast_in_dim3A_1922 = vector.broadcast %broadcast_in_dim3A_1921 : i32 to vector<16xi32>
          tpu.vector_store_idx %arg6[%broadcast_in_dim3A_1146, %broadcast_in_dim3A_1154, %add3A_1904, %broadcast_in_dim3A_1922], %broadcast_in_dim3A_3 masked %eq3A_1901 : memref<2x8x200x32xf32, #tpu.memory_space<vmem>>[vector<16xi32>, vector<16xi32>, vector<16xi32>, vector<16xi32>], vector<16xf32>, vector<16xi1>
          %broadcast_in_dim3A_1923 = arith.constant 9 : i32
          %broadcast_in_dim3A_1924 = vector.broadcast %broadcast_in_dim3A_1923 : i32 to vector<16xi32>
          tpu.vector_store_idx %arg6[%broadcast_in_dim3A_1146, %broadcast_in_dim3A_1154, %add3A_1904, %broadcast_in_dim3A_1924], %broadcast_in_dim3A_3 masked %eq3A_1901 : memref<2x8x200x32xf32, #tpu.memory_space<vmem>>[vector<16xi32>, vector<16xi32>, vector<16xi32>, vector<16xi32>], vector<16xf32>, vector<16xi1>
          %broadcast_in_dim3A_1925 = arith.constant 10 : i32
          %broadcast_in_dim3A_1926 = vector.broadcast %broadcast_in_dim3A_1925 : i32 to vector<16xi32>
          tpu.vector_store_idx %arg6[%broadcast_in_dim3A_1146, %broadcast_in_dim3A_1154, %add3A_1904, %broadcast_in_dim3A_1926], %broadcast_in_dim3A_3 masked %eq3A_1901 : memref<2x8x200x32xf32, #tpu.memory_space<vmem>>[vector<16xi32>, vector<16xi32>, vector<16xi32>, vector<16xi32>], vector<16xf32>, vector<16xi1>
          %broadcast_in_dim3A_1927 = arith.constant 11 : i32
          %broadcast_in_dim3A_1928 = vector.broadcast %broadcast_in_dim3A_1927 : i32 to vector<16xi32>
          tpu.vector_store_idx %arg6[%broadcast_in_dim3A_1146, %broadcast_in_dim3A_1154, %add3A_1904, %broadcast_in_dim3A_1928], %broadcast_in_dim3A_3 masked %eq3A_1901 : memref<2x8x200x32xf32, #tpu.memory_space<vmem>>[vector<16xi32>, vector<16xi32>, vector<16xi32>, vector<16xi32>], vector<16xf32>, vector<16xi1>
          %broadcast_in_dim3A_1929 = arith.constant 12 : i32
          %broadcast_in_dim3A_1930 = vector.broadcast %broadcast_in_dim3A_1929 : i32 to vector<16xi32>
          tpu.vector_store_idx %arg6[%broadcast_in_dim3A_1146, %broadcast_in_dim3A_1154, %add3A_1904, %broadcast_in_dim3A_1930], %broadcast_in_dim3A_3 masked %eq3A_1901 : memref<2x8x200x32xf32, #tpu.memory_space<vmem>>[vector<16xi32>, vector<16xi32>, vector<16xi32>, vector<16xi32>], vector<16xf32>, vector<16xi1>
          %broadcast_in_dim3A_1931 = arith.constant 13 : i32
          %broadcast_in_dim3A_1932 = vector.broadcast %broadcast_in_dim3A_1931 : i32 to vector<16xi32>
          tpu.vector_store_idx %arg6[%broadcast_in_dim3A_1146, %broadcast_in_dim3A_1154, %add3A_1904, %broadcast_in_dim3A_1932], %broadcast_in_dim3A_3 masked %eq3A_1901 : memref<2x8x200x32xf32, #tpu.memory_space<vmem>>[vector<16xi32>, vector<16xi32>, vector<16xi32>, vector<16xi32>], vector<16xf32>, vector<16xi1>
          %broadcast_in_dim3A_1933 = arith.constant 14 : i32
          %broadcast_in_dim3A_1934 = vector.broadcast %broadcast_in_dim3A_1933 : i32 to vector<16xi32>
          tpu.vector_store_idx %arg6[%broadcast_in_dim3A_1146, %broadcast_in_dim3A_1154, %add3A_1904, %broadcast_in_dim3A_1934], %broadcast_in_dim3A_3 masked %eq3A_1901 : memref<2x8x200x32xf32, #tpu.memory_space<vmem>>[vector<16xi32>, vector<16xi32>, vector<16xi32>, vector<16xi32>], vector<16xf32>, vector<16xi1>
          %broadcast_in_dim3A_1935 = arith.constant 15 : i32
          %broadcast_in_dim3A_1936 = vector.broadcast %broadcast_in_dim3A_1935 : i32 to vector<16xi32>
          tpu.vector_store_idx %arg6[%broadcast_in_dim3A_1146, %broadcast_in_dim3A_1154, %add3A_1904, %broadcast_in_dim3A_1936], %broadcast_in_dim3A_3 masked %eq3A_1901 : memref<2x8x200x32xf32, #tpu.memory_space<vmem>>[vector<16xi32>, vector<16xi32>, vector<16xi32>, vector<16xi32>], vector<16xf32>, vector<16xi1>
          %broadcast_in_dim3A_1937 = arith.constant 16 : i32
          %broadcast_in_dim3A_1938 = vector.broadcast %broadcast_in_dim3A_1937 : i32 to vector<16xi32>
          tpu.vector_store_idx %arg6[%broadcast_in_dim3A_1146, %broadcast_in_dim3A_1154, %add3A_1904, %broadcast_in_dim3A_1938], %broadcast_in_dim3A_3 masked %eq3A_1901 : memref<2x8x200x32xf32, #tpu.memory_space<vmem>>[vector<16xi32>, vector<16xi32>, vector<16xi32>, vector<16xi32>], vector<16xf32>, vector<16xi1>
          %broadcast_in_dim3A_1939 = arith.constant 17 : i32
          %broadcast_in_dim3A_1940 = vector.broadcast %broadcast_in_dim3A_1939 : i32 to vector<16xi32>
          tpu.vector_store_idx %arg6[%broadcast_in_dim3A_1146, %broadcast_in_dim3A_1154, %add3A_1904, %broadcast_in_dim3A_1940], %broadcast_in_dim3A_3 masked %eq3A_1901 : memref<2x8x200x32xf32, #tpu.memory_space<vmem>>[vector<16xi32>, vector<16xi32>, vector<16xi32>, vector<16xi32>], vector<16xf32>, vector<16xi1>
          %broadcast_in_dim3A_1941 = arith.constant 18 : i32
          %broadcast_in_dim3A_1942 = vector.broadcast %broadcast_in_dim3A_1941 : i32 to vector<16xi32>
          tpu.vector_store_idx %arg6[%broadcast_in_dim3A_1146, %broadcast_in_dim3A_1154, %add3A_1904, %broadcast_in_dim3A_1942], %broadcast_in_dim3A_3 masked %eq3A_1901 : memref<2x8x200x32xf32, #tpu.memory_space<vmem>>[vector<16xi32>, vector<16xi32>, vector<16xi32>, vector<16xi32>], vector<16xf32>, vector<16xi1>
          %broadcast_in_dim3A_1943 = arith.constant 19 : i32
          %broadcast_in_dim3A_1944 = vector.broadcast %broadcast_in_dim3A_1943 : i32 to vector<16xi32>
          tpu.vector_store_idx %arg6[%broadcast_in_dim3A_1146, %broadcast_in_dim3A_1154, %add3A_1904, %broadcast_in_dim3A_1944], %broadcast_in_dim3A_3 masked %eq3A_1901 : memref<2x8x200x32xf32, #tpu.memory_space<vmem>>[vector<16xi32>, vector<16xi32>, vector<16xi32>, vector<16xi32>], vector<16xf32>, vector<16xi1>
          %broadcast_in_dim3A_1945 = arith.constant 20 : i32
          %broadcast_in_dim3A_1946 = vector.broadcast %broadcast_in_dim3A_1945 : i32 to vector<16xi32>
          tpu.vector_store_idx %arg6[%broadcast_in_dim3A_1146, %broadcast_in_dim3A_1154, %add3A_1904, %broadcast_in_dim3A_1946], %broadcast_in_dim3A_3 masked %eq3A_1901 : memref<2x8x200x32xf32, #tpu.memory_space<vmem>>[vector<16xi32>, vector<16xi32>, vector<16xi32>, vector<16xi32>], vector<16xf32>, vector<16xi1>
          %broadcast_in_dim3A_1947 = arith.constant 21 : i32
          %broadcast_in_dim3A_1948 = vector.broadcast %broadcast_in_dim3A_1947 : i32 to vector<16xi32>
          tpu.vector_store_idx %arg6[%broadcast_in_dim3A_1146, %broadcast_in_dim3A_1154, %add3A_1904, %broadcast_in_dim3A_1948], %broadcast_in_dim3A_3 masked %eq3A_1901 : memref<2x8x200x32xf32, #tpu.memory_space<vmem>>[vector<16xi32>, vector<16xi32>, vector<16xi32>, vector<16xi32>], vector<16xf32>, vector<16xi1>
          %broadcast_in_dim3A_1949 = arith.constant 22 : i32
          %broadcast_in_dim3A_1950 = vector.broadcast %broadcast_in_dim3A_1949 : i32 to vector<16xi32>
          tpu.vector_store_idx %arg6[%broadcast_in_dim3A_1146, %broadcast_in_dim3A_1154, %add3A_1904, %broadcast_in_dim3A_1950], %broadcast_in_dim3A_3 masked %eq3A_1901 : memref<2x8x200x32xf32, #tpu.memory_space<vmem>>[vector<16xi32>, vector<16xi32>, vector<16xi32>, vector<16xi32>], vector<16xf32>, vector<16xi1>
          %broadcast_in_dim3A_1951 = arith.constant 23 : i32
          %broadcast_in_dim3A_1952 = vector.broadcast %broadcast_in_dim3A_1951 : i32 to vector<16xi32>
          tpu.vector_store_idx %arg6[%broadcast_in_dim3A_1146, %broadcast_in_dim3A_1154, %add3A_1904, %broadcast_in_dim3A_1952], %broadcast_in_dim3A_3 masked %eq3A_1901 : memref<2x8x200x32xf32, #tpu.memory_space<vmem>>[vector<16xi32>, vector<16xi32>, vector<16xi32>, vector<16xi32>], vector<16xf32>, vector<16xi1>
          %broadcast_in_dim3A_1953 = arith.constant 24 : i32
          %broadcast_in_dim3A_1954 = vector.broadcast %broadcast_in_dim3A_1953 : i32 to vector<16xi32>
          tpu.vector_store_idx %arg6[%broadcast_in_dim3A_1146, %broadcast_in_dim3A_1154, %add3A_1904, %broadcast_in_dim3A_1954], %broadcast_in_dim3A_3 masked %eq3A_1901 : memref<2x8x200x32xf32, #tpu.memory_space<vmem>>[vector<16xi32>, vector<16xi32>, vector<16xi32>, vector<16xi32>], vector<16xf32>, vector<16xi1>
          %broadcast_in_dim3A_1955 = arith.constant 25 : i32
          %broadcast_in_dim3A_1956 = vector.broadcast %broadcast_in_dim3A_1955 : i32 to vector<16xi32>
          tpu.vector_store_idx %arg6[%broadcast_in_dim3A_1146, %broadcast_in_dim3A_1154, %add3A_1904, %broadcast_in_dim3A_1956], %broadcast_in_dim3A_3 masked %eq3A_1901 : memref<2x8x200x32xf32, #tpu.memory_space<vmem>>[vector<16xi32>, vector<16xi32>, vector<16xi32>, vector<16xi32>], vector<16xf32>, vector<16xi1>
          %broadcast_in_dim3A_1957 = arith.constant 26 : i32
          %broadcast_in_dim3A_1958 = vector.broadcast %broadcast_in_dim3A_1957 : i32 to vector<16xi32>
          tpu.vector_store_idx %arg6[%broadcast_in_dim3A_1146, %broadcast_in_dim3A_1154, %add3A_1904, %broadcast_in_dim3A_1958], %broadcast_in_dim3A_3 masked %eq3A_1901 : memref<2x8x200x32xf32, #tpu.memory_space<vmem>>[vector<16xi32>, vector<16xi32>, vector<16xi32>, vector<16xi32>], vector<16xf32>, vector<16xi1>
          %broadcast_in_dim3A_1959 = arith.constant 27 : i32
          %broadcast_in_dim3A_1960 = vector.broadcast %broadcast_in_dim3A_1959 : i32 to vector<16xi32>
          tpu.vector_store_idx %arg6[%broadcast_in_dim3A_1146, %broadcast_in_dim3A_1154, %add3A_1904, %broadcast_in_dim3A_1960], %broadcast_in_dim3A_3 masked %eq3A_1901 : memref<2x8x200x32xf32, #tpu.memory_space<vmem>>[vector<16xi32>, vector<16xi32>, vector<16xi32>, vector<16xi32>], vector<16xf32>, vector<16xi1>
          %broadcast_in_dim3A_1961 = arith.constant 28 : i32
          %broadcast_in_dim3A_1962 = vector.broadcast %broadcast_in_dim3A_1961 : i32 to vector<16xi32>
          tpu.vector_store_idx %arg6[%broadcast_in_dim3A_1146, %broadcast_in_dim3A_1154, %add3A_1904, %broadcast_in_dim3A_1962], %broadcast_in_dim3A_3 masked %eq3A_1901 : memref<2x8x200x32xf32, #tpu.memory_space<vmem>>[vector<16xi32>, vector<16xi32>, vector<16xi32>, vector<16xi32>], vector<16xf32>, vector<16xi1>
          %broadcast_in_dim3A_1963 = arith.constant 29 : i32
          %broadcast_in_dim3A_1964 = vector.broadcast %broadcast_in_dim3A_1963 : i32 to vector<16xi32>
          tpu.vector_store_idx %arg6[%broadcast_in_dim3A_1146, %broadcast_in_dim3A_1154, %add3A_1904, %broadcast_in_dim3A_1964], %broadcast_in_dim3A_3 masked %eq3A_1901 : memref<2x8x200x32xf32, #tpu.memory_space<vmem>>[vector<16xi32>, vector<16xi32>, vector<16xi32>, vector<16xi32>], vector<16xf32>, vector<16xi1>
          %broadcast_in_dim3A_1965 = arith.constant 30 : i32
          %broadcast_in_dim3A_1966 = vector.broadcast %broadcast_in_dim3A_1965 : i32 to vector<16xi32>
          tpu.vector_store_idx %arg6[%broadcast_in_dim3A_1146, %broadcast_in_dim3A_1154, %add3A_1904, %broadcast_in_dim3A_1966], %broadcast_in_dim3A_3 masked %eq3A_1901 : memref<2x8x200x32xf32, #tpu.memory_space<vmem>>[vector<16xi32>, vector<16xi32>, vector<16xi32>, vector<16xi32>], vector<16xf32>, vector<16xi1>
          %broadcast_in_dim3A_1967 = arith.constant 31 : i32
          %broadcast_in_dim3A_1968 = vector.broadcast %broadcast_in_dim3A_1967 : i32 to vector<16xi32>
          tpu.vector_store_idx %arg6[%broadcast_in_dim3A_1146, %broadcast_in_dim3A_1154, %add3A_1904, %broadcast_in_dim3A_1968], %broadcast_in_dim3A_3 masked %eq3A_1901 : memref<2x8x200x32xf32, #tpu.memory_space<vmem>>[vector<16xi32>, vector<16xi32>, vector<16xi32>, vector<16xi32>], vector<16xf32>, vector<16xi1>
          %get3A_1969 = arith.index_cast %select_n3A_280 : i32 to index
          %get3A_1970 = arith.index_cast %scan3A_1153 : i32 to index
          %get3A_1971 = arith.constant 176 : index
          %get3A_1972 = tpu.vector_load %arg5[%get3A_1969, %get3A_1970, %get3A_1971] {strides = array<i32>} : memref<2x8x200xi32, #tpu.memory_space<vmem>>, vector<16xi32>,
          %eq3A_1973 = arith.constant 0 : i32
          %eq3A_1974 = vector.broadcast %eq3A_1973 : i32 to vector<16xi32>
          %eq3A_1975 = arith.cmpi eq, %get3A_1972, %eq3A_1974 : vector<16xi32>
          %add3A_1976 = arith.constant 176 : i32
          %add3A_1977 = vector.broadcast %add3A_1976 : i32 to vector<16xi32>
          %add3A_1978 = arith.addi %add3A_1977, %iota3A : vector<16xi32>
          %broadcast_in_dim3A_1979 = arith.constant 0 : i32
          %broadcast_in_dim3A_1980 = vector.broadcast %broadcast_in_dim3A_1979 : i32 to vector<16xi32>
          tpu.vector_store_idx %arg6[%broadcast_in_dim3A_1146, %broadcast_in_dim3A_1154, %add3A_1978, %broadcast_in_dim3A_1980], %broadcast_in_dim3A_3 masked %eq3A_1975 : memref<2x8x200x32xf32, #tpu.memory_space<vmem>>[vector<16xi32>, vector<16xi32>, vector<16xi32>, vector<16xi32>], vector<16xf32>, vector<16xi1>
          %broadcast_in_dim3A_1981 = arith.constant 1 : i32
          %broadcast_in_dim3A_1982 = vector.broadcast %broadcast_in_dim3A_1981 : i32 to vector<16xi32>
          tpu.vector_store_idx %arg6[%broadcast_in_dim3A_1146, %broadcast_in_dim3A_1154, %add3A_1978, %broadcast_in_dim3A_1982], %broadcast_in_dim3A_3 masked %eq3A_1975 : memref<2x8x200x32xf32, #tpu.memory_space<vmem>>[vector<16xi32>, vector<16xi32>, vector<16xi32>, vector<16xi32>], vector<16xf32>, vector<16xi1>
          %broadcast_in_dim3A_1983 = arith.constant 2 : i32
          %broadcast_in_dim3A_1984 = vector.broadcast %broadcast_in_dim3A_1983 : i32 to vector<16xi32>
          tpu.vector_store_idx %arg6[%broadcast_in_dim3A_1146, %broadcast_in_dim3A_1154, %add3A_1978, %broadcast_in_dim3A_1984], %broadcast_in_dim3A_3 masked %eq3A_1975 : memref<2x8x200x32xf32, #tpu.memory_space<vmem>>[vector<16xi32>, vector<16xi32>, vector<16xi32>, vector<16xi32>], vector<16xf32>, vector<16xi1>
          %broadcast_in_dim3A_1985 = arith.constant 3 : i32
          %broadcast_in_dim3A_1986 = vector.broadcast %broadcast_in_dim3A_1985 : i32 to vector<16xi32>
          tpu.vector_store_idx %arg6[%broadcast_in_dim3A_1146, %broadcast_in_dim3A_1154, %add3A_1978, %broadcast_in_dim3A_1986], %broadcast_in_dim3A_3 masked %eq3A_1975 : memref<2x8x200x32xf32, #tpu.memory_space<vmem>>[vector<16xi32>, vector<16xi32>, vector<16xi32>, vector<16xi32>], vector<16xf32>, vector<16xi1>
          %broadcast_in_dim3A_1987 = arith.constant 4 : i32
          %broadcast_in_dim3A_1988 = vector.broadcast %broadcast_in_dim3A_1987 : i32 to vector<16xi32>
          tpu.vector_store_idx %arg6[%broadcast_in_dim3A_1146, %broadcast_in_dim3A_1154, %add3A_1978, %broadcast_in_dim3A_1988], %broadcast_in_dim3A_3 masked %eq3A_1975 : memref<2x8x200x32xf32, #tpu.memory_space<vmem>>[vector<16xi32>, vector<16xi32>, vector<16xi32>, vector<16xi32>], vector<16xf32>, vector<16xi1>
          %broadcast_in_dim3A_1989 = arith.constant 5 : i32
          %broadcast_in_dim3A_1990 = vector.broadcast %broadcast_in_dim3A_1989 : i32 to vector<16xi32>
          tpu.vector_store_idx %arg6[%broadcast_in_dim3A_1146, %broadcast_in_dim3A_1154, %add3A_1978, %broadcast_in_dim3A_1990], %broadcast_in_dim3A_3 masked %eq3A_1975 : memref<2x8x200x32xf32, #tpu.memory_space<vmem>>[vector<16xi32>, vector<16xi32>, vector<16xi32>, vector<16xi32>], vector<16xf32>, vector<16xi1>
          %broadcast_in_dim3A_1991 = arith.constant 6 : i32
          %broadcast_in_dim3A_1992 = vector.broadcast %broadcast_in_dim3A_1991 : i32 to vector<16xi32>
          tpu.vector_store_idx %arg6[%broadcast_in_dim3A_1146, %broadcast_in_dim3A_1154, %add3A_1978, %broadcast_in_dim3A_1992], %broadcast_in_dim3A_3 masked %eq3A_1975 : memref<2x8x200x32xf32, #tpu.memory_space<vmem>>[vector<16xi32>, vector<16xi32>, vector<16xi32>, vector<16xi32>], vector<16xf32>, vector<16xi1>
          %broadcast_in_dim3A_1993 = arith.constant 7 : i32
          %broadcast_in_dim3A_1994 = vector.broadcast %broadcast_in_dim3A_1993 : i32 to vector<16xi32>
          tpu.vector_store_idx %arg6[%broadcast_in_dim3A_1146, %broadcast_in_dim3A_1154, %add3A_1978, %broadcast_in_dim3A_1994], %broadcast_in_dim3A_3 masked %eq3A_1975 : memref<2x8x200x32xf32, #tpu.memory_space<vmem>>[vector<16xi32>, vector<16xi32>, vector<16xi32>, vector<16xi32>], vector<16xf32>, vector<16xi1>
          %broadcast_in_dim3A_1995 = arith.constant 8 : i32
          %broadcast_in_dim3A_1996 = vector.broadcast %broadcast_in_dim3A_1995 : i32 to vector<16xi32>
          tpu.vector_store_idx %arg6[%broadcast_in_dim3A_1146, %broadcast_in_dim3A_1154, %add3A_1978, %broadcast_in_dim3A_1996], %broadcast_in_dim3A_3 masked %eq3A_1975 : memref<2x8x200x32xf32, #tpu.memory_space<vmem>>[vector<16xi32>, vector<16xi32>, vector<16xi32>, vector<16xi32>], vector<16xf32>, vector<16xi1>
          %broadcast_in_dim3A_1997 = arith.constant 9 : i32
          %broadcast_in_dim3A_1998 = vector.broadcast %broadcast_in_dim3A_1997 : i32 to vector<16xi32>
          tpu.vector_store_idx %arg6[%broadcast_in_dim3A_1146, %broadcast_in_dim3A_1154, %add3A_1978, %broadcast_in_dim3A_1998], %broadcast_in_dim3A_3 masked %eq3A_1975 : memref<2x8x200x32xf32, #tpu.memory_space<vmem>>[vector<16xi32>, vector<16xi32>, vector<16xi32>, vector<16xi32>], vector<16xf32>, vector<16xi1>
          %broadcast_in_dim3A_1999 = arith.constant 10 : i32
          %broadcast_in_dim3A_2000 = vector.broadcast %broadcast_in_dim3A_1999 : i32 to vector<16xi32>
          tpu.vector_store_idx %arg6[%broadcast_in_dim3A_1146, %broadcast_in_dim3A_1154, %add3A_1978, %broadcast_in_dim3A_2000], %broadcast_in_dim3A_3 masked %eq3A_1975 : memref<2x8x200x32xf32, #tpu.memory_space<vmem>>[vector<16xi32>, vector<16xi32>, vector<16xi32>, vector<16xi32>], vector<16xf32>, vector<16xi1>
          %broadcast_in_dim3A_2001 = arith.constant 11 : i32
          %broadcast_in_dim3A_2002 = vector.broadcast %broadcast_in_dim3A_2001 : i32 to vector<16xi32>
          tpu.vector_store_idx %arg6[%broadcast_in_dim3A_1146, %broadcast_in_dim3A_1154, %add3A_1978, %broadcast_in_dim3A_2002], %broadcast_in_dim3A_3 masked %eq3A_1975 : memref<2x8x200x32xf32, #tpu.memory_space<vmem>>[vector<16xi32>, vector<16xi32>, vector<16xi32>, vector<16xi32>], vector<16xf32>, vector<16xi1>
          %broadcast_in_dim3A_2003 = arith.constant 12 : i32
          %broadcast_in_dim3A_2004 = vector.broadcast %broadcast_in_dim3A_2003 : i32 to vector<16xi32>
          tpu.vector_store_idx %arg6[%broadcast_in_dim3A_1146, %broadcast_in_dim3A_1154, %add3A_1978, %broadcast_in_dim3A_2004], %broadcast_in_dim3A_3 masked %eq3A_1975 : memref<2x8x200x32xf32, #tpu.memory_space<vmem>>[vector<16xi32>, vector<16xi32>, vector<16xi32>, vector<16xi32>], vector<16xf32>, vector<16xi1>
          %broadcast_in_dim3A_2005 = arith.constant 13 : i32
          %broadcast_in_dim3A_2006 = vector.broadcast %broadcast_in_dim3A_2005 : i32 to vector<16xi32>
          tpu.vector_store_idx %arg6[%broadcast_in_dim3A_1146, %broadcast_in_dim3A_1154, %add3A_1978, %broadcast_in_dim3A_2006], %broadcast_in_dim3A_3 masked %eq3A_1975 : memref<2x8x200x32xf32, #tpu.memory_space<vmem>>[vector<16xi32>, vector<16xi32>, vector<16xi32>, vector<16xi32>], vector<16xf32>, vector<16xi1>
          %broadcast_in_dim3A_2007 = arith.constant 14 : i32
          %broadcast_in_dim3A_2008 = vector.broadcast %broadcast_in_dim3A_2007 : i32 to vector<16xi32>
          tpu.vector_store_idx %arg6[%broadcast_in_dim3A_1146, %broadcast_in_dim3A_1154, %add3A_1978, %broadcast_in_dim3A_2008], %broadcast_in_dim3A_3 masked %eq3A_1975 : memref<2x8x200x32xf32, #tpu.memory_space<vmem>>[vector<16xi32>, vector<16xi32>, vector<16xi32>, vector<16xi32>], vector<16xf32>, vector<16xi1>
          %broadcast_in_dim3A_2009 = arith.constant 15 : i32
          %broadcast_in_dim3A_2010 = vector.broadcast %broadcast_in_dim3A_2009 : i32 to vector<16xi32>
          tpu.vector_store_idx %arg6[%broadcast_in_dim3A_1146, %broadcast_in_dim3A_1154, %add3A_1978, %broadcast_in_dim3A_2010], %broadcast_in_dim3A_3 masked %eq3A_1975 : memref<2x8x200x32xf32, #tpu.memory_space<vmem>>[vector<16xi32>, vector<16xi32>, vector<16xi32>, vector<16xi32>], vector<16xf32>, vector<16xi1>
          %broadcast_in_dim3A_2011 = arith.constant 16 : i32
          %broadcast_in_dim3A_2012 = vector.broadcast %broadcast_in_dim3A_2011 : i32 to vector<16xi32>
          tpu.vector_store_idx %arg6[%broadcast_in_dim3A_1146, %broadcast_in_dim3A_1154, %add3A_1978, %broadcast_in_dim3A_2012], %broadcast_in_dim3A_3 masked %eq3A_1975 : memref<2x8x200x32xf32, #tpu.memory_space<vmem>>[vector<16xi32>, vector<16xi32>, vector<16xi32>, vector<16xi32>], vector<16xf32>, vector<16xi1>
          %broadcast_in_dim3A_2013 = arith.constant 17 : i32
          %broadcast_in_dim3A_2014 = vector.broadcast %broadcast_in_dim3A_2013 : i32 to vector<16xi32>
          tpu.vector_store_idx %arg6[%broadcast_in_dim3A_1146, %broadcast_in_dim3A_1154, %add3A_1978, %broadcast_in_dim3A_2014], %broadcast_in_dim3A_3 masked %eq3A_1975 : memref<2x8x200x32xf32, #tpu.memory_space<vmem>>[vector<16xi32>, vector<16xi32>, vector<16xi32>, vector<16xi32>], vector<16xf32>, vector<16xi1>
          %broadcast_in_dim3A_2015 = arith.constant 18 : i32
          %broadcast_in_dim3A_2016 = vector.broadcast %broadcast_in_dim3A_2015 : i32 to vector<16xi32>
          tpu.vector_store_idx %arg6[%broadcast_in_dim3A_1146, %broadcast_in_dim3A_1154, %add3A_1978, %broadcast_in_dim3A_2016], %broadcast_in_dim3A_3 masked %eq3A_1975 : memref<2x8x200x32xf32, #tpu.memory_space<vmem>>[vector<16xi32>, vector<16xi32>, vector<16xi32>, vector<16xi32>], vector<16xf32>, vector<16xi1>
          %broadcast_in_dim3A_2017 = arith.constant 19 : i32
          %broadcast_in_dim3A_2018 = vector.broadcast %broadcast_in_dim3A_2017 : i32 to vector<16xi32>
          tpu.vector_store_idx %arg6[%broadcast_in_dim3A_1146, %broadcast_in_dim3A_1154, %add3A_1978, %broadcast_in_dim3A_2018], %broadcast_in_dim3A_3 masked %eq3A_1975 : memref<2x8x200x32xf32, #tpu.memory_space<vmem>>[vector<16xi32>, vector<16xi32>, vector<16xi32>, vector<16xi32>], vector<16xf32>, vector<16xi1>
          %broadcast_in_dim3A_2019 = arith.constant 20 : i32
          %broadcast_in_dim3A_2020 = vector.broadcast %broadcast_in_dim3A_2019 : i32 to vector<16xi32>
          tpu.vector_store_idx %arg6[%broadcast_in_dim3A_1146, %broadcast_in_dim3A_1154, %add3A_1978, %broadcast_in_dim3A_2020], %broadcast_in_dim3A_3 masked %eq3A_1975 : memref<2x8x200x32xf32, #tpu.memory_space<vmem>>[vector<16xi32>, vector<16xi32>, vector<16xi32>, vector<16xi32>], vector<16xf32>, vector<16xi1>
          %broadcast_in_dim3A_2021 = arith.constant 21 : i32
          %broadcast_in_dim3A_2022 = vector.broadcast %broadcast_in_dim3A_2021 : i32 to vector<16xi32>
          tpu.vector_store_idx %arg6[%broadcast_in_dim3A_1146, %broadcast_in_dim3A_1154, %add3A_1978, %broadcast_in_dim3A_2022], %broadcast_in_dim3A_3 masked %eq3A_1975 : memref<2x8x200x32xf32, #tpu.memory_space<vmem>>[vector<16xi32>, vector<16xi32>, vector<16xi32>, vector<16xi32>], vector<16xf32>, vector<16xi1>
          %broadcast_in_dim3A_2023 = arith.constant 22 : i32
          %broadcast_in_dim3A_2024 = vector.broadcast %broadcast_in_dim3A_2023 : i32 to vector<16xi32>
          tpu.vector_store_idx %arg6[%broadcast_in_dim3A_1146, %broadcast_in_dim3A_1154, %add3A_1978, %broadcast_in_dim3A_2024], %broadcast_in_dim3A_3 masked %eq3A_1975 : memref<2x8x200x32xf32, #tpu.memory_space<vmem>>[vector<16xi32>, vector<16xi32>, vector<16xi32>, vector<16xi32>], vector<16xf32>, vector<16xi1>
          %broadcast_in_dim3A_2025 = arith.constant 23 : i32
          %broadcast_in_dim3A_2026 = vector.broadcast %broadcast_in_dim3A_2025 : i32 to vector<16xi32>
          tpu.vector_store_idx %arg6[%broadcast_in_dim3A_1146, %broadcast_in_dim3A_1154, %add3A_1978, %broadcast_in_dim3A_2026], %broadcast_in_dim3A_3 masked %eq3A_1975 : memref<2x8x200x32xf32, #tpu.memory_space<vmem>>[vector<16xi32>, vector<16xi32>, vector<16xi32>, vector<16xi32>], vector<16xf32>, vector<16xi1>
          %broadcast_in_dim3A_2027 = arith.constant 24 : i32
          %broadcast_in_dim3A_2028 = vector.broadcast %broadcast_in_dim3A_2027 : i32 to vector<16xi32>
          tpu.vector_store_idx %arg6[%broadcast_in_dim3A_1146, %broadcast_in_dim3A_1154, %add3A_1978, %broadcast_in_dim3A_2028], %broadcast_in_dim3A_3 masked %eq3A_1975 : memref<2x8x200x32xf32, #tpu.memory_space<vmem>>[vector<16xi32>, vector<16xi32>, vector<16xi32>, vector<16xi32>], vector<16xf32>, vector<16xi1>
          %broadcast_in_dim3A_2029 = arith.constant 25 : i32
          %broadcast_in_dim3A_2030 = vector.broadcast %broadcast_in_dim3A_2029 : i32 to vector<16xi32>
          tpu.vector_store_idx %arg6[%broadcast_in_dim3A_1146, %broadcast_in_dim3A_1154, %add3A_1978, %broadcast_in_dim3A_2030], %broadcast_in_dim3A_3 masked %eq3A_1975 : memref<2x8x200x32xf32, #tpu.memory_space<vmem>>[vector<16xi32>, vector<16xi32>, vector<16xi32>, vector<16xi32>], vector<16xf32>, vector<16xi1>
          %broadcast_in_dim3A_2031 = arith.constant 26 : i32
          %broadcast_in_dim3A_2032 = vector.broadcast %broadcast_in_dim3A_2031 : i32 to vector<16xi32>
          tpu.vector_store_idx %arg6[%broadcast_in_dim3A_1146, %broadcast_in_dim3A_1154, %add3A_1978, %broadcast_in_dim3A_2032], %broadcast_in_dim3A_3 masked %eq3A_1975 : memref<2x8x200x32xf32, #tpu.memory_space<vmem>>[vector<16xi32>, vector<16xi32>, vector<16xi32>, vector<16xi32>], vector<16xf32>, vector<16xi1>
          %broadcast_in_dim3A_2033 = arith.constant 27 : i32
          %broadcast_in_dim3A_2034 = vector.broadcast %broadcast_in_dim3A_2033 : i32 to vector<16xi32>
          tpu.vector_store_idx %arg6[%broadcast_in_dim3A_1146, %broadcast_in_dim3A_1154, %add3A_1978, %broadcast_in_dim3A_2034], %broadcast_in_dim3A_3 masked %eq3A_1975 : memref<2x8x200x32xf32, #tpu.memory_space<vmem>>[vector<16xi32>, vector<16xi32>, vector<16xi32>, vector<16xi32>], vector<16xf32>, vector<16xi1>
          %broadcast_in_dim3A_2035 = arith.constant 28 : i32
          %broadcast_in_dim3A_2036 = vector.broadcast %broadcast_in_dim3A_2035 : i32 to vector<16xi32>
          tpu.vector_store_idx %arg6[%broadcast_in_dim3A_1146, %broadcast_in_dim3A_1154, %add3A_1978, %broadcast_in_dim3A_2036], %broadcast_in_dim3A_3 masked %eq3A_1975 : memref<2x8x200x32xf32, #tpu.memory_space<vmem>>[vector<16xi32>, vector<16xi32>, vector<16xi32>, vector<16xi32>], vector<16xf32>, vector<16xi1>
          %broadcast_in_dim3A_2037 = arith.constant 29 : i32
          %broadcast_in_dim3A_2038 = vector.broadcast %broadcast_in_dim3A_2037 : i32 to vector<16xi32>
          tpu.vector_store_idx %arg6[%broadcast_in_dim3A_1146, %broadcast_in_dim3A_1154, %add3A_1978, %broadcast_in_dim3A_2038], %broadcast_in_dim3A_3 masked %eq3A_1975 : memref<2x8x200x32xf32, #tpu.memory_space<vmem>>[vector<16xi32>, vector<16xi32>, vector<16xi32>, vector<16xi32>], vector<16xf32>, vector<16xi1>
          %broadcast_in_dim3A_2039 = arith.constant 30 : i32
          %broadcast_in_dim3A_2040 = vector.broadcast %broadcast_in_dim3A_2039 : i32 to vector<16xi32>
          tpu.vector_store_idx %arg6[%broadcast_in_dim3A_1146, %broadcast_in_dim3A_1154, %add3A_1978, %broadcast_in_dim3A_2040], %broadcast_in_dim3A_3 masked %eq3A_1975 : memref<2x8x200x32xf32, #tpu.memory_space<vmem>>[vector<16xi32>, vector<16xi32>, vector<16xi32>, vector<16xi32>], vector<16xf32>, vector<16xi1>
          %broadcast_in_dim3A_2041 = arith.constant 31 : i32
          %broadcast_in_dim3A_2042 = vector.broadcast %broadcast_in_dim3A_2041 : i32 to vector<16xi32>
          tpu.vector_store_idx %arg6[%broadcast_in_dim3A_1146, %broadcast_in_dim3A_1154, %add3A_1978, %broadcast_in_dim3A_2042], %broadcast_in_dim3A_3 masked %eq3A_1975 : memref<2x8x200x32xf32, #tpu.memory_space<vmem>>[vector<16xi32>, vector<16xi32>, vector<16xi32>, vector<16xi32>], vector<16xf32>, vector<16xi1>
          %get3A_2043 = arith.index_cast %select_n3A_280 : i32 to index
          %get3A_2044 = arith.index_cast %scan3A_1153 : i32 to index
          %get3A_2045 = arith.constant 184 : index
          %get3A_2046 = tpu.vector_load %arg5[%get3A_2043, %get3A_2044, %get3A_2045] {strides = array<i32>} : memref<2x8x200xi32, #tpu.memory_space<vmem>>, vector<16xi32>,
          %eq3A_2047 = arith.constant 0 : i32
          %eq3A_2048 = vector.broadcast %eq3A_2047 : i32 to vector<16xi32>
          %eq3A_2049 = arith.cmpi eq, %get3A_2046, %eq3A_2048 : vector<16xi32>
          %add3A_2050 = arith.constant 184 : i32
          %add3A_2051 = vector.broadcast %add3A_2050 : i32 to vector<16xi32>
          %add3A_2052 = arith.addi %add3A_2051, %iota3A : vector<16xi32>
          %broadcast_in_dim3A_2053 = arith.constant 0 : i32
          %broadcast_in_dim3A_2054 = vector.broadcast %broadcast_in_dim3A_2053 : i32 to vector<16xi32>
          tpu.vector_store_idx %arg6[%broadcast_in_dim3A_1146, %broadcast_in_dim3A_1154, %add3A_2052, %broadcast_in_dim3A_2054], %broadcast_in_dim3A_3 masked %eq3A_2049 : memref<2x8x200x32xf32, #tpu.memory_space<vmem>>[vector<16xi32>, vector<16xi32>, vector<16xi32>, vector<16xi32>], vector<16xf32>, vector<16xi1>
          %broadcast_in_dim3A_2055 = arith.constant 1 : i32
          %broadcast_in_dim3A_2056 = vector.broadcast %broadcast_in_dim3A_2055 : i32 to vector<16xi32>
          tpu.vector_store_idx %arg6[%broadcast_in_dim3A_1146, %broadcast_in_dim3A_1154, %add3A_2052, %broadcast_in_dim3A_2056], %broadcast_in_dim3A_3 masked %eq3A_2049 : memref<2x8x200x32xf32, #tpu.memory_space<vmem>>[vector<16xi32>, vector<16xi32>, vector<16xi32>, vector<16xi32>], vector<16xf32>, vector<16xi1>
          %broadcast_in_dim3A_2057 = arith.constant 2 : i32
          %broadcast_in_dim3A_2058 = vector.broadcast %broadcast_in_dim3A_2057 : i32 to vector<16xi32>
          tpu.vector_store_idx %arg6[%broadcast_in_dim3A_1146, %broadcast_in_dim3A_1154, %add3A_2052, %broadcast_in_dim3A_2058], %broadcast_in_dim3A_3 masked %eq3A_2049 : memref<2x8x200x32xf32, #tpu.memory_space<vmem>>[vector<16xi32>, vector<16xi32>, vector<16xi32>, vector<16xi32>], vector<16xf32>, vector<16xi1>
          %broadcast_in_dim3A_2059 = arith.constant 3 : i32
          %broadcast_in_dim3A_2060 = vector.broadcast %broadcast_in_dim3A_2059 : i32 to vector<16xi32>
          tpu.vector_store_idx %arg6[%broadcast_in_dim3A_1146, %broadcast_in_dim3A_1154, %add3A_2052, %broadcast_in_dim3A_2060], %broadcast_in_dim3A_3 masked %eq3A_2049 : memref<2x8x200x32xf32, #tpu.memory_space<vmem>>[vector<16xi32>, vector<16xi32>, vector<16xi32>, vector<16xi32>], vector<16xf32>, vector<16xi1>
          %broadcast_in_dim3A_2061 = arith.constant 4 : i32
          %broadcast_in_dim3A_2062 = vector.broadcast %broadcast_in_dim3A_2061 : i32 to vector<16xi32>
          tpu.vector_store_idx %arg6[%broadcast_in_dim3A_1146, %broadcast_in_dim3A_1154, %add3A_2052, %broadcast_in_dim3A_2062], %broadcast_in_dim3A_3 masked %eq3A_2049 : memref<2x8x200x32xf32, #tpu.memory_space<vmem>>[vector<16xi32>, vector<16xi32>, vector<16xi32>, vector<16xi32>], vector<16xf32>, vector<16xi1>
          %broadcast_in_dim3A_2063 = arith.constant 5 : i32
          %broadcast_in_dim3A_2064 = vector.broadcast %broadcast_in_dim3A_2063 : i32 to vector<16xi32>
          tpu.vector_store_idx %arg6[%broadcast_in_dim3A_1146, %broadcast_in_dim3A_1154, %add3A_2052, %broadcast_in_dim3A_2064], %broadcast_in_dim3A_3 masked %eq3A_2049 : memref<2x8x200x32xf32, #tpu.memory_space<vmem>>[vector<16xi32>, vector<16xi32>, vector<16xi32>, vector<16xi32>], vector<16xf32>, vector<16xi1>
          %broadcast_in_dim3A_2065 = arith.constant 6 : i32
          %broadcast_in_dim3A_2066 = vector.broadcast %broadcast_in_dim3A_2065 : i32 to vector<16xi32>
          tpu.vector_store_idx %arg6[%broadcast_in_dim3A_1146, %broadcast_in_dim3A_1154, %add3A_2052, %broadcast_in_dim3A_2066], %broadcast_in_dim3A_3 masked %eq3A_2049 : memref<2x8x200x32xf32, #tpu.memory_space<vmem>>[vector<16xi32>, vector<16xi32>, vector<16xi32>, vector<16xi32>], vector<16xf32>, vector<16xi1>
          %broadcast_in_dim3A_2067 = arith.constant 7 : i32
          %broadcast_in_dim3A_2068 = vector.broadcast %broadcast_in_dim3A_2067 : i32 to vector<16xi32>
          tpu.vector_store_idx %arg6[%broadcast_in_dim3A_1146, %broadcast_in_dim3A_1154, %add3A_2052, %broadcast_in_dim3A_2068], %broadcast_in_dim3A_3 masked %eq3A_2049 : memref<2x8x200x32xf32, #tpu.memory_space<vmem>>[vector<16xi32>, vector<16xi32>, vector<16xi32>, vector<16xi32>], vector<16xf32>, vector<16xi1>
          %broadcast_in_dim3A_2069 = arith.constant 8 : i32
          %broadcast_in_dim3A_2070 = vector.broadcast %broadcast_in_dim3A_2069 : i32 to vector<16xi32>
          tpu.vector_store_idx %arg6[%broadcast_in_dim3A_1146, %broadcast_in_dim3A_1154, %add3A_2052, %broadcast_in_dim3A_2070], %broadcast_in_dim3A_3 masked %eq3A_2049 : memref<2x8x200x32xf32, #tpu.memory_space<vmem>>[vector<16xi32>, vector<16xi32>, vector<16xi32>, vector<16xi32>], vector<16xf32>, vector<16xi1>
          %broadcast_in_dim3A_2071 = arith.constant 9 : i32
          %broadcast_in_dim3A_2072 = vector.broadcast %broadcast_in_dim3A_2071 : i32 to vector<16xi32>
          tpu.vector_store_idx %arg6[%broadcast_in_dim3A_1146, %broadcast_in_dim3A_1154, %add3A_2052, %broadcast_in_dim3A_2072], %broadcast_in_dim3A_3 masked %eq3A_2049 : memref<2x8x200x32xf32, #tpu.memory_space<vmem>>[vector<16xi32>, vector<16xi32>, vector<16xi32>, vector<16xi32>], vector<16xf32>, vector<16xi1>
          %broadcast_in_dim3A_2073 = arith.constant 10 : i32
          %broadcast_in_dim3A_2074 = vector.broadcast %broadcast_in_dim3A_2073 : i32 to vector<16xi32>
          tpu.vector_store_idx %arg6[%broadcast_in_dim3A_1146, %broadcast_in_dim3A_1154, %add3A_2052, %broadcast_in_dim3A_2074], %broadcast_in_dim3A_3 masked %eq3A_2049 : memref<2x8x200x32xf32, #tpu.memory_space<vmem>>[vector<16xi32>, vector<16xi32>, vector<16xi32>, vector<16xi32>], vector<16xf32>, vector<16xi1>
          %broadcast_in_dim3A_2075 = arith.constant 11 : i32
          %broadcast_in_dim3A_2076 = vector.broadcast %broadcast_in_dim3A_2075 : i32 to vector<16xi32>
          tpu.vector_store_idx %arg6[%broadcast_in_dim3A_1146, %broadcast_in_dim3A_1154, %add3A_2052, %broadcast_in_dim3A_2076], %broadcast_in_dim3A_3 masked %eq3A_2049 : memref<2x8x200x32xf32, #tpu.memory_space<vmem>>[vector<16xi32>, vector<16xi32>, vector<16xi32>, vector<16xi32>], vector<16xf32>, vector<16xi1>
          %broadcast_in_dim3A_2077 = arith.constant 12 : i32
          %broadcast_in_dim3A_2078 = vector.broadcast %broadcast_in_dim3A_2077 : i32 to vector<16xi32>
          tpu.vector_store_idx %arg6[%broadcast_in_dim3A_1146, %broadcast_in_dim3A_1154, %add3A_2052, %broadcast_in_dim3A_2078], %broadcast_in_dim3A_3 masked %eq3A_2049 : memref<2x8x200x32xf32, #tpu.memory_space<vmem>>[vector<16xi32>, vector<16xi32>, vector<16xi32>, vector<16xi32>], vector<16xf32>, vector<16xi1>
          %broadcast_in_dim3A_2079 = arith.constant 13 : i32
          %broadcast_in_dim3A_2080 = vector.broadcast %broadcast_in_dim3A_2079 : i32 to vector<16xi32>
          tpu.vector_store_idx %arg6[%broadcast_in_dim3A_1146, %broadcast_in_dim3A_1154, %add3A_2052, %broadcast_in_dim3A_2080], %broadcast_in_dim3A_3 masked %eq3A_2049 : memref<2x8x200x32xf32, #tpu.memory_space<vmem>>[vector<16xi32>, vector<16xi32>, vector<16xi32>, vector<16xi32>], vector<16xf32>, vector<16xi1>
          %broadcast_in_dim3A_2081 = arith.constant 14 : i32
          %broadcast_in_dim3A_2082 = vector.broadcast %broadcast_in_dim3A_2081 : i32 to vector<16xi32>
          tpu.vector_store_idx %arg6[%broadcast_in_dim3A_1146, %broadcast_in_dim3A_1154, %add3A_2052, %broadcast_in_dim3A_2082], %broadcast_in_dim3A_3 masked %eq3A_2049 : memref<2x8x200x32xf32, #tpu.memory_space<vmem>>[vector<16xi32>, vector<16xi32>, vector<16xi32>, vector<16xi32>], vector<16xf32>, vector<16xi1>
          %broadcast_in_dim3A_2083 = arith.constant 15 : i32
          %broadcast_in_dim3A_2084 = vector.broadcast %broadcast_in_dim3A_2083 : i32 to vector<16xi32>
          tpu.vector_store_idx %arg6[%broadcast_in_dim3A_1146, %broadcast_in_dim3A_1154, %add3A_2052, %broadcast_in_dim3A_2084], %broadcast_in_dim3A_3 masked %eq3A_2049 : memref<2x8x200x32xf32, #tpu.memory_space<vmem>>[vector<16xi32>, vector<16xi32>, vector<16xi32>, vector<16xi32>], vector<16xf32>, vector<16xi1>
          %broadcast_in_dim3A_2085 = arith.constant 16 : i32
          %broadcast_in_dim3A_2086 = vector.broadcast %broadcast_in_dim3A_2085 : i32 to vector<16xi32>
          tpu.vector_store_idx %arg6[%broadcast_in_dim3A_1146, %broadcast_in_dim3A_1154, %add3A_2052, %broadcast_in_dim3A_2086], %broadcast_in_dim3A_3 masked %eq3A_2049 : memref<2x8x200x32xf32, #tpu.memory_space<vmem>>[vector<16xi32>, vector<16xi32>, vector<16xi32>, vector<16xi32>], vector<16xf32>, vector<16xi1>
          %broadcast_in_dim3A_2087 = arith.constant 17 : i32
          %broadcast_in_dim3A_2088 = vector.broadcast %broadcast_in_dim3A_2087 : i32 to vector<16xi32>
          tpu.vector_store_idx %arg6[%broadcast_in_dim3A_1146, %broadcast_in_dim3A_1154, %add3A_2052, %broadcast_in_dim3A_2088], %broadcast_in_dim3A_3 masked %eq3A_2049 : memref<2x8x200x32xf32, #tpu.memory_space<vmem>>[vector<16xi32>, vector<16xi32>, vector<16xi32>, vector<16xi32>], vector<16xf32>, vector<16xi1>
          %broadcast_in_dim3A_2089 = arith.constant 18 : i32
          %broadcast_in_dim3A_2090 = vector.broadcast %broadcast_in_dim3A_2089 : i32 to vector<16xi32>
          tpu.vector_store_idx %arg6[%broadcast_in_dim3A_1146, %broadcast_in_dim3A_1154, %add3A_2052, %broadcast_in_dim3A_2090], %broadcast_in_dim3A_3 masked %eq3A_2049 : memref<2x8x200x32xf32, #tpu.memory_space<vmem>>[vector<16xi32>, vector<16xi32>, vector<16xi32>, vector<16xi32>], vector<16xf32>, vector<16xi1>
          %broadcast_in_dim3A_2091 = arith.constant 19 : i32
          %broadcast_in_dim3A_2092 = vector.broadcast %broadcast_in_dim3A_2091 : i32 to vector<16xi32>
          tpu.vector_store_idx %arg6[%broadcast_in_dim3A_1146, %broadcast_in_dim3A_1154, %add3A_2052, %broadcast_in_dim3A_2092], %broadcast_in_dim3A_3 masked %eq3A_2049 : memref<2x8x200x32xf32, #tpu.memory_space<vmem>>[vector<16xi32>, vector<16xi32>, vector<16xi32>, vector<16xi32>], vector<16xf32>, vector<16xi1>
          %broadcast_in_dim3A_2093 = arith.constant 20 : i32
          %broadcast_in_dim3A_2094 = vector.broadcast %broadcast_in_dim3A_2093 : i32 to vector<16xi32>
          tpu.vector_store_idx %arg6[%broadcast_in_dim3A_1146, %broadcast_in_dim3A_1154, %add3A_2052, %broadcast_in_dim3A_2094], %broadcast_in_dim3A_3 masked %eq3A_2049 : memref<2x8x200x32xf32, #tpu.memory_space<vmem>>[vector<16xi32>, vector<16xi32>, vector<16xi32>, vector<16xi32>], vector<16xf32>, vector<16xi1>
          %broadcast_in_dim3A_2095 = arith.constant 21 : i32
          %broadcast_in_dim3A_2096 = vector.broadcast %broadcast_in_dim3A_2095 : i32 to vector<16xi32>
          tpu.vector_store_idx %arg6[%broadcast_in_dim3A_1146, %broadcast_in_dim3A_1154, %add3A_2052, %broadcast_in_dim3A_2096], %broadcast_in_dim3A_3 masked %eq3A_2049 : memref<2x8x200x32xf32, #tpu.memory_space<vmem>>[vector<16xi32>, vector<16xi32>, vector<16xi32>, vector<16xi32>], vector<16xf32>, vector<16xi1>
          %broadcast_in_dim3A_2097 = arith.constant 22 : i32
          %broadcast_in_dim3A_2098 = vector.broadcast %broadcast_in_dim3A_2097 : i32 to vector<16xi32>
          tpu.vector_store_idx %arg6[%broadcast_in_dim3A_1146, %broadcast_in_dim3A_1154, %add3A_2052, %broadcast_in_dim3A_2098], %broadcast_in_dim3A_3 masked %eq3A_2049 : memref<2x8x200x32xf32, #tpu.memory_space<vmem>>[vector<16xi32>, vector<16xi32>, vector<16xi32>, vector<16xi32>], vector<16xf32>, vector<16xi1>
          %broadcast_in_dim3A_2099 = arith.constant 23 : i32
          %broadcast_in_dim3A_2100 = vector.broadcast %broadcast_in_dim3A_2099 : i32 to vector<16xi32>
          tpu.vector_store_idx %arg6[%broadcast_in_dim3A_1146, %broadcast_in_dim3A_1154, %add3A_2052, %broadcast_in_dim3A_2100], %broadcast_in_dim3A_3 masked %eq3A_2049 : memref<2x8x200x32xf32, #tpu.memory_space<vmem>>[vector<16xi32>, vector<16xi32>, vector<16xi32>, vector<16xi32>], vector<16xf32>, vector<16xi1>
          %broadcast_in_dim3A_2101 = arith.constant 24 : i32
          %broadcast_in_dim3A_2102 = vector.broadcast %broadcast_in_dim3A_2101 : i32 to vector<16xi32>
          tpu.vector_store_idx %arg6[%broadcast_in_dim3A_1146, %broadcast_in_dim3A_1154, %add3A_2052, %broadcast_in_dim3A_2102], %broadcast_in_dim3A_3 masked %eq3A_2049 : memref<2x8x200x32xf32, #tpu.memory_space<vmem>>[vector<16xi32>, vector<16xi32>, vector<16xi32>, vector<16xi32>], vector<16xf32>, vector<16xi1>
          %broadcast_in_dim3A_2103 = arith.constant 25 : i32
          %broadcast_in_dim3A_2104 = vector.broadcast %broadcast_in_dim3A_2103 : i32 to vector<16xi32>
          tpu.vector_store_idx %arg6[%broadcast_in_dim3A_1146, %broadcast_in_dim3A_1154, %add3A_2052, %broadcast_in_dim3A_2104], %broadcast_in_dim3A_3 masked %eq3A_2049 : memref<2x8x200x32xf32, #tpu.memory_space<vmem>>[vector<16xi32>, vector<16xi32>, vector<16xi32>, vector<16xi32>], vector<16xf32>, vector<16xi1>
          %broadcast_in_dim3A_2105 = arith.constant 26 : i32
          %broadcast_in_dim3A_2106 = vector.broadcast %broadcast_in_dim3A_2105 : i32 to vector<16xi32>
          tpu.vector_store_idx %arg6[%broadcast_in_dim3A_1146, %broadcast_in_dim3A_1154, %add3A_2052, %broadcast_in_dim3A_2106], %broadcast_in_dim3A_3 masked %eq3A_2049 : memref<2x8x200x32xf32, #tpu.memory_space<vmem>>[vector<16xi32>, vector<16xi32>, vector<16xi32>, vector<16xi32>], vector<16xf32>, vector<16xi1>
          %broadcast_in_dim3A_2107 = arith.constant 27 : i32
          %broadcast_in_dim3A_2108 = vector.broadcast %broadcast_in_dim3A_2107 : i32 to vector<16xi32>
          tpu.vector_store_idx %arg6[%broadcast_in_dim3A_1146, %broadcast_in_dim3A_1154, %add3A_2052, %broadcast_in_dim3A_2108], %broadcast_in_dim3A_3 masked %eq3A_2049 : memref<2x8x200x32xf32, #tpu.memory_space<vmem>>[vector<16xi32>, vector<16xi32>, vector<16xi32>, vector<16xi32>], vector<16xf32>, vector<16xi1>
          %broadcast_in_dim3A_2109 = arith.constant 28 : i32
          %broadcast_in_dim3A_2110 = vector.broadcast %broadcast_in_dim3A_2109 : i32 to vector<16xi32>
          tpu.vector_store_idx %arg6[%broadcast_in_dim3A_1146, %broadcast_in_dim3A_1154, %add3A_2052, %broadcast_in_dim3A_2110], %broadcast_in_dim3A_3 masked %eq3A_2049 : memref<2x8x200x32xf32, #tpu.memory_space<vmem>>[vector<16xi32>, vector<16xi32>, vector<16xi32>, vector<16xi32>], vector<16xf32>, vector<16xi1>
          %broadcast_in_dim3A_2111 = arith.constant 29 : i32
          %broadcast_in_dim3A_2112 = vector.broadcast %broadcast_in_dim3A_2111 : i32 to vector<16xi32>
          tpu.vector_store_idx %arg6[%broadcast_in_dim3A_1146, %broadcast_in_dim3A_1154, %add3A_2052, %broadcast_in_dim3A_2112], %broadcast_in_dim3A_3 masked %eq3A_2049 : memref<2x8x200x32xf32, #tpu.memory_space<vmem>>[vector<16xi32>, vector<16xi32>, vector<16xi32>, vector<16xi32>], vector<16xf32>, vector<16xi1>
          %broadcast_in_dim3A_2113 = arith.constant 30 : i32
          %broadcast_in_dim3A_2114 = vector.broadcast %broadcast_in_dim3A_2113 : i32 to vector<16xi32>
          tpu.vector_store_idx %arg6[%broadcast_in_dim3A_1146, %broadcast_in_dim3A_1154, %add3A_2052, %broadcast_in_dim3A_2114], %broadcast_in_dim3A_3 masked %eq3A_2049 : memref<2x8x200x32xf32, #tpu.memory_space<vmem>>[vector<16xi32>, vector<16xi32>, vector<16xi32>, vector<16xi32>], vector<16xf32>, vector<16xi1>
          %broadcast_in_dim3A_2115 = arith.constant 31 : i32
          %broadcast_in_dim3A_2116 = vector.broadcast %broadcast_in_dim3A_2115 : i32 to vector<16xi32>
          tpu.vector_store_idx %arg6[%broadcast_in_dim3A_1146, %broadcast_in_dim3A_1154, %add3A_2052, %broadcast_in_dim3A_2116], %broadcast_in_dim3A_3 masked %eq3A_2049 : memref<2x8x200x32xf32, #tpu.memory_space<vmem>>[vector<16xi32>, vector<16xi32>, vector<16xi32>, vector<16xi32>], vector<16xf32>, vector<16xi1>
        }
        %scan3A_1152 = arith.constant 8 : i32
      } else {
      }
      %mul3A_1120 = arith.constant 8 : i32
      %mul3A_1121 = arith.muli %scan3A_271, %mul3A_1120 : i32
      %add3A_1122 = arith.addi %mul3A_2, %mul3A_1121 : i32
      %dma_start3A_1123 = arith.constant 0 : i32
      %dma_start3A_1124 = arith.constant 0 : i32
      %dma_start3A_1125 = arith.constant 0 : i32
      %dma_start3A_1126 = tpu.memref_slice %arg6[%select_n3A_280, %dma_start3A_1123, %dma_start3A_1124, %dma_start3A_1125] : memref<2x8x200x32xf32, #tpu.memory_space<vmem>> -> memref<1x8x200x32xf32, #tpu.memory_space<vmem>>
      %dma_start3A_1127 = tpu.memref_squeeze %dma_start3A_1126 : memref<1x8x200x32xf32, #tpu.memory_space<vmem>> -> memref<8x200x32xf32, #tpu.memory_space<vmem>>
      %dma_start3A_1128 = arith.constant 0 : i32
      %dma_start3A_1129 = arith.constant 0 : i32
      %dma_start3A_1130 = tpu.memref_slice %arg4[%add3A_1122, %dma_start3A_1128, %dma_start3A_1129] : memref<16384x200x32xf32, #tpu.memory_space<hbm>> -> memref<8x200x32xf32, #tpu.memory_space<hbm>>
      %dma_start3A_1131 = arith.constant 0 : i32
      %dma_start3A_1132 = arith.constant 0 : i32
      %dma_start3A_1133 = tpu.memref_slice %arg4[%add3A_1122, %dma_start3A_1131, %dma_start3A_1132] : memref<16384x200x32xf32, #tpu.memory_space<hbm>> -> memref<8x200x32xf32, #tpu.memory_space<hbm>>
      %dma_start3A_1134 = arith.constant 0 : i32
      %dma_start3A_1135 = arith.constant 0 : i32
      %dma_start3A_1136 = arith.constant 0 : i32
      %dma_start3A_1137 = tpu.memref_slice %arg6[%select_n3A_280, %dma_start3A_1134, %dma_start3A_1135, %dma_start3A_1136] : memref<2x8x200x32xf32, #tpu.memory_space<vmem>> -> memref<1x8x200x32xf32, #tpu.memory_space<vmem>>
      %dma_start3A_1138 = tpu.memref_squeeze %dma_start3A_1137 : memref<1x8x200x32xf32, #tpu.memory_space<vmem>> -> memref<8x200x32xf32, #tpu.memory_space<vmem>>
      tpu.enqueue_dma source(%dma_start3A_1138 : memref<8x200x32xf32, #tpu.memory_space<vmem>>) target(%dma_start3A_1133 : memref<8x200x32xf32, #tpu.memory_space<hbm>>) target_semaphore(%arg8 : memref<!tpu.dma_semaphore, #tpu.memory_space<semaphore_mem>>)
      %add3A_1139 = arith.constant 1 : i32
      %add3A_1140 = arith.addi %scan3A_271, %add3A_1139 : i32
      %lt3A_1141 = arith.constant 64 : i32
      %lt3A_1142 = arith.cmpi slt, %add3A_1140, %lt3A_1141 : i32
      %convert_element_type3A_1143 = arith.extui %lt3A_1142 : i1 to i32
      %cond3A_1144 = arith.constant 0 : i32
      %cond3A_1145 = arith.cmpi ne, %convert_element_type3A_1143, %cond3A_1144 : i32
      scf.if %cond3A_1145 {
        %ge3A = arith.constant 1 : i32
        %ge3A_1146 = arith.cmpi sge, %scan3A_271, %ge3A : i32
        %convert_element_type3A_1147 = arith.extui %ge3A_1146 : i1 to i32
        %cond3A_1148 = arith.constant 0 : i32
        %cond3A_1149 = arith.cmpi ne, %convert_element_type3A_1147, %cond3A_1148 : i32
        scf.if %cond3A_1149 {
          %sub3A = arith.constant 1 : i32
          %sub3A_1347 = arith.subi %scan3A_271, %sub3A : i32
          %mul3A_1348 = arith.constant 8 : i32
          %mul3A_1349 = arith.muli %sub3A_1347, %mul3A_1348 : i32
          %add3A_1350 = arith.addi %mul3A_2, %mul3A_1349 : i32
          %dma_wait3A_1351 = arith.constant 0 : i32
          %dma_wait3A_1352 = arith.constant 0 : i32
          %dma_wait3A_1353 = arith.constant 0 : i32
          %dma_wait3A_1354 = tpu.memref_slice %arg6[%select_n3A_298, %dma_wait3A_1351, %dma_wait3A_1352, %dma_wait3A_1353] : memref<2x8x200x32xf32, #tpu.memory_space<vmem>> -> memref<1x8x200x32xf32, #tpu.memory_space<vmem>>
          %dma_wait3A_1355 = tpu.memref_squeeze %dma_wait3A_1354 : memref<1x8x200x32xf32, #tpu.memory_space<vmem>> -> memref<8x200x32xf32, #tpu.memory_space<vmem>>
          %dma_wait3A_1356 = arith.constant 0 : i32
          %dma_wait3A_1357 = arith.constant 0 : i32
          %dma_wait3A_1358 = tpu.memref_slice %arg4[%add3A_1350, %dma_wait3A_1356, %dma_wait3A_1357] : memref<16384x200x32xf32, #tpu.memory_space<hbm>> -> memref<8x200x32xf32, #tpu.memory_space<hbm>>
          %dma_wait3A_1359 = arith.constant 0 : i32
          %dma_wait3A_1360 = arith.constant 0 : i32
          %dma_wait3A_1361 = tpu.memref_slice %arg4[%add3A_1350, %dma_wait3A_1359, %dma_wait3A_1360] : memref<16384x200x32xf32, #tpu.memory_space<hbm>> -> memref<8x200x32xf32, #tpu.memory_space<hbm>>
          %dma_wait3A_1362 = arith.constant 0 : i32
          %dma_wait3A_1363 = arith.constant 0 : i32
          %dma_wait3A_1364 = arith.constant 0 : i32
          %dma_wait3A_1365 = tpu.memref_slice %arg6[%select_n3A_298, %dma_wait3A_1362, %dma_wait3A_1363, %dma_wait3A_1364] : memref<2x8x200x32xf32, #tpu.memory_space<vmem>> -> memref<1x8x200x32xf32, #tpu.memory_space<vmem>>
          %dma_wait3A_1366 = tpu.memref_squeeze %dma_wait3A_1365 : memref<1x8x200x32xf32, #tpu.memory_space<vmem>> -> memref<8x200x32xf32, #tpu.memory_space<vmem>>
          tpu.wait_dma2 semaphore(%arg8 : memref<!tpu.dma_semaphore, #tpu.memory_space<semaphore_mem>>) src(%dma_wait3A_1366 : memref<8x200x32xf32, #tpu.memory_space<vmem>>) dst(%dma_wait3A_1361 : memref<8x200x32xf32, #tpu.memory_space<hbm>>)
        } else {
        }
        %add3A_1150 = arith.constant 1 : i32
        %add3A_1151 = arith.addi %scan3A_271, %add3A_1150 : i32
        %mul3A_1152 = arith.constant 8 : i32
        %mul3A_1153 = arith.muli %add3A_1151, %mul3A_1152 : i32
        %add3A_1154 = arith.addi %mul3A_2, %mul3A_1153 : i32
        "tpu.region"() ({
          %run_scoped3A_1347 = tpu.sem_alloc : memref<!tpu.dma_semaphore, #tpu.memory_space<semaphore_mem>>
          %dma_start3A_1348 = arith.constant 0 : i32
          %dma_start3A_1349 = arith.constant 0 : i32
          %dma_start3A_1350 = tpu.memref_slice %arg5[%select_n3A_298, %dma_start3A_1348, %dma_start3A_1349] : memref<2x8x200xi32, #tpu.memory_space<vmem>> -> memref<1x8x200xi32, #tpu.memory_space<vmem>>
          %dma_start3A_1351 = tpu.memref_squeeze %dma_start3A_1350 : memref<1x8x200xi32, #tpu.memory_space<vmem>> -> memref<8x200xi32, #tpu.memory_space<vmem>>
          %dma_start3A_1352 = arith.constant 0 : i32
          %dma_start3A_1353 = tpu.memref_slice %arg2[%add3A_1154, %dma_start3A_1352] : memref<16384x200xi32, #tpu.memory_space<hbm>> -> memref<8x200xi32, #tpu.memory_space<hbm>>
          %dma_start3A_1354 = arith.constant 0 : i32
          %dma_start3A_1355 = arith.constant 0 : i32
          %dma_start3A_1356 = tpu.memref_slice %arg5[%select_n3A_298, %dma_start3A_1354, %dma_start3A_1355] : memref<2x8x200xi32, #tpu.memory_space<vmem>> -> memref<1x8x200xi32, #tpu.memory_space<vmem>>
          %dma_start3A_1357 = tpu.memref_squeeze %dma_start3A_1356 : memref<1x8x200xi32, #tpu.memory_space<vmem>> -> memref<8x200xi32, #tpu.memory_space<vmem>>
          %dma_start3A_1358 = arith.constant 0 : i32
          %dma_start3A_1359 = tpu.memref_slice %arg2[%add3A_1154, %dma_start3A_1358] : memref<16384x200xi32, #tpu.memory_space<hbm>> -> memref<8x200xi32, #tpu.memory_space<hbm>>
          tpu.enqueue_dma source(%dma_start3A_1359 : memref<8x200xi32, #tpu.memory_space<hbm>>) target(%dma_start3A_1357 : memref<8x200xi32, #tpu.memory_space<vmem>>) target_semaphore(%run_scoped3A_1347 : memref<!tpu.dma_semaphore, #tpu.memory_space<semaphore_mem>>)
          %dma_wait3A_1360 = arith.constant 0 : i32
          %dma_wait3A_1361 = arith.constant 0 : i32
          %dma_wait3A_1362 = tpu.memref_slice %arg5[%select_n3A_298, %dma_wait3A_1360, %dma_wait3A_1361] : memref<2x8x200xi32, #tpu.memory_space<vmem>> -> memref<1x8x200xi32, #tpu.memory_space<vmem>>
          %dma_wait3A_1363 = tpu.memref_squeeze %dma_wait3A_1362 : memref<1x8x200xi32, #tpu.memory_space<vmem>> -> memref<8x200xi32, #tpu.memory_space<vmem>>
          %dma_wait3A_1364 = arith.constant 0 : i32
          %dma_wait3A_1365 = tpu.memref_slice %arg2[%add3A_1154, %dma_wait3A_1364] : memref<16384x200xi32, #tpu.memory_space<hbm>> -> memref<8x200xi32, #tpu.memory_space<hbm>>
          %dma_wait3A_1366 = arith.constant 0 : i32
          %dma_wait3A_1367 = arith.constant 0 : i32
          %dma_wait3A_1368 = tpu.memref_slice %arg5[%select_n3A_298, %dma_wait3A_1366, %dma_wait3A_1367] : memref<2x8x200xi32, #tpu.memory_space<vmem>> -> memref<1x8x200xi32, #tpu.memory_space<vmem>>
          %dma_wait3A_1369 = tpu.memref_squeeze %dma_wait3A_1368 : memref<1x8x200xi32, #tpu.memory_space<vmem>> -> memref<8x200xi32, #tpu.memory_space<vmem>>
          %dma_wait3A_1370 = arith.constant 0 : i32
          %dma_wait3A_1371 = tpu.memref_slice %arg2[%add3A_1154, %dma_wait3A_1370] : memref<16384x200xi32, #tpu.memory_space<hbm>> -> memref<8x200xi32, #tpu.memory_space<hbm>>
          tpu.wait_dma2 semaphore(%run_scoped3A_1347 : memref<!tpu.dma_semaphore, #tpu.memory_space<semaphore_mem>>) src(%dma_wait3A_1371 : memref<8x200xi32, #tpu.memory_space<hbm>>) dst(%dma_wait3A_1369 : memref<8x200xi32, #tpu.memory_space<vmem>>)
          tpu.yield
        }) : () -> ()
        %dma_start3A_1155 = arith.constant 0 : i32
        %dma_start3A_1156 = arith.constant 0 : i32
        %dma_start3A_1157 = arith.constant 0 : i32
        %dma_start3A_1158 = arith.constant 0 : i32
        %dma_start3A_1159 = tpu.memref_slice %arg6[%select_n3A_298, %dma_start3A_1156, %dma_start3A_1157, %dma_start3A_1158] : memref<2x8x200x32xf32, #tpu.memory_space<vmem>> -> memref<1x1x128x32xf32, #tpu.memory_space<vmem>>
        %dma_start3A_1160 = tpu.memref_squeeze %dma_start3A_1159 : memref<1x1x128x32xf32, #tpu.memory_space<vmem>> -> memref<128x32xf32, #tpu.memory_space<vmem>>
        %dma_start3A_1161 = arith.constant 0 : i32
        %dma_start3A_1162 = tpu.memref_slice %arg5[%select_n3A_298, %dma_start3A_1155, %dma_start3A_1161] : memref<2x8x200xi32, #tpu.memory_space<vmem>> -> memref<1x1x128xi32, #tpu.memory_space<vmem>>
        %dma_start3A_1163 = tpu.memref_squeeze %dma_start3A_1162 : memref<1x1x128xi32, #tpu.memory_space<vmem>> -> memref<128xi32, #tpu.memory_space<vmem>>
        %dma_start3A_1164 = arith.constant 0 : i32
        %dma_start3A_1165 = arith.constant 0 : i32
        %dma_start3A_1166 = tpu.memref_slice %arg3[%dma_start3A_1164, %dma_start3A_1165] : memref<1000000x32xf32, #tpu.memory_space<hbm>> -> memref<1000000x32xf32, #tpu.memory_space<hbm>>
        tpu.enqueue_indirect_dma source(%dma_start3A_1166 : memref<1000000x32xf32, #tpu.memory_space<hbm>>) target(%dma_start3A_1160 : memref<128x32xf32, #tpu.memory_space<vmem>>) offsets(%dma_start3A_1163 : memref<128xi32, #tpu.memory_space<vmem>>) semaphore(%arg7 : memref<!tpu.dma_semaphore, #tpu.memory_space<semaphore_mem>>)
        %dma_start3A_1167 = arith.constant 0 : i32
        %dma_start3A_1168 = arith.constant 0 : i32
        %dma_start3A_1169 = arith.constant 128 : i32
        %dma_start3A_1170 = arith.constant 0 : i32
        %dma_start3A_1171 = tpu.memref_slice %arg6[%select_n3A_298, %dma_start3A_1168, %dma_start3A_1169, %dma_start3A_1170] : memref<2x8x200x32xf32, #tpu.memory_space<vmem>> -> memref<1x1x72x32xf32, #tpu.memory_space<vmem>>
        %dma_start3A_1172 = tpu.memref_squeeze %dma_start3A_1171 : memref<1x1x72x32xf32, #tpu.memory_space<vmem>> -> memref<72x32xf32, #tpu.memory_space<vmem>>
        %dma_start3A_1173 = arith.constant 128 : i32
        %dma_start3A_1174 = tpu.memref_slice %arg5[%select_n3A_298, %dma_start3A_1167, %dma_start3A_1173] : memref<2x8x200xi32, #tpu.memory_space<vmem>> -> memref<1x1x72xi32, #tpu.memory_space<vmem>>
        %dma_start3A_1175 = tpu.memref_squeeze %dma_start3A_1174 : memref<1x1x72xi32, #tpu.memory_space<vmem>> -> memref<72xi32, #tpu.memory_space<vmem>>
        %dma_start3A_1176 = arith.constant 0 : i32
        %dma_start3A_1177 = arith.constant 0 : i32
        %dma_start3A_1178 = tpu.memref_slice %arg3[%dma_start3A_1176, %dma_start3A_1177] : memref<1000000x32xf32, #tpu.memory_space<hbm>> -> memref<1000000x32xf32, #tpu.memory_space<hbm>>
        tpu.enqueue_indirect_dma source(%dma_start3A_1178 : memref<1000000x32xf32, #tpu.memory_space<hbm>>) target(%dma_start3A_1172 : memref<72x32xf32, #tpu.memory_space<vmem>>) offsets(%dma_start3A_1175 : memref<72xi32, #tpu.memory_space<vmem>>) semaphore(%arg7 : memref<!tpu.dma_semaphore, #tpu.memory_space<semaphore_mem>>)
        %dma_start3A_1179 = arith.constant 1 : i32
        %dma_start3A_1180 = arith.constant 1 : i32
        %dma_start3A_1181 = arith.constant 0 : i32
        %dma_start3A_1182 = arith.constant 0 : i32
        %dma_start3A_1183 = tpu.memref_slice %arg6[%select_n3A_298, %dma_start3A_1180, %dma_start3A_1181, %dma_start3A_1182] : memref<2x8x200x32xf32, #tpu.memory_space<vmem>> -> memref<1x1x128x32xf32, #tpu.memory_space<vmem>>
        %dma_start3A_1184 = tpu.memref_squeeze %dma_start3A_1183 : memref<1x1x128x32xf32, #tpu.memory_space<vmem>> -> memref<128x32xf32, #tpu.memory_space<vmem>>
        %dma_start3A_1185 = arith.constant 0 : i32
        %dma_start3A_1186 = tpu.memref_slice %arg5[%select_n3A_298, %dma_start3A_1179, %dma_start3A_1185] : memref<2x8x200xi32, #tpu.memory_space<vmem>> -> memref<1x1x128xi32, #tpu.memory_space<vmem>>
        %dma_start3A_1187 = tpu.memref_squeeze %dma_start3A_1186 : memref<1x1x128xi32, #tpu.memory_space<vmem>> -> memref<128xi32, #tpu.memory_space<vmem>>
        %dma_start3A_1188 = arith.constant 0 : i32
        %dma_start3A_1189 = arith.constant 0 : i32
        %dma_start3A_1190 = tpu.memref_slice %arg3[%dma_start3A_1188, %dma_start3A_1189] : memref<1000000x32xf32, #tpu.memory_space<hbm>> -> memref<1000000x32xf32, #tpu.memory_space<hbm>>
        tpu.enqueue_indirect_dma source(%dma_start3A_1190 : memref<1000000x32xf32, #tpu.memory_space<hbm>>) target(%dma_start3A_1184 : memref<128x32xf32, #tpu.memory_space<vmem>>) offsets(%dma_start3A_1187 : memref<128xi32, #tpu.memory_space<vmem>>) semaphore(%arg7 : memref<!tpu.dma_semaphore, #tpu.memory_space<semaphore_mem>>)
        %dma_start3A_1191 = arith.constant 1 : i32
        %dma_start3A_1192 = arith.constant 1 : i32
        %dma_start3A_1193 = arith.constant 128 : i32
        %dma_start3A_1194 = arith.constant 0 : i32
        %dma_start3A_1195 = tpu.memref_slice %arg6[%select_n3A_298, %dma_start3A_1192, %dma_start3A_1193, %dma_start3A_1194] : memref<2x8x200x32xf32, #tpu.memory_space<vmem>> -> memref<1x1x72x32xf32, #tpu.memory_space<vmem>>
        %dma_start3A_1196 = tpu.memref_squeeze %dma_start3A_1195 : memref<1x1x72x32xf32, #tpu.memory_space<vmem>> -> memref<72x32xf32, #tpu.memory_space<vmem>>
        %dma_start3A_1197 = arith.constant 128 : i32
        %dma_start3A_1198 = tpu.memref_slice %arg5[%select_n3A_298, %dma_start3A_1191, %dma_start3A_1197] : memref<2x8x200xi32, #tpu.memory_space<vmem>> -> memref<1x1x72xi32, #tpu.memory_space<vmem>>
        %dma_start3A_1199 = tpu.memref_squeeze %dma_start3A_1198 : memref<1x1x72xi32, #tpu.memory_space<vmem>> -> memref<72xi32, #tpu.memory_space<vmem>>
        %dma_start3A_1200 = arith.constant 0 : i32
        %dma_start3A_1201 = arith.constant 0 : i32
        %dma_start3A_1202 = tpu.memref_slice %arg3[%dma_start3A_1200, %dma_start3A_1201] : memref<1000000x32xf32, #tpu.memory_space<hbm>> -> memref<1000000x32xf32, #tpu.memory_space<hbm>>
        tpu.enqueue_indirect_dma source(%dma_start3A_1202 : memref<1000000x32xf32, #tpu.memory_space<hbm>>) target(%dma_start3A_1196 : memref<72x32xf32, #tpu.memory_space<vmem>>) offsets(%dma_start3A_1199 : memref<72xi32, #tpu.memory_space<vmem>>) semaphore(%arg7 : memref<!tpu.dma_semaphore, #tpu.memory_space<semaphore_mem>>)
        %dma_start3A_1203 = arith.constant 2 : i32
        %dma_start3A_1204 = arith.constant 2 : i32
        %dma_start3A_1205 = arith.constant 0 : i32
        %dma_start3A_1206 = arith.constant 0 : i32
        %dma_start3A_1207 = tpu.memref_slice %arg6[%select_n3A_298, %dma_start3A_1204, %dma_start3A_1205, %dma_start3A_1206] : memref<2x8x200x32xf32, #tpu.memory_space<vmem>> -> memref<1x1x128x32xf32, #tpu.memory_space<vmem>>
        %dma_start3A_1208 = tpu.memref_squeeze %dma_start3A_1207 : memref<1x1x128x32xf32, #tpu.memory_space<vmem>> -> memref<128x32xf32, #tpu.memory_space<vmem>>
        %dma_start3A_1209 = arith.constant 0 : i32
        %dma_start3A_1210 = tpu.memref_slice %arg5[%select_n3A_298, %dma_start3A_1203, %dma_start3A_1209] : memref<2x8x200xi32, #tpu.memory_space<vmem>> -> memref<1x1x128xi32, #tpu.memory_space<vmem>>
        %dma_start3A_1211 = tpu.memref_squeeze %dma_start3A_1210 : memref<1x1x128xi32, #tpu.memory_space<vmem>> -> memref<128xi32, #tpu.memory_space<vmem>>
        %dma_start3A_1212 = arith.constant 0 : i32
        %dma_start3A_1213 = arith.constant 0 : i32
        %dma_start3A_1214 = tpu.memref_slice %arg3[%dma_start3A_1212, %dma_start3A_1213] : memref<1000000x32xf32, #tpu.memory_space<hbm>> -> memref<1000000x32xf32, #tpu.memory_space<hbm>>
        tpu.enqueue_indirect_dma source(%dma_start3A_1214 : memref<1000000x32xf32, #tpu.memory_space<hbm>>) target(%dma_start3A_1208 : memref<128x32xf32, #tpu.memory_space<vmem>>) offsets(%dma_start3A_1211 : memref<128xi32, #tpu.memory_space<vmem>>) semaphore(%arg7 : memref<!tpu.dma_semaphore, #tpu.memory_space<semaphore_mem>>)
        %dma_start3A_1215 = arith.constant 2 : i32
        %dma_start3A_1216 = arith.constant 2 : i32
        %dma_start3A_1217 = arith.constant 128 : i32
        %dma_start3A_1218 = arith.constant 0 : i32
        %dma_start3A_1219 = tpu.memref_slice %arg6[%select_n3A_298, %dma_start3A_1216, %dma_start3A_1217, %dma_start3A_1218] : memref<2x8x200x32xf32, #tpu.memory_space<vmem>> -> memref<1x1x72x32xf32, #tpu.memory_space<vmem>>
        %dma_start3A_1220 = tpu.memref_squeeze %dma_start3A_1219 : memref<1x1x72x32xf32, #tpu.memory_space<vmem>> -> memref<72x32xf32, #tpu.memory_space<vmem>>
        %dma_start3A_1221 = arith.constant 128 : i32
        %dma_start3A_1222 = tpu.memref_slice %arg5[%select_n3A_298, %dma_start3A_1215, %dma_start3A_1221] : memref<2x8x200xi32, #tpu.memory_space<vmem>> -> memref<1x1x72xi32, #tpu.memory_space<vmem>>
        %dma_start3A_1223 = tpu.memref_squeeze %dma_start3A_1222 : memref<1x1x72xi32, #tpu.memory_space<vmem>> -> memref<72xi32, #tpu.memory_space<vmem>>
        %dma_start3A_1224 = arith.constant 0 : i32
        %dma_start3A_1225 = arith.constant 0 : i32
        %dma_start3A_1226 = tpu.memref_slice %arg3[%dma_start3A_1224, %dma_start3A_1225] : memref<1000000x32xf32, #tpu.memory_space<hbm>> -> memref<1000000x32xf32, #tpu.memory_space<hbm>>
        tpu.enqueue_indirect_dma source(%dma_start3A_1226 : memref<1000000x32xf32, #tpu.memory_space<hbm>>) target(%dma_start3A_1220 : memref<72x32xf32, #tpu.memory_space<vmem>>) offsets(%dma_start3A_1223 : memref<72xi32, #tpu.memory_space<vmem>>) semaphore(%arg7 : memref<!tpu.dma_semaphore, #tpu.memory_space<semaphore_mem>>)
        %dma_start3A_1227 = arith.constant 3 : i32
        %dma_start3A_1228 = arith.constant 3 : i32
        %dma_start3A_1229 = arith.constant 0 : i32
        %dma_start3A_1230 = arith.constant 0 : i32
        %dma_start3A_1231 = tpu.memref_slice %arg6[%select_n3A_298, %dma_start3A_1228, %dma_start3A_1229, %dma_start3A_1230] : memref<2x8x200x32xf32, #tpu.memory_space<vmem>> -> memref<1x1x128x32xf32, #tpu.memory_space<vmem>>
        %dma_start3A_1232 = tpu.memref_squeeze %dma_start3A_1231 : memref<1x1x128x32xf32, #tpu.memory_space<vmem>> -> memref<128x32xf32, #tpu.memory_space<vmem>>
        %dma_start3A_1233 = arith.constant 0 : i32
        %dma_start3A_1234 = tpu.memref_slice %arg5[%select_n3A_298, %dma_start3A_1227, %dma_start3A_1233] : memref<2x8x200xi32, #tpu.memory_space<vmem>> -> memref<1x1x128xi32, #tpu.memory_space<vmem>>
        %dma_start3A_1235 = tpu.memref_squeeze %dma_start3A_1234 : memref<1x1x128xi32, #tpu.memory_space<vmem>> -> memref<128xi32, #tpu.memory_space<vmem>>
        %dma_start3A_1236 = arith.constant 0 : i32
        %dma_start3A_1237 = arith.constant 0 : i32
        %dma_start3A_1238 = tpu.memref_slice %arg3[%dma_start3A_1236, %dma_start3A_1237] : memref<1000000x32xf32, #tpu.memory_space<hbm>> -> memref<1000000x32xf32, #tpu.memory_space<hbm>>
        tpu.enqueue_indirect_dma source(%dma_start3A_1238 : memref<1000000x32xf32, #tpu.memory_space<hbm>>) target(%dma_start3A_1232 : memref<128x32xf32, #tpu.memory_space<vmem>>) offsets(%dma_start3A_1235 : memref<128xi32, #tpu.memory_space<vmem>>) semaphore(%arg7 : memref<!tpu.dma_semaphore, #tpu.memory_space<semaphore_mem>>)
        %dma_start3A_1239 = arith.constant 3 : i32
        %dma_start3A_1240 = arith.constant 3 : i32
        %dma_start3A_1241 = arith.constant 128 : i32
        %dma_start3A_1242 = arith.constant 0 : i32
        %dma_start3A_1243 = tpu.memref_slice %arg6[%select_n3A_298, %dma_start3A_1240, %dma_start3A_1241, %dma_start3A_1242] : memref<2x8x200x32xf32, #tpu.memory_space<vmem>> -> memref<1x1x72x32xf32, #tpu.memory_space<vmem>>
        %dma_start3A_1244 = tpu.memref_squeeze %dma_start3A_1243 : memref<1x1x72x32xf32, #tpu.memory_space<vmem>> -> memref<72x32xf32, #tpu.memory_space<vmem>>
        %dma_start3A_1245 = arith.constant 128 : i32
        %dma_start3A_1246 = tpu.memref_slice %arg5[%select_n3A_298, %dma_start3A_1239, %dma_start3A_1245] : memref<2x8x200xi32, #tpu.memory_space<vmem>> -> memref<1x1x72xi32, #tpu.memory_space<vmem>>
        %dma_start3A_1247 = tpu.memref_squeeze %dma_start3A_1246 : memref<1x1x72xi32, #tpu.memory_space<vmem>> -> memref<72xi32, #tpu.memory_space<vmem>>
        %dma_start3A_1248 = arith.constant 0 : i32
        %dma_start3A_1249 = arith.constant 0 : i32
        %dma_start3A_1250 = tpu.memref_slice %arg3[%dma_start3A_1248, %dma_start3A_1249] : memref<1000000x32xf32, #tpu.memory_space<hbm>> -> memref<1000000x32xf32, #tpu.memory_space<hbm>>
        tpu.enqueue_indirect_dma source(%dma_start3A_1250 : memref<1000000x32xf32, #tpu.memory_space<hbm>>) target(%dma_start3A_1244 : memref<72x32xf32, #tpu.memory_space<vmem>>) offsets(%dma_start3A_1247 : memref<72xi32, #tpu.memory_space<vmem>>) semaphore(%arg7 : memref<!tpu.dma_semaphore, #tpu.memory_space<semaphore_mem>>)
        %dma_start3A_1251 = arith.constant 4 : i32
        %dma_start3A_1252 = arith.constant 4 : i32
        %dma_start3A_1253 = arith.constant 0 : i32
        %dma_start3A_1254 = arith.constant 0 : i32
        %dma_start3A_1255 = tpu.memref_slice %arg6[%select_n3A_298, %dma_start3A_1252, %dma_start3A_1253, %dma_start3A_1254] : memref<2x8x200x32xf32, #tpu.memory_space<vmem>> -> memref<1x1x128x32xf32, #tpu.memory_space<vmem>>
        %dma_start3A_1256 = tpu.memref_squeeze %dma_start3A_1255 : memref<1x1x128x32xf32, #tpu.memory_space<vmem>> -> memref<128x32xf32, #tpu.memory_space<vmem>>
        %dma_start3A_1257 = arith.constant 0 : i32
        %dma_start3A_1258 = tpu.memref_slice %arg5[%select_n3A_298, %dma_start3A_1251, %dma_start3A_1257] : memref<2x8x200xi32, #tpu.memory_space<vmem>> -> memref<1x1x128xi32, #tpu.memory_space<vmem>>
        %dma_start3A_1259 = tpu.memref_squeeze %dma_start3A_1258 : memref<1x1x128xi32, #tpu.memory_space<vmem>> -> memref<128xi32, #tpu.memory_space<vmem>>
        %dma_start3A_1260 = arith.constant 0 : i32
        %dma_start3A_1261 = arith.constant 0 : i32
        %dma_start3A_1262 = tpu.memref_slice %arg3[%dma_start3A_1260, %dma_start3A_1261] : memref<1000000x32xf32, #tpu.memory_space<hbm>> -> memref<1000000x32xf32, #tpu.memory_space<hbm>>
        tpu.enqueue_indirect_dma source(%dma_start3A_1262 : memref<1000000x32xf32, #tpu.memory_space<hbm>>) target(%dma_start3A_1256 : memref<128x32xf32, #tpu.memory_space<vmem>>) offsets(%dma_start3A_1259 : memref<128xi32, #tpu.memory_space<vmem>>) semaphore(%arg7 : memref<!tpu.dma_semaphore, #tpu.memory_space<semaphore_mem>>)
        %dma_start3A_1263 = arith.constant 4 : i32
        %dma_start3A_1264 = arith.constant 4 : i32
        %dma_start3A_1265 = arith.constant 128 : i32
        %dma_start3A_1266 = arith.constant 0 : i32
        %dma_start3A_1267 = tpu.memref_slice %arg6[%select_n3A_298, %dma_start3A_1264, %dma_start3A_1265, %dma_start3A_1266] : memref<2x8x200x32xf32, #tpu.memory_space<vmem>> -> memref<1x1x72x32xf32, #tpu.memory_space<vmem>>
        %dma_start3A_1268 = tpu.memref_squeeze %dma_start3A_1267 : memref<1x1x72x32xf32, #tpu.memory_space<vmem>> -> memref<72x32xf32, #tpu.memory_space<vmem>>
        %dma_start3A_1269 = arith.constant 128 : i32
        %dma_start3A_1270 = tpu.memref_slice %arg5[%select_n3A_298, %dma_start3A_1263, %dma_start3A_1269] : memref<2x8x200xi32, #tpu.memory_space<vmem>> -> memref<1x1x72xi32, #tpu.memory_space<vmem>>
        %dma_start3A_1271 = tpu.memref_squeeze %dma_start3A_1270 : memref<1x1x72xi32, #tpu.memory_space<vmem>> -> memref<72xi32, #tpu.memory_space<vmem>>
        %dma_start3A_1272 = arith.constant 0 : i32
        %dma_start3A_1273 = arith.constant 0 : i32
        %dma_start3A_1274 = tpu.memref_slice %arg3[%dma_start3A_1272, %dma_start3A_1273] : memref<1000000x32xf32, #tpu.memory_space<hbm>> -> memref<1000000x32xf32, #tpu.memory_space<hbm>>
        tpu.enqueue_indirect_dma source(%dma_start3A_1274 : memref<1000000x32xf32, #tpu.memory_space<hbm>>) target(%dma_start3A_1268 : memref<72x32xf32, #tpu.memory_space<vmem>>) offsets(%dma_start3A_1271 : memref<72xi32, #tpu.memory_space<vmem>>) semaphore(%arg7 : memref<!tpu.dma_semaphore, #tpu.memory_space<semaphore_mem>>)
        %dma_start3A_1275 = arith.constant 5 : i32
        %dma_start3A_1276 = arith.constant 5 : i32
        %dma_start3A_1277 = arith.constant 0 : i32
        %dma_start3A_1278 = arith.constant 0 : i32
        %dma_start3A_1279 = tpu.memref_slice %arg6[%select_n3A_298, %dma_start3A_1276, %dma_start3A_1277, %dma_start3A_1278] : memref<2x8x200x32xf32, #tpu.memory_space<vmem>> -> memref<1x1x128x32xf32, #tpu.memory_space<vmem>>
        %dma_start3A_1280 = tpu.memref_squeeze %dma_start3A_1279 : memref<1x1x128x32xf32, #tpu.memory_space<vmem>> -> memref<128x32xf32, #tpu.memory_space<vmem>>
        %dma_start3A_1281 = arith.constant 0 : i32
        %dma_start3A_1282 = tpu.memref_slice %arg5[%select_n3A_298, %dma_start3A_1275, %dma_start3A_1281] : memref<2x8x200xi32, #tpu.memory_space<vmem>> -> memref<1x1x128xi32, #tpu.memory_space<vmem>>
        %dma_start3A_1283 = tpu.memref_squeeze %dma_start3A_1282 : memref<1x1x128xi32, #tpu.memory_space<vmem>> -> memref<128xi32, #tpu.memory_space<vmem>>
        %dma_start3A_1284 = arith.constant 0 : i32
        %dma_start3A_1285 = arith.constant 0 : i32
        %dma_start3A_1286 = tpu.memref_slice %arg3[%dma_start3A_1284, %dma_start3A_1285] : memref<1000000x32xf32, #tpu.memory_space<hbm>> -> memref<1000000x32xf32, #tpu.memory_space<hbm>>
        tpu.enqueue_indirect_dma source(%dma_start3A_1286 : memref<1000000x32xf32, #tpu.memory_space<hbm>>) target(%dma_start3A_1280 : memref<128x32xf32, #tpu.memory_space<vmem>>) offsets(%dma_start3A_1283 : memref<128xi32, #tpu.memory_space<vmem>>) semaphore(%arg7 : memref<!tpu.dma_semaphore, #tpu.memory_space<semaphore_mem>>)
        %dma_start3A_1287 = arith.constant 5 : i32
        %dma_start3A_1288 = arith.constant 5 : i32
        %dma_start3A_1289 = arith.constant 128 : i32
        %dma_start3A_1290 = arith.constant 0 : i32
        %dma_start3A_1291 = tpu.memref_slice %arg6[%select_n3A_298, %dma_start3A_1288, %dma_start3A_1289, %dma_start3A_1290] : memref<2x8x200x32xf32, #tpu.memory_space<vmem>> -> memref<1x1x72x32xf32, #tpu.memory_space<vmem>>
        %dma_start3A_1292 = tpu.memref_squeeze %dma_start3A_1291 : memref<1x1x72x32xf32, #tpu.memory_space<vmem>> -> memref<72x32xf32, #tpu.memory_space<vmem>>
        %dma_start3A_1293 = arith.constant 128 : i32
        %dma_start3A_1294 = tpu.memref_slice %arg5[%select_n3A_298, %dma_start3A_1287, %dma_start3A_1293] : memref<2x8x200xi32, #tpu.memory_space<vmem>> -> memref<1x1x72xi32, #tpu.memory_space<vmem>>
        %dma_start3A_1295 = tpu.memref_squeeze %dma_start3A_1294 : memref<1x1x72xi32, #tpu.memory_space<vmem>> -> memref<72xi32, #tpu.memory_space<vmem>>
        %dma_start3A_1296 = arith.constant 0 : i32
        %dma_start3A_1297 = arith.constant 0 : i32
        %dma_start3A_1298 = tpu.memref_slice %arg3[%dma_start3A_1296, %dma_start3A_1297] : memref<1000000x32xf32, #tpu.memory_space<hbm>> -> memref<1000000x32xf32, #tpu.memory_space<hbm>>
        tpu.enqueue_indirect_dma source(%dma_start3A_1298 : memref<1000000x32xf32, #tpu.memory_space<hbm>>) target(%dma_start3A_1292 : memref<72x32xf32, #tpu.memory_space<vmem>>) offsets(%dma_start3A_1295 : memref<72xi32, #tpu.memory_space<vmem>>) semaphore(%arg7 : memref<!tpu.dma_semaphore, #tpu.memory_space<semaphore_mem>>)
        %dma_start3A_1299 = arith.constant 6 : i32
        %dma_start3A_1300 = arith.constant 6 : i32
        %dma_start3A_1301 = arith.constant 0 : i32
        %dma_start3A_1302 = arith.constant 0 : i32
        %dma_start3A_1303 = tpu.memref_slice %arg6[%select_n3A_298, %dma_start3A_1300, %dma_start3A_1301, %dma_start3A_1302] : memref<2x8x200x32xf32, #tpu.memory_space<vmem>> -> memref<1x1x128x32xf32, #tpu.memory_space<vmem>>
        %dma_start3A_1304 = tpu.memref_squeeze %dma_start3A_1303 : memref<1x1x128x32xf32, #tpu.memory_space<vmem>> -> memref<128x32xf32, #tpu.memory_space<vmem>>
        %dma_start3A_1305 = arith.constant 0 : i32
        %dma_start3A_1306 = tpu.memref_slice %arg5[%select_n3A_298, %dma_start3A_1299, %dma_start3A_1305] : memref<2x8x200xi32, #tpu.memory_space<vmem>> -> memref<1x1x128xi32, #tpu.memory_space<vmem>>
        %dma_start3A_1307 = tpu.memref_squeeze %dma_start3A_1306 : memref<1x1x128xi32, #tpu.memory_space<vmem>> -> memref<128xi32, #tpu.memory_space<vmem>>
        %dma_start3A_1308 = arith.constant 0 : i32
        %dma_start3A_1309 = arith.constant 0 : i32
        %dma_start3A_1310 = tpu.memref_slice %arg3[%dma_start3A_1308, %dma_start3A_1309] : memref<1000000x32xf32, #tpu.memory_space<hbm>> -> memref<1000000x32xf32, #tpu.memory_space<hbm>>
        tpu.enqueue_indirect_dma source(%dma_start3A_1310 : memref<1000000x32xf32, #tpu.memory_space<hbm>>) target(%dma_start3A_1304 : memref<128x32xf32, #tpu.memory_space<vmem>>) offsets(%dma_start3A_1307 : memref<128xi32, #tpu.memory_space<vmem>>) semaphore(%arg7 : memref<!tpu.dma_semaphore, #tpu.memory_space<semaphore_mem>>)
        %dma_start3A_1311 = arith.constant 6 : i32
        %dma_start3A_1312 = arith.constant 6 : i32
        %dma_start3A_1313 = arith.constant 128 : i32
        %dma_start3A_1314 = arith.constant 0 : i32
        %dma_start3A_1315 = tpu.memref_slice %arg6[%select_n3A_298, %dma_start3A_1312, %dma_start3A_1313, %dma_start3A_1314] : memref<2x8x200x32xf32, #tpu.memory_space<vmem>> -> memref<1x1x72x32xf32, #tpu.memory_space<vmem>>
        %dma_start3A_1316 = tpu.memref_squeeze %dma_start3A_1315 : memref<1x1x72x32xf32, #tpu.memory_space<vmem>> -> memref<72x32xf32, #tpu.memory_space<vmem>>
        %dma_start3A_1317 = arith.constant 128 : i32
        %dma_start3A_1318 = tpu.memref_slice %arg5[%select_n3A_298, %dma_start3A_1311, %dma_start3A_1317] : memref<2x8x200xi32, #tpu.memory_space<vmem>> -> memref<1x1x72xi32, #tpu.memory_space<vmem>>
        %dma_start3A_1319 = tpu.memref_squeeze %dma_start3A_1318 : memref<1x1x72xi32, #tpu.memory_space<vmem>> -> memref<72xi32, #tpu.memory_space<vmem>>
        %dma_start3A_1320 = arith.constant 0 : i32
        %dma_start3A_1321 = arith.constant 0 : i32
        %dma_start3A_1322 = tpu.memref_slice %arg3[%dma_start3A_1320, %dma_start3A_1321] : memref<1000000x32xf32, #tpu.memory_space<hbm>> -> memref<1000000x32xf32, #tpu.memory_space<hbm>>
        tpu.enqueue_indirect_dma source(%dma_start3A_1322 : memref<1000000x32xf32, #tpu.memory_space<hbm>>) target(%dma_start3A_1316 : memref<72x32xf32, #tpu.memory_space<vmem>>) offsets(%dma_start3A_1319 : memref<72xi32, #tpu.memory_space<vmem>>) semaphore(%arg7 : memref<!tpu.dma_semaphore, #tpu.memory_space<semaphore_mem>>)
        %dma_start3A_1323 = arith.constant 7 : i32
        %dma_start3A_1324 = arith.constant 7 : i32
        %dma_start3A_1325 = arith.constant 0 : i32
        %dma_start3A_1326 = arith.constant 0 : i32
        %dma_start3A_1327 = tpu.memref_slice %arg6[%select_n3A_298, %dma_start3A_1324, %dma_start3A_1325, %dma_start3A_1326] : memref<2x8x200x32xf32, #tpu.memory_space<vmem>> -> memref<1x1x128x32xf32, #tpu.memory_space<vmem>>
        %dma_start3A_1328 = tpu.memref_squeeze %dma_start3A_1327 : memref<1x1x128x32xf32, #tpu.memory_space<vmem>> -> memref<128x32xf32, #tpu.memory_space<vmem>>
        %dma_start3A_1329 = arith.constant 0 : i32
        %dma_start3A_1330 = tpu.memref_slice %arg5[%select_n3A_298, %dma_start3A_1323, %dma_start3A_1329] : memref<2x8x200xi32, #tpu.memory_space<vmem>> -> memref<1x1x128xi32, #tpu.memory_space<vmem>>
        %dma_start3A_1331 = tpu.memref_squeeze %dma_start3A_1330 : memref<1x1x128xi32, #tpu.memory_space<vmem>> -> memref<128xi32, #tpu.memory_space<vmem>>
        %dma_start3A_1332 = arith.constant 0 : i32
        %dma_start3A_1333 = arith.constant 0 : i32
        %dma_start3A_1334 = tpu.memref_slice %arg3[%dma_start3A_1332, %dma_start3A_1333] : memref<1000000x32xf32, #tpu.memory_space<hbm>> -> memref<1000000x32xf32, #tpu.memory_space<hbm>>
        tpu.enqueue_indirect_dma source(%dma_start3A_1334 : memref<1000000x32xf32, #tpu.memory_space<hbm>>) target(%dma_start3A_1328 : memref<128x32xf32, #tpu.memory_space<vmem>>) offsets(%dma_start3A_1331 : memref<128xi32, #tpu.memory_space<vmem>>) semaphore(%arg7 : memref<!tpu.dma_semaphore, #tpu.memory_space<semaphore_mem>>)
        %dma_start3A_1335 = arith.constant 7 : i32
        %dma_start3A_1336 = arith.constant 7 : i32
        %dma_start3A_1337 = arith.constant 128 : i32
        %dma_start3A_1338 = arith.constant 0 : i32
        %dma_start3A_1339 = tpu.memref_slice %arg6[%select_n3A_298, %dma_start3A_1336, %dma_start3A_1337, %dma_start3A_1338] : memref<2x8x200x32xf32, #tpu.memory_space<vmem>> -> memref<1x1x72x32xf32, #tpu.memory_space<vmem>>
        %dma_start3A_1340 = tpu.memref_squeeze %dma_start3A_1339 : memref<1x1x72x32xf32, #tpu.memory_space<vmem>> -> memref<72x32xf32, #tpu.memory_space<vmem>>
        %dma_start3A_1341 = arith.constant 128 : i32
        %dma_start3A_1342 = tpu.memref_slice %arg5[%select_n3A_298, %dma_start3A_1335, %dma_start3A_1341] : memref<2x8x200xi32, #tpu.memory_space<vmem>> -> memref<1x1x72xi32, #tpu.memory_space<vmem>>
        %dma_start3A_1343 = tpu.memref_squeeze %dma_start3A_1342 : memref<1x1x72xi32, #tpu.memory_space<vmem>> -> memref<72xi32, #tpu.memory_space<vmem>>
        %dma_start3A_1344 = arith.constant 0 : i32
        %dma_start3A_1345 = arith.constant 0 : i32
        %dma_start3A_1346 = tpu.memref_slice %arg3[%dma_start3A_1344, %dma_start3A_1345] : memref<1000000x32xf32, #tpu.memory_space<hbm>> -> memref<1000000x32xf32, #tpu.memory_space<hbm>>
        tpu.enqueue_indirect_dma source(%dma_start3A_1346 : memref<1000000x32xf32, #tpu.memory_space<hbm>>) target(%dma_start3A_1340 : memref<72x32xf32, #tpu.memory_space<vmem>>) offsets(%dma_start3A_1343 : memref<72xi32, #tpu.memory_space<vmem>>) semaphore(%arg7 : memref<!tpu.dma_semaphore, #tpu.memory_space<semaphore_mem>>)
      } else {
      }
    }
    %scan3A_233 = arith.constant 64 : i32
    %add3A_234 = arith.constant 496 : i32
    %add3A_235 = arith.addi %mul3A_2, %add3A_234 : i32
    %dma_wait3A = arith.constant 0 : i32
    %dma_wait3A_236 = arith.constant 0 : i32
    %dma_wait3A_237 = arith.constant 0 : i32
    %dma_wait3A_238 = arith.constant 0 : i32
    %dma_wait3A_239 = tpu.memref_slice %arg6[%dma_wait3A, %dma_wait3A_236, %dma_wait3A_237, %dma_wait3A_238] : memref<2x8x200x32xf32, #tpu.memory_space<vmem>> -> memref<1x8x200x32xf32, #tpu.memory_space<vmem>>
    %dma_wait3A_240 = tpu.memref_squeeze %dma_wait3A_239 : memref<1x8x200x32xf32, #tpu.memory_space<vmem>> -> memref<8x200x32xf32, #tpu.memory_space<vmem>>
    %dma_wait3A_241 = arith.constant 0 : i32
    %dma_wait3A_242 = arith.constant 0 : i32
    %dma_wait3A_243 = tpu.memref_slice %arg4[%add3A_235, %dma_wait3A_241, %dma_wait3A_242] : memref<16384x200x32xf32, #tpu.memory_space<hbm>> -> memref<8x200x32xf32, #tpu.memory_space<hbm>>
    %dma_wait3A_244 = arith.constant 0 : i32
    %dma_wait3A_245 = arith.constant 0 : i32
    %dma_wait3A_246 = tpu.memref_slice %arg4[%add3A_235, %dma_wait3A_244, %dma_wait3A_245] : memref<16384x200x32xf32, #tpu.memory_space<hbm>> -> memref<8x200x32xf32, #tpu.memory_space<hbm>>
    %dma_wait3A_247 = arith.constant 0 : i32
    %dma_wait3A_248 = arith.constant 0 : i32
    %dma_wait3A_249 = arith.constant 0 : i32
    %dma_wait3A_250 = tpu.memref_slice %arg6[%dma_wait3A, %dma_wait3A_247, %dma_wait3A_248, %dma_wait3A_249] : memref<2x8x200x32xf32, #tpu.memory_space<vmem>> -> memref<1x8x200x32xf32, #tpu.memory_space<vmem>>
    %dma_wait3A_251 = tpu.memref_squeeze %dma_wait3A_250 : memref<1x8x200x32xf32, #tpu.memory_space<vmem>> -> memref<8x200x32xf32, #tpu.memory_space<vmem>>
    tpu.wait_dma2 semaphore(%arg8 : memref<!tpu.dma_semaphore, #tpu.memory_space<semaphore_mem>>) src(%dma_wait3A_251 : memref<8x200x32xf32, #tpu.memory_space<vmem>>) dst(%dma_wait3A_246 : memref<8x200x32xf32, #tpu.memory_space<hbm>>)
    %add3A_252 = arith.constant 504 : i32
    %add3A_253 = arith.addi %mul3A_2, %add3A_252 : i32
    %dma_wait3A_254 = arith.constant 1 : i32
    %dma_wait3A_255 = arith.constant 0 : i32
    %dma_wait3A_256 = arith.constant 0 : i32
    %dma_wait3A_257 = arith.constant 0 : i32
    %dma_wait3A_258 = tpu.memref_slice %arg6[%dma_wait3A_254, %dma_wait3A_255, %dma_wait3A_256, %dma_wait3A_257] : memref<2x8x200x32xf32, #tpu.memory_space<vmem>> -> memref<1x8x200x32xf32, #tpu.memory_space<vmem>>
    %dma_wait3A_259 = tpu.memref_squeeze %dma_wait3A_258 : memref<1x8x200x32xf32, #tpu.memory_space<vmem>> -> memref<8x200x32xf32, #tpu.memory_space<vmem>>
    %dma_wait3A_260 = arith.constant 0 : i32
    %dma_wait3A_261 = arith.constant 0 : i32
    %dma_wait3A_262 = tpu.memref_slice %arg4[%add3A_253, %dma_wait3A_260, %dma_wait3A_261] : memref<16384x200x32xf32, #tpu.memory_space<hbm>> -> memref<8x200x32xf32, #tpu.memory_space<hbm>>
    %dma_wait3A_263 = arith.constant 0 : i32
    %dma_wait3A_264 = arith.constant 0 : i32
    %dma_wait3A_265 = tpu.memref_slice %arg4[%add3A_253, %dma_wait3A_263, %dma_wait3A_264] : memref<16384x200x32xf32, #tpu.memory_space<hbm>> -> memref<8x200x32xf32, #tpu.memory_space<hbm>>
    %dma_wait3A_266 = arith.constant 0 : i32
    %dma_wait3A_267 = arith.constant 0 : i32
    %dma_wait3A_268 = arith.constant 0 : i32
    %dma_wait3A_269 = tpu.memref_slice %arg6[%dma_wait3A_254, %dma_wait3A_266, %dma_wait3A_267, %dma_wait3A_268] : memref<2x8x200x32xf32, #tpu.memory_space<vmem>> -> memref<1x8x200x32xf32, #tpu.memory_space<vmem>>
    %dma_wait3A_270 = tpu.memref_squeeze %dma_wait3A_269 : memref<1x8x200x32xf32, #tpu.memory_space<vmem>> -> memref<8x200x32xf32, #tpu.memory_space<vmem>>
    tpu.wait_dma2 semaphore(%arg8 : memref<!tpu.dma_semaphore, #tpu.memory_space<semaphore_mem>>) src(%dma_wait3A_270 : memref<8x200x32xf32, #tpu.memory_space<vmem>>) dst(%dma_wait3A_265 : memref<8x200x32xf32, #tpu.memory_space<hbm>>)
    return
  }
}

</mosaic_0001>

<sc_bundles>
// kernel: kernel.3.cloned.1.call-start
scs
__scs_entry_jumppad:
0x0: {  	(pc) =	sbr.rel $0x88, $3  }
0x1: {  	(tag) =	ssettag $0x0;
	lr =	simm.s32 $0x1  }
0x2: {  	[smem:$0x3F9F] =	sst lr;
	_ =	strace $0xD0000000  }
0x3: {  	_ = 	snop  }
0x4: {  	_ = 	snop  }
0x5: {  	_ = 	snop  }
0x6: {  	_ = 	snop  }
0x7: {  	_ = 	snop  }
__scs_overlays_trampoline_lowered:
0x8: {  	[smem:$0x3FAE] =	sst s0  }
0x9: {  	[smem:$0x3FAF] =	sst s1  }
0xa: {  	[smem:$0x3FB0] =	sst s2  }
0xb: {  	[smem:$0x3FB1] =	sst s3  }
0xc: {  	[smem:$0x3FB2] =	sst s4  }
0xd: {  	[smem:$0x3FB3] =	sst s5  }
0xe: {  	[smem:$0x3FB4] =	sst s6  }
0xf: {  	[smem:$0x3FB5] =	sst s7  }
0x10: {  	[smem:$0x3FB6] =	sst s8  }
0x11: {  	[smem:$0x3FB7] =	sst s9;
	s0 =	simm.s32 @!p0 $0x0  }
0x12: {  	s1 =	sld [smem:$0x3F9D];
	s0 =	simm.s32 @p0 $0x1  }
0x13: {  	[smem:$0x3FB8] =	sst s0;
	s0 =	simm.s32 @!p1 $0x0  }
0x14: {  	s2 =	sld [smem:$0x3F9C];
	s0 =	simm.s32 @p1 $0x1  }
0x15: {  	[smem:$0x3FB9] =	sst s0;
	s0 =	simm.s32 @!p2 $0x0  }
0x16: {  	s3 =	sld [smem:$0x3FDB];
	s0 =	simm.s32 @p2 $0x1  }
0x17: {  	s4 =	simm.s32 $0x1BF5;
	[smem:$0x3FBB] =	sst s0  }
0x18: {  	s0 =	sld [smem:$0x3F9E];
	_ =	swait.ge [sflag:s4], $0x0  }
0x19: {  	s7 =	sld [smem:$0x3F9F]  }
0x1a: {  	s8 =	sadd.s32 $0xFFFFE003, lr  }
0x1b: {  	s9 =	sadd.s32 $0xFFFFFEF7, lr;
	s5 =	simm.s32 $0xFFFFFFFF;
	p2 =	slt.u32 s8, $0xFFFFF086  }
0x1c: {  	p1 =	slt.u32 s9, $0xF7A;
	s5 =	simm.s32 @!p2 $0x0  }
0x1d: {  	s5 =	simm.s32 @p1 $0x1;
	p0 =	seq.s32 s7, s2  }
0x1e: {  	s7 =	smul.u32 @!p0 $0xF7A, s2;
	p2 =	seq.s32 @!p0 s5, $0x0  }
0x1f: {  	s9 =	smul.u32 $0xF7A, s1;
	s8 =	simm.s32 @!p0 $0x1BF5;
	p2 =	por !p2, p0  }
0x20: {  	[sflag:s8] =	ssyncset.s32 @!p0 $0xFFFFF086;
	s6 =	sadd.s32 @!p0 s3, s7;
	s7 =	simm.s32 @!p0 $0x108  }
0x21: {  	s3 =	sadd.s32 s3, s9;
	s6 =	sadd.s32 @!p0 $0x88, s6;
	s7 =	simm.s32 @p2 $0x1082  }
0x22: {  	[simem:s7], [sflag:s8] =	dma.local @!p0 [hbm:s6], $0xF7A  }
0x23: {  	s9 =	sor.u32 $0xD0000000, s2;
	s6 =	simm.s32 $0x108;
	_ =	swait.ge @!p0 [sflag:s8], $0x0  }
0x24: {  	s3 =	sadd.s32 $0x88, s3;
	s6 =	simm.s32 @!p1 $0x1082;
	[sflag:s4] =	ssyncset.s32 $0xFFFFF086  }
0x25: {  	[simem:s6], [sflag:s4] =	dma.local [hbm:s3], $0xF7A  }
0x26: {  	[smem:$0x3F9F] =	sst s1;
	(tag) =	ssettag s2;
	_ =	strace s9  }
0x27: {  	s1 =	sld [smem:$0x3FAF]  }
0x28: {  	s2 =	sld [smem:$0x3FB0]  }
0x29: {  	s4 =	sld [smem:$0x3FB2]  }
0x2a: {  	p0 =	seq.s32 s5, $0x0;
	s5 =	sld [smem:$0x3FB3]  }
0x2b: {  	s6 =	sld [smem:$0x3FB4]  }
0x2c: {  	s7 =	sld [smem:$0x3FB5]  }
0x2d: {  	s3 =	simm.s32 $0x108;
	s8 =	sld [smem:$0x3FB6]  }
0x2e: {  	s3 =	simm.s32 @!p0 $0x1082;
	s9 =	sld [smem:$0x3FB7]  }
0x2f: {  	lr =	sadd.s32 s0, s3;
	s0 =	sld [smem:$0x3FAE]  }
0x30: {  	s3 =	sld [smem:$0x3FB1]  }
0x31: {  	[smem:$0x3FBA] =	sst s10  }
0x32: {  	s10 =	sld [smem:$0x3FB8];
	_ =	sdelay $0x3  }
0x33: {  	p0 =	seq.s32 s10, $0x1;
	s10 =	sld [smem:$0x3FBA];
	_ =	sdelay $0x3  }
0x34: {  	[smem:$0x3FBA] =	sst s10  }
0x35: {  	s10 =	sld [smem:$0x3FB9];
	_ =	sdelay $0x3  }
0x36: {  	p1 =	seq.s32 s10, $0x1;
	s10 =	sld [smem:$0x3FBA];
	_ =	sdelay $0x3  }
0x37: {  	[smem:$0x3FBA] =	sst s10  }
0x38: {  	s10 =	sld [smem:$0x3FBB]  }
0x39: {  	_ = 	snop;
	(pc) =	sbr.ind lr, $3  }
0x3a: {  	_ = 	snop  }
0x3b: {  	_ = 	snop  }
0x3c: {  	p2 =	seq.s32 s10, $0x1;
	s10 =	sld [smem:$0x3FBA]  }
0x3d: {  	_ =	shalt  }
0x3e: {  	_ =	shalt  }
0x3f: {  	_ =	shalt  }
0x40: {  	_ =	shalt  }
0x41: {  	_ =	shalt  }
0x42: {  	_ =	shalt  }
0x43: {  	_ =	shalt  }
0x44: {  	_ =	shalt  }
0x45: {  	_ =	shalt  }
0x46: {  	_ =	shalt  }
0x47: {  	_ =	shalt  }
0x48: {  	_ =	shalt  }
0x49: {  	_ =	shalt  }
0x4a: {  	_ =	shalt  }
0x4b: {  	_ =	shalt  }
0x4c: {  	_ =	shalt  }
0x4d: {  	_ =	shalt  }
0x4e: {  	_ =	shalt  }
0x4f: {  	_ =	shalt  }
0x50: {  	_ =	shalt  }
0x51: {  	_ =	shalt  }
0x52: {  	_ =	shalt  }
0x53: {  	_ =	shalt  }
0x54: {  	_ =	shalt  }
0x55: {  	_ =	shalt  }
0x56: {  	_ =	shalt  }
0x57: {  	_ =	shalt  }
0x58: {  	_ =	shalt  }
0x59: {  	_ =	shalt  }
0x5a: {  	_ =	shalt  }
0x5b: {  	_ =	shalt  }
0x5c: {  	_ =	shalt  }
0x5d: {  	_ =	shalt  }
0x5e: {  	_ =	shalt  }
0x5f: {  	_ =	shalt  }
0x60: {  	_ =	shalt  }
0x61: {  	_ =	shalt  }
0x62: {  	_ =	shalt  }
0x63: {  	_ =	shalt  }
0x64: {  	_ =	shalt  }
0x65: {  	_ =	shalt  }
0x66: {  	_ =	shalt  }
0x67: {  	_ =	shalt  }
0x68: {  	_ =	shalt  }
0x69: {  	_ =	shalt  }
0x6a: {  	_ =	shalt  }
0x6b: {  	_ =	shalt  }
0x6c: {  	_ =	shalt  }
0x6d: {  	_ =	shalt  }
0x6e: {  	_ =	shalt  }
0x6f: {  	_ =	shalt  }
0x70: {  	_ =	shalt  }
0x71: {  	_ =	shalt  }
0x72: {  	_ =	shalt  }
0x73: {  	_ =	shalt  }
0x74: {  	_ =	shalt  }
0x75: {  	_ =	shalt  }
0x76: {  	_ =	shalt  }
0x77: {  	_ =	shalt  }
0x78: {  	_ =	shalt  }
0x79: {  	_ =	shalt  }
0x7a: {  	_ =	shalt  }
0x7b: {  	_ =	shalt  }
0x7c: {  	_ =	shalt  }
0x7d: {  	_ =	shalt  }
0x7e: {  	_ =	shalt  }
0x7f: {  	_ =	shalt  }
0x80: {  	_ =	shalt  }
0x81: {  	_ =	shalt  }
0x82: {  	_ =	shalt  }
0x83: {  	_ =	shalt  }
0x84: {  	_ =	shalt  }
0x85: {  	_ =	shalt  }
0x86: {  	_ =	shalt  }
0x87: {  	_ =	shalt  }
.Lfunc_end0:
.L_simem_size_0:
called_computation.1_lowered:
.L_overlay_start_0:
0x88: {  	s2 =	sld [smem:$0x3FD9]  }
0x89: {  	s3 =	sld [smem:$0x3FFE];
	_ =	sdelay $0x1  }
0x8a: {  	s1 =	srdreg.scid  }
0x8b: {  	s0 =	sand.u32 $0x1, s1  }
0x8c: {  	s17 =	sshll.u32 s0, $0xA;
	s2 =	sadd.s32 s3, s2  }
0x8d: {  	s2 =	sadd.s32 s2, s17  }
0x8e: {  	[smem:$0x3FC6] =	sst s2  }
0x8f: {  	_ = 	snop  }
0x90: {  	s2 =	sld [smem:$0x3FD0];
	(tm) =	ssettm $0x1  }
0x91: {  	s18 =	sld [smem:$0x3FFB];
	_ =	sdelay $0x3  }
0x92: {  	_ =	strace s18  }
0x93: {  	s3 =	sld [smem:$0x3FFC];
	_ =	sdelay $0x3  }
0x94: {  	_ =	strace s3  }
0x95: {  	s3 =	sld [smem:$0x3FFD];
	_ =	sdelay $0x3  }
0x96: {  	_ =	strace s3  }
0x97: {  	_ =	strace $0x8FFFFFFF  }
0x98: {  	s19 =	sld [smem:$0x3FDB];
	_ =	sdelay $0x1  }
0x99: {  	s4 =	simm.s32 $_scs_section_size  }
0x9a: {  	s5 =	simm.s32 $_size__tile_overlayer_lowered;
	s6 =	simm.s32 $_tile_overlayer_lowered  }
0x9b: {  	s22 =	simm.s32 $0x1BFF;
	s21 =	sshll.u32 s6, $0x1;
	s3 =	sadd.s32 s4, s19  }
0x9c: {  	s7 =	simm.s32 $0x0;
	s20 =	sshll.u32 s5, $0x1;
	s5 =	sadd.s32 s21, s3  }
0x9d: {  	[timem:s7], [sflag:s22] =	dma.local [hbm:s5], s20  }
0x9e: {  	_ =	swait.ge [sflag:s22], s20  }
0x9f: {  	s4 =	ssub.s32 $0x0, s20;
	[sflag:s22] =	ssyncset.done $0x0  }
0xa0: {  	[sflag:s22] =	ssyncadd.s32 s4;
	_ =	sdelay $0x1  }
0xa1: {  	s23 =	simm.s32 $0x1B8B  }
0xa2: {  	_ =	swait.ge [sflag:s23], $0x1  }
0xa3: {  	[sflag:s23] =	ssyncset.done $0x0  }
0xa4: {  	s25 =	simm.s32 $0x1B8E;
	s24 =	sld [smem:$0x3FFE];
	[sflag:s23] =	ssyncadd.s32 $0xFFFFFFFF  }
0xa5: {  	s26 =	simm.s32 $execute0_lowered;
	[smem:$0x3FD2] =	sst s25  }
0xa6: {  	s5 =	sshll.u32 s26, $0x1;
	_ =	strace $0x80000046;
	[dreg:$0x1] =	wrdreg $0xFFFFFFFF  }
0xa7: {  	s28 =	simm.s32 $_size_execute0_lowered;
	s3 =	sadd.s32 s3, s5;
	[dreg:$0x0] =	wrdreg $0x0  }
0xa8: {  	s5 =	sshll.u32 s28, $0x1;
	[dreg:$0x2] =	wrdreg s3  }
0xa9: {  	[dreg:$0x3] =	wrdreg s5  }
0xaa: {  	[dreg:$0x4] =	wrdreg $0xC0  }
0xab: {  	_ =	task [dreg:s7], $0x5FFFF  }
0xac: {  	[dreg:$0x1] =	wrdreg $0xFFFFFFFF  }
0xad: {  	[dreg:$0x0] =	wrdreg $0x60  }
0xae: {  	[dreg:$0x2] =	wrdreg s24  }
0xaf: {  	[dreg:$0x3] =	wrdreg s2  }
0xb0: {  	[dreg:$0x4] =	wrdreg $0x9  }
0xb1: {  	_ =	task.clear_ibuf [dreg:s7], $0x5FFFF;
	_ =	strace $0x90000046  }
0xb2: {  	s29 =	simm.s32 $0x9;
	_ =	strace $0x80000048  }
0xb3: {  	_ =	swait.ge [sflag:s29], $0x1  }
0xb4: {  	[sflag:s29] =	ssyncadd.s32 $0xFFFFFFFF  }
0xb5: {  	_ =	strace $0x90000048  }
0xb6: {  	_ =	sfence  }
0xb7: {  	s30 =	sld [smem:$0x0];
	_ =	sdelay $0x2  }
0xb8: {  	s31 =	sshll.u32 s1, $0xD;
	s1 =	sshrl.u32 s1, $0x2  }
0xb9: {  	s3 =	sand.u32 $0x4000, s31;
	s1 =	sadd.s32 s1, s30  }
0xba: {  	s0 =	sor.u32 s3, s0;
	s1 =	sshll.u32 s1, $0x11  }
0xbb: {  	s0 =	sor.u32 s1, s0  }
0xbc: {  	s0 =	sadd.s32 $0x8F2B, s0  }
0xbd: {  	[sflag:s0] =	ssyncadd.remote.s32 $0x1  }
0xbe: {  	_ =	sfence.sel $0xFFFF  }
0xbf: {  	[dreg:$0x0] =	wrdreg $0xFFFFFFFF;
	(pc) =	sbr.abs _section_cstart, $3  }
0xc0: {  	[dreg:$0x1] =	wrdreg $0xFFFFFFFF  }
0xc1: {  	_ =	task.clear_ibuf [dreg:s7], $0x2FFFF;
	_ =	strace $0x9FFFFFFF  }
0xc2: {  	(tm) =	ssettm $0x7FFFFFFF  }
0xc3: {  	_ =	shalt  }
tec
execute0_lowered:
.L_overlay_start_1:
0x0: {  	(tag) =	ssettag $0x1  }
0x1: {  	s0 =	rddreg [dreg:$0x0]  }
0x2: {  	s1 =	srdreg.scid;
	s2 =	rddreg [dreg:$0x1]  }
0x3: {  	s3 =	stileid.u32;
	s9 =	simm.s32 $0x3;
	s10 =	simm.s32 $0x80  }
0x4: {  	s11 =	simm.s32 $0xC80;
	s12 =	simm.s32 $0x48;
	s31 =	simm.s32 $0x3E8  }
0x5: {  	s13 =	simm.s32 $0x9980;
	s14 =	simm.s32 $0x4B0;
	s15 =	simm.s32 $0xA280  }
0x6: {  	s16 =	simm.s32 $0x530;
	s17 =	simm.s32 $0xB280;
	s18 =	simm.s32 $0x578  }
0x7: {  	s19 =	simm.s32 $0xBB80;
	s20 =	simm.s32 $0x5F8;
	s21 =	simm.s32 $0xCB80  }
0x8: {  	s22 =	simm.s32 $0x1;
	s23 =	simm.s32 $0x2;
	s24 =	simm.s32 $0x0  }
0x9: {  	s1 =	sand.u32 $0x1, s1;
	s4 =	sshll.u32 s3, $0xA;
	s3 =	simm.s32 $0x0  }
.Ltmp0:
0xa: {  	s5 =	sshll.u32 s1, $0x9;
	s1 =	ssub.s32 $0x2, s1;
	(pc) =	sbr.rel .LBB2_1-.Ltmp0, $4  }
0xb: {  	[smem:$0x7FF] =	sst s3;
	s4 =	sor.u32 s5, s4;
	s6 =	sshrl.u32 s1, $0x1  }
0xc: {  	_ =	strace $0x80000047;
	s5 =	sadd.s32 $0x800, s0;
	s7 =	smul.u32 $0x19, s4  }
0xd: {  	v0 =	vlaneseq.u32;
	s1 =	ssub.s32 s1, s6;
	s6 =	sadd.s32 $0xFA6C00, s0;
	s0 =	simm.s32 $0x8980  }
0xe: {  	v1 =	vimm.f32 $0.0e+00;
	v0 =	vmul.u32 $0x20, v0;
	s8 =	smax.u32 s1, $0x1;
	s1 =	simm.s32 $0x468;
	s7 =	sadd.s32 s5, s7  }
.LBB2_9:
0xf: {  	s24 =	sadd.s32 $0x1, s24  }
0x10: {  	_ =	swait.ge [sflag:s23], $0xC800;
	p0 =	sne.s32 s24, s8  }
.Ltmp1:
0x11: {  	[sflag:s23] =	ssyncset.done $0x0;
	(pc) =	sbr.rel @!p0 .LBB2_10-.Ltmp1, $4  }
0x12: {  	[sflag:s23] =	ssyncadd.s32 $0xFFFF3800  }
0x13: {  	_ =	swait.ge [sflag:s23], $0xC800  }
0x14: {  	[sflag:s23] =	ssyncset.done $0x0  }
0x15: {  	[sflag:s23] =	ssyncadd.s32 $0xFFFF3800  }
.LBB2_1:
0x16: {  	[tilespmem:s3], [sflag:$0x3] =	stream.linear.gather [hbm4b:s7+s3], $0x640, $0x38;
	[tilespmem:$0x19C80] =	vst v63  }
0x17: {  	_ =	swait.ge [sflag:s9], $0x640  }
0x18: {  	[sflag:s9] =	ssyncset.done $0x0  }
0x19: {  	[sflag:s9] =	ssyncadd.s32 $0xFFFFF9C0  }
0x1a: {  	[tilespmem:s11], [sflag:$0x1] =	stream.indirect.gather [hbm4b:s6+s10], $0x20, s3, s10, $0xb8;
	[tilespmem:$0x19C80] =	vst v63  }
0x1b: {  	s25 =	simm.s32 $0x1C80  }
0x1c: {  	[tilespmem:s25], [sflag:$0x1] =	stream.indirect.gather [hbm4b:s6+s12], $0x20, s10, s12, $0xb8;
	[tilespmem:$0x19C80] =	vst v63  }
0x1d: {  	s28 =	simm.s32 $0xC8;
	s26 =	simm.s32 $0x2580  }
0x1e: {  	[tilespmem:s26], [sflag:$0x1] =	stream.indirect.gather [hbm4b:s6+s10], $0x20, s28, s10, $0xb8;
	[tilespmem:$0x19C80] =	vst v63  }
0x1f: {  	s29 =	simm.s32 $0x148;
	s30 =	simm.s32 $0x3580  }
0x20: {  	[tilespmem:s30], [sflag:$0x1] =	stream.indirect.gather [hbm4b:s6+s12], $0x20, s29, s12, $0xb8;
	[tilespmem:$0x19C80] =	vst v63  }
0x21: {  	s26 =	simm.s32 $0x190;
	s28 =	simm.s32 $0x3E80  }
0x22: {  	[tilespmem:s28], [sflag:$0x1] =	stream.indirect.gather [hbm4b:s6+s10], $0x20, s26, s10, $0xb8;
	[tilespmem:$0x19C80] =	vst v63  }
0x23: {  	s29 =	simm.s32 $0x210;
	s30 =	simm.s32 $0x4E80  }
0x24: {  	[tilespmem:s30], [sflag:$0x1] =	stream.indirect.gather [hbm4b:s6+s12], $0x20, s29, s12, $0xb8;
	[tilespmem:$0x19C80] =	vst v63  }
0x25: {  	s26 =	simm.s32 $0x258;
	s28 =	simm.s32 $0x5780  }
0x26: {  	[tilespmem:s28], [sflag:$0x1] =	stream.indirect.gather [hbm4b:s6+s10], $0x20, s26, s10, $0xb8;
	[tilespmem:$0x19C80] =	vst v63  }
0x27: {  	s29 =	simm.s32 $0x2D8;
	s30 =	simm.s32 $0x6780  }
0x28: {  	[tilespmem:s30], [sflag:$0x1] =	stream.indirect.gather [hbm4b:s6+s12], $0x20, s29, s12, $0xb8;
	[tilespmem:$0x19C80] =	vst v63  }
0x29: {  	s26 =	simm.s32 $0x320;
	s28 =	simm.s32 $0x7080  }
0x2a: {  	[tilespmem:s28], [sflag:$0x1] =	stream.indirect.gather [hbm4b:s6+s10], $0x20, s26, s10, $0xb8;
	[tilespmem:$0x19C80] =	vst v63  }
0x2b: {  	s29 =	simm.s32 $0x3A0;
	s30 =	simm.s32 $0x8080  }
0x2c: {  	[tilespmem:s30], [sflag:$0x1] =	stream.indirect.gather [hbm4b:s6+s12], $0x20, s29, s12, $0xb8;
	[tilespmem:$0x19C80] =	vst v63  }
0x2d: {  	_ = 	snop  }
0x2e: {  	[tilespmem:s0], [sflag:$0x1] =	stream.indirect.gather [hbm4b:s6+s10], $0x20, s31, s10, $0xb8;
	[tilespmem:$0x19C80] =	vst v63  }
0x2f: {  	_ = 	snop  }
0x30: {  	[tilespmem:s13], [sflag:$0x1] =	stream.indirect.gather [hbm4b:s6+s12], $0x20, s1, s12, $0xb8;
	[tilespmem:$0x19C80] =	vst v63  }
0x31: {  	_ = 	snop  }
0x32: {  	[tilespmem:s15], [sflag:$0x1] =	stream.indirect.gather [hbm4b:s6+s10], $0x20, s14, s10, $0xb8;
	[tilespmem:$0x19C80] =	vst v63  }
0x33: {  	_ = 	snop  }
0x34: {  	[tilespmem:s17], [sflag:$0x1] =	stream.indirect.gather [hbm4b:s6+s12], $0x20, s16, s12, $0xb8;
	[tilespmem:$0x19C80] =	vst v63  }
.Ltmp2:
0x35: {  	_ = 	snop;
	(pc) =	sbr.rel .LBB2_2-.Ltmp2, $4  }
0x36: {  	_ = 	snop  }
0x37: {  	[tilespmem:s19], [sflag:$0x1] =	stream.indirect.gather [hbm4b:s6+s10], $0x20, s18, s10, $0xb8;
	[tilespmem:$0x19C80] =	vst v63  }
0x38: {  	p0 =	por $0x0, $0x0;
	s25 =	simm.s32 $0x0  }
0x39: {  	[tilespmem:s21], [sflag:$0x1] =	stream.indirect.gather [hbm4b:s6+s12], $0x20, s20, s12, $0xb8;
	[tilespmem:$0x19C80] =	vst v63  }
.LBB2_8:
0x3a: {  	s25 =	sadd.s32 $0x1, s25  }
0x3b: {  	s26 =	sand.u32 $0x1, s25;
	s28 =	sshll.u32 s25, $0x3  }
0x3c: {  	s28 =	sadd.s32 s4, s28;
	s29 =	smul.u32 $0x1900, s26  }
0x3d: {  	s28 =	smul.u32 $0x19, s28;
	_ =	sdelay $0x1  }
0x3e: {  	s26 =	smul.u32 $0x32000, s26;
	s29 =	sshrl.u32 s29, $0x2;
	s28 =	sadd.s32 s5, s28  }
0x3f: {  	[tilespmem:s29], [sflag:$0x3] =	stream.linear.gather [hbm4b:s28+s3], $0x640, $0x38;
	[tilespmem:$0x19C80] =	vst v63  }
0x40: {  	_ =	swait.ge [sflag:s9], $0x640  }
0x41: {  	s26 =	sshrl.u32 s26, $0x2;
	[sflag:s9] =	ssyncset.done $0x0  }
0x42: {  	s30 =	sadd.s32 $0xC80, s26;
	[sflag:s9] =	ssyncadd.s32 $0xFFFFF9C0  }
0x43: {  	[tilespmem:s30], [sflag:$0x1] =	stream.indirect.gather [hbm4b:s6+s10], $0x20, s29, s10, $0xb8;
	[tilespmem:$0x19C80] =	vst v63  }
0x44: {  	s28 =	sadd.s32 $0x1C80, s26;
	s30 =	sadd.s32 $0x80, s29  }
0x45: {  	[tilespmem:s28], [sflag:$0x1] =	stream.indirect.gather [hbm4b:s6+s12], $0x20, s30, s12, $0xb8;
	[tilespmem:$0x19C80] =	vst v63  }
0x46: {  	s28 =	sadd.s32 $0x2580, s26;
	s30 =	sadd.s32 $0xC8, s29  }
0x47: {  	[tilespmem:s28], [sflag:$0x1] =	stream.indirect.gather [hbm4b:s6+s10], $0x20, s30, s10, $0xb8;
	[tilespmem:$0x19C80] =	vst v63  }
0x48: {  	s28 =	sadd.s32 $0x3580, s26;
	s30 =	sadd.s32 $0x148, s29  }
0x49: {  	[tilespmem:s28], [sflag:$0x1] =	stream.indirect.gather [hbm4b:s6+s12], $0x20, s30, s12, $0xb8;
	[tilespmem:$0x19C80] =	vst v63  }
0x4a: {  	s28 =	sadd.s32 $0x3E80, s26;
	s30 =	sadd.s32 $0x190, s29  }
0x4b: {  	[tilespmem:s28], [sflag:$0x1] =	stream.indirect.gather [hbm4b:s6+s10], $0x20, s30, s10, $0xb8;
	[tilespmem:$0x19C80] =	vst v63  }
0x4c: {  	s28 =	sadd.s32 $0x4E80, s26;
	s30 =	sadd.s32 $0x210, s29  }
0x4d: {  	[tilespmem:s28], [sflag:$0x1] =	stream.indirect.gather [hbm4b:s6+s12], $0x20, s30, s12, $0xb8;
	[tilespmem:$0x19C80] =	vst v63  }
0x4e: {  	s28 =	sadd.s32 $0x5780, s26;
	s30 =	sadd.s32 $0x258, s29  }
0x4f: {  	[tilespmem:s28], [sflag:$0x1] =	stream.indirect.gather [hbm4b:s6+s10], $0x20, s30, s10, $0xb8;
	[tilespmem:$0x19C80] =	vst v63  }
0x50: {  	s28 =	sadd.s32 $0x6780, s26;
	s30 =	sadd.s32 $0x2D8, s29  }
0x51: {  	[tilespmem:s28], [sflag:$0x1] =	stream.indirect.gather [hbm4b:s6+s12], $0x20, s30, s12, $0xb8;
	[tilespmem:$0x19C80] =	vst v63  }
0x52: {  	s28 =	sadd.s32 $0x7080, s26;
	s30 =	sadd.s32 $0x320, s29  }
0x53: {  	[tilespmem:s28], [sflag:$0x1] =	stream.indirect.gather [hbm4b:s6+s10], $0x20, s30, s10, $0xb8;
	[tilespmem:$0x19C80] =	vst v63  }
0x54: {  	s28 =	sadd.s32 $0x8080, s26;
	s30 =	sadd.s32 $0x3A0, s29  }
0x55: {  	[tilespmem:s28], [sflag:$0x1] =	stream.indirect.gather [hbm4b:s6+s12], $0x20, s30, s12, $0xb8;
	[tilespmem:$0x19C80] =	vst v63  }
0x56: {  	s28 =	sadd.s32 $0x8980, s26;
	s30 =	sadd.s32 $0x3E8, s29  }
0x57: {  	[tilespmem:s28], [sflag:$0x1] =	stream.indirect.gather [hbm4b:s6+s10], $0x20, s30, s10, $0xb8;
	[tilespmem:$0x19C80] =	vst v63  }
0x58: {  	s28 =	sadd.s32 $0x9980, s26;
	s30 =	sadd.s32 $0x468, s29  }
0x59: {  	[tilespmem:s28], [sflag:$0x1] =	stream.indirect.gather [hbm4b:s6+s12], $0x20, s30, s12, $0xb8;
	[tilespmem:$0x19C80] =	vst v63  }
0x5a: {  	s28 =	sadd.s32 $0xA280, s26;
	s30 =	sadd.s32 $0x4B0, s29  }
0x5b: {  	[tilespmem:s28], [sflag:$0x1] =	stream.indirect.gather [hbm4b:s6+s10], $0x20, s30, s10, $0xb8;
	[tilespmem:$0x19C80] =	vst v63  }
0x5c: {  	p1 =	sne.s32 s25, $0x40;
	s28 =	sadd.s32 $0xB280, s26;
	s30 =	sadd.s32 $0x530, s29  }
0x5d: {  	[tilespmem:s28], [sflag:$0x1] =	stream.indirect.gather [hbm4b:s6+s12], $0x20, s30, s12, $0xb8;
	[tilespmem:$0x19C80] =	vst v63  }
.Ltmp3:
0x5e: {  	_ = 	snop;
	(pc) =	sbr.rel @!p1 .LBB2_9-.Ltmp3, $4  }
0x5f: {  	s28 =	sadd.s32 $0xBB80, s26;
	s30 =	sadd.s32 $0x578, s29  }
0x60: {  	[tilespmem:s28], [sflag:$0x1] =	stream.indirect.gather [hbm4b:s6+s10], $0x20, s30, s10, $0xb8;
	[tilespmem:$0x19C80] =	vst v63  }
0x61: {  	p0 =	por !p0, !p0;
	s26 =	sadd.s32 $0xCB80, s26;
	s30 =	sadd.s32 $0x5F8, s29  }
0x62: {  	[tilespmem:s26], [sflag:$0x1] =	stream.indirect.gather [hbm4b:s6+s12], $0x20, s30, s12, $0xb8;
	[tilespmem:$0x19C80] =	vst v63  }
.LBB2_2:
0x63: {  	_ =	swait.ge [sflag:s22], $0x1000  }
0x64: {  	[sflag:s22] =	ssyncset.done $0x0  }
0x65: {  	[sflag:s22] =	ssyncadd.s32 $0xFFFFF000  }
0x66: {  	_ =	swait.ge [sflag:s22], $0x900  }
0x67: {  	[sflag:s22] =	ssyncset.done $0x0  }
0x68: {  	[sflag:s22] =	ssyncadd.s32 $0xFFFFF700  }
0x69: {  	_ =	swait.ge [sflag:s22], $0x1000  }
0x6a: {  	[sflag:s22] =	ssyncset.done $0x0  }
0x6b: {  	[sflag:s22] =	ssyncadd.s32 $0xFFFFF000  }
0x6c: {  	_ =	swait.ge [sflag:s22], $0x900  }
0x6d: {  	[sflag:s22] =	ssyncset.done $0x0  }
0x6e: {  	[sflag:s22] =	ssyncadd.s32 $0xFFFFF700  }
0x6f: {  	_ =	swait.ge [sflag:s22], $0x1000  }
0x70: {  	[sflag:s22] =	ssyncset.done $0x0  }
0x71: {  	[sflag:s22] =	ssyncadd.s32 $0xFFFFF000  }
0x72: {  	_ =	swait.ge [sflag:s22], $0x900  }
0x73: {  	[sflag:s22] =	ssyncset.done $0x0  }
0x74: {  	[sflag:s22] =	ssyncadd.s32 $0xFFFFF700  }
0x75: {  	_ =	swait.ge [sflag:s22], $0x1000  }
0x76: {  	[sflag:s22] =	ssyncset.done $0x0  }
0x77: {  	[sflag:s22] =	ssyncadd.s32 $0xFFFFF000  }
0x78: {  	_ =	swait.ge [sflag:s22], $0x900  }
0x79: {  	[sflag:s22] =	ssyncset.done $0x0  }
0x7a: {  	[sflag:s22] =	ssyncadd.s32 $0xFFFFF700  }
0x7b: {  	_ =	swait.ge [sflag:s22], $0x1000  }
0x7c: {  	[sflag:s22] =	ssyncset.done $0x0  }
0x7d: {  	[sflag:s22] =	ssyncadd.s32 $0xFFFFF000  }
0x7e: {  	_ =	swait.ge [sflag:s22], $0x900  }
0x7f: {  	[sflag:s22] =	ssyncset.done $0x0  }
0x80: {  	[sflag:s22] =	ssyncadd.s32 $0xFFFFF700  }
0x81: {  	_ =	swait.ge [sflag:s22], $0x1000  }
0x82: {  	[sflag:s22] =	ssyncset.done $0x0  }
0x83: {  	[sflag:s22] =	ssyncadd.s32 $0xFFFFF000  }
0x84: {  	_ =	swait.ge [sflag:s22], $0x900  }
0x85: {  	[sflag:s22] =	ssyncset.done $0x0  }
0x86: {  	[sflag:s22] =	ssyncadd.s32 $0xFFFFF700  }
0x87: {  	_ =	swait.ge [sflag:s22], $0x1000  }
0x88: {  	[sflag:s22] =	ssyncset.done $0x0  }
0x89: {  	[sflag:s22] =	ssyncadd.s32 $0xFFFFF000  }
0x8a: {  	_ =	swait.ge [sflag:s22], $0x900  }
0x8b: {  	[sflag:s22] =	ssyncset.done $0x0  }
0x8c: {  	[sflag:s22] =	ssyncadd.s32 $0xFFFFF700  }
0x8d: {  	_ =	swait.ge [sflag:s22], $0x1000  }
0x8e: {  	[sflag:s22] =	ssyncset.done $0x0  }
0x8f: {  	s26 =	sand.u32 $0x1, s25;
	[sflag:s22] =	ssyncadd.s32 $0xFFFFF000  }
0x90: {  	s28 =	smul.u32 $0x1900, s26;
	_ =	swait.ge [sflag:s22], $0x900  }
0x91: {  	[sflag:s22] =	ssyncset.done $0x0  }
0x92: {  	s28 =	sshrl.u32 s28, $0x2;
	[sflag:s22] =	ssyncadd.s32 $0xFFFFF700  }
0x93: {  	v2 =	vld [tilespmem:s28+$0x0]  }
0x94: {  	v3 =	vld [tilespmem:s28+$0x10];
	_ =	sdelay $0x1  }
0x95: {  	v4 =	vld [tilespmem:s28+$0x20];
	_ =	sdelay $0x1  }
0x96: {  	v5 =	vld [tilespmem:s28+$0x30]  }
0x97: {  	vm0 =	vlt.s32 v2, v3  }
0x98: {  	v2 =	vsel vm0, v2, v3;
	v3 =	vld [tilespmem:s28+$0x40]  }
0x99: {  	vm0 =	vlt.s32 v2, v4  }
0x9a: {  	v54 =	vld [tilespmem:s28+$0x50];
	v2 =	vsel vm0, v2, v4  }
0x9b: {  	vm0 =	vlt.s32 v2, v5  }
0x9c: {  	v55 =	vld [tilespmem:s28+$0x60];
	v2 =	vsel vm0, v2, v5  }
0x9d: {  	vm0 =	vlt.s32 v2, v3  }
0x9e: {  	v2 =	vsel vm0, v2, v3;
	v3 =	vld [tilespmem:s28+$0x70]  }
0x9f: {  	vm0 =	vlt.s32 v2, v54  }
0xa0: {  	v56 =	vld [tilespmem:s28+$0x80];
	v2 =	vsel vm0, v2, v54  }
0xa1: {  	vm0 =	vlt.s32 v2, v55  }
0xa2: {  	v57 =	vld [tilespmem:s28+$0x90];
	v2 =	vsel vm0, v2, v55  }
0xa3: {  	vm0 =	vlt.s32 v2, v3  }
0xa4: {  	v2 =	vsel vm0, v2, v3;
	v3 =	vld [tilespmem:s28+$0xA0]  }
0xa5: {  	vm0 =	vlt.s32 v2, v56  }
0xa6: {  	v58 =	vld [tilespmem:s28+$0xB0];
	v2 =	vsel vm0, v2, v56  }
0xa7: {  	vm0 =	vlt.s32 v2, v57  }
0xa8: {  	v59 =	vld [tilespmem:s28+$0xB8];
	v2 =	vsel vm0, v2, v57  }
0xa9: {  	vm0 =	vlt.s32 v2, v3  }
0xaa: {  	v2 =	vsel vm0, v2, v3;
	v3 =	vld [tilespmem:s28+$0xC8]  }
0xab: {  	vm0 =	vlt.s32 v2, v58  }
0xac: {  	v60 =	vld [tilespmem:s28+$0xD8];
	v2 =	vsel vm0, v2, v58  }
0xad: {  	vm0 =	vlt.s32 v2, v59  }
0xae: {  	v61 =	vld [tilespmem:s28+$0xE8];
	v2 =	vsel vm0, v2, v59  }
0xaf: {  	vm0 =	vlt.s32 v2, v3  }
0xb0: {  	v2 =	vsel vm0, v2, v3;
	v3 =	vld [tilespmem:s28+$0xF8]  }
0xb1: {  	vm0 =	vlt.s32 v2, v60  }
0xb2: {  	v62 =	vld [tilespmem:s28+$0x108];
	v2 =	vsel vm0, v2, v60  }
0xb3: {  	vm0 =	vlt.s32 v2, v61  }
0xb4: {  	v63 =	vld [tilespmem:s28+$0x118];
	v2 =	vsel vm0, v2, v61  }
0xb5: {  	vm0 =	vlt.s32 v2, v3  }
0xb6: {  	v2 =	vsel vm0, v2, v3;
	v3 =	vld [tilespmem:s28+$0x128]  }
0xb7: {  	vm0 =	vlt.s32 v2, v62  }
0xb8: {  	v8 =	vld [tilespmem:s28+$0x138];
	v2 =	vsel vm0, v2, v62  }
0xb9: {  	vm0 =	vlt.s32 v2, v63  }
0xba: {  	v9 =	vld [tilespmem:s28+$0x148];
	v2 =	vsel vm0, v2, v63  }
0xbb: {  	vm0 =	vlt.s32 v2, v3  }
0xbc: {  	v2 =	vsel vm0, v2, v3;
	v3 =	vld [tilespmem:s28+$0x158]  }
0xbd: {  	vm0 =	vlt.s32 v2, v8  }
0xbe: {  	v10 =	vld [tilespmem:s28+$0x168];
	v2 =	vsel vm0, v2, v8  }
0xbf: {  	vm0 =	vlt.s32 v2, v9  }
0xc0: {  	v11 =	vld [tilespmem:s28+$0x178];
	v2 =	vsel vm0, v2, v9  }
0xc1: {  	vm0 =	vlt.s32 v2, v3  }
0xc2: {  	v2 =	vsel vm0, v2, v3;
	v3 =	vld [tilespmem:s28+$0x180]  }
0xc3: {  	vm0 =	vlt.s32 v2, v10  }
0xc4: {  	v12 =	vld [tilespmem:s28+$0x190];
	v2 =	vsel vm0, v2, v10  }
0xc5: {  	vm0 =	vlt.s32 v2, v11  }
0xc6: {  	v13 =	vld [tilespmem:s28+$0x1A0];
	v2 =	vsel vm0, v2, v11  }
0xc7: {  	vm0 =	vlt.s32 v2, v3  }
0xc8: {  	v2 =	vsel vm0, v2, v3;
	v3 =	vld [tilespmem:s28+$0x1B0]  }
0xc9: {  	vm0 =	vlt.s32 v2, v12  }
0xca: {  	v14 =	vld [tilespmem:s28+$0x1C0];
	v2 =	vsel vm0, v2, v12  }
0xcb: {  	vm0 =	vlt.s32 v2, v13  }
0xcc: {  	v15 =	vld [tilespmem:s28+$0x1D0];
	v2 =	vsel vm0, v2, v13  }
0xcd: {  	vm0 =	vlt.s32 v2, v3  }
0xce: {  	v2 =	vsel vm0, v2, v3;
	v3 =	vld [tilespmem:s28+$0x1E0]  }
0xcf: {  	vm0 =	vlt.s32 v2, v14  }
0xd0: {  	v16 =	vld [tilespmem:s28+$0x1F0];
	v2 =	vsel vm0, v2, v14  }
0xd1: {  	vm0 =	vlt.s32 v2, v15  }
0xd2: {  	v17 =	vld [tilespmem:s28+$0x200];
	v2 =	vsel vm0, v2, v15  }
0xd3: {  	vm0 =	vlt.s32 v2, v3  }
0xd4: {  	v2 =	vsel vm0, v2, v3;
	v3 =	vld [tilespmem:s28+$0x210]  }
0xd5: {  	vm0 =	vlt.s32 v2, v16  }
0xd6: {  	v18 =	vld [tilespmem:s28+$0x220];
	v2 =	vsel vm0, v2, v16  }
0xd7: {  	vm0 =	vlt.s32 v2, v17  }
0xd8: {  	v19 =	vld [tilespmem:s28+$0x230];
	v2 =	vsel vm0, v2, v17  }
0xd9: {  	vm0 =	vlt.s32 v2, v3  }
0xda: {  	v2 =	vsel vm0, v2, v3;
	v3 =	vld [tilespmem:s28+$0x240]  }
0xdb: {  	vm0 =	vlt.s32 v2, v18  }
0xdc: {  	v20 =	vld [tilespmem:s28+$0x248];
	v2 =	vsel vm0, v2, v18  }
0xdd: {  	vm0 =	vlt.s32 v2, v19  }
0xde: {  	v21 =	vld [tilespmem:s28+$0x258];
	v2 =	vsel vm0, v2, v19  }
0xdf: {  	vm0 =	vlt.s32 v2, v3  }
0xe0: {  	v2 =	vsel vm0, v2, v3;
	v3 =	vld [tilespmem:s28+$0x268]  }
0xe1: {  	vm0 =	vlt.s32 v2, v20  }
0xe2: {  	v22 =	vld [tilespmem:s28+$0x278];
	v2 =	vsel vm0, v2, v20  }
0xe3: {  	vm0 =	vlt.s32 v2, v21  }
0xe4: {  	v23 =	vld [tilespmem:s28+$0x288];
	v2 =	vsel vm0, v2, v21  }
0xe5: {  	vm0 =	vlt.s32 v2, v3  }
0xe6: {  	v2 =	vsel vm0, v2, v3;
	v3 =	vld [tilespmem:s28+$0x298]  }
0xe7: {  	vm0 =	vlt.s32 v2, v22  }
0xe8: {  	v24 =	vld [tilespmem:s28+$0x2A8];
	v2 =	vsel vm0, v2, v22  }
0xe9: {  	vm0 =	vlt.s32 v2, v23  }
0xea: {  	v25 =	vld [tilespmem:s28+$0x2B8];
	v2 =	vsel vm0, v2, v23  }
0xeb: {  	vm0 =	vlt.s32 v2, v3  }
0xec: {  	v2 =	vsel vm0, v2, v3;
	v3 =	vld [tilespmem:s28+$0x2C8]  }
0xed: {  	vm0 =	vlt.s32 v2, v24  }
0xee: {  	v26 =	vld [tilespmem:s28+$0x2D8];
	v2 =	vsel vm0, v2, v24  }
0xef: {  	vm0 =	vlt.s32 v2, v25  }
0xf0: {  	v27 =	vld [tilespmem:s28+$0x2E8];
	v2 =	vsel vm0, v2, v25  }
0xf1: {  	vm0 =	vlt.s32 v2, v3  }
0xf2: {  	v2 =	vsel vm0, v2, v3;
	v3 =	vld [tilespmem:s28+$0x2F8]  }
0xf3: {  	vm0 =	vlt.s32 v2, v26  }
0xf4: {  	v28 =	vld [tilespmem:s28+$0x308];
	v2 =	vsel vm0, v2, v26  }
0xf5: {  	vm0 =	vlt.s32 v2, v27  }
0xf6: {  	v29 =	vld [tilespmem:s28+$0x310];
	v2 =	vsel vm0, v2, v27  }
0xf7: {  	vm0 =	vlt.s32 v2, v3  }
0xf8: {  	v2 =	vsel vm0, v2, v3;
	v3 =	vld [tilespmem:s28+$0x320]  }
0xf9: {  	vm0 =	vlt.s32 v2, v28  }
0xfa: {  	v30 =	vld [tilespmem:s28+$0x330];
	v2 =	vsel vm0, v2, v28  }
0xfb: {  	vm0 =	vlt.s32 v2, v29  }
0xfc: {  	v31 =	vld [tilespmem:s28+$0x340];
	v2 =	vsel vm0, v2, v29  }
0xfd: {  	vm0 =	vlt.s32 v2, v3  }
0xfe: {  	v2 =	vsel vm0, v2, v3;
	v3 =	vld [tilespmem:s28+$0x350]  }
0xff: {  	vm0 =	vlt.s32 v2, v30  }
0x100: {  	v32 =	vld [tilespmem:s28+$0x360];
	v2 =	vsel vm0, v2, v30  }
0x101: {  	vm0 =	vlt.s32 v2, v31  }
0x102: {  	v33 =	vld [tilespmem:s28+$0x370];
	v2 =	vsel vm0, v2, v31  }
0x103: {  	vm0 =	vlt.s32 v2, v3  }
0x104: {  	v2 =	vsel vm0, v2, v3;
	v3 =	vld [tilespmem:s28+$0x380]  }
0x105: {  	vm0 =	vlt.s32 v2, v32  }
0x106: {  	v34 =	vld [tilespmem:s28+$0x390];
	v2 =	vsel vm0, v2, v32  }
0x107: {  	vm0 =	vlt.s32 v2, v33  }
0x108: {  	v35 =	vld [tilespmem:s28+$0x3A0];
	v2 =	vsel vm0, v2, v33  }
0x109: {  	vm0 =	vlt.s32 v2, v3  }
0x10a: {  	v2 =	vsel vm0, v2, v3;
	v3 =	vld [tilespmem:s28+$0x3B0]  }
0x10b: {  	vm0 =	vlt.s32 v2, v34  }
0x10c: {  	v36 =	vld [tilespmem:s28+$0x3C0];
	v2 =	vsel vm0, v2, v34  }
0x10d: {  	vm0 =	vlt.s32 v2, v35  }
0x10e: {  	v37 =	vld [tilespmem:s28+$0x3D0];
	v2 =	vsel vm0, v2, v35  }
0x10f: {  	vm0 =	vlt.s32 v2, v3  }
0x110: {  	v2 =	vsel vm0, v2, v3;
	v3 =	vld [tilespmem:s28+$0x3D8]  }
0x111: {  	vm0 =	vlt.s32 v2, v36  }
0x112: {  	v38 =	vld [tilespmem:s28+$0x3E8];
	v2 =	vsel vm0, v2, v36  }
0x113: {  	vm0 =	vlt.s32 v2, v37  }
0x114: {  	v39 =	vld [tilespmem:s28+$0x3F8];
	v2 =	vsel vm0, v2, v37  }
0x115: {  	vm0 =	vlt.s32 v2, v3  }
0x116: {  	v2 =	vsel vm0, v2, v3;
	v3 =	vld [tilespmem:s28+$0x408]  }
0x117: {  	vm0 =	vlt.s32 v2, v38  }
0x118: {  	v40 =	vld [tilespmem:s28+$0x418];
	v2 =	vsel vm0, v2, v38  }
0x119: {  	vm0 =	vlt.s32 v2, v39  }
0x11a: {  	v41 =	vld [tilespmem:s28+$0x428];
	v2 =	vsel vm0, v2, v39  }
0x11b: {  	vm0 =	vlt.s32 v2, v3  }
0x11c: {  	v2 =	vsel vm0, v2, v3;
	v3 =	vld [tilespmem:s28+$0x438]  }
0x11d: {  	vm0 =	vlt.s32 v2, v40  }
0x11e: {  	v42 =	vld [tilespmem:s28+$0x448];
	v2 =	vsel vm0, v2, v40  }
0x11f: {  	vm0 =	vlt.s32 v2, v41  }
0x120: {  	v43 =	vld [tilespmem:s28+$0x458];
	v2 =	vsel vm0, v2, v41  }
0x121: {  	vm0 =	vlt.s32 v2, v3  }
0x122: {  	v2 =	vsel vm0, v2, v3;
	v3 =	vld [tilespmem:s28+$0x468]  }
0x123: {  	vm0 =	vlt.s32 v2, v42  }
0x124: {  	v44 =	vld [tilespmem:s28+$0x478];
	v2 =	vsel vm0, v2, v42  }
0x125: {  	vm0 =	vlt.s32 v2, v43  }
0x126: {  	v45 =	vld [tilespmem:s28+$0x488];
	v2 =	vsel vm0, v2, v43  }
0x127: {  	vm0 =	vlt.s32 v2, v3  }
0x128: {  	v2 =	vsel vm0, v2, v3;
	v3 =	vld [tilespmem:s28+$0x498]  }
0x129: {  	vm0 =	vlt.s32 v2, v44  }
0x12a: {  	v46 =	vld [tilespmem:s28+$0x4A0];
	v2 =	vsel vm0, v2, v44  }
0x12b: {  	vm0 =	vlt.s32 v2, v45  }
0x12c: {  	v47 =	vld [tilespmem:s28+$0x4B0];
	v2 =	vsel vm0, v2, v45  }
0x12d: {  	vm0 =	vlt.s32 v2, v3  }
0x12e: {  	v2 =	vsel vm0, v2, v3;
	v3 =	vld [tilespmem:s28+$0x4C0]  }
0x12f: {  	vm0 =	vlt.s32 v2, v46  }
0x130: {  	v48 =	vld [tilespmem:s28+$0x4D0];
	v2 =	vsel vm0, v2, v46  }
0x131: {  	vm0 =	vlt.s32 v2, v47  }
0x132: {  	v49 =	vld [tilespmem:s28+$0x4E0];
	v2 =	vsel vm0, v2, v47  }
0x133: {  	vm0 =	vlt.s32 v2, v3  }
0x134: {  	v2 =	vsel vm0, v2, v3;
	v3 =	vld [tilespmem:s28+$0x4F0]  }
0x135: {  	vm0 =	vlt.s32 v2, v48  }
0x136: {  	v50 =	vld [tilespmem:s28+$0x500];
	v2 =	vsel vm0, v2, v48  }
0x137: {  	vm0 =	vlt.s32 v2, v49  }
0x138: {  	v51 =	vld [tilespmem:s28+$0x510];
	v2 =	vsel vm0, v2, v49  }
0x139: {  	vm0 =	vlt.s32 v2, v3  }
0x13a: {  	v2 =	vsel vm0, v2, v3;
	v3 =	vld [tilespmem:s28+$0x520]  }
0x13b: {  	vm0 =	vlt.s32 v2, v50  }
0x13c: {  	v52 =	vld [tilespmem:s28+$0x530];
	v2 =	vsel vm0, v2, v50  }
0x13d: {  	vm0 =	vlt.s32 v2, v51  }
0x13e: {  	v53 =	vld [tilespmem:s28+$0x540];
	v2 =	vsel vm0, v2, v51  }
0x13f: {  	vm0 =	vlt.s32 v2, v3  }
0x140: {  	v2 =	vsel vm0, v2, v3;
	v3 =	vld [tilespmem:s28+$0x550]  }
0x141: {  	vm0 =	vlt.s32 v2, v52  }
0x142: {  	v54 =	vld [tilespmem:s28+$0x560];
	v2 =	vsel vm0, v2, v52  }
0x143: {  	vm0 =	vlt.s32 v2, v53  }
0x144: {  	v55 =	vld [tilespmem:s28+$0x568];
	v2 =	vsel vm0, v2, v53  }
0x145: {  	vm0 =	vlt.s32 v2, v3  }
0x146: {  	v2 =	vsel vm0, v2, v3;
	v3 =	vld [tilespmem:s28+$0x578]  }
0x147: {  	vm0 =	vlt.s32 v2, v54  }
0x148: {  	v56 =	vld [tilespmem:s28+$0x588];
	v2 =	vsel vm0, v2, v54  }
0x149: {  	vm0 =	vlt.s32 v2, v55  }
0x14a: {  	v57 =	vld [tilespmem:s28+$0x598];
	v2 =	vsel vm0, v2, v55  }
0x14b: {  	vm0 =	vlt.s32 v2, v3  }
0x14c: {  	v2 =	vsel vm0, v2, v3;
	v3 =	vld [tilespmem:s28+$0x5A8]  }
0x14d: {  	vm0 =	vlt.s32 v2, v56  }
0x14e: {  	v58 =	vld [tilespmem:s28+$0x5B8];
	v2 =	vsel vm0, v2, v56  }
0x14f: {  	vm0 =	vlt.s32 v2, v57  }
0x150: {  	v59 =	vld [tilespmem:s28+$0x5C8];
	v2 =	vsel vm0, v2, v57  }
0x151: {  	vm0 =	vlt.s32 v2, v3  }
0x152: {  	v2 =	vsel vm0, v2, v3;
	v3 =	vld [tilespmem:s28+$0x5D8]  }
0x153: {  	vm0 =	vlt.s32 v2, v58  }
0x154: {  	v60 =	vld [tilespmem:s28+$0x5E8];
	v2 =	vsel vm0, v2, v58  }
0x155: {  	vm0 =	vlt.s32 v2, v59  }
0x156: {  	v61 =	vld [tilespmem:s28+$0x5F8];
	v2 =	vsel vm0, v2, v59  }
0x157: {  	vm0 =	vlt.s32 v2, v3  }
0x158: {  	v2 =	vsel vm0, v2, v3;
	v3 =	vld [tilespmem:s28+$0x608]  }
0x159: {  	vm0 =	vlt.s32 v2, v60  }
0x15a: {  	v62 =	vld [tilespmem:s28+$0x618];
	v2 =	vsel vm0, v2, v60  }
0x15b: {  	vm0 =	vlt.s32 v2, v61  }
0x15c: {  	v63 =	vld [tilespmem:s28+$0x628];
	v2 =	vsel vm0, v2, v61  }
0x15d: {  	vm0 =	vlt.s32 v2, v3  }
0x15e: {  	v2 =	vsel vm0, v2, v3;
	v3 =	vld [tilespmem:s28+$0x630]  }
0x15f: {  	vm0 =	vlt.s32 v2, v62  }
0x160: {  	v2 =	vsel vm0, v2, v62  }
0x161: {  	vm0 =	vlt.s32 v2, v63  }
0x162: {  	v2 =	vsel vm0, v2, v63  }
0x163: {  	vm0 =	vlt.s32 v2, v3  }
0x164: {  	v2 =	vsel vm0, v2, v3  }
0x165: {  	vm0 =	veq.s32 v2, $0x0  }
0x166: {  	v2 =	vmpcnt.ones.xlane vm0;
	_ =	sdelay $0x1  }
0x167: {  	(v2sf) =	vpush v2, $0x0;
	_ =	sdelay $0xe  }
0x168: {  	s30 =	spop (v2sf)  }
0x169: {  	p1 =	slt.s32 s30, $0x1  }
.Ltmp4:
0x16a: {  	_ = 	snop;
	(pc) =	sbr.rel @p1 .LBB2_5-.Ltmp4, $1  }
0x16b: {  	_ =	sdelay $0x3  }
0x16c: {  	s28 =	simm.s32 $0x1  }
0x16d: {  	s28 =	simm.s32 @!p0 $0x0  }
0x16e: {  	s28 =	smul.u32 $0x1900, s28;
	_ =	sdelay $0x1  }
0x16f: {  	v2 =	vmov s26;
	s28 =	sshrl.u32 s28, $0x2  }
0x170: {  	s29 =	simm.s32 $0x0;
	v2 =	vmul.u32 $0xC800, v2;
	s28 =	sadd.s32 $0x60, s28  }
.LBB2_4:
0x171: {  	v3 =	vmov s29;
	v4 =	vld [tilespmem:s28+$0xFFFFFFA0]  }
0x172: {  	v3 =	vmul.u32 $0x1900, v3;
	_ =	sdelay $0x1  }
0x173: {  	v3 =	vadd.s32 v2, v3  }
0x174: {  	v3 =	vbroadcast v3, $0x0  }
0x175: {  	vm0 =	veq.s32 v4, $0x0  }
0x176: {  	v5 =	vor.u32 $0x1, v0;
	v34 =	vadd.s32 v0, v3  }
0x177: {  	v6 =	vor.u32 $0x2, v0;
	v5 =	vadd.s32 v5, v3  }
0x178: {  	v7 =	vor.u32 $0x3, v0;
	v6 =	vadd.s32 v6, v3  }
0x179: {  	v8 =	vor.u32 $0x4, v0;
	v7 =	vadd.s32 v7, v3  }
0x17a: {  	v9 =	vor.u32 $0x5, v0;
	v8 =	vadd.s32 v8, v3  }
0x17b: {  	v36 =	vor.u32 $0x6, v0;
	v35 =	vadd.s32 v9, v3;
	[tilespmem:v34+s11+$0x0] =	vst.idx.msk vm0, v1  }
0x17c: {  	v38 =	vor.u32 $0x7, v0;
	v37 =	vadd.s32 v36, v3;
	[tilespmem:v5+s11+$0x0] =	vst.idx.msk vm0, v1  }
0x17d: {  	v40 =	vor.u32 $0x8, v0;
	v39 =	vadd.s32 v38, v3;
	[tilespmem:v6+s11+$0x0] =	vst.idx.msk vm0, v1  }
0x17e: {  	v42 =	vor.u32 $0x9, v0;
	v41 =	vadd.s32 v40, v3;
	[tilespmem:v7+s11+$0x0] =	vst.idx.msk vm0, v1  }
0x17f: {  	v44 =	vor.u32 $0xA, v0;
	v43 =	vadd.s32 v42, v3;
	[tilespmem:v8+s11+$0x0] =	vst.idx.msk vm0, v1  }
0x180: {  	v46 =	vor.u32 $0xB, v0;
	v45 =	vadd.s32 v44, v3;
	[tilespmem:v35+s11+$0x0] =	vst.idx.msk vm0, v1  }
0x181: {  	v48 =	vor.u32 $0xC, v0;
	v47 =	vadd.s32 v46, v3;
	[tilespmem:v37+s11+$0x0] =	vst.idx.msk vm0, v1  }
0x182: {  	v50 =	vor.u32 $0xD, v0;
	v49 =	vadd.s32 v48, v3;
	[tilespmem:v39+s11+$0x0] =	vst.idx.msk vm0, v1  }
0x183: {  	v52 =	vor.u32 $0xE, v0;
	v51 =	vadd.s32 v50, v3;
	[tilespmem:v41+s11+$0x0] =	vst.idx.msk vm0, v1  }
0x184: {  	v54 =	vor.u32 $0xF, v0;
	v53 =	vadd.s32 v52, v3;
	[tilespmem:v43+s11+$0x0] =	vst.idx.msk vm0, v1  }
0x185: {  	v56 =	vor.u32 $0x10, v0;
	v55 =	vadd.s32 v54, v3;
	[tilespmem:v45+s11+$0x0] =	vst.idx.msk vm0, v1  }
0x186: {  	v58 =	vor.u32 $0x11, v0;
	v57 =	vadd.s32 v56, v3;
	[tilespmem:v47+s11+$0x0] =	vst.idx.msk vm0, v1  }
0x187: {  	v60 =	vor.u32 $0x12, v0;
	v59 =	vadd.s32 v58, v3;
	[tilespmem:v49+s11+$0x0] =	vst.idx.msk vm0, v1  }
0x188: {  	v62 =	vor.u32 $0x13, v0;
	v61 =	vadd.s32 v60, v3;
	[tilespmem:v51+s11+$0x0] =	vst.idx.msk vm0, v1  }
0x189: {  	v12 =	vor.u32 $0x14, v0;
	v63 =	vadd.s32 v62, v3;
	[tilespmem:v53+s11+$0x0] =	vst.idx.msk vm0, v1  }
0x18a: {  	v14 =	vor.u32 $0x15, v0;
	v13 =	vadd.s32 v12, v3;
	[tilespmem:v55+s11+$0x0] =	vst.idx.msk vm0, v1  }
0x18b: {  	v16 =	vor.u32 $0x16, v0;
	v15 =	vadd.s32 v14, v3;
	[tilespmem:v57+s11+$0x0] =	vst.idx.msk vm0, v1  }
0x18c: {  	v18 =	vor.u32 $0x17, v0;
	v17 =	vadd.s32 v16, v3;
	[tilespmem:v59+s11+$0x0] =	vst.idx.msk vm0, v1  }
0x18d: {  	v20 =	vor.u32 $0x18, v0;
	v19 =	vadd.s32 v18, v3;
	[tilespmem:v61+s11+$0x0] =	vst.idx.msk vm0, v1  }
0x18e: {  	v22 =	vor.u32 $0x19, v0;
	v21 =	vadd.s32 v20, v3;
	[tilespmem:v63+s11+$0x0] =	vst.idx.msk vm0, v1  }
0x18f: {  	v24 =	vor.u32 $0x1A, v0;
	v23 =	vadd.s32 v22, v3;
	[tilespmem:v13+s11+$0x0] =	vst.idx.msk vm0, v1  }
0x190: {  	v26 =	vor.u32 $0x1B, v0;
	v25 =	vadd.s32 v24, v3;
	[tilespmem:v15+s11+$0x0] =	vst.idx.msk vm0, v1  }
0x191: {  	v28 =	vor.u32 $0x1C, v0;
	v27 =	vadd.s32 v26, v3;
	[tilespmem:v17+s11+$0x0] =	vst.idx.msk vm0, v1  }
0x192: {  	v30 =	vor.u32 $0x1D, v0;
	v29 =	vadd.s32 v28, v3;
	[tilespmem:v19+s11+$0x0] =	vst.idx.msk vm0, v1  }
0x193: {  	v32 =	vor.u32 $0x1E, v0;
	v31 =	vadd.s32 v30, v3;
	[tilespmem:v21+s11+$0x0] =	vst.idx.msk vm0, v1  }
0x194: {  	v33 =	vadd.s32 v32, v3;
	v34 =	vor.u32 $0x1F, v0;
	[tilespmem:v23+s11+$0x0] =	vst.idx.msk vm0, v1  }
0x195: {  	v35 =	vadd.s32 v34, v3;
	[tilespmem:v25+s11+$0x0] =	vst.idx.msk vm0, v1  }
0x196: {  	[tilespmem:v27+s11+$0x0] =	vst.idx.msk vm0, v1  }
0x197: {  	[tilespmem:v29+s11+$0x0] =	vst.idx.msk vm0, v1  }
0x198: {  	[tilespmem:v31+s11+$0x0] =	vst.idx.msk vm0, v1  }
0x199: {  	[tilespmem:v33+s11+$0x0] =	vst.idx.msk vm0, v1  }
0x19a: {  	[tilespmem:v35+s11+$0x0] =	vst.idx.msk vm0, v1  }
0x19b: {  	v4 =	vld [tilespmem:s28+$0xFFFFFFB0];
	_ =	sdelay $0x4  }
0x19c: {  	v36 =	vor.u32 $0x200, v0;
	vm4 =	veq.s32 v4, $0x0  }
0x19d: {  	v37 =	vor.u32 $0x201, v0;
	v4 =	vadd.s32 v36, v3  }
0x19e: {  	v38 =	vor.u32 $0x202, v0;
	v5 =	vadd.s32 v37, v3  }
0x19f: {  	v6 =	vadd.s32 v38, v3;
	v39 =	vor.u32 $0x203, v0  }
0x1a0: {  	v40 =	vor.u32 $0x204, v0;
	v7 =	vadd.s32 v39, v3  }
0x1a1: {  	v8 =	vadd.s32 v40, v3;
	v41 =	vor.u32 $0x205, v0  }
0x1a2: {  	v42 =	vadd.s32 v41, v3;
	v43 =	vor.u32 $0x206, v0;
	[tilespmem:v4+s11+$0x0] =	vst.idx.msk vm4, v1  }
0x1a3: {  	v44 =	vadd.s32 v43, v3;
	v45 =	vor.u32 $0x207, v0;
	[tilespmem:v5+s11+$0x0] =	vst.idx.msk vm4, v1  }
0x1a4: {  	v46 =	vadd.s32 v45, v3;
	v47 =	vor.u32 $0x208, v0;
	[tilespmem:v6+s11+$0x0] =	vst.idx.msk vm4, v1  }
0x1a5: {  	v48 =	vadd.s32 v47, v3;
	v49 =	vor.u32 $0x209, v0;
	[tilespmem:v7+s11+$0x0] =	vst.idx.msk vm4, v1  }
0x1a6: {  	v50 =	vadd.s32 v49, v3;
	v51 =	vor.u32 $0x20A, v0;
	[tilespmem:v8+s11+$0x0] =	vst.idx.msk vm4, v1  }
0x1a7: {  	v52 =	vadd.s32 v51, v3;
	v53 =	vor.u32 $0x20B, v0;
	[tilespmem:v42+s11+$0x0] =	vst.idx.msk vm4, v1  }
0x1a8: {  	v54 =	vadd.s32 v53, v3;
	v55 =	vor.u32 $0x20C, v0;
	[tilespmem:v44+s11+$0x0] =	vst.idx.msk vm4, v1  }
0x1a9: {  	v56 =	vadd.s32 v55, v3;
	v57 =	vor.u32 $0x20D, v0;
	[tilespmem:v46+s11+$0x0] =	vst.idx.msk vm4, v1  }
0x1aa: {  	v58 =	vadd.s32 v57, v3;
	v59 =	vor.u32 $0x20E, v0;
	[tilespmem:v48+s11+$0x0] =	vst.idx.msk vm4, v1  }
0x1ab: {  	v60 =	vadd.s32 v59, v3;
	v61 =	vor.u32 $0x20F, v0;
	[tilespmem:v50+s11+$0x0] =	vst.idx.msk vm4, v1  }
0x1ac: {  	v62 =	vadd.s32 v61, v3;
	v63 =	vor.u32 $0x210, v0;
	[tilespmem:v52+s11+$0x0] =	vst.idx.msk vm4, v1  }
0x1ad: {  	v12 =	vadd.s32 v63, v3;
	v13 =	vor.u32 $0x211, v0;
	[tilespmem:v54+s11+$0x0] =	vst.idx.msk vm4, v1  }
0x1ae: {  	v14 =	vadd.s32 v13, v3;
	v15 =	vor.u32 $0x212, v0;
	[tilespmem:v56+s11+$0x0] =	vst.idx.msk vm4, v1  }
0x1af: {  	v16 =	vadd.s32 v15, v3;
	v17 =	vor.u32 $0x213, v0;
	[tilespmem:v58+s11+$0x0] =	vst.idx.msk vm4, v1  }
0x1b0: {  	v18 =	vadd.s32 v17, v3;
	v19 =	vor.u32 $0x214, v0;
	[tilespmem:v60+s11+$0x0] =	vst.idx.msk vm4, v1  }
0x1b1: {  	v20 =	vadd.s32 v19, v3;
	v21 =	vor.u32 $0x215, v0;
	[tilespmem:v62+s11+$0x0] =	vst.idx.msk vm4, v1  }
0x1b2: {  	v22 =	vadd.s32 v21, v3;
	v23 =	vor.u32 $0x216, v0;
	[tilespmem:v12+s11+$0x0] =	vst.idx.msk vm4, v1  }
0x1b3: {  	v24 =	vadd.s32 v23, v3;
	v25 =	vor.u32 $0x217, v0;
	[tilespmem:v14+s11+$0x0] =	vst.idx.msk vm4, v1  }
0x1b4: {  	v26 =	vadd.s32 v25, v3;
	v27 =	vor.u32 $0x218, v0;
	[tilespmem:v16+s11+$0x0] =	vst.idx.msk vm4, v1  }
0x1b5: {  	v28 =	vadd.s32 v27, v3;
	v29 =	vor.u32 $0x219, v0;
	[tilespmem:v18+s11+$0x0] =	vst.idx.msk vm4, v1  }
0x1b6: {  	v30 =	vadd.s32 v29, v3;
	v31 =	vor.u32 $0x21A, v0;
	[tilespmem:v20+s11+$0x0] =	vst.idx.msk vm4, v1  }
0x1b7: {  	v32 =	vadd.s32 v31, v3;
	v33 =	vor.u32 $0x21B, v0;
	[tilespmem:v22+s11+$0x0] =	vst.idx.msk vm4, v1  }
0x1b8: {  	v34 =	vadd.s32 v33, v3;
	v35 =	vor.u32 $0x21C, v0;
	[tilespmem:v24+s11+$0x0] =	vst.idx.msk vm4, v1  }
0x1b9: {  	v37 =	vor.u32 $0x21D, v0;
	v36 =	vadd.s32 v35, v3;
	[tilespmem:v26+s11+$0x0] =	vst.idx.msk vm4, v1  }
0x1ba: {  	v38 =	vadd.s32 v37, v3;
	v39 =	vor.u32 $0x21E, v0;
	[tilespmem:v28+s11+$0x0] =	vst.idx.msk vm4, v1  }
0x1bb: {  	v40 =	vadd.s32 v39, v3;
	v41 =	vor.u32 $0x21F, v0;
	[tilespmem:v30+s11+$0x0] =	vst.idx.msk vm4, v1  }
0x1bc: {  	v42 =	vadd.s32 v41, v3;
	[tilespmem:v32+s11+$0x0] =	vst.idx.msk vm4, v1  }
0x1bd: {  	[tilespmem:v34+s11+$0x0] =	vst.idx.msk vm4, v1  }
0x1be: {  	[tilespmem:v36+s11+$0x0] =	vst.idx.msk vm4, v1  }
0x1bf: {  	[tilespmem:v38+s11+$0x0] =	vst.idx.msk vm4, v1  }
0x1c0: {  	[tilespmem:v40+s11+$0x0] =	vst.idx.msk vm4, v1  }
0x1c1: {  	[tilespmem:v42+s11+$0x0] =	vst.idx.msk vm4, v1  }
0x1c2: {  	v4 =	vld [tilespmem:s28+$0xFFFFFFC0];
	_ =	sdelay $0x4  }
0x1c3: {  	v43 =	vor.u32 $0x400, v0;
	vm5 =	veq.s32 v4, $0x0  }
0x1c4: {  	v44 =	vor.u32 $0x401, v0;
	v4 =	vadd.s32 v43, v3  }
0x1c5: {  	v45 =	vor.u32 $0x402, v0;
	v5 =	vadd.s32 v44, v3  }
0x1c6: {  	v6 =	vadd.s32 v45, v3;
	v46 =	vor.u32 $0x403, v0  }
0x1c7: {  	v47 =	vor.u32 $0x404, v0;
	v7 =	vadd.s32 v46, v3  }
0x1c8: {  	v8 =	vadd.s32 v47, v3;
	v48 =	vor.u32 $0x405, v0  }
0x1c9: {  	v49 =	vadd.s32 v48, v3;
	v50 =	vor.u32 $0x406, v0;
	[tilespmem:v4+s11+$0x0] =	vst.idx.msk vm5, v1  }
0x1ca: {  	v51 =	vadd.s32 v50, v3;
	v52 =	vor.u32 $0x407, v0;
	[tilespmem:v5+s11+$0x0] =	vst.idx.msk vm5, v1  }
0x1cb: {  	v53 =	vadd.s32 v52, v3;
	v54 =	vor.u32 $0x408, v0;
	[tilespmem:v6+s11+$0x0] =	vst.idx.msk vm5, v1  }
0x1cc: {  	v55 =	vadd.s32 v54, v3;
	v56 =	vor.u32 $0x409, v0;
	[tilespmem:v7+s11+$0x0] =	vst.idx.msk vm5, v1  }
0x1cd: {  	v57 =	vadd.s32 v56, v3;
	v58 =	vor.u32 $0x40A, v0;
	[tilespmem:v8+s11+$0x0] =	vst.idx.msk vm5, v1  }
0x1ce: {  	v59 =	vadd.s32 v58, v3;
	v60 =	vor.u32 $0x40B, v0;
	[tilespmem:v49+s11+$0x0] =	vst.idx.msk vm5, v1  }
0x1cf: {  	v61 =	vadd.s32 v60, v3;
	v62 =	vor.u32 $0x40C, v0;
	[tilespmem:v51+s11+$0x0] =	vst.idx.msk vm5, v1  }
0x1d0: {  	v63 =	vadd.s32 v62, v3;
	v12 =	vor.u32 $0x40D, v0;
	[tilespmem:v53+s11+$0x0] =	vst.idx.msk vm5, v1  }
0x1d1: {  	v13 =	vadd.s32 v12, v3;
	v14 =	vor.u32 $0x40E, v0;
	[tilespmem:v55+s11+$0x0] =	vst.idx.msk vm5, v1  }
0x1d2: {  	v15 =	vadd.s32 v14, v3;
	v16 =	vor.u32 $0x40F, v0;
	[tilespmem:v57+s11+$0x0] =	vst.idx.msk vm5, v1  }
0x1d3: {  	v17 =	vadd.s32 v16, v3;
	v18 =	vor.u32 $0x410, v0;
	[tilespmem:v59+s11+$0x0] =	vst.idx.msk vm5, v1  }
0x1d4: {  	v19 =	vadd.s32 v18, v3;
	v20 =	vor.u32 $0x411, v0;
	[tilespmem:v61+s11+$0x0] =	vst.idx.msk vm5, v1  }
0x1d5: {  	v21 =	vadd.s32 v20, v3;
	v22 =	vor.u32 $0x412, v0;
	[tilespmem:v63+s11+$0x0] =	vst.idx.msk vm5, v1  }
0x1d6: {  	v23 =	vadd.s32 v22, v3;
	v24 =	vor.u32 $0x413, v0;
	[tilespmem:v13+s11+$0x0] =	vst.idx.msk vm5, v1  }
0x1d7: {  	v25 =	vadd.s32 v24, v3;
	v26 =	vor.u32 $0x414, v0;
	[tilespmem:v15+s11+$0x0] =	vst.idx.msk vm5, v1  }
0x1d8: {  	v27 =	vadd.s32 v26, v3;
	v28 =	vor.u32 $0x415, v0;
	[tilespmem:v17+s11+$0x0] =	vst.idx.msk vm5, v1  }
0x1d9: {  	v29 =	vadd.s32 v28, v3;
	v30 =	vor.u32 $0x416, v0;
	[tilespmem:v19+s11+$0x0] =	vst.idx.msk vm5, v1  }
0x1da: {  	v31 =	vadd.s32 v30, v3;
	v32 =	vor.u32 $0x417, v0;
	[tilespmem:v21+s11+$0x0] =	vst.idx.msk vm5, v1  }
0x1db: {  	v33 =	vadd.s32 v32, v3;
	v34 =	vor.u32 $0x418, v0;
	[tilespmem:v23+s11+$0x0] =	vst.idx.msk vm5, v1  }
0x1dc: {  	v35 =	vadd.s32 v34, v3;
	v36 =	vor.u32 $0x419, v0;
	[tilespmem:v25+s11+$0x0] =	vst.idx.msk vm5, v1  }
0x1dd: {  	v37 =	vadd.s32 v36, v3;
	v38 =	vor.u32 $0x41A, v0;
	[tilespmem:v27+s11+$0x0] =	vst.idx.msk vm5, v1  }
0x1de: {  	v39 =	vadd.s32 v38, v3;
	v40 =	vor.u32 $0x41B, v0;
	[tilespmem:v29+s11+$0x0] =	vst.idx.msk vm5, v1  }
0x1df: {  	v41 =	vadd.s32 v40, v3;
	v42 =	vor.u32 $0x41C, v0;
	[tilespmem:v31+s11+$0x0] =	vst.idx.msk vm5, v1  }
0x1e0: {  	v44 =	vor.u32 $0x41D, v0;
	v43 =	vadd.s32 v42, v3;
	[tilespmem:v33+s11+$0x0] =	vst.idx.msk vm5, v1  }
0x1e1: {  	v45 =	vadd.s32 v44, v3;
	v46 =	vor.u32 $0x41E, v0;
	[tilespmem:v35+s11+$0x0] =	vst.idx.msk vm5, v1  }
0x1e2: {  	v47 =	vadd.s32 v46, v3;
	v48 =	vor.u32 $0x41F, v0;
	[tilespmem:v37+s11+$0x0] =	vst.idx.msk vm5, v1  }
0x1e3: {  	v49 =	vadd.s32 v48, v3;
	[tilespmem:v39+s11+$0x0] =	vst.idx.msk vm5, v1  }
0x1e4: {  	[tilespmem:v41+s11+$0x0] =	vst.idx.msk vm5, v1  }
0x1e5: {  	[tilespmem:v43+s11+$0x0] =	vst.idx.msk vm5, v1  }
0x1e6: {  	[tilespmem:v45+s11+$0x0] =	vst.idx.msk vm5, v1  }
0x1e7: {  	[tilespmem:v47+s11+$0x0] =	vst.idx.msk vm5, v1  }
0x1e8: {  	[tilespmem:v49+s11+$0x0] =	vst.idx.msk vm5, v1  }
0x1e9: {  	v4 =	vld [tilespmem:s28+$0xFFFFFFD0];
	_ =	sdelay $0x4  }
0x1ea: {  	v50 =	vor.u32 $0x600, v0;
	vm6 =	veq.s32 v4, $0x0  }
0x1eb: {  	v51 =	vor.u32 $0x601, v0;
	v4 =	vadd.s32 v50, v3  }
0x1ec: {  	v52 =	vor.u32 $0x602, v0;
	v5 =	vadd.s32 v51, v3  }
0x1ed: {  	v6 =	vadd.s32 v52, v3;
	v53 =	vor.u32 $0x603, v0  }
0x1ee: {  	v54 =	vor.u32 $0x604, v0;
	v7 =	vadd.s32 v53, v3  }
0x1ef: {  	v8 =	vadd.s32 v54, v3;
	v55 =	vor.u32 $0x605, v0  }
0x1f0: {  	v56 =	vadd.s32 v55, v3;
	v57 =	vor.u32 $0x606, v0;
	[tilespmem:v4+s11+$0x0] =	vst.idx.msk vm6, v1  }
0x1f1: {  	v58 =	vadd.s32 v57, v3;
	v59 =	vor.u32 $0x607, v0;
	[tilespmem:v5+s11+$0x0] =	vst.idx.msk vm6, v1  }
0x1f2: {  	v60 =	vadd.s32 v59, v3;
	v61 =	vor.u32 $0x608, v0;
	[tilespmem:v6+s11+$0x0] =	vst.idx.msk vm6, v1  }
0x1f3: {  	v62 =	vadd.s32 v61, v3;
	v63 =	vor.u32 $0x609, v0;
	[tilespmem:v7+s11+$0x0] =	vst.idx.msk vm6, v1  }
0x1f4: {  	v12 =	vadd.s32 v63, v3;
	v13 =	vor.u32 $0x60A, v0;
	[tilespmem:v8+s11+$0x0] =	vst.idx.msk vm6, v1  }
0x1f5: {  	v14 =	vadd.s32 v13, v3;
	v15 =	vor.u32 $0x60B, v0;
	[tilespmem:v56+s11+$0x0] =	vst.idx.msk vm6, v1  }
0x1f6: {  	v16 =	vadd.s32 v15, v3;
	v17 =	vor.u32 $0x60C, v0;
	[tilespmem:v58+s11+$0x0] =	vst.idx.msk vm6, v1  }
0x1f7: {  	v18 =	vadd.s32 v17, v3;
	v19 =	vor.u32 $0x60D, v0;
	[tilespmem:v60+s11+$0x0] =	vst.idx.msk vm6, v1  }
0x1f8: {  	v20 =	vadd.s32 v19, v3;
	v21 =	vor.u32 $0x60E, v0;
	[tilespmem:v62+s11+$0x0] =	vst.idx.msk vm6, v1  }
0x1f9: {  	v22 =	vadd.s32 v21, v3;
	v23 =	vor.u32 $0x60F, v0;
	[tilespmem:v12+s11+$0x0] =	vst.idx.msk vm6, v1  }
0x1fa: {  	v24 =	vadd.s32 v23, v3;
	v25 =	vor.u32 $0x610, v0;
	[tilespmem:v14+s11+$0x0] =	vst.idx.msk vm6, v1  }
0x1fb: {  	v26 =	vadd.s32 v25, v3;
	v27 =	vor.u32 $0x611, v0;
	[tilespmem:v16+s11+$0x0] =	vst.idx.msk vm6, v1  }
0x1fc: {  	v28 =	vadd.s32 v27, v3;
	v29 =	vor.u32 $0x612, v0;
	[tilespmem:v18+s11+$0x0] =	vst.idx.msk vm6, v1  }
0x1fd: {  	v30 =	vadd.s32 v29, v3;
	v31 =	vor.u32 $0x613, v0;
	[tilespmem:v20+s11+$0x0] =	vst.idx.msk vm6, v1  }
0x1fe: {  	v32 =	vadd.s32 v31, v3;
	v33 =	vor.u32 $0x614, v0;
	[tilespmem:v22+s11+$0x0] =	vst.idx.msk vm6, v1  }
0x1ff: {  	v34 =	vadd.s32 v33, v3;
	v35 =	vor.u32 $0x615, v0;
	[tilespmem:v24+s11+$0x0] =	vst.idx.msk vm6, v1  }
0x200: {  	v36 =	vadd.s32 v35, v3;
	v37 =	vor.u32 $0x616, v0;
	[tilespmem:v26+s11+$0x0] =	vst.idx.msk vm6, v1  }
0x201: {  	v38 =	vadd.s32 v37, v3;
	v39 =	vor.u32 $0x617, v0;
	[tilespmem:v28+s11+$0x0] =	vst.idx.msk vm6, v1  }
0x202: {  	v40 =	vadd.s32 v39, v3;
	v41 =	vor.u32 $0x618, v0;
	[tilespmem:v30+s11+$0x0] =	vst.idx.msk vm6, v1  }
0x203: {  	v42 =	vadd.s32 v41, v3;
	v43 =	vor.u32 $0x619, v0;
	[tilespmem:v32+s11+$0x0] =	vst.idx.msk vm6, v1  }
0x204: {  	v44 =	vadd.s32 v43, v3;
	v45 =	vor.u32 $0x61A, v0;
	[tilespmem:v34+s11+$0x0] =	vst.idx.msk vm6, v1  }
0x205: {  	v46 =	vadd.s32 v45, v3;
	v47 =	vor.u32 $0x61B, v0;
	[tilespmem:v36+s11+$0x0] =	vst.idx.msk vm6, v1  }
0x206: {  	v48 =	vadd.s32 v47, v3;
	v49 =	vor.u32 $0x61C, v0;
	[tilespmem:v38+s11+$0x0] =	vst.idx.msk vm6, v1  }
0x207: {  	v51 =	vor.u32 $0x61D, v0;
	v50 =	vadd.s32 v49, v3;
	[tilespmem:v40+s11+$0x0] =	vst.idx.msk vm6, v1  }
0x208: {  	v52 =	vadd.s32 v51, v3;
	v53 =	vor.u32 $0x61E, v0;
	[tilespmem:v42+s11+$0x0] =	vst.idx.msk vm6, v1  }
0x209: {  	v54 =	vadd.s32 v53, v3;
	v55 =	vor.u32 $0x61F, v0;
	[tilespmem:v44+s11+$0x0] =	vst.idx.msk vm6, v1  }
0x20a: {  	v56 =	vadd.s32 v55, v3;
	[tilespmem:v46+s11+$0x0] =	vst.idx.msk vm6, v1  }
0x20b: {  	[tilespmem:v48+s11+$0x0] =	vst.idx.msk vm6, v1  }
0x20c: {  	[tilespmem:v50+s11+$0x0] =	vst.idx.msk vm6, v1  }
0x20d: {  	[tilespmem:v52+s11+$0x0] =	vst.idx.msk vm6, v1  }
0x20e: {  	[tilespmem:v54+s11+$0x0] =	vst.idx.msk vm6, v1  }
0x20f: {  	[tilespmem:v56+s11+$0x0] =	vst.idx.msk vm6, v1  }
0x210: {  	v4 =	vld [tilespmem:s28+$0xFFFFFFE0];
	_ =	sdelay $0x4  }
0x211: {  	v57 =	vor.u32 $0x800, v0;
	vm7 =	veq.s32 v4, $0x0  }
0x212: {  	v58 =	vor.u32 $0x801, v0;
	v4 =	vadd.s32 v57, v3  }
0x213: {  	v59 =	vor.u32 $0x802, v0;
	v5 =	vadd.s32 v58, v3  }
0x214: {  	v6 =	vadd.s32 v59, v3;
	v60 =	vor.u32 $0x803, v0  }
0x215: {  	v61 =	vor.u32 $0x804, v0;
	v7 =	vadd.s32 v60, v3  }
0x216: {  	v8 =	vadd.s32 v61, v3;
	v62 =	vor.u32 $0x805, v0  }
0x217: {  	v63 =	vadd.s32 v62, v3;
	v12 =	vor.u32 $0x806, v0;
	[tilespmem:v4+s11+$0x0] =	vst.idx.msk vm7, v1  }
0x218: {  	v13 =	vadd.s32 v12, v3;
	v14 =	vor.u32 $0x807, v0;
	[tilespmem:v5+s11+$0x0] =	vst.idx.msk vm7, v1  }
0x219: {  	v15 =	vadd.s32 v14, v3;
	v16 =	vor.u32 $0x808, v0;
	[tilespmem:v6+s11+$0x0] =	vst.idx.msk vm7, v1  }
0x21a: {  	v17 =	vadd.s32 v16, v3;
	v18 =	vor.u32 $0x809, v0;
	[tilespmem:v7+s11+$0x0] =	vst.idx.msk vm7, v1  }
0x21b: {  	v19 =	vadd.s32 v18, v3;
	v20 =	vor.u32 $0x80A, v0;
	[tilespmem:v8+s11+$0x0] =	vst.idx.msk vm7, v1  }
0x21c: {  	v21 =	vadd.s32 v20, v3;
	v22 =	vor.u32 $0x80B, v0;
	[tilespmem:v63+s11+$0x0] =	vst.idx.msk vm7, v1  }
0x21d: {  	v23 =	vadd.s32 v22, v3;
	v24 =	vor.u32 $0x80C, v0;
	[tilespmem:v13+s11+$0x0] =	vst.idx.msk vm7, v1  }
0x21e: {  	v25 =	vadd.s32 v24, v3;
	v26 =	vor.u32 $0x80D, v0;
	[tilespmem:v15+s11+$0x0] =	vst.idx.msk vm7, v1  }
0x21f: {  	v27 =	vadd.s32 v26, v3;
	v28 =	vor.u32 $0x80E, v0;
	[tilespmem:v17+s11+$0x0] =	vst.idx.msk vm7, v1  }
0x220: {  	v29 =	vadd.s32 v28, v3;
	v30 =	vor.u32 $0x80F, v0;
	[tilespmem:v19+s11+$0x0] =	vst.idx.msk vm7, v1  }
0x221: {  	v31 =	vadd.s32 v30, v3;
	v32 =	vor.u32 $0x810, v0;
	[tilespmem:v21+s11+$0x0] =	vst.idx.msk vm7, v1  }
0x222: {  	v33 =	vadd.s32 v32, v3;
	v34 =	vor.u32 $0x811, v0;
	[tilespmem:v23+s11+$0x0] =	vst.idx.msk vm7, v1  }
0x223: {  	v35 =	vadd.s32 v34, v3;
	v36 =	vor.u32 $0x812, v0;
	[tilespmem:v25+s11+$0x0] =	vst.idx.msk vm7, v1  }
0x224: {  	v37 =	vadd.s32 v36, v3;
	v38 =	vor.u32 $0x813, v0;
	[tilespmem:v27+s11+$0x0] =	vst.idx.msk vm7, v1  }
0x225: {  	v39 =	vadd.s32 v38, v3;
	v40 =	vor.u32 $0x814, v0;
	[tilespmem:v29+s11+$0x0] =	vst.idx.msk vm7, v1  }
0x226: {  	v41 =	vadd.s32 v40, v3;
	v42 =	vor.u32 $0x815, v0;
	[tilespmem:v31+s11+$0x0] =	vst.idx.msk vm7, v1  }
0x227: {  	v43 =	vadd.s32 v42, v3;
	v44 =	vor.u32 $0x816, v0;
	[tilespmem:v33+s11+$0x0] =	vst.idx.msk vm7, v1  }
0x228: {  	v45 =	vadd.s32 v44, v3;
	v46 =	vor.u32 $0x817, v0;
	[tilespmem:v35+s11+$0x0] =	vst.idx.msk vm7, v1  }
0x229: {  	v47 =	vadd.s32 v46, v3;
	v48 =	vor.u32 $0x818, v0;
	[tilespmem:v37+s11+$0x0] =	vst.idx.msk vm7, v1  }
0x22a: {  	v49 =	vadd.s32 v48, v3;
	v50 =	vor.u32 $0x819, v0;
	[tilespmem:v39+s11+$0x0] =	vst.idx.msk vm7, v1  }
0x22b: {  	v51 =	vadd.s32 v50, v3;
	v52 =	vor.u32 $0x81A, v0;
	[tilespmem:v41+s11+$0x0] =	vst.idx.msk vm7, v1  }
0x22c: {  	v53 =	vadd.s32 v52, v3;
	v54 =	vor.u32 $0x81B, v0;
	[tilespmem:v43+s11+$0x0] =	vst.idx.msk vm7, v1  }
0x22d: {  	v55 =	vadd.s32 v54, v3;
	v56 =	vor.u32 $0x81C, v0;
	[tilespmem:v45+s11+$0x0] =	vst.idx.msk vm7, v1  }
0x22e: {  	v58 =	vor.u32 $0x81D, v0;
	v57 =	vadd.s32 v56, v3;
	[tilespmem:v47+s11+$0x0] =	vst.idx.msk vm7, v1  }
0x22f: {  	v59 =	vadd.s32 v58, v3;
	v60 =	vor.u32 $0x81E, v0;
	[tilespmem:v49+s11+$0x0] =	vst.idx.msk vm7, v1  }
0x230: {  	v61 =	vadd.s32 v60, v3;
	v62 =	vor.u32 $0x81F, v0;
	[tilespmem:v51+s11+$0x0] =	vst.idx.msk vm7, v1  }
0x231: {  	v63 =	vadd.s32 v62, v3;
	[tilespmem:v53+s11+$0x0] =	vst.idx.msk vm7, v1  }
0x232: {  	[tilespmem:v55+s11+$0x0] =	vst.idx.msk vm7, v1  }
0x233: {  	[tilespmem:v57+s11+$0x0] =	vst.idx.msk vm7, v1  }
0x234: {  	[tilespmem:v59+s11+$0x0] =	vst.idx.msk vm7, v1  }
0x235: {  	[tilespmem:v61+s11+$0x0] =	vst.idx.msk vm7, v1  }
0x236: {  	[tilespmem:v63+s11+$0x0] =	vst.idx.msk vm7, v1  }
0x237: {  	v4 =	vld [tilespmem:s28+$0xFFFFFFF0];
	_ =	sdelay $0x4  }
0x238: {  	v9 =	vor.u32 $0xA00, v0;
	vm8 =	veq.s32 v4, $0x0  }
0x239: {  	v10 =	vor.u32 $0xA01, v0;
	v4 =	vadd.s32 v9, v3  }
0x23a: {  	v11 =	vor.u32 $0xA02, v0;
	v5 =	vadd.s32 v10, v3  }
0x23b: {  	v12 =	vor.u32 $0xA03, v0;
	v6 =	vadd.s32 v11, v3  }
0x23c: {  	v7 =	vadd.s32 v12, v3;
	v13 =	vor.u32 $0xA04, v0  }
0x23d: {  	v14 =	vor.u32 $0xA05, v0;
	v8 =	vadd.s32 v13, v3  }
0x23e: {  	v16 =	vor.u32 $0xA06, v0;
	v15 =	vadd.s32 v14, v3;
	[tilespmem:v4+s11+$0x0] =	vst.idx.msk vm8, v1  }
0x23f: {  	v18 =	vor.u32 $0xA07, v0;
	v17 =	vadd.s32 v16, v3;
	[tilespmem:v5+s11+$0x0] =	vst.idx.msk vm8, v1  }
0x240: {  	v20 =	vor.u32 $0xA08, v0;
	v19 =	vadd.s32 v18, v3;
	[tilespmem:v6+s11+$0x0] =	vst.idx.msk vm8, v1  }
0x241: {  	v22 =	vor.u32 $0xA09, v0;
	v21 =	vadd.s32 v20, v3;
	[tilespmem:v7+s11+$0x0] =	vst.idx.msk vm8, v1  }
0x242: {  	v24 =	vor.u32 $0xA0A, v0;
	v23 =	vadd.s32 v22, v3;
	[tilespmem:v8+s11+$0x0] =	vst.idx.msk vm8, v1  }
0x243: {  	v26 =	vor.u32 $0xA0B, v0;
	v25 =	vadd.s32 v24, v3;
	[tilespmem:v15+s11+$0x0] =	vst.idx.msk vm8, v1  }
0x244: {  	v28 =	vor.u32 $0xA0C, v0;
	v27 =	vadd.s32 v26, v3;
	[tilespmem:v17+s11+$0x0] =	vst.idx.msk vm8, v1  }
0x245: {  	v30 =	vor.u32 $0xA0D, v0;
	v29 =	vadd.s32 v28, v3;
	[tilespmem:v19+s11+$0x0] =	vst.idx.msk vm8, v1  }
0x246: {  	v32 =	vor.u32 $0xA0E, v0;
	v31 =	vadd.s32 v30, v3;
	[tilespmem:v21+s11+$0x0] =	vst.idx.msk vm8, v1  }
0x247: {  	v34 =	vor.u32 $0xA0F, v0;
	v33 =	vadd.s32 v32, v3;
	[tilespmem:v23+s11+$0x0] =	vst.idx.msk vm8, v1  }
0x248: {  	v36 =	vor.u32 $0xA10, v0;
	v35 =	vadd.s32 v34, v3;
	[tilespmem:v25+s11+$0x0] =	vst.idx.msk vm8, v1  }
0x249: {  	v38 =	vor.u32 $0xA11, v0;
	v37 =	vadd.s32 v36, v3;
	[tilespmem:v27+s11+$0x0] =	vst.idx.msk vm8, v1  }
0x24a: {  	v40 =	vor.u32 $0xA12, v0;
	v39 =	vadd.s32 v38, v3;
	[tilespmem:v29+s11+$0x0] =	vst.idx.msk vm8, v1  }
0x24b: {  	v42 =	vor.u32 $0xA13, v0;
	v41 =	vadd.s32 v40, v3;
	[tilespmem:v31+s11+$0x0] =	vst.idx.msk vm8, v1  }
0x24c: {  	v44 =	vor.u32 $0xA14, v0;
	v43 =	vadd.s32 v42, v3;
	[tilespmem:v33+s11+$0x0] =	vst.idx.msk vm8, v1  }
0x24d: {  	v46 =	vor.u32 $0xA15, v0;
	v45 =	vadd.s32 v44, v3;
	[tilespmem:v35+s11+$0x0] =	vst.idx.msk vm8, v1  }
0x24e: {  	v48 =	vor.u32 $0xA16, v0;
	v47 =	vadd.s32 v46, v3;
	[tilespmem:v37+s11+$0x0] =	vst.idx.msk vm8, v1  }
0x24f: {  	v50 =	vor.u32 $0xA17, v0;
	v49 =	vadd.s32 v48, v3;
	[tilespmem:v39+s11+$0x0] =	vst.idx.msk vm8, v1  }
0x250: {  	v52 =	vor.u32 $0xA18, v0;
	v51 =	vadd.s32 v50, v3;
	[tilespmem:v41+s11+$0x0] =	vst.idx.msk vm8, v1  }
0x251: {  	v54 =	vor.u32 $0xA19, v0;
	v53 =	vadd.s32 v52, v3;
	[tilespmem:v43+s11+$0x0] =	vst.idx.msk vm8, v1  }
0x252: {  	v56 =	vor.u32 $0xA1A, v0;
	v55 =	vadd.s32 v54, v3;
	[tilespmem:v45+s11+$0x0] =	vst.idx.msk vm8, v1  }
0x253: {  	v58 =	vor.u32 $0xA1B, v0;
	v57 =	vadd.s32 v56, v3;
	[tilespmem:v47+s11+$0x0] =	vst.idx.msk vm8, v1  }
0x254: {  	v60 =	vor.u32 $0xA1C, v0;
	v59 =	vadd.s32 v58, v3;
	[tilespmem:v49+s11+$0x0] =	vst.idx.msk vm8, v1  }
0x255: {  	v62 =	vor.u32 $0xA1D, v0;
	v61 =	vadd.s32 v60, v3;
	[tilespmem:v51+s11+$0x0] =	vst.idx.msk vm8, v1  }
0x256: {  	v12 =	vor.u32 $0xA1E, v0;
	v63 =	vadd.s32 v62, v3;
	[tilespmem:v53+s11+$0x0] =	vst.idx.msk vm8, v1  }
0x257: {  	v13 =	vadd.s32 v12, v3;
	v14 =	vor.u32 $0xA1F, v0;
	[tilespmem:v55+s11+$0x0] =	vst.idx.msk vm8, v1  }
0x258: {  	v15 =	vadd.s32 v14, v3;
	[tilespmem:v57+s11+$0x0] =	vst.idx.msk vm8, v1  }
0x259: {  	[tilespmem:v59+s11+$0x0] =	vst.idx.msk vm8, v1  }
0x25a: {  	[tilespmem:v61+s11+$0x0] =	vst.idx.msk vm8, v1  }
0x25b: {  	[tilespmem:v63+s11+$0x0] =	vst.idx.msk vm8, v1  }
0x25c: {  	[tilespmem:v13+s11+$0x0] =	vst.idx.msk vm8, v1  }
0x25d: {  	[tilespmem:v15+s11+$0x0] =	vst.idx.msk vm8, v1  }
0x25e: {  	v4 =	vld [tilespmem:s28+$0x0];
	_ =	sdelay $0x4  }
0x25f: {  	v16 =	vor.u32 $0xC00, v0;
	vm9 =	veq.s32 v4, $0x0  }
0x260: {  	v17 =	vor.u32 $0xC01, v0;
	v4 =	vadd.s32 v16, v3  }
0x261: {  	v18 =	vor.u32 $0xC02, v0;
	v5 =	vadd.s32 v17, v3  }
0x262: {  	v6 =	vadd.s32 v18, v3;
	v19 =	vor.u32 $0xC03, v0  }
0x263: {  	v20 =	vor.u32 $0xC04, v0;
	v7 =	vadd.s32 v19, v3  }
0x264: {  	v8 =	vadd.s32 v20, v3;
	v21 =	vor.u32 $0xC05, v0  }
0x265: {  	v22 =	vadd.s32 v21, v3;
	v23 =	vor.u32 $0xC06, v0;
	[tilespmem:v4+s11+$0x0] =	vst.idx.msk vm9, v1  }
0x266: {  	v24 =	vadd.s32 v23, v3;
	v25 =	vor.u32 $0xC07, v0;
	[tilespmem:v5+s11+$0x0] =	vst.idx.msk vm9, v1  }
0x267: {  	v26 =	vadd.s32 v25, v3;
	v27 =	vor.u32 $0xC08, v0;
	[tilespmem:v6+s11+$0x0] =	vst.idx.msk vm9, v1  }
0x268: {  	v28 =	vadd.s32 v27, v3;
	v29 =	vor.u32 $0xC09, v0;
	[tilespmem:v7+s11+$0x0] =	vst.idx.msk vm9, v1  }
0x269: {  	v30 =	vadd.s32 v29, v3;
	v31 =	vor.u32 $0xC0A, v0;
	[tilespmem:v8+s11+$0x0] =	vst.idx.msk vm9, v1  }
0x26a: {  	v32 =	vadd.s32 v31, v3;
	v33 =	vor.u32 $0xC0B, v0;
	[tilespmem:v22+s11+$0x0] =	vst.idx.msk vm9, v1  }
0x26b: {  	v34 =	vadd.s32 v33, v3;
	v35 =	vor.u32 $0xC0C, v0;
	[tilespmem:v24+s11+$0x0] =	vst.idx.msk vm9, v1  }
0x26c: {  	v36 =	vadd.s32 v35, v3;
	v37 =	vor.u32 $0xC0D, v0;
	[tilespmem:v26+s11+$0x0] =	vst.idx.msk vm9, v1  }
0x26d: {  	v38 =	vadd.s32 v37, v3;
	v39 =	vor.u32 $0xC0E, v0;
	[tilespmem:v28+s11+$0x0] =	vst.idx.msk vm9, v1  }
0x26e: {  	v40 =	vadd.s32 v39, v3;
	v41 =	vor.u32 $0xC0F, v0;
	[tilespmem:v30+s11+$0x0] =	vst.idx.msk vm9, v1  }
0x26f: {  	v42 =	vadd.s32 v41, v3;
	v43 =	vor.u32 $0xC10, v0;
	[tilespmem:v32+s11+$0x0] =	vst.idx.msk vm9, v1  }
0x270: {  	v44 =	vadd.s32 v43, v3;
	v45 =	vor.u32 $0xC11, v0;
	[tilespmem:v34+s11+$0x0] =	vst.idx.msk vm9, v1  }
0x271: {  	v46 =	vadd.s32 v45, v3;
	v47 =	vor.u32 $0xC12, v0;
	[tilespmem:v36+s11+$0x0] =	vst.idx.msk vm9, v1  }
0x272: {  	v48 =	vadd.s32 v47, v3;
	v49 =	vor.u32 $0xC13, v0;
	[tilespmem:v38+s11+$0x0] =	vst.idx.msk vm9, v1  }
0x273: {  	v50 =	vadd.s32 v49, v3;
	v51 =	vor.u32 $0xC14, v0;
	[tilespmem:v40+s11+$0x0] =	vst.idx.msk vm9, v1  }
0x274: {  	v52 =	vadd.s32 v51, v3;
	v53 =	vor.u32 $0xC15, v0;
	[tilespmem:v42+s11+$0x0] =	vst.idx.msk vm9, v1  }
0x275: {  	v54 =	vadd.s32 v53, v3;
	v55 =	vor.u32 $0xC16, v0;
	[tilespmem:v44+s11+$0x0] =	vst.idx.msk vm9, v1  }
0x276: {  	v56 =	vadd.s32 v55, v3;
	v57 =	vor.u32 $0xC17, v0;
	[tilespmem:v46+s11+$0x0] =	vst.idx.msk vm9, v1  }
0x277: {  	v58 =	vadd.s32 v57, v3;
	v59 =	vor.u32 $0xC18, v0;
	[tilespmem:v48+s11+$0x0] =	vst.idx.msk vm9, v1  }
0x278: {  	v60 =	vadd.s32 v59, v3;
	v61 =	vor.u32 $0xC19, v0;
	[tilespmem:v50+s11+$0x0] =	vst.idx.msk vm9, v1  }
0x279: {  	v62 =	vadd.s32 v61, v3;
	v63 =	vor.u32 $0xC1A, v0;
	[tilespmem:v52+s11+$0x0] =	vst.idx.msk vm9, v1  }
0x27a: {  	v12 =	vadd.s32 v63, v3;
	v13 =	vor.u32 $0xC1B, v0;
	[tilespmem:v54+s11+$0x0] =	vst.idx.msk vm9, v1  }
0x27b: {  	v14 =	vadd.s32 v13, v3;
	v15 =	vor.u32 $0xC1C, v0;
	[tilespmem:v56+s11+$0x0] =	vst.idx.msk vm9, v1  }
0x27c: {  	v17 =	vor.u32 $0xC1D, v0;
	v16 =	vadd.s32 v15, v3;
	[tilespmem:v58+s11+$0x0] =	vst.idx.msk vm9, v1  }
0x27d: {  	v18 =	vadd.s32 v17, v3;
	v19 =	vor.u32 $0xC1E, v0;
	[tilespmem:v60+s11+$0x0] =	vst.idx.msk vm9, v1  }
0x27e: {  	v20 =	vadd.s32 v19, v3;
	v21 =	vor.u32 $0xC1F, v0;
	[tilespmem:v62+s11+$0x0] =	vst.idx.msk vm9, v1  }
0x27f: {  	v22 =	vadd.s32 v21, v3;
	[tilespmem:v12+s11+$0x0] =	vst.idx.msk vm9, v1  }
0x280: {  	[tilespmem:v14+s11+$0x0] =	vst.idx.msk vm9, v1  }
0x281: {  	[tilespmem:v16+s11+$0x0] =	vst.idx.msk vm9, v1  }
0x282: {  	[tilespmem:v18+s11+$0x0] =	vst.idx.msk vm9, v1  }
0x283: {  	[tilespmem:v20+s11+$0x0] =	vst.idx.msk vm9, v1  }
0x284: {  	[tilespmem:v22+s11+$0x0] =	vst.idx.msk vm9, v1  }
0x285: {  	v4 =	vld [tilespmem:s28+$0x10];
	_ =	sdelay $0x4  }
0x286: {  	v23 =	vor.u32 $0xE00, v0;
	vm10 =	veq.s32 v4, $0x0  }
0x287: {  	v24 =	vor.u32 $0xE01, v0;
	v4 =	vadd.s32 v23, v3  }
0x288: {  	v25 =	vor.u32 $0xE02, v0;
	v5 =	vadd.s32 v24, v3  }
0x289: {  	v6 =	vadd.s32 v25, v3;
	v26 =	vor.u32 $0xE03, v0  }
0x28a: {  	v27 =	vor.u32 $0xE04, v0;
	v7 =	vadd.s32 v26, v3  }
0x28b: {  	v8 =	vadd.s32 v27, v3;
	v28 =	vor.u32 $0xE05, v0  }
0x28c: {  	v29 =	vadd.s32 v28, v3;
	v30 =	vor.u32 $0xE06, v0;
	[tilespmem:v4+s11+$0x0] =	vst.idx.msk vm10, v1  }
0x28d: {  	v31 =	vadd.s32 v30, v3;
	v32 =	vor.u32 $0xE07, v0;
	[tilespmem:v5+s11+$0x0] =	vst.idx.msk vm10, v1  }
0x28e: {  	v33 =	vadd.s32 v32, v3;
	v34 =	vor.u32 $0xE08, v0;
	[tilespmem:v6+s11+$0x0] =	vst.idx.msk vm10, v1  }
0x28f: {  	v35 =	vadd.s32 v34, v3;
	v36 =	vor.u32 $0xE09, v0;
	[tilespmem:v7+s11+$0x0] =	vst.idx.msk vm10, v1  }
0x290: {  	v37 =	vadd.s32 v36, v3;
	v38 =	vor.u32 $0xE0A, v0;
	[tilespmem:v8+s11+$0x0] =	vst.idx.msk vm10, v1  }
0x291: {  	v39 =	vadd.s32 v38, v3;
	v40 =	vor.u32 $0xE0B, v0;
	[tilespmem:v29+s11+$0x0] =	vst.idx.msk vm10, v1  }
0x292: {  	v41 =	vadd.s32 v40, v3;
	v42 =	vor.u32 $0xE0C, v0;
	[tilespmem:v31+s11+$0x0] =	vst.idx.msk vm10, v1  }
0x293: {  	v43 =	vadd.s32 v42, v3;
	v44 =	vor.u32 $0xE0D, v0;
	[tilespmem:v33+s11+$0x0] =	vst.idx.msk vm10, v1  }
0x294: {  	v45 =	vadd.s32 v44, v3;
	v46 =	vor.u32 $0xE0E, v0;
	[tilespmem:v35+s11+$0x0] =	vst.idx.msk vm10, v1  }
0x295: {  	v47 =	vadd.s32 v46, v3;
	v48 =	vor.u32 $0xE0F, v0;
	[tilespmem:v37+s11+$0x0] =	vst.idx.msk vm10, v1  }
0x296: {  	v49 =	vadd.s32 v48, v3;
	v50 =	vor.u32 $0xE10, v0;
	[tilespmem:v39+s11+$0x0] =	vst.idx.msk vm10, v1  }
0x297: {  	v51 =	vadd.s32 v50, v3;
	v52 =	vor.u32 $0xE11, v0;
	[tilespmem:v41+s11+$0x0] =	vst.idx.msk vm10, v1  }
0x298: {  	v53 =	vadd.s32 v52, v3;
	v54 =	vor.u32 $0xE12, v0;
	[tilespmem:v43+s11+$0x0] =	vst.idx.msk vm10, v1  }
0x299: {  	v55 =	vadd.s32 v54, v3;
	v56 =	vor.u32 $0xE13, v0;
	[tilespmem:v45+s11+$0x0] =	vst.idx.msk vm10, v1  }
0x29a: {  	v57 =	vadd.s32 v56, v3;
	v58 =	vor.u32 $0xE14, v0;
	[tilespmem:v47+s11+$0x0] =	vst.idx.msk vm10, v1  }
0x29b: {  	v59 =	vadd.s32 v58, v3;
	v60 =	vor.u32 $0xE15, v0;
	[tilespmem:v49+s11+$0x0] =	vst.idx.msk vm10, v1  }
0x29c: {  	v61 =	vadd.s32 v60, v3;
	v62 =	vor.u32 $0xE16, v0;
	[tilespmem:v51+s11+$0x0] =	vst.idx.msk vm10, v1  }
0x29d: {  	v63 =	vadd.s32 v62, v3;
	v12 =	vor.u32 $0xE17, v0;
	[tilespmem:v53+s11+$0x0] =	vst.idx.msk vm10, v1  }
0x29e: {  	v13 =	vadd.s32 v12, v3;
	v14 =	vor.u32 $0xE18, v0;
	[tilespmem:v55+s11+$0x0] =	vst.idx.msk vm10, v1  }
0x29f: {  	v15 =	vadd.s32 v14, v3;
	v16 =	vor.u32 $0xE19, v0;
	[tilespmem:v57+s11+$0x0] =	vst.idx.msk vm10, v1  }
0x2a0: {  	v17 =	vadd.s32 v16, v3;
	v18 =	vor.u32 $0xE1A, v0;
	[tilespmem:v59+s11+$0x0] =	vst.idx.msk vm10, v1  }
0x2a1: {  	v19 =	vadd.s32 v18, v3;
	v20 =	vor.u32 $0xE1B, v0;
	[tilespmem:v61+s11+$0x0] =	vst.idx.msk vm10, v1  }
0x2a2: {  	v21 =	vadd.s32 v20, v3;
	v22 =	vor.u32 $0xE1C, v0;
	[tilespmem:v63+s11+$0x0] =	vst.idx.msk vm10, v1  }
0x2a3: {  	v24 =	vor.u32 $0xE1D, v0;
	v23 =	vadd.s32 v22, v3;
	[tilespmem:v13+s11+$0x0] =	vst.idx.msk vm10, v1  }
0x2a4: {  	v25 =	vadd.s32 v24, v3;
	v26 =	vor.u32 $0xE1E, v0;
	[tilespmem:v15+s11+$0x0] =	vst.idx.msk vm10, v1  }
0x2a5: {  	v27 =	vadd.s32 v26, v3;
	v28 =	vor.u32 $0xE1F, v0;
	[tilespmem:v17+s11+$0x0] =	vst.idx.msk vm10, v1  }
0x2a6: {  	v29 =	vadd.s32 v28, v3;
	[tilespmem:v19+s11+$0x0] =	vst.idx.msk vm10, v1  }
0x2a7: {  	[tilespmem:v21+s11+$0x0] =	vst.idx.msk vm10, v1  }
0x2a8: {  	[tilespmem:v23+s11+$0x0] =	vst.idx.msk vm10, v1  }
0x2a9: {  	[tilespmem:v25+s11+$0x0] =	vst.idx.msk vm10, v1  }
0x2aa: {  	[tilespmem:v27+s11+$0x0] =	vst.idx.msk vm10, v1  }
0x2ab: {  	[tilespmem:v29+s11+$0x0] =	vst.idx.msk vm10, v1  }
0x2ac: {  	v4 =	vld [tilespmem:s28+$0x20];
	_ =	sdelay $0x4  }
0x2ad: {  	v30 =	vor.u32 $0x1000, v0;
	vm11 =	veq.s32 v4, $0x0  }
0x2ae: {  	v31 =	vor.u32 $0x1001, v0;
	v4 =	vadd.s32 v30, v3  }
0x2af: {  	v32 =	vor.u32 $0x1002, v0;
	v5 =	vadd.s32 v31, v3  }
0x2b0: {  	v6 =	vadd.s32 v32, v3;
	v33 =	vor.u32 $0x1003, v0  }
0x2b1: {  	v34 =	vor.u32 $0x1004, v0;
	v7 =	vadd.s32 v33, v3  }
0x2b2: {  	v8 =	vadd.s32 v34, v3;
	v35 =	vor.u32 $0x1005, v0  }
0x2b3: {  	v36 =	vadd.s32 v35, v3;
	v37 =	vor.u32 $0x1006, v0;
	[tilespmem:v4+s11+$0x0] =	vst.idx.msk vm11, v1  }
0x2b4: {  	v38 =	vadd.s32 v37, v3;
	v39 =	vor.u32 $0x1007, v0;
	[tilespmem:v5+s11+$0x0] =	vst.idx.msk vm11, v1  }
0x2b5: {  	v40 =	vadd.s32 v39, v3;
	v41 =	vor.u32 $0x1008, v0;
	[tilespmem:v6+s11+$0x0] =	vst.idx.msk vm11, v1  }
0x2b6: {  	v42 =	vadd.s32 v41, v3;
	v43 =	vor.u32 $0x1009, v0;
	[tilespmem:v7+s11+$0x0] =	vst.idx.msk vm11, v1  }
0x2b7: {  	v44 =	vadd.s32 v43, v3;
	v45 =	vor.u32 $0x100A, v0;
	[tilespmem:v8+s11+$0x0] =	vst.idx.msk vm11, v1  }
0x2b8: {  	v46 =	vadd.s32 v45, v3;
	v47 =	vor.u32 $0x100B, v0;
	[tilespmem:v36+s11+$0x0] =	vst.idx.msk vm11, v1  }
0x2b9: {  	v48 =	vadd.s32 v47, v3;
	v49 =	vor.u32 $0x100C, v0;
	[tilespmem:v38+s11+$0x0] =	vst.idx.msk vm11, v1  }
0x2ba: {  	v50 =	vadd.s32 v49, v3;
	v51 =	vor.u32 $0x100D, v0;
	[tilespmem:v40+s11+$0x0] =	vst.idx.msk vm11, v1  }
0x2bb: {  	v52 =	vadd.s32 v51, v3;
	v53 =	vor.u32 $0x100E, v0;
	[tilespmem:v42+s11+$0x0] =	vst.idx.msk vm11, v1  }
0x2bc: {  	v54 =	vadd.s32 v53, v3;
	v55 =	vor.u32 $0x100F, v0;
	[tilespmem:v44+s11+$0x0] =	vst.idx.msk vm11, v1  }
0x2bd: {  	v56 =	vadd.s32 v55, v3;
	v57 =	vor.u32 $0x1010, v0;
	[tilespmem:v46+s11+$0x0] =	vst.idx.msk vm11, v1  }
0x2be: {  	v58 =	vadd.s32 v57, v3;
	v59 =	vor.u32 $0x1011, v0;
	[tilespmem:v48+s11+$0x0] =	vst.idx.msk vm11, v1  }
0x2bf: {  	v60 =	vadd.s32 v59, v3;
	v61 =	vor.u32 $0x1012, v0;
	[tilespmem:v50+s11+$0x0] =	vst.idx.msk vm11, v1  }
0x2c0: {  	v62 =	vadd.s32 v61, v3;
	v63 =	vor.u32 $0x1013, v0;
	[tilespmem:v52+s11+$0x0] =	vst.idx.msk vm11, v1  }
0x2c1: {  	v12 =	vadd.s32 v63, v3;
	v13 =	vor.u32 $0x1014, v0;
	[tilespmem:v54+s11+$0x0] =	vst.idx.msk vm11, v1  }
0x2c2: {  	v14 =	vadd.s32 v13, v3;
	v15 =	vor.u32 $0x1015, v0;
	[tilespmem:v56+s11+$0x0] =	vst.idx.msk vm11, v1  }
0x2c3: {  	v16 =	vadd.s32 v15, v3;
	v17 =	vor.u32 $0x1016, v0;
	[tilespmem:v58+s11+$0x0] =	vst.idx.msk vm11, v1  }
0x2c4: {  	v18 =	vadd.s32 v17, v3;
	v19 =	vor.u32 $0x1017, v0;
	[tilespmem:v60+s11+$0x0] =	vst.idx.msk vm11, v1  }
0x2c5: {  	v20 =	vadd.s32 v19, v3;
	v21 =	vor.u32 $0x1018, v0;
	[tilespmem:v62+s11+$0x0] =	vst.idx.msk vm11, v1  }
0x2c6: {  	v22 =	vadd.s32 v21, v3;
	v23 =	vor.u32 $0x1019, v0;
	[tilespmem:v12+s11+$0x0] =	vst.idx.msk vm11, v1  }
0x2c7: {  	v24 =	vadd.s32 v23, v3;
	v25 =	vor.u32 $0x101A, v0;
	[tilespmem:v14+s11+$0x0] =	vst.idx.msk vm11, v1  }
0x2c8: {  	v26 =	vadd.s32 v25, v3;
	v27 =	vor.u32 $0x101B, v0;
	[tilespmem:v16+s11+$0x0] =	vst.idx.msk vm11, v1  }
0x2c9: {  	v28 =	vadd.s32 v27, v3;
	v29 =	vor.u32 $0x101C, v0;
	[tilespmem:v18+s11+$0x0] =	vst.idx.msk vm11, v1  }
0x2ca: {  	v31 =	vor.u32 $0x101D, v0;
	v30 =	vadd.s32 v29, v3;
	[tilespmem:v20+s11+$0x0] =	vst.idx.msk vm11, v1  }
0x2cb: {  	v32 =	vadd.s32 v31, v3;
	v33 =	vor.u32 $0x101E, v0;
	[tilespmem:v22+s11+$0x0] =	vst.idx.msk vm11, v1  }
0x2cc: {  	v34 =	vadd.s32 v33, v3;
	v35 =	vor.u32 $0x101F, v0;
	[tilespmem:v24+s11+$0x0] =	vst.idx.msk vm11, v1  }
0x2cd: {  	v36 =	vadd.s32 v35, v3;
	[tilespmem:v26+s11+$0x0] =	vst.idx.msk vm11, v1  }
0x2ce: {  	[tilespmem:v28+s11+$0x0] =	vst.idx.msk vm11, v1  }
0x2cf: {  	[tilespmem:v30+s11+$0x0] =	vst.idx.msk vm11, v1  }
0x2d0: {  	[tilespmem:v32+s11+$0x0] =	vst.idx.msk vm11, v1  }
0x2d1: {  	[tilespmem:v34+s11+$0x0] =	vst.idx.msk vm11, v1  }
0x2d2: {  	[tilespmem:v36+s11+$0x0] =	vst.idx.msk vm11, v1  }
0x2d3: {  	v4 =	vld [tilespmem:s28+$0x30];
	_ =	sdelay $0x4  }
0x2d4: {  	v37 =	vor.u32 $0x1200, v0;
	vm12 =	veq.s32 v4, $0x0  }
0x2d5: {  	v38 =	vor.u32 $0x1201, v0;
	v4 =	vadd.s32 v37, v3  }
0x2d6: {  	v39 =	vor.u32 $0x1202, v0;
	v5 =	vadd.s32 v38, v3  }
0x2d7: {  	v6 =	vadd.s32 v39, v3;
	v40 =	vor.u32 $0x1203, v0  }
0x2d8: {  	v41 =	vor.u32 $0x1204, v0;
	v7 =	vadd.s32 v40, v3  }
0x2d9: {  	v8 =	vadd.s32 v41, v3;
	v42 =	vor.u32 $0x1205, v0  }
0x2da: {  	v43 =	vadd.s32 v42, v3;
	v44 =	vor.u32 $0x1206, v0;
	[tilespmem:v4+s11+$0x0] =	vst.idx.msk vm12, v1  }
0x2db: {  	v45 =	vadd.s32 v44, v3;
	v46 =	vor.u32 $0x1207, v0;
	[tilespmem:v5+s11+$0x0] =	vst.idx.msk vm12, v1  }
0x2dc: {  	v47 =	vadd.s32 v46, v3;
	v48 =	vor.u32 $0x1208, v0;
	[tilespmem:v6+s11+$0x0] =	vst.idx.msk vm12, v1  }
0x2dd: {  	v49 =	vadd.s32 v48, v3;
	v50 =	vor.u32 $0x1209, v0;
	[tilespmem:v7+s11+$0x0] =	vst.idx.msk vm12, v1  }
0x2de: {  	v51 =	vadd.s32 v50, v3;
	v52 =	vor.u32 $0x120A, v0;
	[tilespmem:v8+s11+$0x0] =	vst.idx.msk vm12, v1  }
0x2df: {  	v53 =	vadd.s32 v52, v3;
	v54 =	vor.u32 $0x120B, v0;
	[tilespmem:v43+s11+$0x0] =	vst.idx.msk vm12, v1  }
0x2e0: {  	v55 =	vadd.s32 v54, v3;
	v56 =	vor.u32 $0x120C, v0;
	[tilespmem:v45+s11+$0x0] =	vst.idx.msk vm12, v1  }
0x2e1: {  	v57 =	vadd.s32 v56, v3;
	v58 =	vor.u32 $0x120D, v0;
	[tilespmem:v47+s11+$0x0] =	vst.idx.msk vm12, v1  }
0x2e2: {  	v59 =	vadd.s32 v58, v3;
	v60 =	vor.u32 $0x120E, v0;
	[tilespmem:v49+s11+$0x0] =	vst.idx.msk vm12, v1  }
0x2e3: {  	v61 =	vadd.s32 v60, v3;
	v62 =	vor.u32 $0x120F, v0;
	[tilespmem:v51+s11+$0x0] =	vst.idx.msk vm12, v1  }
0x2e4: {  	v63 =	vadd.s32 v62, v3;
	v12 =	vor.u32 $0x1210, v0;
	[tilespmem:v53+s11+$0x0] =	vst.idx.msk vm12, v1  }
0x2e5: {  	v13 =	vadd.s32 v12, v3;
	v14 =	vor.u32 $0x1211, v0;
	[tilespmem:v55+s11+$0x0] =	vst.idx.msk vm12, v1  }
0x2e6: {  	v15 =	vadd.s32 v14, v3;
	v16 =	vor.u32 $0x1212, v0;
	[tilespmem:v57+s11+$0x0] =	vst.idx.msk vm12, v1  }
0x2e7: {  	v17 =	vadd.s32 v16, v3;
	v18 =	vor.u32 $0x1213, v0;
	[tilespmem:v59+s11+$0x0] =	vst.idx.msk vm12, v1  }
0x2e8: {  	v19 =	vadd.s32 v18, v3;
	v20 =	vor.u32 $0x1214, v0;
	[tilespmem:v61+s11+$0x0] =	vst.idx.msk vm12, v1  }
0x2e9: {  	v21 =	vadd.s32 v20, v3;
	v22 =	vor.u32 $0x1215, v0;
	[tilespmem:v63+s11+$0x0] =	vst.idx.msk vm12, v1  }
0x2ea: {  	v23 =	vadd.s32 v22, v3;
	v24 =	vor.u32 $0x1216, v0;
	[tilespmem:v13+s11+$0x0] =	vst.idx.msk vm12, v1  }
0x2eb: {  	v25 =	vadd.s32 v24, v3;
	v26 =	vor.u32 $0x1217, v0;
	[tilespmem:v15+s11+$0x0] =	vst.idx.msk vm12, v1  }
0x2ec: {  	v27 =	vadd.s32 v26, v3;
	v28 =	vor.u32 $0x1218, v0;
	[tilespmem:v17+s11+$0x0] =	vst.idx.msk vm12, v1  }
0x2ed: {  	v29 =	vadd.s32 v28, v3;
	v30 =	vor.u32 $0x1219, v0;
	[tilespmem:v19+s11+$0x0] =	vst.idx.msk vm12, v1  }
0x2ee: {  	v31 =	vadd.s32 v30, v3;
	v32 =	vor.u32 $0x121A, v0;
	[tilespmem:v21+s11+$0x0] =	vst.idx.msk vm12, v1  }
0x2ef: {  	v33 =	vadd.s32 v32, v3;
	v34 =	vor.u32 $0x121B, v0;
	[tilespmem:v23+s11+$0x0] =	vst.idx.msk vm12, v1  }
0x2f0: {  	v35 =	vadd.s32 v34, v3;
	v36 =	vor.u32 $0x121C, v0;
	[tilespmem:v25+s11+$0x0] =	vst.idx.msk vm12, v1  }
0x2f1: {  	v38 =	vor.u32 $0x121D, v0;
	v37 =	vadd.s32 v36, v3;
	[tilespmem:v27+s11+$0x0] =	vst.idx.msk vm12, v1  }
0x2f2: {  	v39 =	vadd.s32 v38, v3;
	v40 =	vor.u32 $0x121E, v0;
	[tilespmem:v29+s11+$0x0] =	vst.idx.msk vm12, v1  }
0x2f3: {  	v41 =	vadd.s32 v40, v3;
	v42 =	vor.u32 $0x121F, v0;
	[tilespmem:v31+s11+$0x0] =	vst.idx.msk vm12, v1  }
0x2f4: {  	v43 =	vadd.s32 v42, v3;
	[tilespmem:v33+s11+$0x0] =	vst.idx.msk vm12, v1  }
0x2f5: {  	[tilespmem:v35+s11+$0x0] =	vst.idx.msk vm12, v1  }
0x2f6: {  	[tilespmem:v37+s11+$0x0] =	vst.idx.msk vm12, v1  }
0x2f7: {  	[tilespmem:v39+s11+$0x0] =	vst.idx.msk vm12, v1  }
0x2f8: {  	[tilespmem:v41+s11+$0x0] =	vst.idx.msk vm12, v1  }
0x2f9: {  	[tilespmem:v43+s11+$0x0] =	vst.idx.msk vm12, v1  }
0x2fa: {  	v4 =	vld [tilespmem:s28+$0x40];
	_ =	sdelay $0x4  }
0x2fb: {  	v44 =	vor.u32 $0x1400, v0;
	vm13 =	veq.s32 v4, $0x0  }
0x2fc: {  	v45 =	vor.u32 $0x1401, v0;
	v4 =	vadd.s32 v44, v3  }
0x2fd: {  	v46 =	vor.u32 $0x1402, v0;
	v5 =	vadd.s32 v45, v3  }
0x2fe: {  	v6 =	vadd.s32 v46, v3;
	v47 =	vor.u32 $0x1403, v0  }
0x2ff: {  	v48 =	vor.u32 $0x1404, v0;
	v7 =	vadd.s32 v47, v3  }
0x300: {  	v8 =	vadd.s32 v48, v3;
	v49 =	vor.u32 $0x1405, v0  }
0x301: {  	v50 =	vadd.s32 v49, v3;
	v51 =	vor.u32 $0x1406, v0;
	[tilespmem:v4+s11+$0x0] =	vst.idx.msk vm13, v1  }
0x302: {  	v52 =	vadd.s32 v51, v3;
	v53 =	vor.u32 $0x1407, v0;
	[tilespmem:v5+s11+$0x0] =	vst.idx.msk vm13, v1  }
0x303: {  	v54 =	vadd.s32 v53, v3;
	v55 =	vor.u32 $0x1408, v0;
	[tilespmem:v6+s11+$0x0] =	vst.idx.msk vm13, v1  }
0x304: {  	v56 =	vadd.s32 v55, v3;
	v57 =	vor.u32 $0x1409, v0;
	[tilespmem:v7+s11+$0x0] =	vst.idx.msk vm13, v1  }
0x305: {  	v58 =	vadd.s32 v57, v3;
	v59 =	vor.u32 $0x140A, v0;
	[tilespmem:v8+s11+$0x0] =	vst.idx.msk vm13, v1  }
0x306: {  	v60 =	vadd.s32 v59, v3;
	v61 =	vor.u32 $0x140B, v0;
	[tilespmem:v50+s11+$0x0] =	vst.idx.msk vm13, v1  }
0x307: {  	v62 =	vadd.s32 v61, v3;
	v63 =	vor.u32 $0x140C, v0;
	[tilespmem:v52+s11+$0x0] =	vst.idx.msk vm13, v1  }
0x308: {  	v12 =	vadd.s32 v63, v3;
	v13 =	vor.u32 $0x140D, v0;
	[tilespmem:v54+s11+$0x0] =	vst.idx.msk vm13, v1  }
0x309: {  	v14 =	vadd.s32 v13, v3;
	v15 =	vor.u32 $0x140E, v0;
	[tilespmem:v56+s11+$0x0] =	vst.idx.msk vm13, v1  }
0x30a: {  	v16 =	vadd.s32 v15, v3;
	v17 =	vor.u32 $0x140F, v0;
	[tilespmem:v58+s11+$0x0] =	vst.idx.msk vm13, v1  }
0x30b: {  	v18 =	vadd.s32 v17, v3;
	v19 =	vor.u32 $0x1410, v0;
	[tilespmem:v60+s11+$0x0] =	vst.idx.msk vm13, v1  }
0x30c: {  	v20 =	vadd.s32 v19, v3;
	v21 =	vor.u32 $0x1411, v0;
	[tilespmem:v62+s11+$0x0] =	vst.idx.msk vm13, v1  }
0x30d: {  	v22 =	vadd.s32 v21, v3;
	v23 =	vor.u32 $0x1412, v0;
	[tilespmem:v12+s11+$0x0] =	vst.idx.msk vm13, v1  }
0x30e: {  	v24 =	vadd.s32 v23, v3;
	v25 =	vor.u32 $0x1413, v0;
	[tilespmem:v14+s11+$0x0] =	vst.idx.msk vm13, v1  }
0x30f: {  	v26 =	vadd.s32 v25, v3;
	v27 =	vor.u32 $0x1414, v0;
	[tilespmem:v16+s11+$0x0] =	vst.idx.msk vm13, v1  }
0x310: {  	v28 =	vadd.s32 v27, v3;
	v29 =	vor.u32 $0x1415, v0;
	[tilespmem:v18+s11+$0x0] =	vst.idx.msk vm13, v1  }
0x311: {  	v30 =	vadd.s32 v29, v3;
	v31 =	vor.u32 $0x1416, v0;
	[tilespmem:v20+s11+$0x0] =	vst.idx.msk vm13, v1  }
0x312: {  	v32 =	vadd.s32 v31, v3;
	v33 =	vor.u32 $0x1417, v0;
	[tilespmem:v22+s11+$0x0] =	vst.idx.msk vm13, v1  }
0x313: {  	v34 =	vadd.s32 v33, v3;
	v35 =	vor.u32 $0x1418, v0;
	[tilespmem:v24+s11+$0x0] =	vst.idx.msk vm13, v1  }
0x314: {  	v36 =	vadd.s32 v35, v3;
	v37 =	vor.u32 $0x1419, v0;
	[tilespmem:v26+s11+$0x0] =	vst.idx.msk vm13, v1  }
0x315: {  	v38 =	vadd.s32 v37, v3;
	v39 =	vor.u32 $0x141A, v0;
	[tilespmem:v28+s11+$0x0] =	vst.idx.msk vm13, v1  }
0x316: {  	v40 =	vadd.s32 v39, v3;
	v41 =	vor.u32 $0x141B, v0;
	[tilespmem:v30+s11+$0x0] =	vst.idx.msk vm13, v1  }
0x317: {  	v42 =	vadd.s32 v41, v3;
	v43 =	vor.u32 $0x141C, v0;
	[tilespmem:v32+s11+$0x0] =	vst.idx.msk vm13, v1  }
0x318: {  	v45 =	vor.u32 $0x141D, v0;
	v44 =	vadd.s32 v43, v3;
	[tilespmem:v34+s11+$0x0] =	vst.idx.msk vm13, v1  }
0x319: {  	v46 =	vadd.s32 v45, v3;
	v47 =	vor.u32 $0x141E, v0;
	[tilespmem:v36+s11+$0x0] =	vst.idx.msk vm13, v1  }
0x31a: {  	v48 =	vadd.s32 v47, v3;
	v49 =	vor.u32 $0x141F, v0;
	[tilespmem:v38+s11+$0x0] =	vst.idx.msk vm13, v1  }
0x31b: {  	v50 =	vadd.s32 v49, v3;
	[tilespmem:v40+s11+$0x0] =	vst.idx.msk vm13, v1  }
0x31c: {  	[tilespmem:v42+s11+$0x0] =	vst.idx.msk vm13, v1  }
0x31d: {  	[tilespmem:v44+s11+$0x0] =	vst.idx.msk vm13, v1  }
0x31e: {  	[tilespmem:v46+s11+$0x0] =	vst.idx.msk vm13, v1  }
0x31f: {  	[tilespmem:v48+s11+$0x0] =	vst.idx.msk vm13, v1  }
0x320: {  	[tilespmem:v50+s11+$0x0] =	vst.idx.msk vm13, v1  }
0x321: {  	v4 =	vld [tilespmem:s28+$0x50];
	_ =	sdelay $0x4  }
0x322: {  	v51 =	vor.u32 $0x1600, v0;
	vm14 =	veq.s32 v4, $0x0  }
0x323: {  	v52 =	vor.u32 $0x1601, v0;
	v4 =	vadd.s32 v51, v3  }
0x324: {  	v53 =	vor.u32 $0x1602, v0;
	v5 =	vadd.s32 v52, v3  }
0x325: {  	v6 =	vadd.s32 v53, v3;
	v54 =	vor.u32 $0x1603, v0  }
0x326: {  	v55 =	vor.u32 $0x1604, v0;
	v7 =	vadd.s32 v54, v3  }
0x327: {  	v8 =	vadd.s32 v55, v3;
	v56 =	vor.u32 $0x1605, v0  }
0x328: {  	v57 =	vadd.s32 v56, v3;
	v58 =	vor.u32 $0x1606, v0;
	[tilespmem:v4+s11+$0x0] =	vst.idx.msk vm14, v1  }
0x329: {  	v59 =	vadd.s32 v58, v3;
	v60 =	vor.u32 $0x1607, v0;
	[tilespmem:v5+s11+$0x0] =	vst.idx.msk vm14, v1  }
0x32a: {  	v61 =	vadd.s32 v60, v3;
	v62 =	vor.u32 $0x1608, v0;
	[tilespmem:v6+s11+$0x0] =	vst.idx.msk vm14, v1  }
0x32b: {  	v63 =	vadd.s32 v62, v3;
	v12 =	vor.u32 $0x1609, v0;
	[tilespmem:v7+s11+$0x0] =	vst.idx.msk vm14, v1  }
0x32c: {  	v13 =	vadd.s32 v12, v3;
	v14 =	vor.u32 $0x160A, v0;
	[tilespmem:v8+s11+$0x0] =	vst.idx.msk vm14, v1  }
0x32d: {  	v15 =	vadd.s32 v14, v3;
	v16 =	vor.u32 $0x160B, v0;
	[tilespmem:v57+s11+$0x0] =	vst.idx.msk vm14, v1  }
0x32e: {  	v17 =	vadd.s32 v16, v3;
	v18 =	vor.u32 $0x160C, v0;
	[tilespmem:v59+s11+$0x0] =	vst.idx.msk vm14, v1  }
0x32f: {  	v19 =	vadd.s32 v18, v3;
	v20 =	vor.u32 $0x160D, v0;
	[tilespmem:v61+s11+$0x0] =	vst.idx.msk vm14, v1  }
0x330: {  	v21 =	vadd.s32 v20, v3;
	v22 =	vor.u32 $0x160E, v0;
	[tilespmem:v63+s11+$0x0] =	vst.idx.msk vm14, v1  }
0x331: {  	v23 =	vadd.s32 v22, v3;
	v24 =	vor.u32 $0x160F, v0;
	[tilespmem:v13+s11+$0x0] =	vst.idx.msk vm14, v1  }
0x332: {  	v25 =	vadd.s32 v24, v3;
	v26 =	vor.u32 $0x1610, v0;
	[tilespmem:v15+s11+$0x0] =	vst.idx.msk vm14, v1  }
0x333: {  	v27 =	vadd.s32 v26, v3;
	v28 =	vor.u32 $0x1611, v0;
	[tilespmem:v17+s11+$0x0] =	vst.idx.msk vm14, v1  }
0x334: {  	v29 =	vadd.s32 v28, v3;
	v30 =	vor.u32 $0x1612, v0;
	[tilespmem:v19+s11+$0x0] =	vst.idx.msk vm14, v1  }
0x335: {  	v31 =	vadd.s32 v30, v3;
	v32 =	vor.u32 $0x1613, v0;
	[tilespmem:v21+s11+$0x0] =	vst.idx.msk vm14, v1  }
0x336: {  	v33 =	vadd.s32 v32, v3;
	v34 =	vor.u32 $0x1614, v0;
	[tilespmem:v23+s11+$0x0] =	vst.idx.msk vm14, v1  }
0x337: {  	v35 =	vadd.s32 v34, v3;
	v36 =	vor.u32 $0x1615, v0;
	[tilespmem:v25+s11+$0x0] =	vst.idx.msk vm14, v1  }
0x338: {  	v37 =	vadd.s32 v36, v3;
	v38 =	vor.u32 $0x1616, v0;
	[tilespmem:v27+s11+$0x0] =	vst.idx.msk vm14, v1  }
0x339: {  	v39 =	vadd.s32 v38, v3;
	v40 =	vor.u32 $0x1617, v0;
	[tilespmem:v29+s11+$0x0] =	vst.idx.msk vm14, v1  }
0x33a: {  	v41 =	vadd.s32 v40, v3;
	v42 =	vor.u32 $0x1618, v0;
	[tilespmem:v31+s11+$0x0] =	vst.idx.msk vm14, v1  }
0x33b: {  	v43 =	vadd.s32 v42, v3;
	v44 =	vor.u32 $0x1619, v0;
	[tilespmem:v33+s11+$0x0] =	vst.idx.msk vm14, v1  }
0x33c: {  	v45 =	vadd.s32 v44, v3;
	v46 =	vor.u32 $0x161A, v0;
	[tilespmem:v35+s11+$0x0] =	vst.idx.msk vm14, v1  }
0x33d: {  	v47 =	vadd.s32 v46, v3;
	v48 =	vor.u32 $0x161B, v0;
	[tilespmem:v37+s11+$0x0] =	vst.idx.msk vm14, v1  }
0x33e: {  	v49 =	vadd.s32 v48, v3;
	v50 =	vor.u32 $0x161C, v0;
	[tilespmem:v39+s11+$0x0] =	vst.idx.msk vm14, v1  }
0x33f: {  	v52 =	vor.u32 $0x161D, v0;
	v51 =	vadd.s32 v50, v3;
	[tilespmem:v41+s11+$0x0] =	vst.idx.msk vm14, v1  }
0x340: {  	v53 =	vadd.s32 v52, v3;
	v54 =	vor.u32 $0x161E, v0;
	[tilespmem:v43+s11+$0x0] =	vst.idx.msk vm14, v1  }
0x341: {  	v55 =	vadd.s32 v54, v3;
	v56 =	vor.u32 $0x161F, v0;
	[tilespmem:v45+s11+$0x0] =	vst.idx.msk vm14, v1  }
0x342: {  	v57 =	vadd.s32 v56, v3;
	[tilespmem:v47+s11+$0x0] =	vst.idx.msk vm14, v1  }
0x343: {  	[tilespmem:v49+s11+$0x0] =	vst.idx.msk vm14, v1  }
0x344: {  	[tilespmem:v51+s11+$0x0] =	vst.idx.msk vm14, v1  }
0x345: {  	[tilespmem:v53+s11+$0x0] =	vst.idx.msk vm14, v1  }
0x346: {  	[tilespmem:v55+s11+$0x0] =	vst.idx.msk vm14, v1  }
0x347: {  	[tilespmem:v57+s11+$0x0] =	vst.idx.msk vm14, v1  }
0x348: {  	v4 =	vld [tilespmem:s28+$0x58];
	_ =	sdelay $0x4  }
0x349: {  	v58 =	vadd.s32 $0x1700, v0;
	vm15 =	veq.s32 v4, $0x0  }
0x34a: {  	v59 =	vadd.s32 $0x1701, v0;
	v4 =	vadd.s32 v58, v3  }
0x34b: {  	v60 =	vadd.s32 $0x1702, v0;
	v5 =	vadd.s32 v59, v3  }
0x34c: {  	v6 =	vadd.s32 v60, v3;
	v61 =	vadd.s32 $0x1703, v0  }
0x34d: {  	v62 =	vadd.s32 $0x1704, v0;
	v7 =	vadd.s32 v61, v3  }
0x34e: {  	v8 =	vadd.s32 v62, v3;
	v63 =	vadd.s32 $0x1705, v0  }
0x34f: {  	v12 =	vadd.s32 v63, v3;
	v13 =	vadd.s32 $0x1706, v0;
	[tilespmem:v4+s11+$0x0] =	vst.idx.msk vm15, v1  }
0x350: {  	v14 =	vadd.s32 v13, v3;
	v15 =	vadd.s32 $0x1707, v0;
	[tilespmem:v5+s11+$0x0] =	vst.idx.msk vm15, v1  }
0x351: {  	v16 =	vadd.s32 v15, v3;
	v17 =	vadd.s32 $0x1708, v0;
	[tilespmem:v6+s11+$0x0] =	vst.idx.msk vm15, v1  }
0x352: {  	v18 =	vadd.s32 v17, v3;
	v19 =	vadd.s32 $0x1709, v0;
	[tilespmem:v7+s11+$0x0] =	vst.idx.msk vm15, v1  }
0x353: {  	v20 =	vadd.s32 v19, v3;
	v21 =	vadd.s32 $0x170A, v0;
	[tilespmem:v8+s11+$0x0] =	vst.idx.msk vm15, v1  }
0x354: {  	v22 =	vadd.s32 v21, v3;
	v23 =	vadd.s32 $0x170B, v0;
	[tilespmem:v12+s11+$0x0] =	vst.idx.msk vm15, v1  }
0x355: {  	v24 =	vadd.s32 v23, v3;
	v25 =	vadd.s32 $0x170C, v0;
	[tilespmem:v14+s11+$0x0] =	vst.idx.msk vm15, v1  }
0x356: {  	v26 =	vadd.s32 v25, v3;
	v27 =	vadd.s32 $0x170D, v0;
	[tilespmem:v16+s11+$0x0] =	vst.idx.msk vm15, v1  }
0x357: {  	v28 =	vadd.s32 v27, v3;
	v29 =	vadd.s32 $0x170E, v0;
	[tilespmem:v18+s11+$0x0] =	vst.idx.msk vm15, v1  }
0x358: {  	v30 =	vadd.s32 v29, v3;
	v31 =	vadd.s32 $0x170F, v0;
	[tilespmem:v20+s11+$0x0] =	vst.idx.msk vm15, v1  }
0x359: {  	v32 =	vadd.s32 v31, v3;
	v33 =	vadd.s32 $0x1710, v0;
	[tilespmem:v22+s11+$0x0] =	vst.idx.msk vm15, v1  }
0x35a: {  	v34 =	vadd.s32 v33, v3;
	v35 =	vadd.s32 $0x1711, v0;
	[tilespmem:v24+s11+$0x0] =	vst.idx.msk vm15, v1  }
0x35b: {  	v36 =	vadd.s32 v35, v3;
	v37 =	vadd.s32 $0x1712, v0;
	[tilespmem:v26+s11+$0x0] =	vst.idx.msk vm15, v1  }
0x35c: {  	v38 =	vadd.s32 v37, v3;
	v39 =	vadd.s32 $0x1713, v0;
	[tilespmem:v28+s11+$0x0] =	vst.idx.msk vm15, v1  }
0x35d: {  	v40 =	vadd.s32 v39, v3;
	v41 =	vadd.s32 $0x1714, v0;
	[tilespmem:v30+s11+$0x0] =	vst.idx.msk vm15, v1  }
0x35e: {  	v42 =	vadd.s32 v41, v3;
	v43 =	vadd.s32 $0x1715, v0;
	[tilespmem:v32+s11+$0x0] =	vst.idx.msk vm15, v1  }
0x35f: {  	v44 =	vadd.s32 v43, v3;
	v45 =	vadd.s32 $0x1716, v0;
	[tilespmem:v34+s11+$0x0] =	vst.idx.msk vm15, v1  }
0x360: {  	v46 =	vadd.s32 v45, v3;
	v47 =	vadd.s32 $0x1717, v0;
	[tilespmem:v36+s11+$0x0] =	vst.idx.msk vm15, v1  }
0x361: {  	v48 =	vadd.s32 v47, v3;
	v49 =	vadd.s32 $0x1718, v0;
	[tilespmem:v38+s11+$0x0] =	vst.idx.msk vm15, v1  }
0x362: {  	v50 =	vadd.s32 v49, v3;
	v51 =	vadd.s32 $0x1719, v0;
	[tilespmem:v40+s11+$0x0] =	vst.idx.msk vm15, v1  }
0x363: {  	v52 =	vadd.s32 v51, v3;
	v53 =	vadd.s32 $0x171A, v0;
	[tilespmem:v42+s11+$0x0] =	vst.idx.msk vm15, v1  }
0x364: {  	v54 =	vadd.s32 v53, v3;
	v55 =	vadd.s32 $0x171B, v0;
	[tilespmem:v44+s11+$0x0] =	vst.idx.msk vm15, v1  }
0x365: {  	v56 =	vadd.s32 v55, v3;
	v57 =	vadd.s32 $0x171C, v0;
	[tilespmem:v46+s11+$0x0] =	vst.idx.msk vm15, v1  }
0x366: {  	v59 =	vadd.s32 $0x171D, v0;
	v58 =	vadd.s32 v57, v3;
	[tilespmem:v48+s11+$0x0] =	vst.idx.msk vm15, v1  }
0x367: {  	v60 =	vadd.s32 v59, v3;
	v61 =	vadd.s32 $0x171E, v0;
	[tilespmem:v50+s11+$0x0] =	vst.idx.msk vm15, v1  }
0x368: {  	v62 =	vadd.s32 v61, v3;
	v63 =	vadd.s32 $0x171F, v0;
	[tilespmem:v52+s11+$0x0] =	vst.idx.msk vm15, v1  }
0x369: {  	p1 =	sne.s32 s29, $0x7;
	v3 =	vadd.s32 v63, v3;
	[tilespmem:v54+s11+$0x0] =	vst.idx.msk vm15, v1  }
.Ltmp5:
0x36a: {  	[tilespmem:v56+s11+$0x0] =	vst.idx.msk vm15, v1;
	(pc) =	sbr.rel @p1 .LBB2_4-.Ltmp5, $4  }
0x36b: {  	[tilespmem:v58+s11+$0x0] =	vst.idx.msk vm15, v1  }
0x36c: {  	[tilespmem:v60+s11+$0x0] =	vst.idx.msk vm15, v1  }
0x36d: {  	[tilespmem:v62+s11+$0x0] =	vst.idx.msk vm15, v1  }
0x36e: {  	s29 =	sadd.s32 $0x1, s29;
	s28 =	sadd.s32 $0xC8, s28;
	[tilespmem:v3+s11+$0x0] =	vst.idx.msk vm15, v1  }
.LBB2_5:
0x36f: {  	s28 =	sshll.u32 s25, $0x3;
	s26 =	smul.u32 $0x32000, s26;
	p1 =	seq.s32 s25, $0x0  }
.Ltmp6:
0x370: {  	s28 =	sadd.s32 s4, s28;
	(pc) =	sbr.rel @p1 .LBB2_8-.Ltmp6, $4  }
0x371: {  	s28 =	smul.u32 $0x320, s28  }
0x372: {  	s26 =	sshrl.u32 s26, $0x2  }
0x373: {  	s26 =	sadd.s32 $0xC80, s26;
	s28 =	sadd.s32 s2, s28  }
0x374: {  	[hbm4b:s28+s3] =	stream.linear.scatter [tilespmem:s26], [sflag:$0x2], $0xC800, $0x38;
	[tilespmem:$0x19C80] =	vst v63  }
0x375: {  	p1 =	seq.s32 s25, $0x3F  }
.Ltmp7:
0x376: {  	_ = 	snop;
	(pc) =	sbr.rel @p1 .LBB2_9-.Ltmp7, $1  }
0x377: {  	_ =	sdelay $0x3  }
.Ltmp8:
0x378: {  	(pc) =	sbr.rel .LBB2_8-.Ltmp8, $4  }
0x379: {  	_ = 	snop  }
0x37a: {  	_ =	swait.ge [sflag:s23], $0xC800  }
0x37b: {  	[sflag:s23] =	ssyncset.done $0x0  }
0x37c: {  	[sflag:s23] =	ssyncadd.s32 $0xFFFF3800  }
.LBB2_10:
0x37d: {  	_ =	sfence.sel $0x180000  }
0x37e: {  	[bflag:$0x0] =	sbarrier.arrive $0xFFFF  }
0x37f: {  	_ =	strace $0x90000047  }
0x380: {  	s0 =	stileid.u32;
	[bflag:$0x2] =	sbarrier.arrive $0xFFFF  }
0x381: {  	p0 =	sne.s32 s0, $0x0;
	s0 =	rddreg [dreg:$0x2]  }
0x382: {  	s0 =	sadd.s32 @!p0 $0x100000, s0  }
0x383: {  	[sflag:s0] =	ssyncadd.tile.s32 @!p0 $0x1;
	_ =	shalt  }
.Lfunc_end2:
_tile_overlayer_lowered:
.L_overlay_start_2:
0x384: {  	(tag) =	ssettag $0x2  }
0x385: {  	s0 =	rddreg [dreg:$0x0];
	s2 =	stileid.u32  }
0x386: {  	s1 =	rddreg [dreg:$0x1];
	p0 =	sne.s32 s2, $0x0  }
0x387: {  	s3 =	rddreg [dreg:$0x2];
	[bflag:$0x3] =	sbarrier.arrive $0xFFFF;
	s2 =	simm.s32 @!p0 $0x1C03  }
0x388: {  	[timem:s3], [sflag:s2] =	dma.local @!p0 [hbm:s0], s1  }
0x389: {  	s0 =	simm.s32 @!p0 $0x3  }
0x38a: {  	_ =	swait.ge @!p0 [sflag:s0], s1  }
0x38b: {  	s1 =	ssub.s32 @!p0 $0x0, s1;
	[sflag:s0] =	ssyncset.done @!p0 $0x0  }
0x38c: {  	[sflag:s0] =	ssyncadd.s32 @!p0 s1  }
0x38d: {  	[bflag:$0x3] =	sbarrier.arrive $0xFFFF  }
0x38e: {  	_ =	shalt  }

// kernel: sparse-core-data-format-call.cloned.1.call-start
scs
called_computation_lowered:
.L_overlay_start_0:
0x0: {  	s2 =	sld [smem:$0x3FD9]  }
0x1: {  	s3 =	sld [smem:$0x3FFE];
	_ =	sdelay $0x1  }
0x2: {  	s1 =	srdreg.scid  }
0x3: {  	s0 =	sand.u32 $0x1, s1  }
0x4: {  	s18 =	sshll.u32 s0, $0xA;
	s2 =	sadd.s32 s3, s2  }
0x5: {  	s2 =	sadd.s32 s2, s18  }
0x6: {  	[smem:$0x3FC6] =	sst s2  }
0x7: {  	_ = 	snop  }
0x8: {  	s2 =	sld [smem:$0x3FD0];
	(tm) =	ssettm $0x1  }
0x9: {  	s19 =	sld [smem:$0x3FFB];
	_ =	sdelay $0x3  }
0xa: {  	_ =	strace s19  }
0xb: {  	s3 =	sld [smem:$0x3FFC];
	_ =	sdelay $0x3  }
0xc: {  	_ =	strace s3  }
0xd: {  	s3 =	sld [smem:$0x3FFD];
	_ =	sdelay $0x3  }
0xe: {  	_ =	strace s3  }
0xf: {  	_ =	strace $0x8FFFFFFF  }
0x10: {  	s20 =	sld [smem:$0x3FDB];
	_ =	sdelay $0x1  }
0x11: {  	s4 =	simm.s32 $_scs_section_size  }
0x12: {  	s5 =	simm.s32 $_size__tile_overlayer_lowered;
	s6 =	simm.s32 $_tile_overlayer_lowered  }
0x13: {  	s23 =	simm.s32 $0x1BFF;
	s22 =	sshll.u32 s6, $0x1;
	s3 =	sadd.s32 s4, s20  }
0x14: {  	s7 =	simm.s32 $0x0;
	s21 =	sshll.u32 s5, $0x1;
	s5 =	sadd.s32 s22, s3  }
0x15: {  	[timem:s7], [sflag:s23] =	dma.local [hbm:s5], s21  }
0x16: {  	_ =	swait.ge [sflag:s23], s21  }
0x17: {  	s4 =	ssub.s32 $0x0, s21;
	[sflag:s23] =	ssyncset.done $0x0  }
0x18: {  	[sflag:s23] =	ssyncadd.s32 s4;
	_ =	sdelay $0x1  }
0x19: {  	s24 =	simm.s32 $0x1B8B  }
0x1a: {  	_ =	swait.ge [sflag:s24], $0x1  }
0x1b: {  	[sflag:s24] =	ssyncset.done $0x0  }
0x1c: {  	s26 =	simm.s32 $0x1B8E;
	s25 =	sld [smem:$0x3FFE];
	[sflag:s24] =	ssyncadd.s32 $0xFFFFFFFF  }
0x1d: {  	s27 =	simm.s32 $execute0_lowered;
	[smem:$0x3FD2] =	sst s26  }
0x1e: {  	s5 =	sshll.u32 s27, $0x1;
	_ =	strace $0x80000049;
	[dreg:$0x1] =	wrdreg $0xFFFFFFFF  }
0x1f: {  	s28 =	simm.s32 $_size_execute0_lowered;
	s3 =	sadd.s32 s3, s5;
	[dreg:$0x0] =	wrdreg $0x0  }
0x20: {  	s5 =	sshll.u32 s28, $0x1;
	[dreg:$0x2] =	wrdreg s3  }
0x21: {  	[dreg:$0x3] =	wrdreg s5  }
0x22: {  	[dreg:$0x4] =	wrdreg $0xC0  }
0x23: {  	_ =	task [dreg:s7], $0x5FFFF  }
0x24: {  	[dreg:$0x1] =	wrdreg $0xFFFFFFFF  }
0x25: {  	[dreg:$0x0] =	wrdreg $0x60  }
0x26: {  	[dreg:$0x2] =	wrdreg s25  }
0x27: {  	[dreg:$0x3] =	wrdreg s2  }
0x28: {  	[dreg:$0x4] =	wrdreg $0x9  }
0x29: {  	_ =	task.clear_ibuf [dreg:s7], $0x5FFFF;
	_ =	strace $0x90000049  }
0x2a: {  	s29 =	simm.s32 $0x9;
	_ =	strace $0x8000004B  }
0x2b: {  	_ =	swait.ge [sflag:s29], $0x1  }
0x2c: {  	[sflag:s29] =	ssyncadd.s32 $0xFFFFFFFF  }
0x2d: {  	_ =	strace $0x9000004B  }
0x2e: {  	_ =	sfence  }
0x2f: {  	s30 =	sld [smem:$0x0];
	_ =	sdelay $0x2  }
0x30: {  	s31 =	sshll.u32 s1, $0xD;
	s1 =	sshrl.u32 s1, $0x2  }
0x31: {  	s3 =	sand.u32 $0x4000, s31;
	s1 =	sadd.s32 s1, s30  }
0x32: {  	s0 =	sor.u32 s3, s0;
	s1 =	sshll.u32 s1, $0x11  }
0x33: {  	s0 =	sor.u32 s1, s0  }
0x34: {  	s0 =	sadd.s32 $0x8F2B, s0  }
0x35: {  	[sflag:s0] =	ssyncadd.remote.s32 $0x1  }
0x36: {  	_ =	sfence.sel $0xFFFF  }
0x37: {  	[dreg:$0x0] =	wrdreg $0xFFFFFFFF;
	(pc) =	sbr.abs _section_cstart, $3  }
0x38: {  	[dreg:$0x1] =	wrdreg $0xFFFFFFFF  }
0x39: {  	_ =	task.clear_ibuf [dreg:s7], $0x2FFFF;
	_ =	strace $0x9FFFFFFF  }
0x3a: {  	(tm) =	ssettm $0x7FFFFFFF  }
0x3b: {  	_ =	shalt  }
tec
execute0_lowered:
.L_overlay_start_1:
0x0: {  	(tag) =	ssettag $0x1  }
0x1: {  	s0 =	srdreg.scid  }
0x2: {  	s1 =	sshll.u32 s0, $0x4  }
0x3: {  	s0 =	stileid.u32;
	s1 =	sand.u32 $0x10, s1  }
0x4: {  	s1 =	sor.u32 s0, s1  }
0x5: {  	s6 =	rddreg [dreg:$0x0];
	s4 =	simm.s32 $0x1;
	s2 =	sshll.u32 s1, $0x7  }
0x6: {  	s7 =	simm.s32 $0x2;
	s12 =	simm.s32 $0x0;
	s1 =	ssub.s32 $0x4000, s2  }
0x7: {  	s8 =	simm.s32 $0x20000;
	s13 =	simm.s32 $0x0;
	s3 =	sand.u32 $0xF80, s1  }
0x8: {  	s9 =	simm.s32 $0x0;
	s5 =	sshrl.u32 s1, $0xC;
	p0 =	sne.s32 s3, $0x0  }
.Ltmp0:
0x9: {  	s1 =	rddreg [dreg:$0x2];
	s4 =	simm.s32 @!p0 $0x0;
	(pc) =	sbr.rel .LBB1_1-.Ltmp0, $4  }
0xa: {  	s11 =	simm.s32 $0x0;
	s3 =	rddreg [dreg:$0x1];
	s5 =	sadd.s32 s4, s5  }
0xb: {  	_ =	strace $0x8000004A;
	s4 =	simm.s32 $0x1;
	s5 =	smul.u32 $0xC8, s5  }
0xc: {  	s6 =	sadd.s32 $0x800, s6;
	s10 =	smov.u32 s2;
	[sflag:s4] =	ssyncpa.u1 $0x0  }
0xd: {  	p0 =	por $0x0, $0x0;
	[sflag:s7] =	ssyncpa.u1 $0x0;
	s7 =	sor.u32 $0x1, s5  }
.LBB1_4:
0xe: {  	s16 =	sshll.u32 s13, $0x3;
	s17 =	sand.u32 $0x78, s13  }
0xf: {  	s30 =	sand.u32 $0xF800, s13;
	s12 =	sshll.u32 s12, $0x10;
	s16 =	sand.u32 $0x3C00, s16  }
0x10: {  	s31 =	sand.u32 $0x7, s13;
	s16 =	sor.u32 s17, s16;
	s17 =	sadd.s32 s3, s30  }
0x11: {  	s13 =	sshll.u32 s31, $0x12;
	s16 =	sshrl.u32 s16, $0x3;
	s12 =	sadd.s32 s12, s17  }
0x12: {  	[tilespmem:s15+$0x0 ss:$0x81] =	vst.msk $0xffff, v0;
	s13 =	sor.u32 $0x400, s13;
	s12 =	sadd.s32 s16, s12  }
0x13: {  	[hbm4b:s12+s13] =	stream.strided.scatter [tilespmem:s14], [sflag:$0x2], $0x1000, s8, s13, $0x20;
	[tilespmem:$0x4040] =	vst v63  }
.LBB1_5:
0x14: {  	s14 =	sadd.s32 $0x1, s9  }
0x15: {  	s12 =	sadd.s32 $0x1000, s10;
	s16 =	smov.u32 s10;
	p2 =	sgt.s32 s14, $0xC7  }
0x16: {  	s16 =	smov.u32 @p2 s12  }
0x17: {  	s14 =	simm.s32 @p2 $0x0;
	p2 =	sgt.s32 s16, $0x3FFF  }
0x18: {  	s16 =	smov.u32 @p2 s2;
	p2 =	sne.s32 s11, s7  }
.Ltmp1:
0x19: {  	p1 =	slt.u32 s11, $0x2;
	(pc) =	sbr.rel @!p2 .LBB1_6-.Ltmp1, $4  }
0x1a: {  	s15 =	simm.s32 @!p1 $0x2  }
0x1b: {  	s13 =	smov.u32 s10;
	p0 =	por !p0, !p0;
	_ =	swait.ge @!p1 [sflag:s15], $0x1000  }
0x1c: {  	s12 =	smov.u32 s9;
	[sflag:s15] =	ssyncset.done @!p1 $0x0;
	s9 =	smov.u32 s14  }
0x1d: {  	s11 =	sadd.s32 $0x1, s11;
	[sflag:s15] =	ssyncadd.s32 @!p1 $0xFFFFF000;
	s10 =	smov.u32 s16  }
.LBB1_1:
0x1e: {  	p1 =	sge.u32 s11, s5  }
0x1f: {  	s14 =	sand.u32 @!p1 $0x1FFFFFF, s9  }
0x20: {  	s15 =	smulhi.u32 @!p1 $0x147AE15, s14;
	_ =	sdelay $0x1  }
0x21: {  	s15 =	smul.u32 @!p1 $0xC8, s15  }
0x22: {  	s16 =	sxor.u32 @!p1 $0xFFFFFFFF, s11;
	s17 =	smul.u32 @!p1 $0xC80, s10  }
0x23: {  	s31 =	sadd.s32 $0xFFFFFFFF, s11;
	s16 =	sshll.u32 @!p1 s16, $0xC;
	s14 =	ssub.s32 @!p1 s14, s15  }
0x24: {  	s15 =	sand.u32 @!p1 $0x1000, s16;
	s16 =	sadd.s32 @!p1 s6, s17;
	s14 =	sshll.u32 @!p1 s14, $0x4  }
0x25: {  	s17 =	simm.s32 @!p1 $0x6400;
	s14 =	sadd.s32 @!p1 s14, s16;
	s16 =	simm.s32 @!p1 $0x20  }
0x26: {  	[tilespmem:s15], [sflag:$0x1] =	stream.strided.gather @!p1 [hbm4b:s14+s16], $0x1000, s17, s16, $0x38;
	[tilespmem:$0x4040] =	vst v63  }
0x27: {  	p1 =	sge.u32 s31, s5  }
.Ltmp2:
0x28: {  	_ = 	snop;
	(pc) =	sbr.rel @p1 .LBB1_5-.Ltmp2, $1  }
0x29: {  	_ =	sdelay $0x3  }
0x2a: {  	s14 =	simm.s32 $0x1  }
0x2b: {  	_ =	swait.ge [sflag:s4], $0x1000;
	s14 =	simm.s32 @!p0 $0x0  }
0x2c: {  	[sflag:s4] =	ssyncset.done $0x0;
	s15 =	sshll.u32 s14, $0xC  }
0x2d: {  	[sflag:s4] =	ssyncadd.s32 $0xFFFFF000;
	s18 =	sor.u32 $0x10, s15  }
0x2e: {  	s14 =	smul.u32 $0x4080, s14;
	v1 =	vld [tilespmem:s18+$0x0]  }
0x2f: {  	s30 =	sand.u32 $0x1, s11;
	v0 =	vld [tilespmem:s18+$0xFFFFFFF0]  }
0x30: {  	s15 =	smul.u32 $0x4080, s30;
	s14 =	sshrl.u32 s14, $0x2  }
0x31: {  	s16 =	sor.u32 $0x2000, s14  }
0x32: {  	s31 =	sshrl.u32 s15, $0x2;
	s15 =	sadd.s32 $0x0, s16  }
0x33: {  	s17 =	simm.s32 $0x4;
	s18 =	sadd.s32 $0x20, s18;
	s14 =	sor.u32 $0x2000, s31;
	[tilespmem:s15+$0x810 ss:$0x81] =	vst.msk $0xffff, v1  }
.LBB1_3:
0x34: {  	v1 =	vld [tilespmem:s18+$0x0];
	p1 =	sne.s32 s17, $0x1FC;
	[tilespmem:s15+$0x0 ss:$0x81] =	vst.msk $0xffff, v0;
	s15 =	smov.u32 s17;
	s17 =	sadd.s32 $0x4, s17  }
.Ltmp3:
0x35: {  	v0 =	vld [tilespmem:s18+$0xFFFFFFF0];
	(pc) =	sbr.rel @p1 .LBB1_3-.Ltmp3, $4  }
0x36: {  	_ = 	snop  }
0x37: {  	s15 =	sshra.s32 s15, $0x2  }
0x38: {  	s15 =	sadd.s32 s15, s16  }
0x39: {  	s18 =	sadd.s32 $0x20, s18;
	[tilespmem:s15+$0x810 ss:$0x81] =	vst.msk $0xffff, v1  }
.Ltmp4:
0x3a: {  	_ = 	snop;
	(pc) =	sbr.rel .LBB1_4-.Ltmp4, $1  }
0x3b: {  	_ =	sdelay $0x3  }
.LBB1_6:
0x3c: {  	_ =	sfence.sel $0x180000  }
0x3d: {  	s2 =	simm.s32 $0x1;
	[bflag:$0x0] =	sbarrier.arrive $0xFFFF  }
0x3e: {  	s31 =	simm.s32 $0x2;
	[sflag:s2] =	ssyncpa.u1 $0x1  }
0x3f: {  	[sflag:s31] =	ssyncpa.u1 $0x1  }
0x40: {  	p0 =	sne.s32 s0, $0x0;
	_ =	strace $0x9000004A  }
0x41: {  	s0 =	sadd.s32 @!p0 $0x100000, s1;
	[bflag:$0x2] =	sbarrier.arrive $0xFFFF  }
0x42: {  	[sflag:s0] =	ssyncadd.tile.s32 @!p0 $0x1;
	_ =	shalt  }
.Lfunc_end1:
_tile_overlayer_lowered:
.L_overlay_start_2:
0x43: {  	(tag) =	ssettag $0x2  }
0x44: {  	s0 =	rddreg [dreg:$0x0];
	s2 =	stileid.u32  }
0x45: {  	s1 =	rddreg [dreg:$0x1];
	p0 =	sne.s32 s2, $0x0  }
0x46: {  	s3 =	rddreg [dreg:$0x2];
	[bflag:$0x3] =	sbarrier.arrive $0xFFFF;
	s2 =	simm.s32 @!p0 $0x1C01  }
0x47: {  	[timem:s3], [sflag:s2] =	dma.local @!p0 [hbm:s0], s1  }
0x48: {  	s0 =	simm.s32 @!p0 $0x1  }
0x49: {  	_ =	swait.ge @!p0 [sflag:s0], s1  }
0x4a: {  	s1 =	ssub.s32 @!p0 $0x0, s1;
	[sflag:s0] =	ssyncset.done @!p0 $0x0  }
0x4b: {  	[sflag:s0] =	ssyncadd.s32 @!p0 s1  }
0x4c: {  	[bflag:$0x3] =	sbarrier.arrive $0xFFFF  }
0x4d: {  	_ =	shalt  }

</sc_bundles>
